<compile_context>
chip_gen: v7x
topology: tpu7x:2x2x1
jax: 0.10.2.dev20260603
libtpu: 0.0.44.dev20260713+nightly
codegen_flags: <defaults>
</compile_context>

<pallas_src>
import functools
import jax
import jax.numpy as jnp
from jax import lax
from jax.experimental import pallas as pl
from jax.experimental.pallas import tpu as pltpu
from jax.experimental.pallas import tpu_sc as plsc

_B, _K, _NC, _NS = 8, 2, 16, 2048
_NZ, _NX = 256, 128
_NP = _NZ * _NX
_NW = 32
_TPB = _NW // _B
_PPT = _NP // _TPB
_CP = 1024
_ZC = _CP // _NX
_NJ = _PPT // _CP
_PLANE = _NC * _NS


def _tc_pack(rfs2d):
    def body(x_ref, o_ref):
        x = x_ref[...]
        d = pltpu.roll(x, x.shape[1] - 1, 1) - x
        lo = jax.lax.bitcast_convert_type(
            x.astype(jnp.bfloat16), jnp.uint16).astype(jnp.uint32)
        hi = jax.lax.bitcast_convert_type(
            d.astype(jnp.bfloat16), jnp.uint16).astype(jnp.uint32)
        o_ref[...] = jax.lax.bitcast_convert_type(lo | (hi << 16), jnp.int32)

    return pl.pallas_call(
        body,
        out_shape=jax.ShapeDtypeStruct(rfs2d.shape, jnp.int32),
    )(rfs2d)


def _sc_das(rfs, samples_3d, rowidx):
    mesh = plsc.VectorSubcoreMesh(core_axis_name="core", subcore_axis_name="subcore")

    @functools.partial(
        pl.kernel,
        mesh=mesh,
        out_type=jax.ShapeDtypeStruct((_B, _NZ, _K, _NX), jnp.float32),
        compiler_params=pltpu.CompilerParams(needs_layout_passes=False),
        scratch_types=[
            pltpu.VMEM((_PLANE,), jnp.int32),
            pltpu.VMEM((_PLANE,), jnp.int32),
            pltpu.VMEM((2, _NC, _ZC, _NX), jnp.float32),
            pltpu.VMEM((2, _ZC, _K, _NX), jnp.float32),
            pltpu.VMEM((_NC,), jnp.int32),
            pltpu.SemaphoreType.DMA,
            pltpu.SemaphoreType.DMA,
            pltpu.SemaphoreType.DMA,
            pltpu.SemaphoreType.DMA,
            pltpu.SemaphoreType.DMA,
        ],
    )
    def k(rfs_hbm, samples_hbm, rowidx_hbm, out_hbm, rfs0_v, rfs1_v, idx_v, acc_v,
          row_v, sem_r, sem_i0, sem_i1, sem_o0, sem_o1):
        cid = lax.axis_index("core")
        sid = lax.axis_index("subcore")
        wid = sid * 2 + cid
        b = wid // _TPB
        q = wid % _TPB
        zbase = q * (_NJ * _ZC)

        copies = []
        for kk, dst in ((0, rfs0_v), (1, rfs1_v)):
            for c in range(_NC):
                copies.append(pltpu.async_copy(
                    rfs_hbm.at[b, kk, c], dst.at[pl.ds(c * _NS, _NS)], sem_r))
        pltpu.sync_copy(rowidx_hbm.at[wid], row_v)
        pltpu.async_copy(
            samples_hbm.at[row_v, pl.ds(zbase, _ZC)], idx_v.at[0], sem_i0)
        for cp in copies:
            cp.wait()

        def idx_copy(j, buf, sem):
            z0 = zbase + j * _ZC
            return pltpu.make_async_copy(
                samples_hbm.at[row_v, pl.ds(z0, _ZC)], idx_v.at[buf], sem)

        def out_copy(j, buf, sem):
            z0 = zbase + j * _ZC
            return pltpu.make_async_copy(
                acc_v.at[buf], out_hbm.at[b, pl.ds(z0, _ZC)], sem)

        def phase(j, buf, sem_i, sem_other, sem_o):
            idx_copy(j, buf, sem_i).wait()

            @pl.when(j + 1 < _NJ)
            def _():
                idx_copy(j + 1, 1 - buf, sem_other).start()

            @pl.when(j >= 2)
            def _():
                out_copy(j, buf, sem_o).wait()

            for cq in range(_NC // 8):
                @plsc.parallel_loop(0, _CP // 16)
                def gbody(g):
                    zloc = g // 8
                    xbase = (g % 8) * 16
                    acc0 = jnp.zeros((16,), jnp.float32)
                    acc1 = jnp.zeros((16,), jnp.float32)
                    for u in range(8):
                        c = cq * 8 + u
                        cb = c * _NS
                        fi = idx_v[buf, c, zloc, pl.ds(xbase, 16)]
                        i0 = fi.astype(jnp.int32)
                        w = fi - i0.astype(jnp.float32)
                        p0 = plsc.load_gather(rfs0_v.at[pl.ds(cb, _NS)], [i0])
                        p1 = plsc.load_gather(rfs1_v.at[pl.ds(cb, _NS)], [i0])
                        v00, d0 = plsc.unpack(
                            plsc.bitcast(p0, jnp.bfloat16),
                            format=plsc.PackFormat.INTERLEAVED)
                        v10, d1 = plsc.unpack(
                            plsc.bitcast(p1, jnp.bfloat16),
                            format=plsc.PackFormat.INTERLEAVED)
                        acc0 = acc0 + v00 + w * d0
                        acc1 = acc1 + v10 + w * d1
                    if cq == 0:
                        acc_v[buf, zloc, 0, pl.ds(xbase, 16)] = acc0
                        acc_v[buf, zloc, 1, pl.ds(xbase, 16)] = acc1
                    else:
                        plsc.addupdate(acc_v.at[buf, zloc, 0, pl.ds(xbase, 16)], acc0)
                        plsc.addupdate(acc_v.at[buf, zloc, 1, pl.ds(xbase, 16)], acc1)

            out_copy(j, buf, sem_o).start()

        def jbody(i, carry):
            jj = i * 2
            phase(jj, 0, sem_i0, sem_i1, sem_o0)
            phase(jj + 1, 1, sem_i1, sem_i0, sem_o1)
            return carry

        lax.fori_loop(0, _NJ // 2, jbody, 0)
        out_copy(_NJ - 2, 0, sem_o0).wait()
        out_copy(_NJ - 1, 1, sem_o1).wait()

    return k(rfs, samples_3d, rowidx)


def kernel(rfs, ids, samples_idx):
    b, kk, nc, ns = rfs.shape
    s, _, nz, nx = samples_idx.shape
    samples_3d = samples_idx.reshape(s * nc, nz, nx)
    packed = _tc_pack(rfs.reshape(b * kk * nc, ns)).reshape(b, kk, nc, ns)
    w = jnp.arange(_NW, dtype=jnp.int32)
    cc = jnp.arange(nc, dtype=jnp.int32)
    rows = ids[w // _TPB][:, None] * nc + cc[None, :]
    out = _sc_das(packed, samples_3d, rows.astype(jnp.int32))
    return out.transpose(0, 1, 3, 2)

# --- scband reference (transcript-rebuilt; emitter-appended) ---
"""Pipeline reference for scband-das-15058155340289 (READ-ONLY COPY).

The authoritative reference and input builder live on the scoring server;
editing this copy changes nothing except your own understanding.
"""

import jax, jax.numpy as jnp
import numpy as np

B, K, NC, NS = 8, 2, 16, 2048
S, NZ, NX = 4, 256, 128

def setup_inputs(seed: int = 0) -> dict:
    key = jax.random.key(seed)
    k1, k2, k3 = jax.random.split(key, 3)
    rfs = jax.random.normal(k1, (B, K, NC, NS), dtype=jnp.float32)
    ids = jax.random.randint(k2, (B,), 0, S, dtype=jnp.int32)
    # fractional sample indices into the ns axis, in [0, ns-1]
    samples_idx = jax.random.uniform(k3, (S, NC, NZ, NX), dtype=jnp.float32) * (NS - 1)
    return {"rfs": rfs, "ids": ids, "samples_idx": samples_idx}

def reference(rfs, ids, samples_idx):
    # DAS beamforming. grid_sample with grid_x = idx*2/(ns-1)-1, align_corners=True
    # unnormalizes back to exactly idx, H=1 so the y-dimension contributes weight 1
    # on row 0. Equivalent to 1-D linear interpolation along ns with zeros padding.
    b, k, nc, ns = rfs.shape
    s, _, nz, nx = samples_idx.shape
    idx = samples_idx[ids]                       # gather per-batch setting: [B,nc,nz,nx]
    idx = idx.reshape(b, nc, 1, nz * nx)         # broadcast over K
    i0f = jnp.floor(idx)
    w = idx - i0f                                # bilinear weight
    i0 = i0f.astype(jnp.int32)
    i1 = i0 + 1
    A = jnp.transpose(rfs, (0, 2, 1, 3))         # [B,nc,K,ns]
    def gather1d(ii):
        valid = ((ii >= 0) & (ii <= ns - 1)).astype(rfs.dtype)  # zeros padding
        ic = jnp.clip(ii, 0, ns - 1)
        return jnp.take_along_axis(A, ic, axis=3) * valid        # [B,nc,K,nz*nx]
    val = (1.0 - w) * gather1d(i0) + w * gather1d(i1)
    out = val.sum(axis=1).reshape(b, k, nz, nx)  # sum over channels (chunked loop in torch)
    return jnp.transpose(out, (0, 2, 3, 1))      # [B,nz,nx,K]

if __name__ == "__main__":
    import jax
    _d = setup_inputs()
    print(jax.jit(kernel)(*tuple(_d.values())))

</pallas_src>

<mosaic_0001>
#map = affine_map<(d0, d1) -> (0, 0, 0, 0)>
#map1 = affine_map<(d0, d1) -> (0, 0, 0)>
#map2 = affine_map<(d0, d1) -> (0, 0)>
module attributes {stable_mosaic.version = 14 : i64} {
  func.func @k(%arg0: i32, %arg1: i32, %arg2: memref<8x2x16x2048xi32, #tpu.memory_space<hbm>>, %arg3: memref<64x256x128xf32, #tpu.memory_space<hbm>>, %arg4: memref<32x16xi32, #tpu.memory_space<hbm>>, %arg5: memref<8x256x2x128xf32, #tpu.memory_space<hbm>>, %arg6: memref<32768xi32, #tpu.memory_space<vmem>>, %arg7: memref<32768xi32, #tpu.memory_space<vmem>>, %arg8: memref<2x16x8x128xf32, #tpu.memory_space<vmem>>, %arg9: memref<2x8x2x128xf32, #tpu.memory_space<vmem>>, %arg10: memref<16xi32, #tpu.memory_space<vmem>>, %arg11: memref<!tpu.dma_semaphore, #tpu.memory_space<semaphore_mem>>, %arg12: memref<!tpu.dma_semaphore, #tpu.memory_space<semaphore_mem>>, %arg13: memref<!tpu.dma_semaphore, #tpu.memory_space<semaphore_mem>>, %arg14: memref<!tpu.dma_semaphore, #tpu.memory_space<semaphore_mem>>, %arg15: memref<!tpu.dma_semaphore, #tpu.memory_space<semaphore_mem>>) attributes {dimension_semantics = [#tpu.dimension_semantics<core_parallel>, #tpu.dimension_semantics<subcore_parallel>], iteration_bounds = array<i64: 2, 16>, scalar_prefetch = 0 : i64, scratch_operands = 10 : i64, tpu.core_type = #tpu.core_type<sc_vector_subcore>, window_params = [{transform_indices = #map}, {transform_indices = #map1}, {transform_indices = #map2}, {transform_indices = #map}]} {
    %mul3A = arith.constant 2 : i32
    %mul3A_0 = arith.muli %arg1, %mul3A : i32
    %add3A = arith.addi %mul3A_0, %arg0 : i32
    %jit3A = arith.constant 4 : i32
    %div3A = arith.divsi %add3A, %jit3A : i32
    %sign3A = arith.constant 0 : i32
    %sign3A_1 = arith.cmpi sgt, %add3A, %sign3A : i32
    %sign3A_2 = arith.extui %sign3A_1 : i1 to i32
    %sign3A_3 = arith.constant 0 : i32
    %sign3A_4 = arith.cmpi slt, %add3A, %sign3A_3 : i32
    %sign3A_5 = arith.extui %sign3A_4 : i1 to i32
    %sign3A_6 = arith.subi %sign3A_2, %sign3A_5 : i32
    %sign3A_7 = arith.constant 0 : i32
    %sign3A_8 = arith.cmpi sgt, %jit3A, %sign3A_7 : i32
    %sign3A_9 = arith.extui %sign3A_8 : i1 to i32
    %sign3A_10 = arith.constant 0 : i32
    %sign3A_11 = arith.cmpi slt, %jit3A, %sign3A_10 : i32
    %sign3A_12 = arith.extui %sign3A_11 : i1 to i32
    %sign3A_13 = arith.subi %sign3A_9, %sign3A_12 : i32
    %ne3A = arith.cmpi ne, %sign3A_6, %sign3A_13 : i32
    %rem3A = arith.remsi %add3A, %jit3A : i32
    %ne3A_14 = arith.constant 0 : i32
    %ne3A_15 = arith.cmpi ne, %rem3A, %ne3A_14 : i32
    %and3A = arith.andi %ne3A, %ne3A_15 : i1
    %sub3A = arith.constant 1 : i32
    %sub3A_16 = arith.subi %div3A, %sub3A : i32
    %select_n3A = arith.select %and3A, %sub3A_16, %div3A : i32
    %jit3A_17 = arith.constant 4 : i32
    %eq3A = arith.constant 0 : i32
    %eq3A_18 = arith.cmpi eq, %jit3A_17, %eq3A : i32
    %jit3A_19 = arith.constant 1 : i32
    %select_n3A_20 = arith.select %eq3A_18, %jit3A_19, %jit3A_17 : i32
    %rem3A_21 = arith.remsi %add3A, %select_n3A_20 : i32
    %ne3A_22 = arith.constant 0 : i32
    %ne3A_23 = arith.cmpi ne, %rem3A_21, %ne3A_22 : i32
    %lt3A = arith.constant 0 : i32
    %lt3A_24 = arith.cmpi slt, %rem3A_21, %lt3A : i32
    %lt3A_25 = arith.constant 0 : i32
    %lt3A_26 = arith.cmpi slt, %select_n3A_20, %lt3A_25 : i32
    %ne3A_27 = arith.xori %lt3A_24, %lt3A_26 : i1
    %and3A_28 = arith.andi %ne3A_27, %ne3A_23 : i1
    %add3A_29 = arith.addi %rem3A_21, %select_n3A_20 : i32
    %select_n3A_30 = arith.select %and3A_28, %add3A_29, %rem3A_21 : i32
    %mul3A_31 = arith.constant 64 : i32
    %mul3A_32 = arith.muli %select_n3A_30, %mul3A_31 : i32
    %dma_start3A = arith.constant 0 : i32
    %dma_start3A_33 = arith.constant 0 : i32
    %dma_start3A_34 = arith.constant 0 : i32
    %dma_start3A_35 = tpu.memref_slice %arg6[%dma_start3A_34] : memref<32768xi32, #tpu.memory_space<vmem>> -> memref<2048xi32, #tpu.memory_space<vmem>>
    %dma_start3A_36 = arith.constant 0 : i32
    %dma_start3A_37 = tpu.memref_slice %arg2[%select_n3A, %dma_start3A, %dma_start3A_33, %dma_start3A_36] : memref<8x2x16x2048xi32, #tpu.memory_space<hbm>> -> memref<1x1x1x2048xi32, #tpu.memory_space<hbm>>
    %dma_start3A_38 = tpu.memref_squeeze %dma_start3A_37 : memref<1x1x1x2048xi32, #tpu.memory_space<hbm>> -> memref<2048xi32, #tpu.memory_space<hbm>>
    %dma_start3A_39 = arith.constant 0 : i32
    %dma_start3A_40 = tpu.memref_slice %arg6[%dma_start3A_39] : memref<32768xi32, #tpu.memory_space<vmem>> -> memref<2048xi32, #tpu.memory_space<vmem>>
    %dma_start3A_41 = arith.constant 0 : i32
    %dma_start3A_42 = tpu.memref_slice %arg2[%select_n3A, %dma_start3A, %dma_start3A_33, %dma_start3A_41] : memref<8x2x16x2048xi32, #tpu.memory_space<hbm>> -> memref<1x1x1x2048xi32, #tpu.memory_space<hbm>>
    %dma_start3A_43 = tpu.memref_squeeze %dma_start3A_42 : memref<1x1x1x2048xi32, #tpu.memory_space<hbm>> -> memref<2048xi32, #tpu.memory_space<hbm>>
    tpu.enqueue_dma source(%dma_start3A_43 : memref<2048xi32, #tpu.memory_space<hbm>>) target(%dma_start3A_40 : memref<2048xi32, #tpu.memory_space<vmem>>) target_semaphore(%arg11 : memref<!tpu.dma_semaphore, #tpu.memory_space<semaphore_mem>>)
    %dma_start3A_44 = arith.constant 0 : i32
    %dma_start3A_45 = arith.constant 1 : i32
    %dma_start3A_46 = arith.constant 2048 : i32
    %dma_start3A_47 = tpu.memref_slice %arg6[%dma_start3A_46] : memref<32768xi32, #tpu.memory_space<vmem>> -> memref<2048xi32, #tpu.memory_space<vmem>>
    %dma_start3A_48 = arith.constant 0 : i32
    %dma_start3A_49 = tpu.memref_slice %arg2[%select_n3A, %dma_start3A_44, %dma_start3A_45, %dma_start3A_48] : memref<8x2x16x2048xi32, #tpu.memory_space<hbm>> -> memref<1x1x1x2048xi32, #tpu.memory_space<hbm>>
    %dma_start3A_50 = tpu.memref_squeeze %dma_start3A_49 : memref<1x1x1x2048xi32, #tpu.memory_space<hbm>> -> memref<2048xi32, #tpu.memory_space<hbm>>
    %dma_start3A_51 = arith.constant 2048 : i32
    %dma_start3A_52 = tpu.memref_slice %arg6[%dma_start3A_51] : memref<32768xi32, #tpu.memory_space<vmem>> -> memref<2048xi32, #tpu.memory_space<vmem>>
    %dma_start3A_53 = arith.constant 0 : i32
    %dma_start3A_54 = tpu.memref_slice %arg2[%select_n3A, %dma_start3A_44, %dma_start3A_45, %dma_start3A_53] : memref<8x2x16x2048xi32, #tpu.memory_space<hbm>> -> memref<1x1x1x2048xi32, #tpu.memory_space<hbm>>
    %dma_start3A_55 = tpu.memref_squeeze %dma_start3A_54 : memref<1x1x1x2048xi32, #tpu.memory_space<hbm>> -> memref<2048xi32, #tpu.memory_space<hbm>>
    tpu.enqueue_dma source(%dma_start3A_55 : memref<2048xi32, #tpu.memory_space<hbm>>) target(%dma_start3A_52 : memref<2048xi32, #tpu.memory_space<vmem>>) target_semaphore(%arg11 : memref<!tpu.dma_semaphore, #tpu.memory_space<semaphore_mem>>)
    %dma_start3A_56 = arith.constant 0 : i32
    %dma_start3A_57 = arith.constant 2 : i32
    %dma_start3A_58 = arith.constant 4096 : i32
    %dma_start3A_59 = tpu.memref_slice %arg6[%dma_start3A_58] : memref<32768xi32, #tpu.memory_space<vmem>> -> memref<2048xi32, #tpu.memory_space<vmem>>
    %dma_start3A_60 = arith.constant 0 : i32
    %dma_start3A_61 = tpu.memref_slice %arg2[%select_n3A, %dma_start3A_56, %dma_start3A_57, %dma_start3A_60] : memref<8x2x16x2048xi32, #tpu.memory_space<hbm>> -> memref<1x1x1x2048xi32, #tpu.memory_space<hbm>>
    %dma_start3A_62 = tpu.memref_squeeze %dma_start3A_61 : memref<1x1x1x2048xi32, #tpu.memory_space<hbm>> -> memref<2048xi32, #tpu.memory_space<hbm>>
    %dma_start3A_63 = arith.constant 4096 : i32
    %dma_start3A_64 = tpu.memref_slice %arg6[%dma_start3A_63] : memref<32768xi32, #tpu.memory_space<vmem>> -> memref<2048xi32, #tpu.memory_space<vmem>>
    %dma_start3A_65 = arith.constant 0 : i32
    %dma_start3A_66 = tpu.memref_slice %arg2[%select_n3A, %dma_start3A_56, %dma_start3A_57, %dma_start3A_65] : memref<8x2x16x2048xi32, #tpu.memory_space<hbm>> -> memref<1x1x1x2048xi32, #tpu.memory_space<hbm>>
    %dma_start3A_67 = tpu.memref_squeeze %dma_start3A_66 : memref<1x1x1x2048xi32, #tpu.memory_space<hbm>> -> memref<2048xi32, #tpu.memory_space<hbm>>
    tpu.enqueue_dma source(%dma_start3A_67 : memref<2048xi32, #tpu.memory_space<hbm>>) target(%dma_start3A_64 : memref<2048xi32, #tpu.memory_space<vmem>>) target_semaphore(%arg11 : memref<!tpu.dma_semaphore, #tpu.memory_space<semaphore_mem>>)
    %dma_start3A_68 = arith.constant 0 : i32
    %dma_start3A_69 = arith.constant 3 : i32
    %dma_start3A_70 = arith.constant 6144 : i32
    %dma_start3A_71 = tpu.memref_slice %arg6[%dma_start3A_70] : memref<32768xi32, #tpu.memory_space<vmem>> -> memref<2048xi32, #tpu.memory_space<vmem>>
    %dma_start3A_72 = arith.constant 0 : i32
    %dma_start3A_73 = tpu.memref_slice %arg2[%select_n3A, %dma_start3A_68, %dma_start3A_69, %dma_start3A_72] : memref<8x2x16x2048xi32, #tpu.memory_space<hbm>> -> memref<1x1x1x2048xi32, #tpu.memory_space<hbm>>
    %dma_start3A_74 = tpu.memref_squeeze %dma_start3A_73 : memref<1x1x1x2048xi32, #tpu.memory_space<hbm>> -> memref<2048xi32, #tpu.memory_space<hbm>>
    %dma_start3A_75 = arith.constant 6144 : i32
    %dma_start3A_76 = tpu.memref_slice %arg6[%dma_start3A_75] : memref<32768xi32, #tpu.memory_space<vmem>> -> memref<2048xi32, #tpu.memory_space<vmem>>
    %dma_start3A_77 = arith.constant 0 : i32
    %dma_start3A_78 = tpu.memref_slice %arg2[%select_n3A, %dma_start3A_68, %dma_start3A_69, %dma_start3A_77] : memref<8x2x16x2048xi32, #tpu.memory_space<hbm>> -> memref<1x1x1x2048xi32, #tpu.memory_space<hbm>>
    %dma_start3A_79 = tpu.memref_squeeze %dma_start3A_78 : memref<1x1x1x2048xi32, #tpu.memory_space<hbm>> -> memref<2048xi32, #tpu.memory_space<hbm>>
    tpu.enqueue_dma source(%dma_start3A_79 : memref<2048xi32, #tpu.memory_space<hbm>>) target(%dma_start3A_76 : memref<2048xi32, #tpu.memory_space<vmem>>) target_semaphore(%arg11 : memref<!tpu.dma_semaphore, #tpu.memory_space<semaphore_mem>>)
    %dma_start3A_80 = arith.constant 0 : i32
    %dma_start3A_81 = arith.constant 4 : i32
    %dma_start3A_82 = arith.constant 8192 : i32
    %dma_start3A_83 = tpu.memref_slice %arg6[%dma_start3A_82] : memref<32768xi32, #tpu.memory_space<vmem>> -> memref<2048xi32, #tpu.memory_space<vmem>>
    %dma_start3A_84 = arith.constant 0 : i32
    %dma_start3A_85 = tpu.memref_slice %arg2[%select_n3A, %dma_start3A_80, %dma_start3A_81, %dma_start3A_84] : memref<8x2x16x2048xi32, #tpu.memory_space<hbm>> -> memref<1x1x1x2048xi32, #tpu.memory_space<hbm>>
    %dma_start3A_86 = tpu.memref_squeeze %dma_start3A_85 : memref<1x1x1x2048xi32, #tpu.memory_space<hbm>> -> memref<2048xi32, #tpu.memory_space<hbm>>
    %dma_start3A_87 = arith.constant 8192 : i32
    %dma_start3A_88 = tpu.memref_slice %arg6[%dma_start3A_87] : memref<32768xi32, #tpu.memory_space<vmem>> -> memref<2048xi32, #tpu.memory_space<vmem>>
    %dma_start3A_89 = arith.constant 0 : i32
    %dma_start3A_90 = tpu.memref_slice %arg2[%select_n3A, %dma_start3A_80, %dma_start3A_81, %dma_start3A_89] : memref<8x2x16x2048xi32, #tpu.memory_space<hbm>> -> memref<1x1x1x2048xi32, #tpu.memory_space<hbm>>
    %dma_start3A_91 = tpu.memref_squeeze %dma_start3A_90 : memref<1x1x1x2048xi32, #tpu.memory_space<hbm>> -> memref<2048xi32, #tpu.memory_space<hbm>>
    tpu.enqueue_dma source(%dma_start3A_91 : memref<2048xi32, #tpu.memory_space<hbm>>) target(%dma_start3A_88 : memref<2048xi32, #tpu.memory_space<vmem>>) target_semaphore(%arg11 : memref<!tpu.dma_semaphore, #tpu.memory_space<semaphore_mem>>)
    %dma_start3A_92 = arith.constant 0 : i32
    %dma_start3A_93 = arith.constant 5 : i32
    %dma_start3A_94 = arith.constant 10240 : i32
    %dma_start3A_95 = tpu.memref_slice %arg6[%dma_start3A_94] : memref<32768xi32, #tpu.memory_space<vmem>> -> memref<2048xi32, #tpu.memory_space<vmem>>
    %dma_start3A_96 = arith.constant 0 : i32
    %dma_start3A_97 = tpu.memref_slice %arg2[%select_n3A, %dma_start3A_92, %dma_start3A_93, %dma_start3A_96] : memref<8x2x16x2048xi32, #tpu.memory_space<hbm>> -> memref<1x1x1x2048xi32, #tpu.memory_space<hbm>>
    %dma_start3A_98 = tpu.memref_squeeze %dma_start3A_97 : memref<1x1x1x2048xi32, #tpu.memory_space<hbm>> -> memref<2048xi32, #tpu.memory_space<hbm>>
    %dma_start3A_99 = arith.constant 10240 : i32
    %dma_start3A_100 = tpu.memref_slice %arg6[%dma_start3A_99] : memref<32768xi32, #tpu.memory_space<vmem>> -> memref<2048xi32, #tpu.memory_space<vmem>>
    %dma_start3A_101 = arith.constant 0 : i32
    %dma_start3A_102 = tpu.memref_slice %arg2[%select_n3A, %dma_start3A_92, %dma_start3A_93, %dma_start3A_101] : memref<8x2x16x2048xi32, #tpu.memory_space<hbm>> -> memref<1x1x1x2048xi32, #tpu.memory_space<hbm>>
    %dma_start3A_103 = tpu.memref_squeeze %dma_start3A_102 : memref<1x1x1x2048xi32, #tpu.memory_space<hbm>> -> memref<2048xi32, #tpu.memory_space<hbm>>
    tpu.enqueue_dma source(%dma_start3A_103 : memref<2048xi32, #tpu.memory_space<hbm>>) target(%dma_start3A_100 : memref<2048xi32, #tpu.memory_space<vmem>>) target_semaphore(%arg11 : memref<!tpu.dma_semaphore, #tpu.memory_space<semaphore_mem>>)
    %dma_start3A_104 = arith.constant 0 : i32
    %dma_start3A_105 = arith.constant 6 : i32
    %dma_start3A_106 = arith.constant 12288 : i32
    %dma_start3A_107 = tpu.memref_slice %arg6[%dma_start3A_106] : memref<32768xi32, #tpu.memory_space<vmem>> -> memref<2048xi32, #tpu.memory_space<vmem>>
    %dma_start3A_108 = arith.constant 0 : i32
    %dma_start3A_109 = tpu.memref_slice %arg2[%select_n3A, %dma_start3A_104, %dma_start3A_105, %dma_start3A_108] : memref<8x2x16x2048xi32, #tpu.memory_space<hbm>> -> memref<1x1x1x2048xi32, #tpu.memory_space<hbm>>
    %dma_start3A_110 = tpu.memref_squeeze %dma_start3A_109 : memref<1x1x1x2048xi32, #tpu.memory_space<hbm>> -> memref<2048xi32, #tpu.memory_space<hbm>>
    %dma_start3A_111 = arith.constant 12288 : i32
    %dma_start3A_112 = tpu.memref_slice %arg6[%dma_start3A_111] : memref<32768xi32, #tpu.memory_space<vmem>> -> memref<2048xi32, #tpu.memory_space<vmem>>
    %dma_start3A_113 = arith.constant 0 : i32
    %dma_start3A_114 = tpu.memref_slice %arg2[%select_n3A, %dma_start3A_104, %dma_start3A_105, %dma_start3A_113] : memref<8x2x16x2048xi32, #tpu.memory_space<hbm>> -> memref<1x1x1x2048xi32, #tpu.memory_space<hbm>>
    %dma_start3A_115 = tpu.memref_squeeze %dma_start3A_114 : memref<1x1x1x2048xi32, #tpu.memory_space<hbm>> -> memref<2048xi32, #tpu.memory_space<hbm>>
    tpu.enqueue_dma source(%dma_start3A_115 : memref<2048xi32, #tpu.memory_space<hbm>>) target(%dma_start3A_112 : memref<2048xi32, #tpu.memory_space<vmem>>) target_semaphore(%arg11 : memref<!tpu.dma_semaphore, #tpu.memory_space<semaphore_mem>>)
    %dma_start3A_116 = arith.constant 0 : i32
    %dma_start3A_117 = arith.constant 7 : i32
    %dma_start3A_118 = arith.constant 14336 : i32
    %dma_start3A_119 = tpu.memref_slice %arg6[%dma_start3A_118] : memref<32768xi32, #tpu.memory_space<vmem>> -> memref<2048xi32, #tpu.memory_space<vmem>>
    %dma_start3A_120 = arith.constant 0 : i32
    %dma_start3A_121 = tpu.memref_slice %arg2[%select_n3A, %dma_start3A_116, %dma_start3A_117, %dma_start3A_120] : memref<8x2x16x2048xi32, #tpu.memory_space<hbm>> -> memref<1x1x1x2048xi32, #tpu.memory_space<hbm>>
    %dma_start3A_122 = tpu.memref_squeeze %dma_start3A_121 : memref<1x1x1x2048xi32, #tpu.memory_space<hbm>> -> memref<2048xi32, #tpu.memory_space<hbm>>
    %dma_start3A_123 = arith.constant 14336 : i32
    %dma_start3A_124 = tpu.memref_slice %arg6[%dma_start3A_123] : memref<32768xi32, #tpu.memory_space<vmem>> -> memref<2048xi32, #tpu.memory_space<vmem>>
    %dma_start3A_125 = arith.constant 0 : i32
    %dma_start3A_126 = tpu.memref_slice %arg2[%select_n3A, %dma_start3A_116, %dma_start3A_117, %dma_start3A_125] : memref<8x2x16x2048xi32, #tpu.memory_space<hbm>> -> memref<1x1x1x2048xi32, #tpu.memory_space<hbm>>
    %dma_start3A_127 = tpu.memref_squeeze %dma_start3A_126 : memref<1x1x1x2048xi32, #tpu.memory_space<hbm>> -> memref<2048xi32, #tpu.memory_space<hbm>>
    tpu.enqueue_dma source(%dma_start3A_127 : memref<2048xi32, #tpu.memory_space<hbm>>) target(%dma_start3A_124 : memref<2048xi32, #tpu.memory_space<vmem>>) target_semaphore(%arg11 : memref<!tpu.dma_semaphore, #tpu.memory_space<semaphore_mem>>)
    %dma_start3A_128 = arith.constant 0 : i32
    %dma_start3A_129 = arith.constant 8 : i32
    %dma_start3A_130 = arith.constant 16384 : i32
    %dma_start3A_131 = tpu.memref_slice %arg6[%dma_start3A_130] : memref<32768xi32, #tpu.memory_space<vmem>> -> memref<2048xi32, #tpu.memory_space<vmem>>
    %dma_start3A_132 = arith.constant 0 : i32
    %dma_start3A_133 = tpu.memref_slice %arg2[%select_n3A, %dma_start3A_128, %dma_start3A_129, %dma_start3A_132] : memref<8x2x16x2048xi32, #tpu.memory_space<hbm>> -> memref<1x1x1x2048xi32, #tpu.memory_space<hbm>>
    %dma_start3A_134 = tpu.memref_squeeze %dma_start3A_133 : memref<1x1x1x2048xi32, #tpu.memory_space<hbm>> -> memref<2048xi32, #tpu.memory_space<hbm>>
    %dma_start3A_135 = arith.constant 16384 : i32
    %dma_start3A_136 = tpu.memref_slice %arg6[%dma_start3A_135] : memref<32768xi32, #tpu.memory_space<vmem>> -> memref<2048xi32, #tpu.memory_space<vmem>>
    %dma_start3A_137 = arith.constant 0 : i32
    %dma_start3A_138 = tpu.memref_slice %arg2[%select_n3A, %dma_start3A_128, %dma_start3A_129, %dma_start3A_137] : memref<8x2x16x2048xi32, #tpu.memory_space<hbm>> -> memref<1x1x1x2048xi32, #tpu.memory_space<hbm>>
    %dma_start3A_139 = tpu.memref_squeeze %dma_start3A_138 : memref<1x1x1x2048xi32, #tpu.memory_space<hbm>> -> memref<2048xi32, #tpu.memory_space<hbm>>
    tpu.enqueue_dma source(%dma_start3A_139 : memref<2048xi32, #tpu.memory_space<hbm>>) target(%dma_start3A_136 : memref<2048xi32, #tpu.memory_space<vmem>>) target_semaphore(%arg11 : memref<!tpu.dma_semaphore, #tpu.memory_space<semaphore_mem>>)
    %dma_start3A_140 = arith.constant 0 : i32
    %dma_start3A_141 = arith.constant 9 : i32
    %dma_start3A_142 = arith.constant 18432 : i32
    %dma_start3A_143 = tpu.memref_slice %arg6[%dma_start3A_142] : memref<32768xi32, #tpu.memory_space<vmem>> -> memref<2048xi32, #tpu.memory_space<vmem>>
    %dma_start3A_144 = arith.constant 0 : i32
    %dma_start3A_145 = tpu.memref_slice %arg2[%select_n3A, %dma_start3A_140, %dma_start3A_141, %dma_start3A_144] : memref<8x2x16x2048xi32, #tpu.memory_space<hbm>> -> memref<1x1x1x2048xi32, #tpu.memory_space<hbm>>
    %dma_start3A_146 = tpu.memref_squeeze %dma_start3A_145 : memref<1x1x1x2048xi32, #tpu.memory_space<hbm>> -> memref<2048xi32, #tpu.memory_space<hbm>>
    %dma_start3A_147 = arith.constant 18432 : i32
    %dma_start3A_148 = tpu.memref_slice %arg6[%dma_start3A_147] : memref<32768xi32, #tpu.memory_space<vmem>> -> memref<2048xi32, #tpu.memory_space<vmem>>
    %dma_start3A_149 = arith.constant 0 : i32
    %dma_start3A_150 = tpu.memref_slice %arg2[%select_n3A, %dma_start3A_140, %dma_start3A_141, %dma_start3A_149] : memref<8x2x16x2048xi32, #tpu.memory_space<hbm>> -> memref<1x1x1x2048xi32, #tpu.memory_space<hbm>>
    %dma_start3A_151 = tpu.memref_squeeze %dma_start3A_150 : memref<1x1x1x2048xi32, #tpu.memory_space<hbm>> -> memref<2048xi32, #tpu.memory_space<hbm>>
    tpu.enqueue_dma source(%dma_start3A_151 : memref<2048xi32, #tpu.memory_space<hbm>>) target(%dma_start3A_148 : memref<2048xi32, #tpu.memory_space<vmem>>) target_semaphore(%arg11 : memref<!tpu.dma_semaphore, #tpu.memory_space<semaphore_mem>>)
    %dma_start3A_152 = arith.constant 0 : i32
    %dma_start3A_153 = arith.constant 10 : i32
    %dma_start3A_154 = arith.constant 20480 : i32
    %dma_start3A_155 = tpu.memref_slice %arg6[%dma_start3A_154] : memref<32768xi32, #tpu.memory_space<vmem>> -> memref<2048xi32, #tpu.memory_space<vmem>>
    %dma_start3A_156 = arith.constant 0 : i32
    %dma_start3A_157 = tpu.memref_slice %arg2[%select_n3A, %dma_start3A_152, %dma_start3A_153, %dma_start3A_156] : memref<8x2x16x2048xi32, #tpu.memory_space<hbm>> -> memref<1x1x1x2048xi32, #tpu.memory_space<hbm>>
    %dma_start3A_158 = tpu.memref_squeeze %dma_start3A_157 : memref<1x1x1x2048xi32, #tpu.memory_space<hbm>> -> memref<2048xi32, #tpu.memory_space<hbm>>
    %dma_start3A_159 = arith.constant 20480 : i32
    %dma_start3A_160 = tpu.memref_slice %arg6[%dma_start3A_159] : memref<32768xi32, #tpu.memory_space<vmem>> -> memref<2048xi32, #tpu.memory_space<vmem>>
    %dma_start3A_161 = arith.constant 0 : i32
    %dma_start3A_162 = tpu.memref_slice %arg2[%select_n3A, %dma_start3A_152, %dma_start3A_153, %dma_start3A_161] : memref<8x2x16x2048xi32, #tpu.memory_space<hbm>> -> memref<1x1x1x2048xi32, #tpu.memory_space<hbm>>
    %dma_start3A_163 = tpu.memref_squeeze %dma_start3A_162 : memref<1x1x1x2048xi32, #tpu.memory_space<hbm>> -> memref<2048xi32, #tpu.memory_space<hbm>>
    tpu.enqueue_dma source(%dma_start3A_163 : memref<2048xi32, #tpu.memory_space<hbm>>) target(%dma_start3A_160 : memref<2048xi32, #tpu.memory_space<vmem>>) target_semaphore(%arg11 : memref<!tpu.dma_semaphore, #tpu.memory_space<semaphore_mem>>)
    %dma_start3A_164 = arith.constant 0 : i32
    %dma_start3A_165 = arith.constant 11 : i32
    %dma_start3A_166 = arith.constant 22528 : i32
    %dma_start3A_167 = tpu.memref_slice %arg6[%dma_start3A_166] : memref<32768xi32, #tpu.memory_space<vmem>> -> memref<2048xi32, #tpu.memory_space<vmem>>
    %dma_start3A_168 = arith.constant 0 : i32
    %dma_start3A_169 = tpu.memref_slice %arg2[%select_n3A, %dma_start3A_164, %dma_start3A_165, %dma_start3A_168] : memref<8x2x16x2048xi32, #tpu.memory_space<hbm>> -> memref<1x1x1x2048xi32, #tpu.memory_space<hbm>>
    %dma_start3A_170 = tpu.memref_squeeze %dma_start3A_169 : memref<1x1x1x2048xi32, #tpu.memory_space<hbm>> -> memref<2048xi32, #tpu.memory_space<hbm>>
    %dma_start3A_171 = arith.constant 22528 : i32
    %dma_start3A_172 = tpu.memref_slice %arg6[%dma_start3A_171] : memref<32768xi32, #tpu.memory_space<vmem>> -> memref<2048xi32, #tpu.memory_space<vmem>>
    %dma_start3A_173 = arith.constant 0 : i32
    %dma_start3A_174 = tpu.memref_slice %arg2[%select_n3A, %dma_start3A_164, %dma_start3A_165, %dma_start3A_173] : memref<8x2x16x2048xi32, #tpu.memory_space<hbm>> -> memref<1x1x1x2048xi32, #tpu.memory_space<hbm>>
    %dma_start3A_175 = tpu.memref_squeeze %dma_start3A_174 : memref<1x1x1x2048xi32, #tpu.memory_space<hbm>> -> memref<2048xi32, #tpu.memory_space<hbm>>
    tpu.enqueue_dma source(%dma_start3A_175 : memref<2048xi32, #tpu.memory_space<hbm>>) target(%dma_start3A_172 : memref<2048xi32, #tpu.memory_space<vmem>>) target_semaphore(%arg11 : memref<!tpu.dma_semaphore, #tpu.memory_space<semaphore_mem>>)
    %dma_start3A_176 = arith.constant 0 : i32
    %dma_start3A_177 = arith.constant 12 : i32
    %dma_start3A_178 = arith.constant 24576 : i32
    %dma_start3A_179 = tpu.memref_slice %arg6[%dma_start3A_178] : memref<32768xi32, #tpu.memory_space<vmem>> -> memref<2048xi32, #tpu.memory_space<vmem>>
    %dma_start3A_180 = arith.constant 0 : i32
    %dma_start3A_181 = tpu.memref_slice %arg2[%select_n3A, %dma_start3A_176, %dma_start3A_177, %dma_start3A_180] : memref<8x2x16x2048xi32, #tpu.memory_space<hbm>> -> memref<1x1x1x2048xi32, #tpu.memory_space<hbm>>
    %dma_start3A_182 = tpu.memref_squeeze %dma_start3A_181 : memref<1x1x1x2048xi32, #tpu.memory_space<hbm>> -> memref<2048xi32, #tpu.memory_space<hbm>>
    %dma_start3A_183 = arith.constant 24576 : i32
    %dma_start3A_184 = tpu.memref_slice %arg6[%dma_start3A_183] : memref<32768xi32, #tpu.memory_space<vmem>> -> memref<2048xi32, #tpu.memory_space<vmem>>
    %dma_start3A_185 = arith.constant 0 : i32
    %dma_start3A_186 = tpu.memref_slice %arg2[%select_n3A, %dma_start3A_176, %dma_start3A_177, %dma_start3A_185] : memref<8x2x16x2048xi32, #tpu.memory_space<hbm>> -> memref<1x1x1x2048xi32, #tpu.memory_space<hbm>>
    %dma_start3A_187 = tpu.memref_squeeze %dma_start3A_186 : memref<1x1x1x2048xi32, #tpu.memory_space<hbm>> -> memref<2048xi32, #tpu.memory_space<hbm>>
    tpu.enqueue_dma source(%dma_start3A_187 : memref<2048xi32, #tpu.memory_space<hbm>>) target(%dma_start3A_184 : memref<2048xi32, #tpu.memory_space<vmem>>) target_semaphore(%arg11 : memref<!tpu.dma_semaphore, #tpu.memory_space<semaphore_mem>>)
    %dma_start3A_188 = arith.constant 0 : i32
    %dma_start3A_189 = arith.constant 13 : i32
    %dma_start3A_190 = arith.constant 26624 : i32
    %dma_start3A_191 = tpu.memref_slice %arg6[%dma_start3A_190] : memref<32768xi32, #tpu.memory_space<vmem>> -> memref<2048xi32, #tpu.memory_space<vmem>>
    %dma_start3A_192 = arith.constant 0 : i32
    %dma_start3A_193 = tpu.memref_slice %arg2[%select_n3A, %dma_start3A_188, %dma_start3A_189, %dma_start3A_192] : memref<8x2x16x2048xi32, #tpu.memory_space<hbm>> -> memref<1x1x1x2048xi32, #tpu.memory_space<hbm>>
    %dma_start3A_194 = tpu.memref_squeeze %dma_start3A_193 : memref<1x1x1x2048xi32, #tpu.memory_space<hbm>> -> memref<2048xi32, #tpu.memory_space<hbm>>
    %dma_start3A_195 = arith.constant 26624 : i32
    %dma_start3A_196 = tpu.memref_slice %arg6[%dma_start3A_195] : memref<32768xi32, #tpu.memory_space<vmem>> -> memref<2048xi32, #tpu.memory_space<vmem>>
    %dma_start3A_197 = arith.constant 0 : i32
    %dma_start3A_198 = tpu.memref_slice %arg2[%select_n3A, %dma_start3A_188, %dma_start3A_189, %dma_start3A_197] : memref<8x2x16x2048xi32, #tpu.memory_space<hbm>> -> memref<1x1x1x2048xi32, #tpu.memory_space<hbm>>
    %dma_start3A_199 = tpu.memref_squeeze %dma_start3A_198 : memref<1x1x1x2048xi32, #tpu.memory_space<hbm>> -> memref<2048xi32, #tpu.memory_space<hbm>>
    tpu.enqueue_dma source(%dma_start3A_199 : memref<2048xi32, #tpu.memory_space<hbm>>) target(%dma_start3A_196 : memref<2048xi32, #tpu.memory_space<vmem>>) target_semaphore(%arg11 : memref<!tpu.dma_semaphore, #tpu.memory_space<semaphore_mem>>)
    %dma_start3A_200 = arith.constant 0 : i32
    %dma_start3A_201 = arith.constant 14 : i32
    %dma_start3A_202 = arith.constant 28672 : i32
    %dma_start3A_203 = tpu.memref_slice %arg6[%dma_start3A_202] : memref<32768xi32, #tpu.memory_space<vmem>> -> memref<2048xi32, #tpu.memory_space<vmem>>
    %dma_start3A_204 = arith.constant 0 : i32
    %dma_start3A_205 = tpu.memref_slice %arg2[%select_n3A, %dma_start3A_200, %dma_start3A_201, %dma_start3A_204] : memref<8x2x16x2048xi32, #tpu.memory_space<hbm>> -> memref<1x1x1x2048xi32, #tpu.memory_space<hbm>>
    %dma_start3A_206 = tpu.memref_squeeze %dma_start3A_205 : memref<1x1x1x2048xi32, #tpu.memory_space<hbm>> -> memref<2048xi32, #tpu.memory_space<hbm>>
    %dma_start3A_207 = arith.constant 28672 : i32
    %dma_start3A_208 = tpu.memref_slice %arg6[%dma_start3A_207] : memref<32768xi32, #tpu.memory_space<vmem>> -> memref<2048xi32, #tpu.memory_space<vmem>>
    %dma_start3A_209 = arith.constant 0 : i32
    %dma_start3A_210 = tpu.memref_slice %arg2[%select_n3A, %dma_start3A_200, %dma_start3A_201, %dma_start3A_209] : memref<8x2x16x2048xi32, #tpu.memory_space<hbm>> -> memref<1x1x1x2048xi32, #tpu.memory_space<hbm>>
    %dma_start3A_211 = tpu.memref_squeeze %dma_start3A_210 : memref<1x1x1x2048xi32, #tpu.memory_space<hbm>> -> memref<2048xi32, #tpu.memory_space<hbm>>
    tpu.enqueue_dma source(%dma_start3A_211 : memref<2048xi32, #tpu.memory_space<hbm>>) target(%dma_start3A_208 : memref<2048xi32, #tpu.memory_space<vmem>>) target_semaphore(%arg11 : memref<!tpu.dma_semaphore, #tpu.memory_space<semaphore_mem>>)
    %dma_start3A_212 = arith.constant 0 : i32
    %dma_start3A_213 = arith.constant 15 : i32
    %dma_start3A_214 = arith.constant 30720 : i32
    %dma_start3A_215 = tpu.memref_slice %arg6[%dma_start3A_214] : memref<32768xi32, #tpu.memory_space<vmem>> -> memref<2048xi32, #tpu.memory_space<vmem>>
    %dma_start3A_216 = arith.constant 0 : i32
    %dma_start3A_217 = tpu.memref_slice %arg2[%select_n3A, %dma_start3A_212, %dma_start3A_213, %dma_start3A_216] : memref<8x2x16x2048xi32, #tpu.memory_space<hbm>> -> memref<1x1x1x2048xi32, #tpu.memory_space<hbm>>
    %dma_start3A_218 = tpu.memref_squeeze %dma_start3A_217 : memref<1x1x1x2048xi32, #tpu.memory_space<hbm>> -> memref<2048xi32, #tpu.memory_space<hbm>>
    %dma_start3A_219 = arith.constant 30720 : i32
    %dma_start3A_220 = tpu.memref_slice %arg6[%dma_start3A_219] : memref<32768xi32, #tpu.memory_space<vmem>> -> memref<2048xi32, #tpu.memory_space<vmem>>
    %dma_start3A_221 = arith.constant 0 : i32
    %dma_start3A_222 = tpu.memref_slice %arg2[%select_n3A, %dma_start3A_212, %dma_start3A_213, %dma_start3A_221] : memref<8x2x16x2048xi32, #tpu.memory_space<hbm>> -> memref<1x1x1x2048xi32, #tpu.memory_space<hbm>>
    %dma_start3A_223 = tpu.memref_squeeze %dma_start3A_222 : memref<1x1x1x2048xi32, #tpu.memory_space<hbm>> -> memref<2048xi32, #tpu.memory_space<hbm>>
    tpu.enqueue_dma source(%dma_start3A_223 : memref<2048xi32, #tpu.memory_space<hbm>>) target(%dma_start3A_220 : memref<2048xi32, #tpu.memory_space<vmem>>) target_semaphore(%arg11 : memref<!tpu.dma_semaphore, #tpu.memory_space<semaphore_mem>>)
    %dma_start3A_224 = arith.constant 1 : i32
    %dma_start3A_225 = arith.constant 0 : i32
    %dma_start3A_226 = arith.constant 0 : i32
    %dma_start3A_227 = tpu.memref_slice %arg7[%dma_start3A_226] : memref<32768xi32, #tpu.memory_space<vmem>> -> memref<2048xi32, #tpu.memory_space<vmem>>
    %dma_start3A_228 = arith.constant 0 : i32
    %dma_start3A_229 = tpu.memref_slice %arg2[%select_n3A, %dma_start3A_224, %dma_start3A_225, %dma_start3A_228] : memref<8x2x16x2048xi32, #tpu.memory_space<hbm>> -> memref<1x1x1x2048xi32, #tpu.memory_space<hbm>>
    %dma_start3A_230 = tpu.memref_squeeze %dma_start3A_229 : memref<1x1x1x2048xi32, #tpu.memory_space<hbm>> -> memref<2048xi32, #tpu.memory_space<hbm>>
    %dma_start3A_231 = arith.constant 0 : i32
    %dma_start3A_232 = tpu.memref_slice %arg7[%dma_start3A_231] : memref<32768xi32, #tpu.memory_space<vmem>> -> memref<2048xi32, #tpu.memory_space<vmem>>
    %dma_start3A_233 = arith.constant 0 : i32
    %dma_start3A_234 = tpu.memref_slice %arg2[%select_n3A, %dma_start3A_224, %dma_start3A_225, %dma_start3A_233] : memref<8x2x16x2048xi32, #tpu.memory_space<hbm>> -> memref<1x1x1x2048xi32, #tpu.memory_space<hbm>>
    %dma_start3A_235 = tpu.memref_squeeze %dma_start3A_234 : memref<1x1x1x2048xi32, #tpu.memory_space<hbm>> -> memref<2048xi32, #tpu.memory_space<hbm>>
    tpu.enqueue_dma source(%dma_start3A_235 : memref<2048xi32, #tpu.memory_space<hbm>>) target(%dma_start3A_232 : memref<2048xi32, #tpu.memory_space<vmem>>) target_semaphore(%arg11 : memref<!tpu.dma_semaphore, #tpu.memory_space<semaphore_mem>>)
    %dma_start3A_236 = arith.constant 1 : i32
    %dma_start3A_237 = arith.constant 1 : i32
    %dma_start3A_238 = arith.constant 2048 : i32
    %dma_start3A_239 = tpu.memref_slice %arg7[%dma_start3A_238] : memref<32768xi32, #tpu.memory_space<vmem>> -> memref<2048xi32, #tpu.memory_space<vmem>>
    %dma_start3A_240 = arith.constant 0 : i32
    %dma_start3A_241 = tpu.memref_slice %arg2[%select_n3A, %dma_start3A_236, %dma_start3A_237, %dma_start3A_240] : memref<8x2x16x2048xi32, #tpu.memory_space<hbm>> -> memref<1x1x1x2048xi32, #tpu.memory_space<hbm>>
    %dma_start3A_242 = tpu.memref_squeeze %dma_start3A_241 : memref<1x1x1x2048xi32, #tpu.memory_space<hbm>> -> memref<2048xi32, #tpu.memory_space<hbm>>
    %dma_start3A_243 = arith.constant 2048 : i32
    %dma_start3A_244 = tpu.memref_slice %arg7[%dma_start3A_243] : memref<32768xi32, #tpu.memory_space<vmem>> -> memref<2048xi32, #tpu.memory_space<vmem>>
    %dma_start3A_245 = arith.constant 0 : i32
    %dma_start3A_246 = tpu.memref_slice %arg2[%select_n3A, %dma_start3A_236, %dma_start3A_237, %dma_start3A_245] : memref<8x2x16x2048xi32, #tpu.memory_space<hbm>> -> memref<1x1x1x2048xi32, #tpu.memory_space<hbm>>
    %dma_start3A_247 = tpu.memref_squeeze %dma_start3A_246 : memref<1x1x1x2048xi32, #tpu.memory_space<hbm>> -> memref<2048xi32, #tpu.memory_space<hbm>>
    tpu.enqueue_dma source(%dma_start3A_247 : memref<2048xi32, #tpu.memory_space<hbm>>) target(%dma_start3A_244 : memref<2048xi32, #tpu.memory_space<vmem>>) target_semaphore(%arg11 : memref<!tpu.dma_semaphore, #tpu.memory_space<semaphore_mem>>)
    %dma_start3A_248 = arith.constant 1 : i32
    %dma_start3A_249 = arith.constant 2 : i32
    %dma_start3A_250 = arith.constant 4096 : i32
    %dma_start3A_251 = tpu.memref_slice %arg7[%dma_start3A_250] : memref<32768xi32, #tpu.memory_space<vmem>> -> memref<2048xi32, #tpu.memory_space<vmem>>
    %dma_start3A_252 = arith.constant 0 : i32
    %dma_start3A_253 = tpu.memref_slice %arg2[%select_n3A, %dma_start3A_248, %dma_start3A_249, %dma_start3A_252] : memref<8x2x16x2048xi32, #tpu.memory_space<hbm>> -> memref<1x1x1x2048xi32, #tpu.memory_space<hbm>>
    %dma_start3A_254 = tpu.memref_squeeze %dma_start3A_253 : memref<1x1x1x2048xi32, #tpu.memory_space<hbm>> -> memref<2048xi32, #tpu.memory_space<hbm>>
    %dma_start3A_255 = arith.constant 4096 : i32
    %dma_start3A_256 = tpu.memref_slice %arg7[%dma_start3A_255] : memref<32768xi32, #tpu.memory_space<vmem>> -> memref<2048xi32, #tpu.memory_space<vmem>>
    %dma_start3A_257 = arith.constant 0 : i32
    %dma_start3A_258 = tpu.memref_slice %arg2[%select_n3A, %dma_start3A_248, %dma_start3A_249, %dma_start3A_257] : memref<8x2x16x2048xi32, #tpu.memory_space<hbm>> -> memref<1x1x1x2048xi32, #tpu.memory_space<hbm>>
    %dma_start3A_259 = tpu.memref_squeeze %dma_start3A_258 : memref<1x1x1x2048xi32, #tpu.memory_space<hbm>> -> memref<2048xi32, #tpu.memory_space<hbm>>
    tpu.enqueue_dma source(%dma_start3A_259 : memref<2048xi32, #tpu.memory_space<hbm>>) target(%dma_start3A_256 : memref<2048xi32, #tpu.memory_space<vmem>>) target_semaphore(%arg11 : memref<!tpu.dma_semaphore, #tpu.memory_space<semaphore_mem>>)
    %dma_start3A_260 = arith.constant 1 : i32
    %dma_start3A_261 = arith.constant 3 : i32
    %dma_start3A_262 = arith.constant 6144 : i32
    %dma_start3A_263 = tpu.memref_slice %arg7[%dma_start3A_262] : memref<32768xi32, #tpu.memory_space<vmem>> -> memref<2048xi32, #tpu.memory_space<vmem>>
    %dma_start3A_264 = arith.constant 0 : i32
    %dma_start3A_265 = tpu.memref_slice %arg2[%select_n3A, %dma_start3A_260, %dma_start3A_261, %dma_start3A_264] : memref<8x2x16x2048xi32, #tpu.memory_space<hbm>> -> memref<1x1x1x2048xi32, #tpu.memory_space<hbm>>
    %dma_start3A_266 = tpu.memref_squeeze %dma_start3A_265 : memref<1x1x1x2048xi32, #tpu.memory_space<hbm>> -> memref<2048xi32, #tpu.memory_space<hbm>>
    %dma_start3A_267 = arith.constant 6144 : i32
    %dma_start3A_268 = tpu.memref_slice %arg7[%dma_start3A_267] : memref<32768xi32, #tpu.memory_space<vmem>> -> memref<2048xi32, #tpu.memory_space<vmem>>
    %dma_start3A_269 = arith.constant 0 : i32
    %dma_start3A_270 = tpu.memref_slice %arg2[%select_n3A, %dma_start3A_260, %dma_start3A_261, %dma_start3A_269] : memref<8x2x16x2048xi32, #tpu.memory_space<hbm>> -> memref<1x1x1x2048xi32, #tpu.memory_space<hbm>>
    %dma_start3A_271 = tpu.memref_squeeze %dma_start3A_270 : memref<1x1x1x2048xi32, #tpu.memory_space<hbm>> -> memref<2048xi32, #tpu.memory_space<hbm>>
    tpu.enqueue_dma source(%dma_start3A_271 : memref<2048xi32, #tpu.memory_space<hbm>>) target(%dma_start3A_268 : memref<2048xi32, #tpu.memory_space<vmem>>) target_semaphore(%arg11 : memref<!tpu.dma_semaphore, #tpu.memory_space<semaphore_mem>>)
    %dma_start3A_272 = arith.constant 1 : i32
    %dma_start3A_273 = arith.constant 4 : i32
    %dma_start3A_274 = arith.constant 8192 : i32
    %dma_start3A_275 = tpu.memref_slice %arg7[%dma_start3A_274] : memref<32768xi32, #tpu.memory_space<vmem>> -> memref<2048xi32, #tpu.memory_space<vmem>>
    %dma_start3A_276 = arith.constant 0 : i32
    %dma_start3A_277 = tpu.memref_slice %arg2[%select_n3A, %dma_start3A_272, %dma_start3A_273, %dma_start3A_276] : memref<8x2x16x2048xi32, #tpu.memory_space<hbm>> -> memref<1x1x1x2048xi32, #tpu.memory_space<hbm>>
    %dma_start3A_278 = tpu.memref_squeeze %dma_start3A_277 : memref<1x1x1x2048xi32, #tpu.memory_space<hbm>> -> memref<2048xi32, #tpu.memory_space<hbm>>
    %dma_start3A_279 = arith.constant 8192 : i32
    %dma_start3A_280 = tpu.memref_slice %arg7[%dma_start3A_279] : memref<32768xi32, #tpu.memory_space<vmem>> -> memref<2048xi32, #tpu.memory_space<vmem>>
    %dma_start3A_281 = arith.constant 0 : i32
    %dma_start3A_282 = tpu.memref_slice %arg2[%select_n3A, %dma_start3A_272, %dma_start3A_273, %dma_start3A_281] : memref<8x2x16x2048xi32, #tpu.memory_space<hbm>> -> memref<1x1x1x2048xi32, #tpu.memory_space<hbm>>
    %dma_start3A_283 = tpu.memref_squeeze %dma_start3A_282 : memref<1x1x1x2048xi32, #tpu.memory_space<hbm>> -> memref<2048xi32, #tpu.memory_space<hbm>>
    tpu.enqueue_dma source(%dma_start3A_283 : memref<2048xi32, #tpu.memory_space<hbm>>) target(%dma_start3A_280 : memref<2048xi32, #tpu.memory_space<vmem>>) target_semaphore(%arg11 : memref<!tpu.dma_semaphore, #tpu.memory_space<semaphore_mem>>)
    %dma_start3A_284 = arith.constant 1 : i32
    %dma_start3A_285 = arith.constant 5 : i32
    %dma_start3A_286 = arith.constant 10240 : i32
    %dma_start3A_287 = tpu.memref_slice %arg7[%dma_start3A_286] : memref<32768xi32, #tpu.memory_space<vmem>> -> memref<2048xi32, #tpu.memory_space<vmem>>
    %dma_start3A_288 = arith.constant 0 : i32
    %dma_start3A_289 = tpu.memref_slice %arg2[%select_n3A, %dma_start3A_284, %dma_start3A_285, %dma_start3A_288] : memref<8x2x16x2048xi32, #tpu.memory_space<hbm>> -> memref<1x1x1x2048xi32, #tpu.memory_space<hbm>>
    %dma_start3A_290 = tpu.memref_squeeze %dma_start3A_289 : memref<1x1x1x2048xi32, #tpu.memory_space<hbm>> -> memref<2048xi32, #tpu.memory_space<hbm>>
    %dma_start3A_291 = arith.constant 10240 : i32
    %dma_start3A_292 = tpu.memref_slice %arg7[%dma_start3A_291] : memref<32768xi32, #tpu.memory_space<vmem>> -> memref<2048xi32, #tpu.memory_space<vmem>>
    %dma_start3A_293 = arith.constant 0 : i32
    %dma_start3A_294 = tpu.memref_slice %arg2[%select_n3A, %dma_start3A_284, %dma_start3A_285, %dma_start3A_293] : memref<8x2x16x2048xi32, #tpu.memory_space<hbm>> -> memref<1x1x1x2048xi32, #tpu.memory_space<hbm>>
    %dma_start3A_295 = tpu.memref_squeeze %dma_start3A_294 : memref<1x1x1x2048xi32, #tpu.memory_space<hbm>> -> memref<2048xi32, #tpu.memory_space<hbm>>
    tpu.enqueue_dma source(%dma_start3A_295 : memref<2048xi32, #tpu.memory_space<hbm>>) target(%dma_start3A_292 : memref<2048xi32, #tpu.memory_space<vmem>>) target_semaphore(%arg11 : memref<!tpu.dma_semaphore, #tpu.memory_space<semaphore_mem>>)
    %dma_start3A_296 = arith.constant 1 : i32
    %dma_start3A_297 = arith.constant 6 : i32
    %dma_start3A_298 = arith.constant 12288 : i32
    %dma_start3A_299 = tpu.memref_slice %arg7[%dma_start3A_298] : memref<32768xi32, #tpu.memory_space<vmem>> -> memref<2048xi32, #tpu.memory_space<vmem>>
    %dma_start3A_300 = arith.constant 0 : i32
    %dma_start3A_301 = tpu.memref_slice %arg2[%select_n3A, %dma_start3A_296, %dma_start3A_297, %dma_start3A_300] : memref<8x2x16x2048xi32, #tpu.memory_space<hbm>> -> memref<1x1x1x2048xi32, #tpu.memory_space<hbm>>
    %dma_start3A_302 = tpu.memref_squeeze %dma_start3A_301 : memref<1x1x1x2048xi32, #tpu.memory_space<hbm>> -> memref<2048xi32, #tpu.memory_space<hbm>>
    %dma_start3A_303 = arith.constant 12288 : i32
    %dma_start3A_304 = tpu.memref_slice %arg7[%dma_start3A_303] : memref<32768xi32, #tpu.memory_space<vmem>> -> memref<2048xi32, #tpu.memory_space<vmem>>
    %dma_start3A_305 = arith.constant 0 : i32
    %dma_start3A_306 = tpu.memref_slice %arg2[%select_n3A, %dma_start3A_296, %dma_start3A_297, %dma_start3A_305] : memref<8x2x16x2048xi32, #tpu.memory_space<hbm>> -> memref<1x1x1x2048xi32, #tpu.memory_space<hbm>>
    %dma_start3A_307 = tpu.memref_squeeze %dma_start3A_306 : memref<1x1x1x2048xi32, #tpu.memory_space<hbm>> -> memref<2048xi32, #tpu.memory_space<hbm>>
    tpu.enqueue_dma source(%dma_start3A_307 : memref<2048xi32, #tpu.memory_space<hbm>>) target(%dma_start3A_304 : memref<2048xi32, #tpu.memory_space<vmem>>) target_semaphore(%arg11 : memref<!tpu.dma_semaphore, #tpu.memory_space<semaphore_mem>>)
    %dma_start3A_308 = arith.constant 1 : i32
    %dma_start3A_309 = arith.constant 7 : i32
    %dma_start3A_310 = arith.constant 14336 : i32
    %dma_start3A_311 = tpu.memref_slice %arg7[%dma_start3A_310] : memref<32768xi32, #tpu.memory_space<vmem>> -> memref<2048xi32, #tpu.memory_space<vmem>>
    %dma_start3A_312 = arith.constant 0 : i32
    %dma_start3A_313 = tpu.memref_slice %arg2[%select_n3A, %dma_start3A_308, %dma_start3A_309, %dma_start3A_312] : memref<8x2x16x2048xi32, #tpu.memory_space<hbm>> -> memref<1x1x1x2048xi32, #tpu.memory_space<hbm>>
    %dma_start3A_314 = tpu.memref_squeeze %dma_start3A_313 : memref<1x1x1x2048xi32, #tpu.memory_space<hbm>> -> memref<2048xi32, #tpu.memory_space<hbm>>
    %dma_start3A_315 = arith.constant 14336 : i32
    %dma_start3A_316 = tpu.memref_slice %arg7[%dma_start3A_315] : memref<32768xi32, #tpu.memory_space<vmem>> -> memref<2048xi32, #tpu.memory_space<vmem>>
    %dma_start3A_317 = arith.constant 0 : i32
    %dma_start3A_318 = tpu.memref_slice %arg2[%select_n3A, %dma_start3A_308, %dma_start3A_309, %dma_start3A_317] : memref<8x2x16x2048xi32, #tpu.memory_space<hbm>> -> memref<1x1x1x2048xi32, #tpu.memory_space<hbm>>
    %dma_start3A_319 = tpu.memref_squeeze %dma_start3A_318 : memref<1x1x1x2048xi32, #tpu.memory_space<hbm>> -> memref<2048xi32, #tpu.memory_space<hbm>>
    tpu.enqueue_dma source(%dma_start3A_319 : memref<2048xi32, #tpu.memory_space<hbm>>) target(%dma_start3A_316 : memref<2048xi32, #tpu.memory_space<vmem>>) target_semaphore(%arg11 : memref<!tpu.dma_semaphore, #tpu.memory_space<semaphore_mem>>)
    %dma_start3A_320 = arith.constant 1 : i32
    %dma_start3A_321 = arith.constant 8 : i32
    %dma_start3A_322 = arith.constant 16384 : i32
    %dma_start3A_323 = tpu.memref_slice %arg7[%dma_start3A_322] : memref<32768xi32, #tpu.memory_space<vmem>> -> memref<2048xi32, #tpu.memory_space<vmem>>
    %dma_start3A_324 = arith.constant 0 : i32
    %dma_start3A_325 = tpu.memref_slice %arg2[%select_n3A, %dma_start3A_320, %dma_start3A_321, %dma_start3A_324] : memref<8x2x16x2048xi32, #tpu.memory_space<hbm>> -> memref<1x1x1x2048xi32, #tpu.memory_space<hbm>>
    %dma_start3A_326 = tpu.memref_squeeze %dma_start3A_325 : memref<1x1x1x2048xi32, #tpu.memory_space<hbm>> -> memref<2048xi32, #tpu.memory_space<hbm>>
    %dma_start3A_327 = arith.constant 16384 : i32
    %dma_start3A_328 = tpu.memref_slice %arg7[%dma_start3A_327] : memref<32768xi32, #tpu.memory_space<vmem>> -> memref<2048xi32, #tpu.memory_space<vmem>>
    %dma_start3A_329 = arith.constant 0 : i32
    %dma_start3A_330 = tpu.memref_slice %arg2[%select_n3A, %dma_start3A_320, %dma_start3A_321, %dma_start3A_329] : memref<8x2x16x2048xi32, #tpu.memory_space<hbm>> -> memref<1x1x1x2048xi32, #tpu.memory_space<hbm>>
    %dma_start3A_331 = tpu.memref_squeeze %dma_start3A_330 : memref<1x1x1x2048xi32, #tpu.memory_space<hbm>> -> memref<2048xi32, #tpu.memory_space<hbm>>
    tpu.enqueue_dma source(%dma_start3A_331 : memref<2048xi32, #tpu.memory_space<hbm>>) target(%dma_start3A_328 : memref<2048xi32, #tpu.memory_space<vmem>>) target_semaphore(%arg11 : memref<!tpu.dma_semaphore, #tpu.memory_space<semaphore_mem>>)
    %dma_start3A_332 = arith.constant 1 : i32
    %dma_start3A_333 = arith.constant 9 : i32
    %dma_start3A_334 = arith.constant 18432 : i32
    %dma_start3A_335 = tpu.memref_slice %arg7[%dma_start3A_334] : memref<32768xi32, #tpu.memory_space<vmem>> -> memref<2048xi32, #tpu.memory_space<vmem>>
    %dma_start3A_336 = arith.constant 0 : i32
    %dma_start3A_337 = tpu.memref_slice %arg2[%select_n3A, %dma_start3A_332, %dma_start3A_333, %dma_start3A_336] : memref<8x2x16x2048xi32, #tpu.memory_space<hbm>> -> memref<1x1x1x2048xi32, #tpu.memory_space<hbm>>
    %dma_start3A_338 = tpu.memref_squeeze %dma_start3A_337 : memref<1x1x1x2048xi32, #tpu.memory_space<hbm>> -> memref<2048xi32, #tpu.memory_space<hbm>>
    %dma_start3A_339 = arith.constant 18432 : i32
    %dma_start3A_340 = tpu.memref_slice %arg7[%dma_start3A_339] : memref<32768xi32, #tpu.memory_space<vmem>> -> memref<2048xi32, #tpu.memory_space<vmem>>
    %dma_start3A_341 = arith.constant 0 : i32
    %dma_start3A_342 = tpu.memref_slice %arg2[%select_n3A, %dma_start3A_332, %dma_start3A_333, %dma_start3A_341] : memref<8x2x16x2048xi32, #tpu.memory_space<hbm>> -> memref<1x1x1x2048xi32, #tpu.memory_space<hbm>>
    %dma_start3A_343 = tpu.memref_squeeze %dma_start3A_342 : memref<1x1x1x2048xi32, #tpu.memory_space<hbm>> -> memref<2048xi32, #tpu.memory_space<hbm>>
    tpu.enqueue_dma source(%dma_start3A_343 : memref<2048xi32, #tpu.memory_space<hbm>>) target(%dma_start3A_340 : memref<2048xi32, #tpu.memory_space<vmem>>) target_semaphore(%arg11 : memref<!tpu.dma_semaphore, #tpu.memory_space<semaphore_mem>>)
    %dma_start3A_344 = arith.constant 1 : i32
    %dma_start3A_345 = arith.constant 10 : i32
    %dma_start3A_346 = arith.constant 20480 : i32
    %dma_start3A_347 = tpu.memref_slice %arg7[%dma_start3A_346] : memref<32768xi32, #tpu.memory_space<vmem>> -> memref<2048xi32, #tpu.memory_space<vmem>>
    %dma_start3A_348 = arith.constant 0 : i32
    %dma_start3A_349 = tpu.memref_slice %arg2[%select_n3A, %dma_start3A_344, %dma_start3A_345, %dma_start3A_348] : memref<8x2x16x2048xi32, #tpu.memory_space<hbm>> -> memref<1x1x1x2048xi32, #tpu.memory_space<hbm>>
    %dma_start3A_350 = tpu.memref_squeeze %dma_start3A_349 : memref<1x1x1x2048xi32, #tpu.memory_space<hbm>> -> memref<2048xi32, #tpu.memory_space<hbm>>
    %dma_start3A_351 = arith.constant 20480 : i32
    %dma_start3A_352 = tpu.memref_slice %arg7[%dma_start3A_351] : memref<32768xi32, #tpu.memory_space<vmem>> -> memref<2048xi32, #tpu.memory_space<vmem>>
    %dma_start3A_353 = arith.constant 0 : i32
    %dma_start3A_354 = tpu.memref_slice %arg2[%select_n3A, %dma_start3A_344, %dma_start3A_345, %dma_start3A_353] : memref<8x2x16x2048xi32, #tpu.memory_space<hbm>> -> memref<1x1x1x2048xi32, #tpu.memory_space<hbm>>
    %dma_start3A_355 = tpu.memref_squeeze %dma_start3A_354 : memref<1x1x1x2048xi32, #tpu.memory_space<hbm>> -> memref<2048xi32, #tpu.memory_space<hbm>>
    tpu.enqueue_dma source(%dma_start3A_355 : memref<2048xi32, #tpu.memory_space<hbm>>) target(%dma_start3A_352 : memref<2048xi32, #tpu.memory_space<vmem>>) target_semaphore(%arg11 : memref<!tpu.dma_semaphore, #tpu.memory_space<semaphore_mem>>)
    %dma_start3A_356 = arith.constant 1 : i32
    %dma_start3A_357 = arith.constant 11 : i32
    %dma_start3A_358 = arith.constant 22528 : i32
    %dma_start3A_359 = tpu.memref_slice %arg7[%dma_start3A_358] : memref<32768xi32, #tpu.memory_space<vmem>> -> memref<2048xi32, #tpu.memory_space<vmem>>
    %dma_start3A_360 = arith.constant 0 : i32
    %dma_start3A_361 = tpu.memref_slice %arg2[%select_n3A, %dma_start3A_356, %dma_start3A_357, %dma_start3A_360] : memref<8x2x16x2048xi32, #tpu.memory_space<hbm>> -> memref<1x1x1x2048xi32, #tpu.memory_space<hbm>>
    %dma_start3A_362 = tpu.memref_squeeze %dma_start3A_361 : memref<1x1x1x2048xi32, #tpu.memory_space<hbm>> -> memref<2048xi32, #tpu.memory_space<hbm>>
    %dma_start3A_363 = arith.constant 22528 : i32
    %dma_start3A_364 = tpu.memref_slice %arg7[%dma_start3A_363] : memref<32768xi32, #tpu.memory_space<vmem>> -> memref<2048xi32, #tpu.memory_space<vmem>>
    %dma_start3A_365 = arith.constant 0 : i32
    %dma_start3A_366 = tpu.memref_slice %arg2[%select_n3A, %dma_start3A_356, %dma_start3A_357, %dma_start3A_365] : memref<8x2x16x2048xi32, #tpu.memory_space<hbm>> -> memref<1x1x1x2048xi32, #tpu.memory_space<hbm>>
    %dma_start3A_367 = tpu.memref_squeeze %dma_start3A_366 : memref<1x1x1x2048xi32, #tpu.memory_space<hbm>> -> memref<2048xi32, #tpu.memory_space<hbm>>
    tpu.enqueue_dma source(%dma_start3A_367 : memref<2048xi32, #tpu.memory_space<hbm>>) target(%dma_start3A_364 : memref<2048xi32, #tpu.memory_space<vmem>>) target_semaphore(%arg11 : memref<!tpu.dma_semaphore, #tpu.memory_space<semaphore_mem>>)
    %dma_start3A_368 = arith.constant 1 : i32
    %dma_start3A_369 = arith.constant 12 : i32
    %dma_start3A_370 = arith.constant 24576 : i32
    %dma_start3A_371 = tpu.memref_slice %arg7[%dma_start3A_370] : memref<32768xi32, #tpu.memory_space<vmem>> -> memref<2048xi32, #tpu.memory_space<vmem>>
    %dma_start3A_372 = arith.constant 0 : i32
    %dma_start3A_373 = tpu.memref_slice %arg2[%select_n3A, %dma_start3A_368, %dma_start3A_369, %dma_start3A_372] : memref<8x2x16x2048xi32, #tpu.memory_space<hbm>> -> memref<1x1x1x2048xi32, #tpu.memory_space<hbm>>
    %dma_start3A_374 = tpu.memref_squeeze %dma_start3A_373 : memref<1x1x1x2048xi32, #tpu.memory_space<hbm>> -> memref<2048xi32, #tpu.memory_space<hbm>>
    %dma_start3A_375 = arith.constant 24576 : i32
    %dma_start3A_376 = tpu.memref_slice %arg7[%dma_start3A_375] : memref<32768xi32, #tpu.memory_space<vmem>> -> memref<2048xi32, #tpu.memory_space<vmem>>
    %dma_start3A_377 = arith.constant 0 : i32
    %dma_start3A_378 = tpu.memref_slice %arg2[%select_n3A, %dma_start3A_368, %dma_start3A_369, %dma_start3A_377] : memref<8x2x16x2048xi32, #tpu.memory_space<hbm>> -> memref<1x1x1x2048xi32, #tpu.memory_space<hbm>>
    %dma_start3A_379 = tpu.memref_squeeze %dma_start3A_378 : memref<1x1x1x2048xi32, #tpu.memory_space<hbm>> -> memref<2048xi32, #tpu.memory_space<hbm>>
    tpu.enqueue_dma source(%dma_start3A_379 : memref<2048xi32, #tpu.memory_space<hbm>>) target(%dma_start3A_376 : memref<2048xi32, #tpu.memory_space<vmem>>) target_semaphore(%arg11 : memref<!tpu.dma_semaphore, #tpu.memory_space<semaphore_mem>>)
    %dma_start3A_380 = arith.constant 1 : i32
    %dma_start3A_381 = arith.constant 13 : i32
    %dma_start3A_382 = arith.constant 26624 : i32
    %dma_start3A_383 = tpu.memref_slice %arg7[%dma_start3A_382] : memref<32768xi32, #tpu.memory_space<vmem>> -> memref<2048xi32, #tpu.memory_space<vmem>>
    %dma_start3A_384 = arith.constant 0 : i32
    %dma_start3A_385 = tpu.memref_slice %arg2[%select_n3A, %dma_start3A_380, %dma_start3A_381, %dma_start3A_384] : memref<8x2x16x2048xi32, #tpu.memory_space<hbm>> -> memref<1x1x1x2048xi32, #tpu.memory_space<hbm>>
    %dma_start3A_386 = tpu.memref_squeeze %dma_start3A_385 : memref<1x1x1x2048xi32, #tpu.memory_space<hbm>> -> memref<2048xi32, #tpu.memory_space<hbm>>
    %dma_start3A_387 = arith.constant 26624 : i32
    %dma_start3A_388 = tpu.memref_slice %arg7[%dma_start3A_387] : memref<32768xi32, #tpu.memory_space<vmem>> -> memref<2048xi32, #tpu.memory_space<vmem>>
    %dma_start3A_389 = arith.constant 0 : i32
    %dma_start3A_390 = tpu.memref_slice %arg2[%select_n3A, %dma_start3A_380, %dma_start3A_381, %dma_start3A_389] : memref<8x2x16x2048xi32, #tpu.memory_space<hbm>> -> memref<1x1x1x2048xi32, #tpu.memory_space<hbm>>
    %dma_start3A_391 = tpu.memref_squeeze %dma_start3A_390 : memref<1x1x1x2048xi32, #tpu.memory_space<hbm>> -> memref<2048xi32, #tpu.memory_space<hbm>>
    tpu.enqueue_dma source(%dma_start3A_391 : memref<2048xi32, #tpu.memory_space<hbm>>) target(%dma_start3A_388 : memref<2048xi32, #tpu.memory_space<vmem>>) target_semaphore(%arg11 : memref<!tpu.dma_semaphore, #tpu.memory_space<semaphore_mem>>)
    %dma_start3A_392 = arith.constant 1 : i32
    %dma_start3A_393 = arith.constant 14 : i32
    %dma_start3A_394 = arith.constant 28672 : i32
    %dma_start3A_395 = tpu.memref_slice %arg7[%dma_start3A_394] : memref<32768xi32, #tpu.memory_space<vmem>> -> memref<2048xi32, #tpu.memory_space<vmem>>
    %dma_start3A_396 = arith.constant 0 : i32
    %dma_start3A_397 = tpu.memref_slice %arg2[%select_n3A, %dma_start3A_392, %dma_start3A_393, %dma_start3A_396] : memref<8x2x16x2048xi32, #tpu.memory_space<hbm>> -> memref<1x1x1x2048xi32, #tpu.memory_space<hbm>>
    %dma_start3A_398 = tpu.memref_squeeze %dma_start3A_397 : memref<1x1x1x2048xi32, #tpu.memory_space<hbm>> -> memref<2048xi32, #tpu.memory_space<hbm>>
    %dma_start3A_399 = arith.constant 28672 : i32
    %dma_start3A_400 = tpu.memref_slice %arg7[%dma_start3A_399] : memref<32768xi32, #tpu.memory_space<vmem>> -> memref<2048xi32, #tpu.memory_space<vmem>>
    %dma_start3A_401 = arith.constant 0 : i32
    %dma_start3A_402 = tpu.memref_slice %arg2[%select_n3A, %dma_start3A_392, %dma_start3A_393, %dma_start3A_401] : memref<8x2x16x2048xi32, #tpu.memory_space<hbm>> -> memref<1x1x1x2048xi32, #tpu.memory_space<hbm>>
    %dma_start3A_403 = tpu.memref_squeeze %dma_start3A_402 : memref<1x1x1x2048xi32, #tpu.memory_space<hbm>> -> memref<2048xi32, #tpu.memory_space<hbm>>
    tpu.enqueue_dma source(%dma_start3A_403 : memref<2048xi32, #tpu.memory_space<hbm>>) target(%dma_start3A_400 : memref<2048xi32, #tpu.memory_space<vmem>>) target_semaphore(%arg11 : memref<!tpu.dma_semaphore, #tpu.memory_space<semaphore_mem>>)
    %dma_start3A_404 = arith.constant 1 : i32
    %dma_start3A_405 = arith.constant 15 : i32
    %dma_start3A_406 = arith.constant 30720 : i32
    %dma_start3A_407 = tpu.memref_slice %arg7[%dma_start3A_406] : memref<32768xi32, #tpu.memory_space<vmem>> -> memref<2048xi32, #tpu.memory_space<vmem>>
    %dma_start3A_408 = arith.constant 0 : i32
    %dma_start3A_409 = tpu.memref_slice %arg2[%select_n3A, %dma_start3A_404, %dma_start3A_405, %dma_start3A_408] : memref<8x2x16x2048xi32, #tpu.memory_space<hbm>> -> memref<1x1x1x2048xi32, #tpu.memory_space<hbm>>
    %dma_start3A_410 = tpu.memref_squeeze %dma_start3A_409 : memref<1x1x1x2048xi32, #tpu.memory_space<hbm>> -> memref<2048xi32, #tpu.memory_space<hbm>>
    %dma_start3A_411 = arith.constant 30720 : i32
    %dma_start3A_412 = tpu.memref_slice %arg7[%dma_start3A_411] : memref<32768xi32, #tpu.memory_space<vmem>> -> memref<2048xi32, #tpu.memory_space<vmem>>
    %dma_start3A_413 = arith.constant 0 : i32
    %dma_start3A_414 = tpu.memref_slice %arg2[%select_n3A, %dma_start3A_404, %dma_start3A_405, %dma_start3A_413] : memref<8x2x16x2048xi32, #tpu.memory_space<hbm>> -> memref<1x1x1x2048xi32, #tpu.memory_space<hbm>>
    %dma_start3A_415 = tpu.memref_squeeze %dma_start3A_414 : memref<1x1x1x2048xi32, #tpu.memory_space<hbm>> -> memref<2048xi32, #tpu.memory_space<hbm>>
    tpu.enqueue_dma source(%dma_start3A_415 : memref<2048xi32, #tpu.memory_space<hbm>>) target(%dma_start3A_412 : memref<2048xi32, #tpu.memory_space<vmem>>) target_semaphore(%arg11 : memref<!tpu.dma_semaphore, #tpu.memory_space<semaphore_mem>>)
    "tpu.region"() ({
      %run_scoped3A = tpu.sem_alloc : memref<!tpu.dma_semaphore, #tpu.memory_space<semaphore_mem>>
      %dma_start3A_855 = arith.constant 0 : i32
      %dma_start3A_856 = tpu.memref_slice %arg4[%add3A, %dma_start3A_855] : memref<32x16xi32, #tpu.memory_space<hbm>> -> memref<1x16xi32, #tpu.memory_space<hbm>>
      %dma_start3A_857 = tpu.memref_squeeze %dma_start3A_856 : memref<1x16xi32, #tpu.memory_space<hbm>> -> memref<16xi32, #tpu.memory_space<hbm>>
      %dma_start3A_858 = arith.constant 0 : i32
      %dma_start3A_859 = tpu.memref_slice %arg4[%add3A, %dma_start3A_858] : memref<32x16xi32, #tpu.memory_space<hbm>> -> memref<1x16xi32, #tpu.memory_space<hbm>>
      %dma_start3A_860 = tpu.memref_squeeze %dma_start3A_859 : memref<1x16xi32, #tpu.memory_space<hbm>> -> memref<16xi32, #tpu.memory_space<hbm>>
      tpu.enqueue_dma source(%dma_start3A_860 : memref<16xi32, #tpu.memory_space<hbm>>) target(%arg10 : memref<16xi32, #tpu.memory_space<vmem>>) target_semaphore(%run_scoped3A : memref<!tpu.dma_semaphore, #tpu.memory_space<semaphore_mem>>)
      %dma_wait3A_861 = arith.constant 0 : i32
      %dma_wait3A_862 = tpu.memref_slice %arg4[%add3A, %dma_wait3A_861] : memref<32x16xi32, #tpu.memory_space<hbm>> -> memref<1x16xi32, #tpu.memory_space<hbm>>
      %dma_wait3A_863 = tpu.memref_squeeze %dma_wait3A_862 : memref<1x16xi32, #tpu.memory_space<hbm>> -> memref<16xi32, #tpu.memory_space<hbm>>
      %dma_wait3A_864 = arith.constant 0 : i32
      %dma_wait3A_865 = tpu.memref_slice %arg4[%add3A, %dma_wait3A_864] : memref<32x16xi32, #tpu.memory_space<hbm>> -> memref<1x16xi32, #tpu.memory_space<hbm>>
      %dma_wait3A_866 = tpu.memref_squeeze %dma_wait3A_865 : memref<1x16xi32, #tpu.memory_space<hbm>> -> memref<16xi32, #tpu.memory_space<hbm>>
      tpu.wait_dma2 semaphore(%run_scoped3A : memref<!tpu.dma_semaphore, #tpu.memory_space<semaphore_mem>>) src(%dma_wait3A_866 : memref<16xi32, #tpu.memory_space<hbm>>) dst(%arg10 : memref<16xi32, #tpu.memory_space<vmem>>)
      tpu.yield
    }) : () -> ()
    %dma_start3A_416 = arith.constant 0 : i32
    %dma_start3A_417 = arith.constant 0 : i32
    %dma_start3A_418 = arith.constant 0 : i32
    %dma_start3A_419 = arith.constant 0 : i32
    %dma_start3A_420 = tpu.memref_slice %arg8[%dma_start3A_416, %dma_start3A_417, %dma_start3A_418, %dma_start3A_419] : memref<2x16x8x128xf32, #tpu.memory_space<vmem>> -> memref<1x16x8x128xf32, #tpu.memory_space<vmem>>
    %dma_start3A_421 = tpu.memref_squeeze %dma_start3A_420 : memref<1x16x8x128xf32, #tpu.memory_space<vmem>> -> memref<16x8x128xf32, #tpu.memory_space<vmem>>
    %dma_start3A_422 = arith.constant 0 : i32
    %dma_start3A_423 = arith.constant 0 : i32
    %dma_start3A_424 = tpu.memref_slice %arg3[%dma_start3A_422, %mul3A_32, %dma_start3A_423] : memref<64x256x128xf32, #tpu.memory_space<hbm>> -> memref<64x8x128xf32, #tpu.memory_space<hbm>>
    tpu.enqueue_indirect_dma source(%dma_start3A_424 : memref<64x8x128xf32, #tpu.memory_space<hbm>>) target(%dma_start3A_421 : memref<16x8x128xf32, #tpu.memory_space<vmem>>) offsets(%arg10 : memref<16xi32, #tpu.memory_space<vmem>>) semaphore(%arg12 : memref<!tpu.dma_semaphore, #tpu.memory_space<semaphore_mem>>)
    %dma_wait3A = arith.constant 0 : i32
    %dma_wait3A_425 = arith.constant 0 : i32
    %dma_wait3A_426 = arith.constant 0 : i32
    %dma_wait3A_427 = tpu.memref_slice %arg6[%dma_wait3A_426] : memref<32768xi32, #tpu.memory_space<vmem>> -> memref<2048xi32, #tpu.memory_space<vmem>>
    %dma_wait3A_428 = arith.constant 0 : i32
    %dma_wait3A_429 = tpu.memref_slice %arg2[%select_n3A, %dma_wait3A, %dma_wait3A_425, %dma_wait3A_428] : memref<8x2x16x2048xi32, #tpu.memory_space<hbm>> -> memref<1x1x1x2048xi32, #tpu.memory_space<hbm>>
    %dma_wait3A_430 = tpu.memref_squeeze %dma_wait3A_429 : memref<1x1x1x2048xi32, #tpu.memory_space<hbm>> -> memref<2048xi32, #tpu.memory_space<hbm>>
    %dma_wait3A_431 = arith.constant 0 : i32
    %dma_wait3A_432 = tpu.memref_slice %arg6[%dma_wait3A_431] : memref<32768xi32, #tpu.memory_space<vmem>> -> memref<2048xi32, #tpu.memory_space<vmem>>
    %dma_wait3A_433 = arith.constant 0 : i32
    %dma_wait3A_434 = tpu.memref_slice %arg2[%select_n3A, %dma_wait3A, %dma_wait3A_425, %dma_wait3A_433] : memref<8x2x16x2048xi32, #tpu.memory_space<hbm>> -> memref<1x1x1x2048xi32, #tpu.memory_space<hbm>>
    %dma_wait3A_435 = tpu.memref_squeeze %dma_wait3A_434 : memref<1x1x1x2048xi32, #tpu.memory_space<hbm>> -> memref<2048xi32, #tpu.memory_space<hbm>>
    tpu.wait_dma2 semaphore(%arg11 : memref<!tpu.dma_semaphore, #tpu.memory_space<semaphore_mem>>) src(%dma_wait3A_435 : memref<2048xi32, #tpu.memory_space<hbm>>) dst(%dma_wait3A_432 : memref<2048xi32, #tpu.memory_space<vmem>>)
    %dma_wait3A_436 = arith.constant 0 : i32
    %dma_wait3A_437 = arith.constant 1 : i32
    %dma_wait3A_438 = arith.constant 2048 : i32
    %dma_wait3A_439 = tpu.memref_slice %arg6[%dma_wait3A_438] : memref<32768xi32, #tpu.memory_space<vmem>> -> memref<2048xi32, #tpu.memory_space<vmem>>
    %dma_wait3A_440 = arith.constant 0 : i32
    %dma_wait3A_441 = tpu.memref_slice %arg2[%select_n3A, %dma_wait3A_436, %dma_wait3A_437, %dma_wait3A_440] : memref<8x2x16x2048xi32, #tpu.memory_space<hbm>> -> memref<1x1x1x2048xi32, #tpu.memory_space<hbm>>
    %dma_wait3A_442 = tpu.memref_squeeze %dma_wait3A_441 : memref<1x1x1x2048xi32, #tpu.memory_space<hbm>> -> memref<2048xi32, #tpu.memory_space<hbm>>
    %dma_wait3A_443 = arith.constant 2048 : i32
    %dma_wait3A_444 = tpu.memref_slice %arg6[%dma_wait3A_443] : memref<32768xi32, #tpu.memory_space<vmem>> -> memref<2048xi32, #tpu.memory_space<vmem>>
    %dma_wait3A_445 = arith.constant 0 : i32
    %dma_wait3A_446 = tpu.memref_slice %arg2[%select_n3A, %dma_wait3A_436, %dma_wait3A_437, %dma_wait3A_445] : memref<8x2x16x2048xi32, #tpu.memory_space<hbm>> -> memref<1x1x1x2048xi32, #tpu.memory_space<hbm>>
    %dma_wait3A_447 = tpu.memref_squeeze %dma_wait3A_446 : memref<1x1x1x2048xi32, #tpu.memory_space<hbm>> -> memref<2048xi32, #tpu.memory_space<hbm>>
    tpu.wait_dma2 semaphore(%arg11 : memref<!tpu.dma_semaphore, #tpu.memory_space<semaphore_mem>>) src(%dma_wait3A_447 : memref<2048xi32, #tpu.memory_space<hbm>>) dst(%dma_wait3A_444 : memref<2048xi32, #tpu.memory_space<vmem>>)
    %dma_wait3A_448 = arith.constant 0 : i32
    %dma_wait3A_449 = arith.constant 2 : i32
    %dma_wait3A_450 = arith.constant 4096 : i32
    %dma_wait3A_451 = tpu.memref_slice %arg6[%dma_wait3A_450] : memref<32768xi32, #tpu.memory_space<vmem>> -> memref<2048xi32, #tpu.memory_space<vmem>>
    %dma_wait3A_452 = arith.constant 0 : i32
    %dma_wait3A_453 = tpu.memref_slice %arg2[%select_n3A, %dma_wait3A_448, %dma_wait3A_449, %dma_wait3A_452] : memref<8x2x16x2048xi32, #tpu.memory_space<hbm>> -> memref<1x1x1x2048xi32, #tpu.memory_space<hbm>>
    %dma_wait3A_454 = tpu.memref_squeeze %dma_wait3A_453 : memref<1x1x1x2048xi32, #tpu.memory_space<hbm>> -> memref<2048xi32, #tpu.memory_space<hbm>>
    %dma_wait3A_455 = arith.constant 4096 : i32
    %dma_wait3A_456 = tpu.memref_slice %arg6[%dma_wait3A_455] : memref<32768xi32, #tpu.memory_space<vmem>> -> memref<2048xi32, #tpu.memory_space<vmem>>
    %dma_wait3A_457 = arith.constant 0 : i32
    %dma_wait3A_458 = tpu.memref_slice %arg2[%select_n3A, %dma_wait3A_448, %dma_wait3A_449, %dma_wait3A_457] : memref<8x2x16x2048xi32, #tpu.memory_space<hbm>> -> memref<1x1x1x2048xi32, #tpu.memory_space<hbm>>
    %dma_wait3A_459 = tpu.memref_squeeze %dma_wait3A_458 : memref<1x1x1x2048xi32, #tpu.memory_space<hbm>> -> memref<2048xi32, #tpu.memory_space<hbm>>
    tpu.wait_dma2 semaphore(%arg11 : memref<!tpu.dma_semaphore, #tpu.memory_space<semaphore_mem>>) src(%dma_wait3A_459 : memref<2048xi32, #tpu.memory_space<hbm>>) dst(%dma_wait3A_456 : memref<2048xi32, #tpu.memory_space<vmem>>)
    %dma_wait3A_460 = arith.constant 0 : i32
    %dma_wait3A_461 = arith.constant 3 : i32
    %dma_wait3A_462 = arith.constant 6144 : i32
    %dma_wait3A_463 = tpu.memref_slice %arg6[%dma_wait3A_462] : memref<32768xi32, #tpu.memory_space<vmem>> -> memref<2048xi32, #tpu.memory_space<vmem>>
    %dma_wait3A_464 = arith.constant 0 : i32
    %dma_wait3A_465 = tpu.memref_slice %arg2[%select_n3A, %dma_wait3A_460, %dma_wait3A_461, %dma_wait3A_464] : memref<8x2x16x2048xi32, #tpu.memory_space<hbm>> -> memref<1x1x1x2048xi32, #tpu.memory_space<hbm>>
    %dma_wait3A_466 = tpu.memref_squeeze %dma_wait3A_465 : memref<1x1x1x2048xi32, #tpu.memory_space<hbm>> -> memref<2048xi32, #tpu.memory_space<hbm>>
    %dma_wait3A_467 = arith.constant 6144 : i32
    %dma_wait3A_468 = tpu.memref_slice %arg6[%dma_wait3A_467] : memref<32768xi32, #tpu.memory_space<vmem>> -> memref<2048xi32, #tpu.memory_space<vmem>>
    %dma_wait3A_469 = arith.constant 0 : i32
    %dma_wait3A_470 = tpu.memref_slice %arg2[%select_n3A, %dma_wait3A_460, %dma_wait3A_461, %dma_wait3A_469] : memref<8x2x16x2048xi32, #tpu.memory_space<hbm>> -> memref<1x1x1x2048xi32, #tpu.memory_space<hbm>>
    %dma_wait3A_471 = tpu.memref_squeeze %dma_wait3A_470 : memref<1x1x1x2048xi32, #tpu.memory_space<hbm>> -> memref<2048xi32, #tpu.memory_space<hbm>>
    tpu.wait_dma2 semaphore(%arg11 : memref<!tpu.dma_semaphore, #tpu.memory_space<semaphore_mem>>) src(%dma_wait3A_471 : memref<2048xi32, #tpu.memory_space<hbm>>) dst(%dma_wait3A_468 : memref<2048xi32, #tpu.memory_space<vmem>>)
    %dma_wait3A_472 = arith.constant 0 : i32
    %dma_wait3A_473 = arith.constant 4 : i32
    %dma_wait3A_474 = arith.constant 8192 : i32
    %dma_wait3A_475 = tpu.memref_slice %arg6[%dma_wait3A_474] : memref<32768xi32, #tpu.memory_space<vmem>> -> memref<2048xi32, #tpu.memory_space<vmem>>
    %dma_wait3A_476 = arith.constant 0 : i32
    %dma_wait3A_477 = tpu.memref_slice %arg2[%select_n3A, %dma_wait3A_472, %dma_wait3A_473, %dma_wait3A_476] : memref<8x2x16x2048xi32, #tpu.memory_space<hbm>> -> memref<1x1x1x2048xi32, #tpu.memory_space<hbm>>
    %dma_wait3A_478 = tpu.memref_squeeze %dma_wait3A_477 : memref<1x1x1x2048xi32, #tpu.memory_space<hbm>> -> memref<2048xi32, #tpu.memory_space<hbm>>
    %dma_wait3A_479 = arith.constant 8192 : i32
    %dma_wait3A_480 = tpu.memref_slice %arg6[%dma_wait3A_479] : memref<32768xi32, #tpu.memory_space<vmem>> -> memref<2048xi32, #tpu.memory_space<vmem>>
    %dma_wait3A_481 = arith.constant 0 : i32
    %dma_wait3A_482 = tpu.memref_slice %arg2[%select_n3A, %dma_wait3A_472, %dma_wait3A_473, %dma_wait3A_481] : memref<8x2x16x2048xi32, #tpu.memory_space<hbm>> -> memref<1x1x1x2048xi32, #tpu.memory_space<hbm>>
    %dma_wait3A_483 = tpu.memref_squeeze %dma_wait3A_482 : memref<1x1x1x2048xi32, #tpu.memory_space<hbm>> -> memref<2048xi32, #tpu.memory_space<hbm>>
    tpu.wait_dma2 semaphore(%arg11 : memref<!tpu.dma_semaphore, #tpu.memory_space<semaphore_mem>>) src(%dma_wait3A_483 : memref<2048xi32, #tpu.memory_space<hbm>>) dst(%dma_wait3A_480 : memref<2048xi32, #tpu.memory_space<vmem>>)
    %dma_wait3A_484 = arith.constant 0 : i32
    %dma_wait3A_485 = arith.constant 5 : i32
    %dma_wait3A_486 = arith.constant 10240 : i32
    %dma_wait3A_487 = tpu.memref_slice %arg6[%dma_wait3A_486] : memref<32768xi32, #tpu.memory_space<vmem>> -> memref<2048xi32, #tpu.memory_space<vmem>>
    %dma_wait3A_488 = arith.constant 0 : i32
    %dma_wait3A_489 = tpu.memref_slice %arg2[%select_n3A, %dma_wait3A_484, %dma_wait3A_485, %dma_wait3A_488] : memref<8x2x16x2048xi32, #tpu.memory_space<hbm>> -> memref<1x1x1x2048xi32, #tpu.memory_space<hbm>>
    %dma_wait3A_490 = tpu.memref_squeeze %dma_wait3A_489 : memref<1x1x1x2048xi32, #tpu.memory_space<hbm>> -> memref<2048xi32, #tpu.memory_space<hbm>>
    %dma_wait3A_491 = arith.constant 10240 : i32
    %dma_wait3A_492 = tpu.memref_slice %arg6[%dma_wait3A_491] : memref<32768xi32, #tpu.memory_space<vmem>> -> memref<2048xi32, #tpu.memory_space<vmem>>
    %dma_wait3A_493 = arith.constant 0 : i32
    %dma_wait3A_494 = tpu.memref_slice %arg2[%select_n3A, %dma_wait3A_484, %dma_wait3A_485, %dma_wait3A_493] : memref<8x2x16x2048xi32, #tpu.memory_space<hbm>> -> memref<1x1x1x2048xi32, #tpu.memory_space<hbm>>
    %dma_wait3A_495 = tpu.memref_squeeze %dma_wait3A_494 : memref<1x1x1x2048xi32, #tpu.memory_space<hbm>> -> memref<2048xi32, #tpu.memory_space<hbm>>
    tpu.wait_dma2 semaphore(%arg11 : memref<!tpu.dma_semaphore, #tpu.memory_space<semaphore_mem>>) src(%dma_wait3A_495 : memref<2048xi32, #tpu.memory_space<hbm>>) dst(%dma_wait3A_492 : memref<2048xi32, #tpu.memory_space<vmem>>)
    %dma_wait3A_496 = arith.constant 0 : i32
    %dma_wait3A_497 = arith.constant 6 : i32
    %dma_wait3A_498 = arith.constant 12288 : i32
    %dma_wait3A_499 = tpu.memref_slice %arg6[%dma_wait3A_498] : memref<32768xi32, #tpu.memory_space<vmem>> -> memref<2048xi32, #tpu.memory_space<vmem>>
    %dma_wait3A_500 = arith.constant 0 : i32
    %dma_wait3A_501 = tpu.memref_slice %arg2[%select_n3A, %dma_wait3A_496, %dma_wait3A_497, %dma_wait3A_500] : memref<8x2x16x2048xi32, #tpu.memory_space<hbm>> -> memref<1x1x1x2048xi32, #tpu.memory_space<hbm>>
    %dma_wait3A_502 = tpu.memref_squeeze %dma_wait3A_501 : memref<1x1x1x2048xi32, #tpu.memory_space<hbm>> -> memref<2048xi32, #tpu.memory_space<hbm>>
    %dma_wait3A_503 = arith.constant 12288 : i32
    %dma_wait3A_504 = tpu.memref_slice %arg6[%dma_wait3A_503] : memref<32768xi32, #tpu.memory_space<vmem>> -> memref<2048xi32, #tpu.memory_space<vmem>>
    %dma_wait3A_505 = arith.constant 0 : i32
    %dma_wait3A_506 = tpu.memref_slice %arg2[%select_n3A, %dma_wait3A_496, %dma_wait3A_497, %dma_wait3A_505] : memref<8x2x16x2048xi32, #tpu.memory_space<hbm>> -> memref<1x1x1x2048xi32, #tpu.memory_space<hbm>>
    %dma_wait3A_507 = tpu.memref_squeeze %dma_wait3A_506 : memref<1x1x1x2048xi32, #tpu.memory_space<hbm>> -> memref<2048xi32, #tpu.memory_space<hbm>>
    tpu.wait_dma2 semaphore(%arg11 : memref<!tpu.dma_semaphore, #tpu.memory_space<semaphore_mem>>) src(%dma_wait3A_507 : memref<2048xi32, #tpu.memory_space<hbm>>) dst(%dma_wait3A_504 : memref<2048xi32, #tpu.memory_space<vmem>>)
    %dma_wait3A_508 = arith.constant 0 : i32
    %dma_wait3A_509 = arith.constant 7 : i32
    %dma_wait3A_510 = arith.constant 14336 : i32
    %dma_wait3A_511 = tpu.memref_slice %arg6[%dma_wait3A_510] : memref<32768xi32, #tpu.memory_space<vmem>> -> memref<2048xi32, #tpu.memory_space<vmem>>
    %dma_wait3A_512 = arith.constant 0 : i32
    %dma_wait3A_513 = tpu.memref_slice %arg2[%select_n3A, %dma_wait3A_508, %dma_wait3A_509, %dma_wait3A_512] : memref<8x2x16x2048xi32, #tpu.memory_space<hbm>> -> memref<1x1x1x2048xi32, #tpu.memory_space<hbm>>
    %dma_wait3A_514 = tpu.memref_squeeze %dma_wait3A_513 : memref<1x1x1x2048xi32, #tpu.memory_space<hbm>> -> memref<2048xi32, #tpu.memory_space<hbm>>
    %dma_wait3A_515 = arith.constant 14336 : i32
    %dma_wait3A_516 = tpu.memref_slice %arg6[%dma_wait3A_515] : memref<32768xi32, #tpu.memory_space<vmem>> -> memref<2048xi32, #tpu.memory_space<vmem>>
    %dma_wait3A_517 = arith.constant 0 : i32
    %dma_wait3A_518 = tpu.memref_slice %arg2[%select_n3A, %dma_wait3A_508, %dma_wait3A_509, %dma_wait3A_517] : memref<8x2x16x2048xi32, #tpu.memory_space<hbm>> -> memref<1x1x1x2048xi32, #tpu.memory_space<hbm>>
    %dma_wait3A_519 = tpu.memref_squeeze %dma_wait3A_518 : memref<1x1x1x2048xi32, #tpu.memory_space<hbm>> -> memref<2048xi32, #tpu.memory_space<hbm>>
    tpu.wait_dma2 semaphore(%arg11 : memref<!tpu.dma_semaphore, #tpu.memory_space<semaphore_mem>>) src(%dma_wait3A_519 : memref<2048xi32, #tpu.memory_space<hbm>>) dst(%dma_wait3A_516 : memref<2048xi32, #tpu.memory_space<vmem>>)
    %dma_wait3A_520 = arith.constant 0 : i32
    %dma_wait3A_521 = arith.constant 8 : i32
    %dma_wait3A_522 = arith.constant 16384 : i32
    %dma_wait3A_523 = tpu.memref_slice %arg6[%dma_wait3A_522] : memref<32768xi32, #tpu.memory_space<vmem>> -> memref<2048xi32, #tpu.memory_space<vmem>>
    %dma_wait3A_524 = arith.constant 0 : i32
    %dma_wait3A_525 = tpu.memref_slice %arg2[%select_n3A, %dma_wait3A_520, %dma_wait3A_521, %dma_wait3A_524] : memref<8x2x16x2048xi32, #tpu.memory_space<hbm>> -> memref<1x1x1x2048xi32, #tpu.memory_space<hbm>>
    %dma_wait3A_526 = tpu.memref_squeeze %dma_wait3A_525 : memref<1x1x1x2048xi32, #tpu.memory_space<hbm>> -> memref<2048xi32, #tpu.memory_space<hbm>>
    %dma_wait3A_527 = arith.constant 16384 : i32
    %dma_wait3A_528 = tpu.memref_slice %arg6[%dma_wait3A_527] : memref<32768xi32, #tpu.memory_space<vmem>> -> memref<2048xi32, #tpu.memory_space<vmem>>
    %dma_wait3A_529 = arith.constant 0 : i32
    %dma_wait3A_530 = tpu.memref_slice %arg2[%select_n3A, %dma_wait3A_520, %dma_wait3A_521, %dma_wait3A_529] : memref<8x2x16x2048xi32, #tpu.memory_space<hbm>> -> memref<1x1x1x2048xi32, #tpu.memory_space<hbm>>
    %dma_wait3A_531 = tpu.memref_squeeze %dma_wait3A_530 : memref<1x1x1x2048xi32, #tpu.memory_space<hbm>> -> memref<2048xi32, #tpu.memory_space<hbm>>
    tpu.wait_dma2 semaphore(%arg11 : memref<!tpu.dma_semaphore, #tpu.memory_space<semaphore_mem>>) src(%dma_wait3A_531 : memref<2048xi32, #tpu.memory_space<hbm>>) dst(%dma_wait3A_528 : memref<2048xi32, #tpu.memory_space<vmem>>)
    %dma_wait3A_532 = arith.constant 0 : i32
    %dma_wait3A_533 = arith.constant 9 : i32
    %dma_wait3A_534 = arith.constant 18432 : i32
    %dma_wait3A_535 = tpu.memref_slice %arg6[%dma_wait3A_534] : memref<32768xi32, #tpu.memory_space<vmem>> -> memref<2048xi32, #tpu.memory_space<vmem>>
    %dma_wait3A_536 = arith.constant 0 : i32
    %dma_wait3A_537 = tpu.memref_slice %arg2[%select_n3A, %dma_wait3A_532, %dma_wait3A_533, %dma_wait3A_536] : memref<8x2x16x2048xi32, #tpu.memory_space<hbm>> -> memref<1x1x1x2048xi32, #tpu.memory_space<hbm>>
    %dma_wait3A_538 = tpu.memref_squeeze %dma_wait3A_537 : memref<1x1x1x2048xi32, #tpu.memory_space<hbm>> -> memref<2048xi32, #tpu.memory_space<hbm>>
    %dma_wait3A_539 = arith.constant 18432 : i32
    %dma_wait3A_540 = tpu.memref_slice %arg6[%dma_wait3A_539] : memref<32768xi32, #tpu.memory_space<vmem>> -> memref<2048xi32, #tpu.memory_space<vmem>>
    %dma_wait3A_541 = arith.constant 0 : i32
    %dma_wait3A_542 = tpu.memref_slice %arg2[%select_n3A, %dma_wait3A_532, %dma_wait3A_533, %dma_wait3A_541] : memref<8x2x16x2048xi32, #tpu.memory_space<hbm>> -> memref<1x1x1x2048xi32, #tpu.memory_space<hbm>>
    %dma_wait3A_543 = tpu.memref_squeeze %dma_wait3A_542 : memref<1x1x1x2048xi32, #tpu.memory_space<hbm>> -> memref<2048xi32, #tpu.memory_space<hbm>>
    tpu.wait_dma2 semaphore(%arg11 : memref<!tpu.dma_semaphore, #tpu.memory_space<semaphore_mem>>) src(%dma_wait3A_543 : memref<2048xi32, #tpu.memory_space<hbm>>) dst(%dma_wait3A_540 : memref<2048xi32, #tpu.memory_space<vmem>>)
    %dma_wait3A_544 = arith.constant 0 : i32
    %dma_wait3A_545 = arith.constant 10 : i32
    %dma_wait3A_546 = arith.constant 20480 : i32
    %dma_wait3A_547 = tpu.memref_slice %arg6[%dma_wait3A_546] : memref<32768xi32, #tpu.memory_space<vmem>> -> memref<2048xi32, #tpu.memory_space<vmem>>
    %dma_wait3A_548 = arith.constant 0 : i32
    %dma_wait3A_549 = tpu.memref_slice %arg2[%select_n3A, %dma_wait3A_544, %dma_wait3A_545, %dma_wait3A_548] : memref<8x2x16x2048xi32, #tpu.memory_space<hbm>> -> memref<1x1x1x2048xi32, #tpu.memory_space<hbm>>
    %dma_wait3A_550 = tpu.memref_squeeze %dma_wait3A_549 : memref<1x1x1x2048xi32, #tpu.memory_space<hbm>> -> memref<2048xi32, #tpu.memory_space<hbm>>
    %dma_wait3A_551 = arith.constant 20480 : i32
    %dma_wait3A_552 = tpu.memref_slice %arg6[%dma_wait3A_551] : memref<32768xi32, #tpu.memory_space<vmem>> -> memref<2048xi32, #tpu.memory_space<vmem>>
    %dma_wait3A_553 = arith.constant 0 : i32
    %dma_wait3A_554 = tpu.memref_slice %arg2[%select_n3A, %dma_wait3A_544, %dma_wait3A_545, %dma_wait3A_553] : memref<8x2x16x2048xi32, #tpu.memory_space<hbm>> -> memref<1x1x1x2048xi32, #tpu.memory_space<hbm>>
    %dma_wait3A_555 = tpu.memref_squeeze %dma_wait3A_554 : memref<1x1x1x2048xi32, #tpu.memory_space<hbm>> -> memref<2048xi32, #tpu.memory_space<hbm>>
    tpu.wait_dma2 semaphore(%arg11 : memref<!tpu.dma_semaphore, #tpu.memory_space<semaphore_mem>>) src(%dma_wait3A_555 : memref<2048xi32, #tpu.memory_space<hbm>>) dst(%dma_wait3A_552 : memref<2048xi32, #tpu.memory_space<vmem>>)
    %dma_wait3A_556 = arith.constant 0 : i32
    %dma_wait3A_557 = arith.constant 11 : i32
    %dma_wait3A_558 = arith.constant 22528 : i32
    %dma_wait3A_559 = tpu.memref_slice %arg6[%dma_wait3A_558] : memref<32768xi32, #tpu.memory_space<vmem>> -> memref<2048xi32, #tpu.memory_space<vmem>>
    %dma_wait3A_560 = arith.constant 0 : i32
    %dma_wait3A_561 = tpu.memref_slice %arg2[%select_n3A, %dma_wait3A_556, %dma_wait3A_557, %dma_wait3A_560] : memref<8x2x16x2048xi32, #tpu.memory_space<hbm>> -> memref<1x1x1x2048xi32, #tpu.memory_space<hbm>>
    %dma_wait3A_562 = tpu.memref_squeeze %dma_wait3A_561 : memref<1x1x1x2048xi32, #tpu.memory_space<hbm>> -> memref<2048xi32, #tpu.memory_space<hbm>>
    %dma_wait3A_563 = arith.constant 22528 : i32
    %dma_wait3A_564 = tpu.memref_slice %arg6[%dma_wait3A_563] : memref<32768xi32, #tpu.memory_space<vmem>> -> memref<2048xi32, #tpu.memory_space<vmem>>
    %dma_wait3A_565 = arith.constant 0 : i32
    %dma_wait3A_566 = tpu.memref_slice %arg2[%select_n3A, %dma_wait3A_556, %dma_wait3A_557, %dma_wait3A_565] : memref<8x2x16x2048xi32, #tpu.memory_space<hbm>> -> memref<1x1x1x2048xi32, #tpu.memory_space<hbm>>
    %dma_wait3A_567 = tpu.memref_squeeze %dma_wait3A_566 : memref<1x1x1x2048xi32, #tpu.memory_space<hbm>> -> memref<2048xi32, #tpu.memory_space<hbm>>
    tpu.wait_dma2 semaphore(%arg11 : memref<!tpu.dma_semaphore, #tpu.memory_space<semaphore_mem>>) src(%dma_wait3A_567 : memref<2048xi32, #tpu.memory_space<hbm>>) dst(%dma_wait3A_564 : memref<2048xi32, #tpu.memory_space<vmem>>)
    %dma_wait3A_568 = arith.constant 0 : i32
    %dma_wait3A_569 = arith.constant 12 : i32
    %dma_wait3A_570 = arith.constant 24576 : i32
    %dma_wait3A_571 = tpu.memref_slice %arg6[%dma_wait3A_570] : memref<32768xi32, #tpu.memory_space<vmem>> -> memref<2048xi32, #tpu.memory_space<vmem>>
    %dma_wait3A_572 = arith.constant 0 : i32
    %dma_wait3A_573 = tpu.memref_slice %arg2[%select_n3A, %dma_wait3A_568, %dma_wait3A_569, %dma_wait3A_572] : memref<8x2x16x2048xi32, #tpu.memory_space<hbm>> -> memref<1x1x1x2048xi32, #tpu.memory_space<hbm>>
    %dma_wait3A_574 = tpu.memref_squeeze %dma_wait3A_573 : memref<1x1x1x2048xi32, #tpu.memory_space<hbm>> -> memref<2048xi32, #tpu.memory_space<hbm>>
    %dma_wait3A_575 = arith.constant 24576 : i32
    %dma_wait3A_576 = tpu.memref_slice %arg6[%dma_wait3A_575] : memref<32768xi32, #tpu.memory_space<vmem>> -> memref<2048xi32, #tpu.memory_space<vmem>>
    %dma_wait3A_577 = arith.constant 0 : i32
    %dma_wait3A_578 = tpu.memref_slice %arg2[%select_n3A, %dma_wait3A_568, %dma_wait3A_569, %dma_wait3A_577] : memref<8x2x16x2048xi32, #tpu.memory_space<hbm>> -> memref<1x1x1x2048xi32, #tpu.memory_space<hbm>>
    %dma_wait3A_579 = tpu.memref_squeeze %dma_wait3A_578 : memref<1x1x1x2048xi32, #tpu.memory_space<hbm>> -> memref<2048xi32, #tpu.memory_space<hbm>>
    tpu.wait_dma2 semaphore(%arg11 : memref<!tpu.dma_semaphore, #tpu.memory_space<semaphore_mem>>) src(%dma_wait3A_579 : memref<2048xi32, #tpu.memory_space<hbm>>) dst(%dma_wait3A_576 : memref<2048xi32, #tpu.memory_space<vmem>>)
    %dma_wait3A_580 = arith.constant 0 : i32
    %dma_wait3A_581 = arith.constant 13 : i32
    %dma_wait3A_582 = arith.constant 26624 : i32
    %dma_wait3A_583 = tpu.memref_slice %arg6[%dma_wait3A_582] : memref<32768xi32, #tpu.memory_space<vmem>> -> memref<2048xi32, #tpu.memory_space<vmem>>
    %dma_wait3A_584 = arith.constant 0 : i32
    %dma_wait3A_585 = tpu.memref_slice %arg2[%select_n3A, %dma_wait3A_580, %dma_wait3A_581, %dma_wait3A_584] : memref<8x2x16x2048xi32, #tpu.memory_space<hbm>> -> memref<1x1x1x2048xi32, #tpu.memory_space<hbm>>
    %dma_wait3A_586 = tpu.memref_squeeze %dma_wait3A_585 : memref<1x1x1x2048xi32, #tpu.memory_space<hbm>> -> memref<2048xi32, #tpu.memory_space<hbm>>
    %dma_wait3A_587 = arith.constant 26624 : i32
    %dma_wait3A_588 = tpu.memref_slice %arg6[%dma_wait3A_587] : memref<32768xi32, #tpu.memory_space<vmem>> -> memref<2048xi32, #tpu.memory_space<vmem>>
    %dma_wait3A_589 = arith.constant 0 : i32
    %dma_wait3A_590 = tpu.memref_slice %arg2[%select_n3A, %dma_wait3A_580, %dma_wait3A_581, %dma_wait3A_589] : memref<8x2x16x2048xi32, #tpu.memory_space<hbm>> -> memref<1x1x1x2048xi32, #tpu.memory_space<hbm>>
    %dma_wait3A_591 = tpu.memref_squeeze %dma_wait3A_590 : memref<1x1x1x2048xi32, #tpu.memory_space<hbm>> -> memref<2048xi32, #tpu.memory_space<hbm>>
    tpu.wait_dma2 semaphore(%arg11 : memref<!tpu.dma_semaphore, #tpu.memory_space<semaphore_mem>>) src(%dma_wait3A_591 : memref<2048xi32, #tpu.memory_space<hbm>>) dst(%dma_wait3A_588 : memref<2048xi32, #tpu.memory_space<vmem>>)
    %dma_wait3A_592 = arith.constant 0 : i32
    %dma_wait3A_593 = arith.constant 14 : i32
    %dma_wait3A_594 = arith.constant 28672 : i32
    %dma_wait3A_595 = tpu.memref_slice %arg6[%dma_wait3A_594] : memref<32768xi32, #tpu.memory_space<vmem>> -> memref<2048xi32, #tpu.memory_space<vmem>>
    %dma_wait3A_596 = arith.constant 0 : i32
    %dma_wait3A_597 = tpu.memref_slice %arg2[%select_n3A, %dma_wait3A_592, %dma_wait3A_593, %dma_wait3A_596] : memref<8x2x16x2048xi32, #tpu.memory_space<hbm>> -> memref<1x1x1x2048xi32, #tpu.memory_space<hbm>>
    %dma_wait3A_598 = tpu.memref_squeeze %dma_wait3A_597 : memref<1x1x1x2048xi32, #tpu.memory_space<hbm>> -> memref<2048xi32, #tpu.memory_space<hbm>>
    %dma_wait3A_599 = arith.constant 28672 : i32
    %dma_wait3A_600 = tpu.memref_slice %arg6[%dma_wait3A_599] : memref<32768xi32, #tpu.memory_space<vmem>> -> memref<2048xi32, #tpu.memory_space<vmem>>
    %dma_wait3A_601 = arith.constant 0 : i32
    %dma_wait3A_602 = tpu.memref_slice %arg2[%select_n3A, %dma_wait3A_592, %dma_wait3A_593, %dma_wait3A_601] : memref<8x2x16x2048xi32, #tpu.memory_space<hbm>> -> memref<1x1x1x2048xi32, #tpu.memory_space<hbm>>
    %dma_wait3A_603 = tpu.memref_squeeze %dma_wait3A_602 : memref<1x1x1x2048xi32, #tpu.memory_space<hbm>> -> memref<2048xi32, #tpu.memory_space<hbm>>
    tpu.wait_dma2 semaphore(%arg11 : memref<!tpu.dma_semaphore, #tpu.memory_space<semaphore_mem>>) src(%dma_wait3A_603 : memref<2048xi32, #tpu.memory_space<hbm>>) dst(%dma_wait3A_600 : memref<2048xi32, #tpu.memory_space<vmem>>)
    %dma_wait3A_604 = arith.constant 0 : i32
    %dma_wait3A_605 = arith.constant 15 : i32
    %dma_wait3A_606 = arith.constant 30720 : i32
    %dma_wait3A_607 = tpu.memref_slice %arg6[%dma_wait3A_606] : memref<32768xi32, #tpu.memory_space<vmem>> -> memref<2048xi32, #tpu.memory_space<vmem>>
    %dma_wait3A_608 = arith.constant 0 : i32
    %dma_wait3A_609 = tpu.memref_slice %arg2[%select_n3A, %dma_wait3A_604, %dma_wait3A_605, %dma_wait3A_608] : memref<8x2x16x2048xi32, #tpu.memory_space<hbm>> -> memref<1x1x1x2048xi32, #tpu.memory_space<hbm>>
    %dma_wait3A_610 = tpu.memref_squeeze %dma_wait3A_609 : memref<1x1x1x2048xi32, #tpu.memory_space<hbm>> -> memref<2048xi32, #tpu.memory_space<hbm>>
    %dma_wait3A_611 = arith.constant 30720 : i32
    %dma_wait3A_612 = tpu.memref_slice %arg6[%dma_wait3A_611] : memref<32768xi32, #tpu.memory_space<vmem>> -> memref<2048xi32, #tpu.memory_space<vmem>>
    %dma_wait3A_613 = arith.constant 0 : i32
    %dma_wait3A_614 = tpu.memref_slice %arg2[%select_n3A, %dma_wait3A_604, %dma_wait3A_605, %dma_wait3A_613] : memref<8x2x16x2048xi32, #tpu.memory_space<hbm>> -> memref<1x1x1x2048xi32, #tpu.memory_space<hbm>>
    %dma_wait3A_615 = tpu.memref_squeeze %dma_wait3A_614 : memref<1x1x1x2048xi32, #tpu.memory_space<hbm>> -> memref<2048xi32, #tpu.memory_space<hbm>>
    tpu.wait_dma2 semaphore(%arg11 : memref<!tpu.dma_semaphore, #tpu.memory_space<semaphore_mem>>) src(%dma_wait3A_615 : memref<2048xi32, #tpu.memory_space<hbm>>) dst(%dma_wait3A_612 : memref<2048xi32, #tpu.memory_space<vmem>>)
    %dma_wait3A_616 = arith.constant 1 : i32
    %dma_wait3A_617 = arith.constant 0 : i32
    %dma_wait3A_618 = arith.constant 0 : i32
    %dma_wait3A_619 = tpu.memref_slice %arg7[%dma_wait3A_618] : memref<32768xi32, #tpu.memory_space<vmem>> -> memref<2048xi32, #tpu.memory_space<vmem>>
    %dma_wait3A_620 = arith.constant 0 : i32
    %dma_wait3A_621 = tpu.memref_slice %arg2[%select_n3A, %dma_wait3A_616, %dma_wait3A_617, %dma_wait3A_620] : memref<8x2x16x2048xi32, #tpu.memory_space<hbm>> -> memref<1x1x1x2048xi32, #tpu.memory_space<hbm>>
    %dma_wait3A_622 = tpu.memref_squeeze %dma_wait3A_621 : memref<1x1x1x2048xi32, #tpu.memory_space<hbm>> -> memref<2048xi32, #tpu.memory_space<hbm>>
    %dma_wait3A_623 = arith.constant 0 : i32
    %dma_wait3A_624 = tpu.memref_slice %arg7[%dma_wait3A_623] : memref<32768xi32, #tpu.memory_space<vmem>> -> memref<2048xi32, #tpu.memory_space<vmem>>
    %dma_wait3A_625 = arith.constant 0 : i32
    %dma_wait3A_626 = tpu.memref_slice %arg2[%select_n3A, %dma_wait3A_616, %dma_wait3A_617, %dma_wait3A_625] : memref<8x2x16x2048xi32, #tpu.memory_space<hbm>> -> memref<1x1x1x2048xi32, #tpu.memory_space<hbm>>
    %dma_wait3A_627 = tpu.memref_squeeze %dma_wait3A_626 : memref<1x1x1x2048xi32, #tpu.memory_space<hbm>> -> memref<2048xi32, #tpu.memory_space<hbm>>
    tpu.wait_dma2 semaphore(%arg11 : memref<!tpu.dma_semaphore, #tpu.memory_space<semaphore_mem>>) src(%dma_wait3A_627 : memref<2048xi32, #tpu.memory_space<hbm>>) dst(%dma_wait3A_624 : memref<2048xi32, #tpu.memory_space<vmem>>)
    %dma_wait3A_628 = arith.constant 1 : i32
    %dma_wait3A_629 = arith.constant 1 : i32
    %dma_wait3A_630 = arith.constant 2048 : i32
    %dma_wait3A_631 = tpu.memref_slice %arg7[%dma_wait3A_630] : memref<32768xi32, #tpu.memory_space<vmem>> -> memref<2048xi32, #tpu.memory_space<vmem>>
    %dma_wait3A_632 = arith.constant 0 : i32
    %dma_wait3A_633 = tpu.memref_slice %arg2[%select_n3A, %dma_wait3A_628, %dma_wait3A_629, %dma_wait3A_632] : memref<8x2x16x2048xi32, #tpu.memory_space<hbm>> -> memref<1x1x1x2048xi32, #tpu.memory_space<hbm>>
    %dma_wait3A_634 = tpu.memref_squeeze %dma_wait3A_633 : memref<1x1x1x2048xi32, #tpu.memory_space<hbm>> -> memref<2048xi32, #tpu.memory_space<hbm>>
    %dma_wait3A_635 = arith.constant 2048 : i32
    %dma_wait3A_636 = tpu.memref_slice %arg7[%dma_wait3A_635] : memref<32768xi32, #tpu.memory_space<vmem>> -> memref<2048xi32, #tpu.memory_space<vmem>>
    %dma_wait3A_637 = arith.constant 0 : i32
    %dma_wait3A_638 = tpu.memref_slice %arg2[%select_n3A, %dma_wait3A_628, %dma_wait3A_629, %dma_wait3A_637] : memref<8x2x16x2048xi32, #tpu.memory_space<hbm>> -> memref<1x1x1x2048xi32, #tpu.memory_space<hbm>>
    %dma_wait3A_639 = tpu.memref_squeeze %dma_wait3A_638 : memref<1x1x1x2048xi32, #tpu.memory_space<hbm>> -> memref<2048xi32, #tpu.memory_space<hbm>>
    tpu.wait_dma2 semaphore(%arg11 : memref<!tpu.dma_semaphore, #tpu.memory_space<semaphore_mem>>) src(%dma_wait3A_639 : memref<2048xi32, #tpu.memory_space<hbm>>) dst(%dma_wait3A_636 : memref<2048xi32, #tpu.memory_space<vmem>>)
    %dma_wait3A_640 = arith.constant 1 : i32
    %dma_wait3A_641 = arith.constant 2 : i32
    %dma_wait3A_642 = arith.constant 4096 : i32
    %dma_wait3A_643 = tpu.memref_slice %arg7[%dma_wait3A_642] : memref<32768xi32, #tpu.memory_space<vmem>> -> memref<2048xi32, #tpu.memory_space<vmem>>
    %dma_wait3A_644 = arith.constant 0 : i32
    %dma_wait3A_645 = tpu.memref_slice %arg2[%select_n3A, %dma_wait3A_640, %dma_wait3A_641, %dma_wait3A_644] : memref<8x2x16x2048xi32, #tpu.memory_space<hbm>> -> memref<1x1x1x2048xi32, #tpu.memory_space<hbm>>
    %dma_wait3A_646 = tpu.memref_squeeze %dma_wait3A_645 : memref<1x1x1x2048xi32, #tpu.memory_space<hbm>> -> memref<2048xi32, #tpu.memory_space<hbm>>
    %dma_wait3A_647 = arith.constant 4096 : i32
    %dma_wait3A_648 = tpu.memref_slice %arg7[%dma_wait3A_647] : memref<32768xi32, #tpu.memory_space<vmem>> -> memref<2048xi32, #tpu.memory_space<vmem>>
    %dma_wait3A_649 = arith.constant 0 : i32
    %dma_wait3A_650 = tpu.memref_slice %arg2[%select_n3A, %dma_wait3A_640, %dma_wait3A_641, %dma_wait3A_649] : memref<8x2x16x2048xi32, #tpu.memory_space<hbm>> -> memref<1x1x1x2048xi32, #tpu.memory_space<hbm>>
    %dma_wait3A_651 = tpu.memref_squeeze %dma_wait3A_650 : memref<1x1x1x2048xi32, #tpu.memory_space<hbm>> -> memref<2048xi32, #tpu.memory_space<hbm>>
    tpu.wait_dma2 semaphore(%arg11 : memref<!tpu.dma_semaphore, #tpu.memory_space<semaphore_mem>>) src(%dma_wait3A_651 : memref<2048xi32, #tpu.memory_space<hbm>>) dst(%dma_wait3A_648 : memref<2048xi32, #tpu.memory_space<vmem>>)
    %dma_wait3A_652 = arith.constant 1 : i32
    %dma_wait3A_653 = arith.constant 3 : i32
    %dma_wait3A_654 = arith.constant 6144 : i32
    %dma_wait3A_655 = tpu.memref_slice %arg7[%dma_wait3A_654] : memref<32768xi32, #tpu.memory_space<vmem>> -> memref<2048xi32, #tpu.memory_space<vmem>>
    %dma_wait3A_656 = arith.constant 0 : i32
    %dma_wait3A_657 = tpu.memref_slice %arg2[%select_n3A, %dma_wait3A_652, %dma_wait3A_653, %dma_wait3A_656] : memref<8x2x16x2048xi32, #tpu.memory_space<hbm>> -> memref<1x1x1x2048xi32, #tpu.memory_space<hbm>>
    %dma_wait3A_658 = tpu.memref_squeeze %dma_wait3A_657 : memref<1x1x1x2048xi32, #tpu.memory_space<hbm>> -> memref<2048xi32, #tpu.memory_space<hbm>>
    %dma_wait3A_659 = arith.constant 6144 : i32
    %dma_wait3A_660 = tpu.memref_slice %arg7[%dma_wait3A_659] : memref<32768xi32, #tpu.memory_space<vmem>> -> memref<2048xi32, #tpu.memory_space<vmem>>
    %dma_wait3A_661 = arith.constant 0 : i32
    %dma_wait3A_662 = tpu.memref_slice %arg2[%select_n3A, %dma_wait3A_652, %dma_wait3A_653, %dma_wait3A_661] : memref<8x2x16x2048xi32, #tpu.memory_space<hbm>> -> memref<1x1x1x2048xi32, #tpu.memory_space<hbm>>
    %dma_wait3A_663 = tpu.memref_squeeze %dma_wait3A_662 : memref<1x1x1x2048xi32, #tpu.memory_space<hbm>> -> memref<2048xi32, #tpu.memory_space<hbm>>
    tpu.wait_dma2 semaphore(%arg11 : memref<!tpu.dma_semaphore, #tpu.memory_space<semaphore_mem>>) src(%dma_wait3A_663 : memref<2048xi32, #tpu.memory_space<hbm>>) dst(%dma_wait3A_660 : memref<2048xi32, #tpu.memory_space<vmem>>)
    %dma_wait3A_664 = arith.constant 1 : i32
    %dma_wait3A_665 = arith.constant 4 : i32
    %dma_wait3A_666 = arith.constant 8192 : i32
    %dma_wait3A_667 = tpu.memref_slice %arg7[%dma_wait3A_666] : memref<32768xi32, #tpu.memory_space<vmem>> -> memref<2048xi32, #tpu.memory_space<vmem>>
    %dma_wait3A_668 = arith.constant 0 : i32
    %dma_wait3A_669 = tpu.memref_slice %arg2[%select_n3A, %dma_wait3A_664, %dma_wait3A_665, %dma_wait3A_668] : memref<8x2x16x2048xi32, #tpu.memory_space<hbm>> -> memref<1x1x1x2048xi32, #tpu.memory_space<hbm>>
    %dma_wait3A_670 = tpu.memref_squeeze %dma_wait3A_669 : memref<1x1x1x2048xi32, #tpu.memory_space<hbm>> -> memref<2048xi32, #tpu.memory_space<hbm>>
    %dma_wait3A_671 = arith.constant 8192 : i32
    %dma_wait3A_672 = tpu.memref_slice %arg7[%dma_wait3A_671] : memref<32768xi32, #tpu.memory_space<vmem>> -> memref<2048xi32, #tpu.memory_space<vmem>>
    %dma_wait3A_673 = arith.constant 0 : i32
    %dma_wait3A_674 = tpu.memref_slice %arg2[%select_n3A, %dma_wait3A_664, %dma_wait3A_665, %dma_wait3A_673] : memref<8x2x16x2048xi32, #tpu.memory_space<hbm>> -> memref<1x1x1x2048xi32, #tpu.memory_space<hbm>>
    %dma_wait3A_675 = tpu.memref_squeeze %dma_wait3A_674 : memref<1x1x1x2048xi32, #tpu.memory_space<hbm>> -> memref<2048xi32, #tpu.memory_space<hbm>>
    tpu.wait_dma2 semaphore(%arg11 : memref<!tpu.dma_semaphore, #tpu.memory_space<semaphore_mem>>) src(%dma_wait3A_675 : memref<2048xi32, #tpu.memory_space<hbm>>) dst(%dma_wait3A_672 : memref<2048xi32, #tpu.memory_space<vmem>>)
    %dma_wait3A_676 = arith.constant 1 : i32
    %dma_wait3A_677 = arith.constant 5 : i32
    %dma_wait3A_678 = arith.constant 10240 : i32
    %dma_wait3A_679 = tpu.memref_slice %arg7[%dma_wait3A_678] : memref<32768xi32, #tpu.memory_space<vmem>> -> memref<2048xi32, #tpu.memory_space<vmem>>
    %dma_wait3A_680 = arith.constant 0 : i32
    %dma_wait3A_681 = tpu.memref_slice %arg2[%select_n3A, %dma_wait3A_676, %dma_wait3A_677, %dma_wait3A_680] : memref<8x2x16x2048xi32, #tpu.memory_space<hbm>> -> memref<1x1x1x2048xi32, #tpu.memory_space<hbm>>
    %dma_wait3A_682 = tpu.memref_squeeze %dma_wait3A_681 : memref<1x1x1x2048xi32, #tpu.memory_space<hbm>> -> memref<2048xi32, #tpu.memory_space<hbm>>
    %dma_wait3A_683 = arith.constant 10240 : i32
    %dma_wait3A_684 = tpu.memref_slice %arg7[%dma_wait3A_683] : memref<32768xi32, #tpu.memory_space<vmem>> -> memref<2048xi32, #tpu.memory_space<vmem>>
    %dma_wait3A_685 = arith.constant 0 : i32
    %dma_wait3A_686 = tpu.memref_slice %arg2[%select_n3A, %dma_wait3A_676, %dma_wait3A_677, %dma_wait3A_685] : memref<8x2x16x2048xi32, #tpu.memory_space<hbm>> -> memref<1x1x1x2048xi32, #tpu.memory_space<hbm>>
    %dma_wait3A_687 = tpu.memref_squeeze %dma_wait3A_686 : memref<1x1x1x2048xi32, #tpu.memory_space<hbm>> -> memref<2048xi32, #tpu.memory_space<hbm>>
    tpu.wait_dma2 semaphore(%arg11 : memref<!tpu.dma_semaphore, #tpu.memory_space<semaphore_mem>>) src(%dma_wait3A_687 : memref<2048xi32, #tpu.memory_space<hbm>>) dst(%dma_wait3A_684 : memref<2048xi32, #tpu.memory_space<vmem>>)
    %dma_wait3A_688 = arith.constant 1 : i32
    %dma_wait3A_689 = arith.constant 6 : i32
    %dma_wait3A_690 = arith.constant 12288 : i32
    %dma_wait3A_691 = tpu.memref_slice %arg7[%dma_wait3A_690] : memref<32768xi32, #tpu.memory_space<vmem>> -> memref<2048xi32, #tpu.memory_space<vmem>>
    %dma_wait3A_692 = arith.constant 0 : i32
    %dma_wait3A_693 = tpu.memref_slice %arg2[%select_n3A, %dma_wait3A_688, %dma_wait3A_689, %dma_wait3A_692] : memref<8x2x16x2048xi32, #tpu.memory_space<hbm>> -> memref<1x1x1x2048xi32, #tpu.memory_space<hbm>>
    %dma_wait3A_694 = tpu.memref_squeeze %dma_wait3A_693 : memref<1x1x1x2048xi32, #tpu.memory_space<hbm>> -> memref<2048xi32, #tpu.memory_space<hbm>>
    %dma_wait3A_695 = arith.constant 12288 : i32
    %dma_wait3A_696 = tpu.memref_slice %arg7[%dma_wait3A_695] : memref<32768xi32, #tpu.memory_space<vmem>> -> memref<2048xi32, #tpu.memory_space<vmem>>
    %dma_wait3A_697 = arith.constant 0 : i32
    %dma_wait3A_698 = tpu.memref_slice %arg2[%select_n3A, %dma_wait3A_688, %dma_wait3A_689, %dma_wait3A_697] : memref<8x2x16x2048xi32, #tpu.memory_space<hbm>> -> memref<1x1x1x2048xi32, #tpu.memory_space<hbm>>
    %dma_wait3A_699 = tpu.memref_squeeze %dma_wait3A_698 : memref<1x1x1x2048xi32, #tpu.memory_space<hbm>> -> memref<2048xi32, #tpu.memory_space<hbm>>
    tpu.wait_dma2 semaphore(%arg11 : memref<!tpu.dma_semaphore, #tpu.memory_space<semaphore_mem>>) src(%dma_wait3A_699 : memref<2048xi32, #tpu.memory_space<hbm>>) dst(%dma_wait3A_696 : memref<2048xi32, #tpu.memory_space<vmem>>)
    %dma_wait3A_700 = arith.constant 1 : i32
    %dma_wait3A_701 = arith.constant 7 : i32
    %dma_wait3A_702 = arith.constant 14336 : i32
    %dma_wait3A_703 = tpu.memref_slice %arg7[%dma_wait3A_702] : memref<32768xi32, #tpu.memory_space<vmem>> -> memref<2048xi32, #tpu.memory_space<vmem>>
    %dma_wait3A_704 = arith.constant 0 : i32
    %dma_wait3A_705 = tpu.memref_slice %arg2[%select_n3A, %dma_wait3A_700, %dma_wait3A_701, %dma_wait3A_704] : memref<8x2x16x2048xi32, #tpu.memory_space<hbm>> -> memref<1x1x1x2048xi32, #tpu.memory_space<hbm>>
    %dma_wait3A_706 = tpu.memref_squeeze %dma_wait3A_705 : memref<1x1x1x2048xi32, #tpu.memory_space<hbm>> -> memref<2048xi32, #tpu.memory_space<hbm>>
    %dma_wait3A_707 = arith.constant 14336 : i32
    %dma_wait3A_708 = tpu.memref_slice %arg7[%dma_wait3A_707] : memref<32768xi32, #tpu.memory_space<vmem>> -> memref<2048xi32, #tpu.memory_space<vmem>>
    %dma_wait3A_709 = arith.constant 0 : i32
    %dma_wait3A_710 = tpu.memref_slice %arg2[%select_n3A, %dma_wait3A_700, %dma_wait3A_701, %dma_wait3A_709] : memref<8x2x16x2048xi32, #tpu.memory_space<hbm>> -> memref<1x1x1x2048xi32, #tpu.memory_space<hbm>>
    %dma_wait3A_711 = tpu.memref_squeeze %dma_wait3A_710 : memref<1x1x1x2048xi32, #tpu.memory_space<hbm>> -> memref<2048xi32, #tpu.memory_space<hbm>>
    tpu.wait_dma2 semaphore(%arg11 : memref<!tpu.dma_semaphore, #tpu.memory_space<semaphore_mem>>) src(%dma_wait3A_711 : memref<2048xi32, #tpu.memory_space<hbm>>) dst(%dma_wait3A_708 : memref<2048xi32, #tpu.memory_space<vmem>>)
    %dma_wait3A_712 = arith.constant 1 : i32
    %dma_wait3A_713 = arith.constant 8 : i32
    %dma_wait3A_714 = arith.constant 16384 : i32
    %dma_wait3A_715 = tpu.memref_slice %arg7[%dma_wait3A_714] : memref<32768xi32, #tpu.memory_space<vmem>> -> memref<2048xi32, #tpu.memory_space<vmem>>
    %dma_wait3A_716 = arith.constant 0 : i32
    %dma_wait3A_717 = tpu.memref_slice %arg2[%select_n3A, %dma_wait3A_712, %dma_wait3A_713, %dma_wait3A_716] : memref<8x2x16x2048xi32, #tpu.memory_space<hbm>> -> memref<1x1x1x2048xi32, #tpu.memory_space<hbm>>
    %dma_wait3A_718 = tpu.memref_squeeze %dma_wait3A_717 : memref<1x1x1x2048xi32, #tpu.memory_space<hbm>> -> memref<2048xi32, #tpu.memory_space<hbm>>
    %dma_wait3A_719 = arith.constant 16384 : i32
    %dma_wait3A_720 = tpu.memref_slice %arg7[%dma_wait3A_719] : memref<32768xi32, #tpu.memory_space<vmem>> -> memref<2048xi32, #tpu.memory_space<vmem>>
    %dma_wait3A_721 = arith.constant 0 : i32
    %dma_wait3A_722 = tpu.memref_slice %arg2[%select_n3A, %dma_wait3A_712, %dma_wait3A_713, %dma_wait3A_721] : memref<8x2x16x2048xi32, #tpu.memory_space<hbm>> -> memref<1x1x1x2048xi32, #tpu.memory_space<hbm>>
    %dma_wait3A_723 = tpu.memref_squeeze %dma_wait3A_722 : memref<1x1x1x2048xi32, #tpu.memory_space<hbm>> -> memref<2048xi32, #tpu.memory_space<hbm>>
    tpu.wait_dma2 semaphore(%arg11 : memref<!tpu.dma_semaphore, #tpu.memory_space<semaphore_mem>>) src(%dma_wait3A_723 : memref<2048xi32, #tpu.memory_space<hbm>>) dst(%dma_wait3A_720 : memref<2048xi32, #tpu.memory_space<vmem>>)
    %dma_wait3A_724 = arith.constant 1 : i32
    %dma_wait3A_725 = arith.constant 9 : i32
    %dma_wait3A_726 = arith.constant 18432 : i32
    %dma_wait3A_727 = tpu.memref_slice %arg7[%dma_wait3A_726] : memref<32768xi32, #tpu.memory_space<vmem>> -> memref<2048xi32, #tpu.memory_space<vmem>>
    %dma_wait3A_728 = arith.constant 0 : i32
    %dma_wait3A_729 = tpu.memref_slice %arg2[%select_n3A, %dma_wait3A_724, %dma_wait3A_725, %dma_wait3A_728] : memref<8x2x16x2048xi32, #tpu.memory_space<hbm>> -> memref<1x1x1x2048xi32, #tpu.memory_space<hbm>>
    %dma_wait3A_730 = tpu.memref_squeeze %dma_wait3A_729 : memref<1x1x1x2048xi32, #tpu.memory_space<hbm>> -> memref<2048xi32, #tpu.memory_space<hbm>>
    %dma_wait3A_731 = arith.constant 18432 : i32
    %dma_wait3A_732 = tpu.memref_slice %arg7[%dma_wait3A_731] : memref<32768xi32, #tpu.memory_space<vmem>> -> memref<2048xi32, #tpu.memory_space<vmem>>
    %dma_wait3A_733 = arith.constant 0 : i32
    %dma_wait3A_734 = tpu.memref_slice %arg2[%select_n3A, %dma_wait3A_724, %dma_wait3A_725, %dma_wait3A_733] : memref<8x2x16x2048xi32, #tpu.memory_space<hbm>> -> memref<1x1x1x2048xi32, #tpu.memory_space<hbm>>
    %dma_wait3A_735 = tpu.memref_squeeze %dma_wait3A_734 : memref<1x1x1x2048xi32, #tpu.memory_space<hbm>> -> memref<2048xi32, #tpu.memory_space<hbm>>
    tpu.wait_dma2 semaphore(%arg11 : memref<!tpu.dma_semaphore, #tpu.memory_space<semaphore_mem>>) src(%dma_wait3A_735 : memref<2048xi32, #tpu.memory_space<hbm>>) dst(%dma_wait3A_732 : memref<2048xi32, #tpu.memory_space<vmem>>)
    %dma_wait3A_736 = arith.constant 1 : i32
    %dma_wait3A_737 = arith.constant 10 : i32
    %dma_wait3A_738 = arith.constant 20480 : i32
    %dma_wait3A_739 = tpu.memref_slice %arg7[%dma_wait3A_738] : memref<32768xi32, #tpu.memory_space<vmem>> -> memref<2048xi32, #tpu.memory_space<vmem>>
    %dma_wait3A_740 = arith.constant 0 : i32
    %dma_wait3A_741 = tpu.memref_slice %arg2[%select_n3A, %dma_wait3A_736, %dma_wait3A_737, %dma_wait3A_740] : memref<8x2x16x2048xi32, #tpu.memory_space<hbm>> -> memref<1x1x1x2048xi32, #tpu.memory_space<hbm>>
    %dma_wait3A_742 = tpu.memref_squeeze %dma_wait3A_741 : memref<1x1x1x2048xi32, #tpu.memory_space<hbm>> -> memref<2048xi32, #tpu.memory_space<hbm>>
    %dma_wait3A_743 = arith.constant 20480 : i32
    %dma_wait3A_744 = tpu.memref_slice %arg7[%dma_wait3A_743] : memref<32768xi32, #tpu.memory_space<vmem>> -> memref<2048xi32, #tpu.memory_space<vmem>>
    %dma_wait3A_745 = arith.constant 0 : i32
    %dma_wait3A_746 = tpu.memref_slice %arg2[%select_n3A, %dma_wait3A_736, %dma_wait3A_737, %dma_wait3A_745] : memref<8x2x16x2048xi32, #tpu.memory_space<hbm>> -> memref<1x1x1x2048xi32, #tpu.memory_space<hbm>>
    %dma_wait3A_747 = tpu.memref_squeeze %dma_wait3A_746 : memref<1x1x1x2048xi32, #tpu.memory_space<hbm>> -> memref<2048xi32, #tpu.memory_space<hbm>>
    tpu.wait_dma2 semaphore(%arg11 : memref<!tpu.dma_semaphore, #tpu.memory_space<semaphore_mem>>) src(%dma_wait3A_747 : memref<2048xi32, #tpu.memory_space<hbm>>) dst(%dma_wait3A_744 : memref<2048xi32, #tpu.memory_space<vmem>>)
    %dma_wait3A_748 = arith.constant 1 : i32
    %dma_wait3A_749 = arith.constant 11 : i32
    %dma_wait3A_750 = arith.constant 22528 : i32
    %dma_wait3A_751 = tpu.memref_slice %arg7[%dma_wait3A_750] : memref<32768xi32, #tpu.memory_space<vmem>> -> memref<2048xi32, #tpu.memory_space<vmem>>
    %dma_wait3A_752 = arith.constant 0 : i32
    %dma_wait3A_753 = tpu.memref_slice %arg2[%select_n3A, %dma_wait3A_748, %dma_wait3A_749, %dma_wait3A_752] : memref<8x2x16x2048xi32, #tpu.memory_space<hbm>> -> memref<1x1x1x2048xi32, #tpu.memory_space<hbm>>
    %dma_wait3A_754 = tpu.memref_squeeze %dma_wait3A_753 : memref<1x1x1x2048xi32, #tpu.memory_space<hbm>> -> memref<2048xi32, #tpu.memory_space<hbm>>
    %dma_wait3A_755 = arith.constant 22528 : i32
    %dma_wait3A_756 = tpu.memref_slice %arg7[%dma_wait3A_755] : memref<32768xi32, #tpu.memory_space<vmem>> -> memref<2048xi32, #tpu.memory_space<vmem>>
    %dma_wait3A_757 = arith.constant 0 : i32
    %dma_wait3A_758 = tpu.memref_slice %arg2[%select_n3A, %dma_wait3A_748, %dma_wait3A_749, %dma_wait3A_757] : memref<8x2x16x2048xi32, #tpu.memory_space<hbm>> -> memref<1x1x1x2048xi32, #tpu.memory_space<hbm>>
    %dma_wait3A_759 = tpu.memref_squeeze %dma_wait3A_758 : memref<1x1x1x2048xi32, #tpu.memory_space<hbm>> -> memref<2048xi32, #tpu.memory_space<hbm>>
    tpu.wait_dma2 semaphore(%arg11 : memref<!tpu.dma_semaphore, #tpu.memory_space<semaphore_mem>>) src(%dma_wait3A_759 : memref<2048xi32, #tpu.memory_space<hbm>>) dst(%dma_wait3A_756 : memref<2048xi32, #tpu.memory_space<vmem>>)
    %dma_wait3A_760 = arith.constant 1 : i32
    %dma_wait3A_761 = arith.constant 12 : i32
    %dma_wait3A_762 = arith.constant 24576 : i32
    %dma_wait3A_763 = tpu.memref_slice %arg7[%dma_wait3A_762] : memref<32768xi32, #tpu.memory_space<vmem>> -> memref<2048xi32, #tpu.memory_space<vmem>>
    %dma_wait3A_764 = arith.constant 0 : i32
    %dma_wait3A_765 = tpu.memref_slice %arg2[%select_n3A, %dma_wait3A_760, %dma_wait3A_761, %dma_wait3A_764] : memref<8x2x16x2048xi32, #tpu.memory_space<hbm>> -> memref<1x1x1x2048xi32, #tpu.memory_space<hbm>>
    %dma_wait3A_766 = tpu.memref_squeeze %dma_wait3A_765 : memref<1x1x1x2048xi32, #tpu.memory_space<hbm>> -> memref<2048xi32, #tpu.memory_space<hbm>>
    %dma_wait3A_767 = arith.constant 24576 : i32
    %dma_wait3A_768 = tpu.memref_slice %arg7[%dma_wait3A_767] : memref<32768xi32, #tpu.memory_space<vmem>> -> memref<2048xi32, #tpu.memory_space<vmem>>
    %dma_wait3A_769 = arith.constant 0 : i32
    %dma_wait3A_770 = tpu.memref_slice %arg2[%select_n3A, %dma_wait3A_760, %dma_wait3A_761, %dma_wait3A_769] : memref<8x2x16x2048xi32, #tpu.memory_space<hbm>> -> memref<1x1x1x2048xi32, #tpu.memory_space<hbm>>
    %dma_wait3A_771 = tpu.memref_squeeze %dma_wait3A_770 : memref<1x1x1x2048xi32, #tpu.memory_space<hbm>> -> memref<2048xi32, #tpu.memory_space<hbm>>
    tpu.wait_dma2 semaphore(%arg11 : memref<!tpu.dma_semaphore, #tpu.memory_space<semaphore_mem>>) src(%dma_wait3A_771 : memref<2048xi32, #tpu.memory_space<hbm>>) dst(%dma_wait3A_768 : memref<2048xi32, #tpu.memory_space<vmem>>)
    %dma_wait3A_772 = arith.constant 1 : i32
    %dma_wait3A_773 = arith.constant 13 : i32
    %dma_wait3A_774 = arith.constant 26624 : i32
    %dma_wait3A_775 = tpu.memref_slice %arg7[%dma_wait3A_774] : memref<32768xi32, #tpu.memory_space<vmem>> -> memref<2048xi32, #tpu.memory_space<vmem>>
    %dma_wait3A_776 = arith.constant 0 : i32
    %dma_wait3A_777 = tpu.memref_slice %arg2[%select_n3A, %dma_wait3A_772, %dma_wait3A_773, %dma_wait3A_776] : memref<8x2x16x2048xi32, #tpu.memory_space<hbm>> -> memref<1x1x1x2048xi32, #tpu.memory_space<hbm>>
    %dma_wait3A_778 = tpu.memref_squeeze %dma_wait3A_777 : memref<1x1x1x2048xi32, #tpu.memory_space<hbm>> -> memref<2048xi32, #tpu.memory_space<hbm>>
    %dma_wait3A_779 = arith.constant 26624 : i32
    %dma_wait3A_780 = tpu.memref_slice %arg7[%dma_wait3A_779] : memref<32768xi32, #tpu.memory_space<vmem>> -> memref<2048xi32, #tpu.memory_space<vmem>>
    %dma_wait3A_781 = arith.constant 0 : i32
    %dma_wait3A_782 = tpu.memref_slice %arg2[%select_n3A, %dma_wait3A_772, %dma_wait3A_773, %dma_wait3A_781] : memref<8x2x16x2048xi32, #tpu.memory_space<hbm>> -> memref<1x1x1x2048xi32, #tpu.memory_space<hbm>>
    %dma_wait3A_783 = tpu.memref_squeeze %dma_wait3A_782 : memref<1x1x1x2048xi32, #tpu.memory_space<hbm>> -> memref<2048xi32, #tpu.memory_space<hbm>>
    tpu.wait_dma2 semaphore(%arg11 : memref<!tpu.dma_semaphore, #tpu.memory_space<semaphore_mem>>) src(%dma_wait3A_783 : memref<2048xi32, #tpu.memory_space<hbm>>) dst(%dma_wait3A_780 : memref<2048xi32, #tpu.memory_space<vmem>>)
    %dma_wait3A_784 = arith.constant 1 : i32
    %dma_wait3A_785 = arith.constant 14 : i32
    %dma_wait3A_786 = arith.constant 28672 : i32
    %dma_wait3A_787 = tpu.memref_slice %arg7[%dma_wait3A_786] : memref<32768xi32, #tpu.memory_space<vmem>> -> memref<2048xi32, #tpu.memory_space<vmem>>
    %dma_wait3A_788 = arith.constant 0 : i32
    %dma_wait3A_789 = tpu.memref_slice %arg2[%select_n3A, %dma_wait3A_784, %dma_wait3A_785, %dma_wait3A_788] : memref<8x2x16x2048xi32, #tpu.memory_space<hbm>> -> memref<1x1x1x2048xi32, #tpu.memory_space<hbm>>
    %dma_wait3A_790 = tpu.memref_squeeze %dma_wait3A_789 : memref<1x1x1x2048xi32, #tpu.memory_space<hbm>> -> memref<2048xi32, #tpu.memory_space<hbm>>
    %dma_wait3A_791 = arith.constant 28672 : i32
    %dma_wait3A_792 = tpu.memref_slice %arg7[%dma_wait3A_791] : memref<32768xi32, #tpu.memory_space<vmem>> -> memref<2048xi32, #tpu.memory_space<vmem>>
    %dma_wait3A_793 = arith.constant 0 : i32
    %dma_wait3A_794 = tpu.memref_slice %arg2[%select_n3A, %dma_wait3A_784, %dma_wait3A_785, %dma_wait3A_793] : memref<8x2x16x2048xi32, #tpu.memory_space<hbm>> -> memref<1x1x1x2048xi32, #tpu.memory_space<hbm>>
    %dma_wait3A_795 = tpu.memref_squeeze %dma_wait3A_794 : memref<1x1x1x2048xi32, #tpu.memory_space<hbm>> -> memref<2048xi32, #tpu.memory_space<hbm>>
    tpu.wait_dma2 semaphore(%arg11 : memref<!tpu.dma_semaphore, #tpu.memory_space<semaphore_mem>>) src(%dma_wait3A_795 : memref<2048xi32, #tpu.memory_space<hbm>>) dst(%dma_wait3A_792 : memref<2048xi32, #tpu.memory_space<vmem>>)
    %dma_wait3A_796 = arith.constant 1 : i32
    %dma_wait3A_797 = arith.constant 15 : i32
    %dma_wait3A_798 = arith.constant 30720 : i32
    %dma_wait3A_799 = tpu.memref_slice %arg7[%dma_wait3A_798] : memref<32768xi32, #tpu.memory_space<vmem>> -> memref<2048xi32, #tpu.memory_space<vmem>>
    %dma_wait3A_800 = arith.constant 0 : i32
    %dma_wait3A_801 = tpu.memref_slice %arg2[%select_n3A, %dma_wait3A_796, %dma_wait3A_797, %dma_wait3A_800] : memref<8x2x16x2048xi32, #tpu.memory_space<hbm>> -> memref<1x1x1x2048xi32, #tpu.memory_space<hbm>>
    %dma_wait3A_802 = tpu.memref_squeeze %dma_wait3A_801 : memref<1x1x1x2048xi32, #tpu.memory_space<hbm>> -> memref<2048xi32, #tpu.memory_space<hbm>>
    %dma_wait3A_803 = arith.constant 30720 : i32
    %dma_wait3A_804 = tpu.memref_slice %arg7[%dma_wait3A_803] : memref<32768xi32, #tpu.memory_space<vmem>> -> memref<2048xi32, #tpu.memory_space<vmem>>
    %dma_wait3A_805 = arith.constant 0 : i32
    %dma_wait3A_806 = tpu.memref_slice %arg2[%select_n3A, %dma_wait3A_796, %dma_wait3A_797, %dma_wait3A_805] : memref<8x2x16x2048xi32, #tpu.memory_space<hbm>> -> memref<1x1x1x2048xi32, #tpu.memory_space<hbm>>
    %dma_wait3A_807 = tpu.memref_squeeze %dma_wait3A_806 : memref<1x1x1x2048xi32, #tpu.memory_space<hbm>> -> memref<2048xi32, #tpu.memory_space<hbm>>
    tpu.wait_dma2 semaphore(%arg11 : memref<!tpu.dma_semaphore, #tpu.memory_space<semaphore_mem>>) src(%dma_wait3A_807 : memref<2048xi32, #tpu.memory_space<hbm>>) dst(%dma_wait3A_804 : memref<2048xi32, #tpu.memory_space<vmem>>)
    %scan3A = arith.constant 0 : i32
    %scan3A_808 = arith.constant 0 : i32
    %scan3A_809 = arith.constant 4 : i32
    %scan3A_810 = arith.addi %scan3A_808, %scan3A_809 : i32
    %scan3A_811 = arith.constant 1 : i32
    scf.for %scan3A_855 = %scan3A_808 to %scan3A_810 step %scan3A_811  : i32 {
      %mul3A_856 = arith.constant 2 : i32
      %mul3A_857 = arith.muli %scan3A_855, %mul3A_856 : i32
      %mul3A_858 = arith.constant 8 : i32
      %mul3A_859 = arith.muli %mul3A_857, %mul3A_858 : i32
      %add3A_860 = arith.addi %mul3A_32, %mul3A_859 : i32
      %dma_wait3A_861 = arith.constant 0 : i32
      %dma_wait3A_862 = arith.constant 0 : i32
      %dma_wait3A_863 = arith.constant 0 : i32
      %dma_wait3A_864 = arith.constant 0 : i32
      %dma_wait3A_865 = tpu.memref_slice %arg8[%dma_wait3A_861, %dma_wait3A_862, %dma_wait3A_863, %dma_wait3A_864] : memref<2x16x8x128xf32, #tpu.memory_space<vmem>> -> memref<1x16x8x128xf32, #tpu.memory_space<vmem>>
      %dma_wait3A_866 = tpu.memref_squeeze %dma_wait3A_865 : memref<1x16x8x128xf32, #tpu.memory_space<vmem>> -> memref<16x8x128xf32, #tpu.memory_space<vmem>>
      %dma_wait3A_867 = arith.constant 0 : i32
      %dma_wait3A_868 = arith.constant 0 : i32
      %dma_wait3A_869 = tpu.memref_slice %arg3[%dma_wait3A_867, %add3A_860, %dma_wait3A_868] : memref<64x256x128xf32, #tpu.memory_space<hbm>> -> memref<64x8x128xf32, #tpu.memory_space<hbm>>
      tpu.wait_indirect_dma semaphore(%arg12 : memref<!tpu.dma_semaphore, #tpu.memory_space<semaphore_mem>>) src(%dma_wait3A_869 : memref<64x8x128xf32, #tpu.memory_space<hbm>>) dst(%dma_wait3A_866 : memref<16x8x128xf32, #tpu.memory_space<vmem>>)
      %add3A_870 = arith.constant 1 : i32
      %add3A_871 = arith.addi %mul3A_857, %add3A_870 : i32
      %lt3A_872 = arith.constant 8 : i32
      %lt3A_873 = arith.cmpi slt, %add3A_871, %lt3A_872 : i32
      %convert_element_type3A = arith.extui %lt3A_873 : i1 to i32
      %cond3A = arith.constant 0 : i32
      %cond3A_874 = arith.cmpi ne, %convert_element_type3A, %cond3A : i32
      scf.if %cond3A_874 {
        %add3A_960 = arith.constant 1 : i32
        %add3A_961 = arith.addi %mul3A_857, %add3A_960 : i32
        %mul3A_962 = arith.constant 8 : i32
        %mul3A_963 = arith.muli %add3A_961, %mul3A_962 : i32
        %add3A_964 = arith.addi %mul3A_32, %mul3A_963 : i32
        %dma_start3A_965 = arith.constant 1 : i32
        %dma_start3A_966 = arith.constant 0 : i32
        %dma_start3A_967 = arith.constant 0 : i32
        %dma_start3A_968 = arith.constant 0 : i32
        %dma_start3A_969 = tpu.memref_slice %arg8[%dma_start3A_965, %dma_start3A_966, %dma_start3A_967, %dma_start3A_968] : memref<2x16x8x128xf32, #tpu.memory_space<vmem>> -> memref<1x16x8x128xf32, #tpu.memory_space<vmem>>
        %dma_start3A_970 = tpu.memref_squeeze %dma_start3A_969 : memref<1x16x8x128xf32, #tpu.memory_space<vmem>> -> memref<16x8x128xf32, #tpu.memory_space<vmem>>
        %dma_start3A_971 = arith.constant 0 : i32
        %dma_start3A_972 = arith.constant 0 : i32
        %dma_start3A_973 = tpu.memref_slice %arg3[%dma_start3A_971, %add3A_964, %dma_start3A_972] : memref<64x256x128xf32, #tpu.memory_space<hbm>> -> memref<64x8x128xf32, #tpu.memory_space<hbm>>
        tpu.enqueue_indirect_dma source(%dma_start3A_973 : memref<64x8x128xf32, #tpu.memory_space<hbm>>) target(%dma_start3A_970 : memref<16x8x128xf32, #tpu.memory_space<vmem>>) offsets(%arg10 : memref<16xi32, #tpu.memory_space<vmem>>) semaphore(%arg13 : memref<!tpu.dma_semaphore, #tpu.memory_space<semaphore_mem>>)
      } else {
      }
      %ge3A = arith.constant 2 : i32
      %ge3A_875 = arith.cmpi sge, %mul3A_857, %ge3A : i32
      %convert_element_type3A_876 = arith.extui %ge3A_875 : i1 to i32
      %cond3A_877 = arith.constant 0 : i32
      %cond3A_878 = arith.cmpi ne, %convert_element_type3A_876, %cond3A_877 : i32
      scf.if %cond3A_878 {
        %mul3A_960 = arith.constant 8 : i32
        %mul3A_961 = arith.muli %mul3A_857, %mul3A_960 : i32
        %add3A_962 = arith.addi %mul3A_32, %mul3A_961 : i32
        %dma_wait3A_963 = arith.constant 0 : i32
        %dma_wait3A_964 = arith.constant 0 : i32
        %dma_wait3A_965 = arith.constant 0 : i32
        %dma_wait3A_966 = arith.constant 0 : i32
        %dma_wait3A_967 = tpu.memref_slice %arg9[%dma_wait3A_963, %dma_wait3A_964, %dma_wait3A_965, %dma_wait3A_966] : memref<2x8x2x128xf32, #tpu.memory_space<vmem>> -> memref<1x8x2x128xf32, #tpu.memory_space<vmem>>
        %dma_wait3A_968 = tpu.memref_squeeze %dma_wait3A_967 : memref<1x8x2x128xf32, #tpu.memory_space<vmem>> -> memref<8x2x128xf32, #tpu.memory_space<vmem>>
        %dma_wait3A_969 = arith.constant 0 : i32
        %dma_wait3A_970 = arith.constant 0 : i32
        %dma_wait3A_971 = tpu.memref_slice %arg5[%select_n3A, %add3A_962, %dma_wait3A_969, %dma_wait3A_970] : memref<8x256x2x128xf32, #tpu.memory_space<hbm>> -> memref<1x8x2x128xf32, #tpu.memory_space<hbm>>
        %dma_wait3A_972 = tpu.memref_squeeze %dma_wait3A_971 : memref<1x8x2x128xf32, #tpu.memory_space<hbm>> -> memref<8x2x128xf32, #tpu.memory_space<hbm>>
        %dma_wait3A_973 = arith.constant 0 : i32
        %dma_wait3A_974 = arith.constant 0 : i32
        %dma_wait3A_975 = tpu.memref_slice %arg5[%select_n3A, %add3A_962, %dma_wait3A_973, %dma_wait3A_974] : memref<8x256x2x128xf32, #tpu.memory_space<hbm>> -> memref<1x8x2x128xf32, #tpu.memory_space<hbm>>
        %dma_wait3A_976 = tpu.memref_squeeze %dma_wait3A_975 : memref<1x8x2x128xf32, #tpu.memory_space<hbm>> -> memref<8x2x128xf32, #tpu.memory_space<hbm>>
        %dma_wait3A_977 = arith.constant 0 : i32
        %dma_wait3A_978 = arith.constant 0 : i32
        %dma_wait3A_979 = arith.constant 0 : i32
        %dma_wait3A_980 = tpu.memref_slice %arg9[%dma_wait3A_963, %dma_wait3A_977, %dma_wait3A_978, %dma_wait3A_979] : memref<2x8x2x128xf32, #tpu.memory_space<vmem>> -> memref<1x8x2x128xf32, #tpu.memory_space<vmem>>
        %dma_wait3A_981 = tpu.memref_squeeze %dma_wait3A_980 : memref<1x8x2x128xf32, #tpu.memory_space<vmem>> -> memref<8x2x128xf32, #tpu.memory_space<vmem>>
        tpu.wait_dma2 semaphore(%arg14 : memref<!tpu.dma_semaphore, #tpu.memory_space<semaphore_mem>>) src(%dma_wait3A_981 : memref<8x2x128xf32, #tpu.memory_space<vmem>>) dst(%dma_wait3A_976 : memref<8x2x128xf32, #tpu.memory_space<hbm>>)
      } else {
      }
      %parallel_loop3A = arith.constant 0 : i32
      %parallel_loop3A_879 = arith.constant 64 : i32
      %parallel_loop3A_880 = arith.constant 1 : i32
      scf.for %parallel_loop3A_960 = %parallel_loop3A to %parallel_loop3A_879 step %parallel_loop3A_880  : i32 {
        %parallel_loop3A_961 = arith.constant 8 : i32
        %parallel_loop3A_962 = arith.divsi %parallel_loop3A_960, %parallel_loop3A_961 : i32
        %parallel_loop3A_963 = arith.constant 0 : i32
        %parallel_loop3A_964 = arith.cmpi sgt, %parallel_loop3A_960, %parallel_loop3A_963 : i32
        %parallel_loop3A_965 = arith.extui %parallel_loop3A_964 : i1 to i32
        %parallel_loop3A_966 = arith.constant 0 : i32
        %parallel_loop3A_967 = arith.cmpi slt, %parallel_loop3A_960, %parallel_loop3A_966 : i32
        %parallel_loop3A_968 = arith.extui %parallel_loop3A_967 : i1 to i32
        %parallel_loop3A_969 = arith.subi %parallel_loop3A_965, %parallel_loop3A_968 : i32
        %parallel_loop3A_970 = arith.constant 0 : i32
        %parallel_loop3A_971 = arith.cmpi sgt, %parallel_loop3A_961, %parallel_loop3A_970 : i32
        %parallel_loop3A_972 = arith.extui %parallel_loop3A_971 : i1 to i32
        %parallel_loop3A_973 = arith.constant 0 : i32
        %parallel_loop3A_974 = arith.cmpi slt, %parallel_loop3A_961, %parallel_loop3A_973 : i32
        %parallel_loop3A_975 = arith.extui %parallel_loop3A_974 : i1 to i32
        %parallel_loop3A_976 = arith.subi %parallel_loop3A_972, %parallel_loop3A_975 : i32
        %parallel_loop3A_977 = arith.cmpi ne, %parallel_loop3A_969, %parallel_loop3A_976 : i32
        %parallel_loop3A_978 = arith.remsi %parallel_loop3A_960, %parallel_loop3A_961 : i32
        %parallel_loop3A_979 = arith.constant 0 : i32
        %parallel_loop3A_980 = arith.cmpi ne, %parallel_loop3A_978, %parallel_loop3A_979 : i32
        %parallel_loop3A_981 = arith.andi %parallel_loop3A_977, %parallel_loop3A_980 : i1
        %parallel_loop3A_982 = arith.constant 1 : i32
        %parallel_loop3A_983 = arith.subi %parallel_loop3A_962, %parallel_loop3A_982 : i32
        %parallel_loop3A_984 = arith.select %parallel_loop3A_981, %parallel_loop3A_983, %parallel_loop3A_962 : i32
        %parallel_loop3A_985 = arith.constant 8 : i32
        %parallel_loop3A_986 = arith.constant 0 : i32
        %parallel_loop3A_987 = arith.cmpi eq, %parallel_loop3A_985, %parallel_loop3A_986 : i32
        %parallel_loop3A_988 = arith.constant 1 : i32
        %parallel_loop3A_989 = arith.select %parallel_loop3A_987, %parallel_loop3A_988, %parallel_loop3A_985 : i32
        %parallel_loop3A_990 = arith.remsi %parallel_loop3A_960, %parallel_loop3A_989 : i32
        %parallel_loop3A_991 = arith.constant 0 : i32
        %parallel_loop3A_992 = arith.cmpi ne, %parallel_loop3A_990, %parallel_loop3A_991 : i32
        %parallel_loop3A_993 = arith.constant 0 : i32
        %parallel_loop3A_994 = arith.cmpi slt, %parallel_loop3A_990, %parallel_loop3A_993 : i32
        %parallel_loop3A_995 = arith.constant 0 : i32
        %parallel_loop3A_996 = arith.cmpi slt, %parallel_loop3A_989, %parallel_loop3A_995 : i32
        %parallel_loop3A_997 = arith.xori %parallel_loop3A_994, %parallel_loop3A_996 : i1
        %parallel_loop3A_998 = arith.andi %parallel_loop3A_997, %parallel_loop3A_992 : i1
        %parallel_loop3A_999 = arith.addi %parallel_loop3A_990, %parallel_loop3A_989 : i32
        %parallel_loop3A_1000 = arith.select %parallel_loop3A_998, %parallel_loop3A_999, %parallel_loop3A_990 : i32
        %parallel_loop3A_1001 = arith.constant 16 : i32
        %parallel_loop3A_1002 = arith.muli %parallel_loop3A_1000, %parallel_loop3A_1001 : i32
        %parallel_loop3A_1003 = arith.constant 0.000000e+00 : f32
        %parallel_loop3A_1004 = vector.broadcast %parallel_loop3A_1003 : f32 to vector<16xf32>
        %parallel_loop3A_1005 = arith.constant 0.000000e+00 : f32
        %parallel_loop3A_1006 = vector.broadcast %parallel_loop3A_1005 : f32 to vector<16xf32>
        %parallel_loop3A_1007 = arith.constant 0 : i32
        %parallel_loop3A_1008 = arith.constant 0 : i32
        %parallel_loop3A_1009 = arith.index_cast %parallel_loop3A_1007 : i32 to index
        %parallel_loop3A_1010 = arith.index_cast %parallel_loop3A_1008 : i32 to index
        %parallel_loop3A_1011 = arith.index_cast %parallel_loop3A_984 : i32 to index
        %parallel_loop3A_1012 = arith.index_cast %parallel_loop3A_1002 : i32 to index
        %parallel_loop3A_1013 = tpu.vector_load %arg8[%parallel_loop3A_1009, %parallel_loop3A_1010, %parallel_loop3A_1011, %parallel_loop3A_1012] {strides = array<i32>} : memref<2x16x8x128xf32, #tpu.memory_space<vmem>>, vector<16xf32>,
        %parallel_loop3A_1014 = arith.fptosi %parallel_loop3A_1013 : vector<16xf32> to vector<16xi32>
        %parallel_loop3A_1015 = arith.sitofp %parallel_loop3A_1014 : vector<16xi32> to vector<16xf32>
        %parallel_loop3A_1016 = arith.subf %parallel_loop3A_1013, %parallel_loop3A_1015 : vector<16xf32>
        %parallel_loop3A_1017 = arith.constant 0 : i32
        %parallel_loop3A_1018 = tpu.memref_slice %arg6[%parallel_loop3A_1017] : memref<32768xi32, #tpu.memory_space<vmem>> -> memref<2048xi32, #tpu.memory_space<vmem>>
        %parallel_loop3A_1019 = tpu.vector_load_idx %parallel_loop3A_1018[%parallel_loop3A_1014] : memref<2048xi32, #tpu.memory_space<vmem>>[vector<16xi32>], vector<16xi32>,
        %parallel_loop3A_1020 = arith.constant 0 : i32
        %parallel_loop3A_1021 = tpu.memref_slice %arg7[%parallel_loop3A_1020] : memref<32768xi32, #tpu.memory_space<vmem>> -> memref<2048xi32, #tpu.memory_space<vmem>>
        %parallel_loop3A_1022 = tpu.vector_load_idx %parallel_loop3A_1021[%parallel_loop3A_1014] : memref<2048xi32, #tpu.memory_space<vmem>>[vector<16xi32>], vector<16xi32>,
        %parallel_loop3A_1023 = vector.bitcast %parallel_loop3A_1019 : vector<16xi32> to vector<32xbf16>
        %parallel_loop3A_1024 = tpu.unpack_subelements %parallel_loop3A_1023, 0 {pack_format = #tpu.pack_format<interleaved>} : vector<32xbf16> -> vector<16xf32>
        %parallel_loop3A_1025 = tpu.unpack_subelements %parallel_loop3A_1023, 1 {pack_format = #tpu.pack_format<interleaved>} : vector<32xbf16> -> vector<16xf32>
        %parallel_loop3A_1026 = vector.bitcast %parallel_loop3A_1022 : vector<16xi32> to vector<32xbf16>
        %parallel_loop3A_1027 = tpu.unpack_subelements %parallel_loop3A_1026, 0 {pack_format = #tpu.pack_format<interleaved>} : vector<32xbf16> -> vector<16xf32>
        %parallel_loop3A_1028 = tpu.unpack_subelements %parallel_loop3A_1026, 1 {pack_format = #tpu.pack_format<interleaved>} : vector<32xbf16> -> vector<16xf32>
        %parallel_loop3A_1029 = arith.addf %parallel_loop3A_1004, %parallel_loop3A_1024 : vector<16xf32>
        %parallel_loop3A_1030 = arith.mulf %parallel_loop3A_1016, %parallel_loop3A_1025 : vector<16xf32>
        %parallel_loop3A_1031 = arith.addf %parallel_loop3A_1029, %parallel_loop3A_1030 : vector<16xf32>
        %parallel_loop3A_1032 = arith.addf %parallel_loop3A_1006, %parallel_loop3A_1027 : vector<16xf32>
        %parallel_loop3A_1033 = arith.mulf %parallel_loop3A_1016, %parallel_loop3A_1028 : vector<16xf32>
        %parallel_loop3A_1034 = arith.addf %parallel_loop3A_1032, %parallel_loop3A_1033 : vector<16xf32>
        %parallel_loop3A_1035 = arith.constant 0 : i32
        %parallel_loop3A_1036 = arith.constant 1 : i32
        %parallel_loop3A_1037 = arith.index_cast %parallel_loop3A_1035 : i32 to index
        %parallel_loop3A_1038 = arith.index_cast %parallel_loop3A_1036 : i32 to index
        %parallel_loop3A_1039 = arith.index_cast %parallel_loop3A_984 : i32 to index
        %parallel_loop3A_1040 = arith.index_cast %parallel_loop3A_1002 : i32 to index
        %parallel_loop3A_1041 = tpu.vector_load %arg8[%parallel_loop3A_1037, %parallel_loop3A_1038, %parallel_loop3A_1039, %parallel_loop3A_1040] {strides = array<i32>} : memref<2x16x8x128xf32, #tpu.memory_space<vmem>>, vector<16xf32>,
        %parallel_loop3A_1042 = arith.fptosi %parallel_loop3A_1041 : vector<16xf32> to vector<16xi32>
        %parallel_loop3A_1043 = arith.sitofp %parallel_loop3A_1042 : vector<16xi32> to vector<16xf32>
        %parallel_loop3A_1044 = arith.subf %parallel_loop3A_1041, %parallel_loop3A_1043 : vector<16xf32>
        %parallel_loop3A_1045 = arith.constant 2048 : i32
        %parallel_loop3A_1046 = tpu.memref_slice %arg6[%parallel_loop3A_1045] : memref<32768xi32, #tpu.memory_space<vmem>> -> memref<2048xi32, #tpu.memory_space<vmem>>
        %parallel_loop3A_1047 = tpu.vector_load_idx %parallel_loop3A_1046[%parallel_loop3A_1042] : memref<2048xi32, #tpu.memory_space<vmem>>[vector<16xi32>], vector<16xi32>,
        %parallel_loop3A_1048 = arith.constant 2048 : i32
        %parallel_loop3A_1049 = tpu.memref_slice %arg7[%parallel_loop3A_1048] : memref<32768xi32, #tpu.memory_space<vmem>> -> memref<2048xi32, #tpu.memory_space<vmem>>
        %parallel_loop3A_1050 = tpu.vector_load_idx %parallel_loop3A_1049[%parallel_loop3A_1042] : memref<2048xi32, #tpu.memory_space<vmem>>[vector<16xi32>], vector<16xi32>,
        %parallel_loop3A_1051 = vector.bitcast %parallel_loop3A_1047 : vector<16xi32> to vector<32xbf16>
        %parallel_loop3A_1052 = tpu.unpack_subelements %parallel_loop3A_1051, 0 {pack_format = #tpu.pack_format<interleaved>} : vector<32xbf16> -> vector<16xf32>
        %parallel_loop3A_1053 = tpu.unpack_subelements %parallel_loop3A_1051, 1 {pack_format = #tpu.pack_format<interleaved>} : vector<32xbf16> -> vector<16xf32>
        %parallel_loop3A_1054 = vector.bitcast %parallel_loop3A_1050 : vector<16xi32> to vector<32xbf16>
        %parallel_loop3A_1055 = tpu.unpack_subelements %parallel_loop3A_1054, 0 {pack_format = #tpu.pack_format<interleaved>} : vector<32xbf16> -> vector<16xf32>
        %parallel_loop3A_1056 = tpu.unpack_subelements %parallel_loop3A_1054, 1 {pack_format = #tpu.pack_format<interleaved>} : vector<32xbf16> -> vector<16xf32>
        %parallel_loop3A_1057 = arith.addf %parallel_loop3A_1031, %parallel_loop3A_1052 : vector<16xf32>
        %parallel_loop3A_1058 = arith.mulf %parallel_loop3A_1044, %parallel_loop3A_1053 : vector<16xf32>
        %parallel_loop3A_1059 = arith.addf %parallel_loop3A_1057, %parallel_loop3A_1058 : vector<16xf32>
        %parallel_loop3A_1060 = arith.addf %parallel_loop3A_1034, %parallel_loop3A_1055 : vector<16xf32>
        %parallel_loop3A_1061 = arith.mulf %parallel_loop3A_1044, %parallel_loop3A_1056 : vector<16xf32>
        %parallel_loop3A_1062 = arith.addf %parallel_loop3A_1060, %parallel_loop3A_1061 : vector<16xf32>
        %parallel_loop3A_1063 = arith.constant 0 : i32
        %parallel_loop3A_1064 = arith.constant 2 : i32
        %parallel_loop3A_1065 = arith.index_cast %parallel_loop3A_1063 : i32 to index
        %parallel_loop3A_1066 = arith.index_cast %parallel_loop3A_1064 : i32 to index
        %parallel_loop3A_1067 = arith.index_cast %parallel_loop3A_984 : i32 to index
        %parallel_loop3A_1068 = arith.index_cast %parallel_loop3A_1002 : i32 to index
        %parallel_loop3A_1069 = tpu.vector_load %arg8[%parallel_loop3A_1065, %parallel_loop3A_1066, %parallel_loop3A_1067, %parallel_loop3A_1068] {strides = array<i32>} : memref<2x16x8x128xf32, #tpu.memory_space<vmem>>, vector<16xf32>,
        %parallel_loop3A_1070 = arith.fptosi %parallel_loop3A_1069 : vector<16xf32> to vector<16xi32>
        %parallel_loop3A_1071 = arith.sitofp %parallel_loop3A_1070 : vector<16xi32> to vector<16xf32>
        %parallel_loop3A_1072 = arith.subf %parallel_loop3A_1069, %parallel_loop3A_1071 : vector<16xf32>
        %parallel_loop3A_1073 = arith.constant 4096 : i32
        %parallel_loop3A_1074 = tpu.memref_slice %arg6[%parallel_loop3A_1073] : memref<32768xi32, #tpu.memory_space<vmem>> -> memref<2048xi32, #tpu.memory_space<vmem>>
        %parallel_loop3A_1075 = tpu.vector_load_idx %parallel_loop3A_1074[%parallel_loop3A_1070] : memref<2048xi32, #tpu.memory_space<vmem>>[vector<16xi32>], vector<16xi32>,
        %parallel_loop3A_1076 = arith.constant 4096 : i32
        %parallel_loop3A_1077 = tpu.memref_slice %arg7[%parallel_loop3A_1076] : memref<32768xi32, #tpu.memory_space<vmem>> -> memref<2048xi32, #tpu.memory_space<vmem>>
        %parallel_loop3A_1078 = tpu.vector_load_idx %parallel_loop3A_1077[%parallel_loop3A_1070] : memref<2048xi32, #tpu.memory_space<vmem>>[vector<16xi32>], vector<16xi32>,
        %parallel_loop3A_1079 = vector.bitcast %parallel_loop3A_1075 : vector<16xi32> to vector<32xbf16>
        %parallel_loop3A_1080 = tpu.unpack_subelements %parallel_loop3A_1079, 0 {pack_format = #tpu.pack_format<interleaved>} : vector<32xbf16> -> vector<16xf32>
        %parallel_loop3A_1081 = tpu.unpack_subelements %parallel_loop3A_1079, 1 {pack_format = #tpu.pack_format<interleaved>} : vector<32xbf16> -> vector<16xf32>
        %parallel_loop3A_1082 = vector.bitcast %parallel_loop3A_1078 : vector<16xi32> to vector<32xbf16>
        %parallel_loop3A_1083 = tpu.unpack_subelements %parallel_loop3A_1082, 0 {pack_format = #tpu.pack_format<interleaved>} : vector<32xbf16> -> vector<16xf32>
        %parallel_loop3A_1084 = tpu.unpack_subelements %parallel_loop3A_1082, 1 {pack_format = #tpu.pack_format<interleaved>} : vector<32xbf16> -> vector<16xf32>
        %parallel_loop3A_1085 = arith.addf %parallel_loop3A_1059, %parallel_loop3A_1080 : vector<16xf32>
        %parallel_loop3A_1086 = arith.mulf %parallel_loop3A_1072, %parallel_loop3A_1081 : vector<16xf32>
        %parallel_loop3A_1087 = arith.addf %parallel_loop3A_1085, %parallel_loop3A_1086 : vector<16xf32>
        %parallel_loop3A_1088 = arith.addf %parallel_loop3A_1062, %parallel_loop3A_1083 : vector<16xf32>
        %parallel_loop3A_1089 = arith.mulf %parallel_loop3A_1072, %parallel_loop3A_1084 : vector<16xf32>
        %parallel_loop3A_1090 = arith.addf %parallel_loop3A_1088, %parallel_loop3A_1089 : vector<16xf32>
        %parallel_loop3A_1091 = arith.constant 0 : i32
        %parallel_loop3A_1092 = arith.constant 3 : i32
        %parallel_loop3A_1093 = arith.index_cast %parallel_loop3A_1091 : i32 to index
        %parallel_loop3A_1094 = arith.index_cast %parallel_loop3A_1092 : i32 to index
        %parallel_loop3A_1095 = arith.index_cast %parallel_loop3A_984 : i32 to index
        %parallel_loop3A_1096 = arith.index_cast %parallel_loop3A_1002 : i32 to index
        %parallel_loop3A_1097 = tpu.vector_load %arg8[%parallel_loop3A_1093, %parallel_loop3A_1094, %parallel_loop3A_1095, %parallel_loop3A_1096] {strides = array<i32>} : memref<2x16x8x128xf32, #tpu.memory_space<vmem>>, vector<16xf32>,
        %parallel_loop3A_1098 = arith.fptosi %parallel_loop3A_1097 : vector<16xf32> to vector<16xi32>
        %parallel_loop3A_1099 = arith.sitofp %parallel_loop3A_1098 : vector<16xi32> to vector<16xf32>
        %parallel_loop3A_1100 = arith.subf %parallel_loop3A_1097, %parallel_loop3A_1099 : vector<16xf32>
        %parallel_loop3A_1101 = arith.constant 6144 : i32
        %parallel_loop3A_1102 = tpu.memref_slice %arg6[%parallel_loop3A_1101] : memref<32768xi32, #tpu.memory_space<vmem>> -> memref<2048xi32, #tpu.memory_space<vmem>>
        %parallel_loop3A_1103 = tpu.vector_load_idx %parallel_loop3A_1102[%parallel_loop3A_1098] : memref<2048xi32, #tpu.memory_space<vmem>>[vector<16xi32>], vector<16xi32>,
        %parallel_loop3A_1104 = arith.constant 6144 : i32
        %parallel_loop3A_1105 = tpu.memref_slice %arg7[%parallel_loop3A_1104] : memref<32768xi32, #tpu.memory_space<vmem>> -> memref<2048xi32, #tpu.memory_space<vmem>>
        %parallel_loop3A_1106 = tpu.vector_load_idx %parallel_loop3A_1105[%parallel_loop3A_1098] : memref<2048xi32, #tpu.memory_space<vmem>>[vector<16xi32>], vector<16xi32>,
        %parallel_loop3A_1107 = vector.bitcast %parallel_loop3A_1103 : vector<16xi32> to vector<32xbf16>
        %parallel_loop3A_1108 = tpu.unpack_subelements %parallel_loop3A_1107, 0 {pack_format = #tpu.pack_format<interleaved>} : vector<32xbf16> -> vector<16xf32>
        %parallel_loop3A_1109 = tpu.unpack_subelements %parallel_loop3A_1107, 1 {pack_format = #tpu.pack_format<interleaved>} : vector<32xbf16> -> vector<16xf32>
        %parallel_loop3A_1110 = vector.bitcast %parallel_loop3A_1106 : vector<16xi32> to vector<32xbf16>
        %parallel_loop3A_1111 = tpu.unpack_subelements %parallel_loop3A_1110, 0 {pack_format = #tpu.pack_format<interleaved>} : vector<32xbf16> -> vector<16xf32>
        %parallel_loop3A_1112 = tpu.unpack_subelements %parallel_loop3A_1110, 1 {pack_format = #tpu.pack_format<interleaved>} : vector<32xbf16> -> vector<16xf32>
        %parallel_loop3A_1113 = arith.addf %parallel_loop3A_1087, %parallel_loop3A_1108 : vector<16xf32>
        %parallel_loop3A_1114 = arith.mulf %parallel_loop3A_1100, %parallel_loop3A_1109 : vector<16xf32>
        %parallel_loop3A_1115 = arith.addf %parallel_loop3A_1113, %parallel_loop3A_1114 : vector<16xf32>
        %parallel_loop3A_1116 = arith.addf %parallel_loop3A_1090, %parallel_loop3A_1111 : vector<16xf32>
        %parallel_loop3A_1117 = arith.mulf %parallel_loop3A_1100, %parallel_loop3A_1112 : vector<16xf32>
        %parallel_loop3A_1118 = arith.addf %parallel_loop3A_1116, %parallel_loop3A_1117 : vector<16xf32>
        %parallel_loop3A_1119 = arith.constant 0 : i32
        %parallel_loop3A_1120 = arith.constant 4 : i32
        %parallel_loop3A_1121 = arith.index_cast %parallel_loop3A_1119 : i32 to index
        %parallel_loop3A_1122 = arith.index_cast %parallel_loop3A_1120 : i32 to index
        %parallel_loop3A_1123 = arith.index_cast %parallel_loop3A_984 : i32 to index
        %parallel_loop3A_1124 = arith.index_cast %parallel_loop3A_1002 : i32 to index
        %parallel_loop3A_1125 = tpu.vector_load %arg8[%parallel_loop3A_1121, %parallel_loop3A_1122, %parallel_loop3A_1123, %parallel_loop3A_1124] {strides = array<i32>} : memref<2x16x8x128xf32, #tpu.memory_space<vmem>>, vector<16xf32>,
        %parallel_loop3A_1126 = arith.fptosi %parallel_loop3A_1125 : vector<16xf32> to vector<16xi32>
        %parallel_loop3A_1127 = arith.sitofp %parallel_loop3A_1126 : vector<16xi32> to vector<16xf32>
        %parallel_loop3A_1128 = arith.subf %parallel_loop3A_1125, %parallel_loop3A_1127 : vector<16xf32>
        %parallel_loop3A_1129 = arith.constant 8192 : i32
        %parallel_loop3A_1130 = tpu.memref_slice %arg6[%parallel_loop3A_1129] : memref<32768xi32, #tpu.memory_space<vmem>> -> memref<2048xi32, #tpu.memory_space<vmem>>
        %parallel_loop3A_1131 = tpu.vector_load_idx %parallel_loop3A_1130[%parallel_loop3A_1126] : memref<2048xi32, #tpu.memory_space<vmem>>[vector<16xi32>], vector<16xi32>,
        %parallel_loop3A_1132 = arith.constant 8192 : i32
        %parallel_loop3A_1133 = tpu.memref_slice %arg7[%parallel_loop3A_1132] : memref<32768xi32, #tpu.memory_space<vmem>> -> memref<2048xi32, #tpu.memory_space<vmem>>
        %parallel_loop3A_1134 = tpu.vector_load_idx %parallel_loop3A_1133[%parallel_loop3A_1126] : memref<2048xi32, #tpu.memory_space<vmem>>[vector<16xi32>], vector<16xi32>,
        %parallel_loop3A_1135 = vector.bitcast %parallel_loop3A_1131 : vector<16xi32> to vector<32xbf16>
        %parallel_loop3A_1136 = tpu.unpack_subelements %parallel_loop3A_1135, 0 {pack_format = #tpu.pack_format<interleaved>} : vector<32xbf16> -> vector<16xf32>
        %parallel_loop3A_1137 = tpu.unpack_subelements %parallel_loop3A_1135, 1 {pack_format = #tpu.pack_format<interleaved>} : vector<32xbf16> -> vector<16xf32>
        %parallel_loop3A_1138 = vector.bitcast %parallel_loop3A_1134 : vector<16xi32> to vector<32xbf16>
        %parallel_loop3A_1139 = tpu.unpack_subelements %parallel_loop3A_1138, 0 {pack_format = #tpu.pack_format<interleaved>} : vector<32xbf16> -> vector<16xf32>
        %parallel_loop3A_1140 = tpu.unpack_subelements %parallel_loop3A_1138, 1 {pack_format = #tpu.pack_format<interleaved>} : vector<32xbf16> -> vector<16xf32>
        %parallel_loop3A_1141 = arith.addf %parallel_loop3A_1115, %parallel_loop3A_1136 : vector<16xf32>
        %parallel_loop3A_1142 = arith.mulf %parallel_loop3A_1128, %parallel_loop3A_1137 : vector<16xf32>
        %parallel_loop3A_1143 = arith.addf %parallel_loop3A_1141, %parallel_loop3A_1142 : vector<16xf32>
        %parallel_loop3A_1144 = arith.addf %parallel_loop3A_1118, %parallel_loop3A_1139 : vector<16xf32>
        %parallel_loop3A_1145 = arith.mulf %parallel_loop3A_1128, %parallel_loop3A_1140 : vector<16xf32>
        %parallel_loop3A_1146 = arith.addf %parallel_loop3A_1144, %parallel_loop3A_1145 : vector<16xf32>
        %parallel_loop3A_1147 = arith.constant 0 : i32
        %parallel_loop3A_1148 = arith.constant 5 : i32
        %parallel_loop3A_1149 = arith.index_cast %parallel_loop3A_1147 : i32 to index
        %parallel_loop3A_1150 = arith.index_cast %parallel_loop3A_1148 : i32 to index
        %parallel_loop3A_1151 = arith.index_cast %parallel_loop3A_984 : i32 to index
        %parallel_loop3A_1152 = arith.index_cast %parallel_loop3A_1002 : i32 to index
        %parallel_loop3A_1153 = tpu.vector_load %arg8[%parallel_loop3A_1149, %parallel_loop3A_1150, %parallel_loop3A_1151, %parallel_loop3A_1152] {strides = array<i32>} : memref<2x16x8x128xf32, #tpu.memory_space<vmem>>, vector<16xf32>,
        %parallel_loop3A_1154 = arith.fptosi %parallel_loop3A_1153 : vector<16xf32> to vector<16xi32>
        %parallel_loop3A_1155 = arith.sitofp %parallel_loop3A_1154 : vector<16xi32> to vector<16xf32>
        %parallel_loop3A_1156 = arith.subf %parallel_loop3A_1153, %parallel_loop3A_1155 : vector<16xf32>
        %parallel_loop3A_1157 = arith.constant 10240 : i32
        %parallel_loop3A_1158 = tpu.memref_slice %arg6[%parallel_loop3A_1157] : memref<32768xi32, #tpu.memory_space<vmem>> -> memref<2048xi32, #tpu.memory_space<vmem>>
        %parallel_loop3A_1159 = tpu.vector_load_idx %parallel_loop3A_1158[%parallel_loop3A_1154] : memref<2048xi32, #tpu.memory_space<vmem>>[vector<16xi32>], vector<16xi32>,
        %parallel_loop3A_1160 = arith.constant 10240 : i32
        %parallel_loop3A_1161 = tpu.memref_slice %arg7[%parallel_loop3A_1160] : memref<32768xi32, #tpu.memory_space<vmem>> -> memref<2048xi32, #tpu.memory_space<vmem>>
        %parallel_loop3A_1162 = tpu.vector_load_idx %parallel_loop3A_1161[%parallel_loop3A_1154] : memref<2048xi32, #tpu.memory_space<vmem>>[vector<16xi32>], vector<16xi32>,
        %parallel_loop3A_1163 = vector.bitcast %parallel_loop3A_1159 : vector<16xi32> to vector<32xbf16>
        %parallel_loop3A_1164 = tpu.unpack_subelements %parallel_loop3A_1163, 0 {pack_format = #tpu.pack_format<interleaved>} : vector<32xbf16> -> vector<16xf32>
        %parallel_loop3A_1165 = tpu.unpack_subelements %parallel_loop3A_1163, 1 {pack_format = #tpu.pack_format<interleaved>} : vector<32xbf16> -> vector<16xf32>
        %parallel_loop3A_1166 = vector.bitcast %parallel_loop3A_1162 : vector<16xi32> to vector<32xbf16>
        %parallel_loop3A_1167 = tpu.unpack_subelements %parallel_loop3A_1166, 0 {pack_format = #tpu.pack_format<interleaved>} : vector<32xbf16> -> vector<16xf32>
        %parallel_loop3A_1168 = tpu.unpack_subelements %parallel_loop3A_1166, 1 {pack_format = #tpu.pack_format<interleaved>} : vector<32xbf16> -> vector<16xf32>
        %parallel_loop3A_1169 = arith.addf %parallel_loop3A_1143, %parallel_loop3A_1164 : vector<16xf32>
        %parallel_loop3A_1170 = arith.mulf %parallel_loop3A_1156, %parallel_loop3A_1165 : vector<16xf32>
        %parallel_loop3A_1171 = arith.addf %parallel_loop3A_1169, %parallel_loop3A_1170 : vector<16xf32>
        %parallel_loop3A_1172 = arith.addf %parallel_loop3A_1146, %parallel_loop3A_1167 : vector<16xf32>
        %parallel_loop3A_1173 = arith.mulf %parallel_loop3A_1156, %parallel_loop3A_1168 : vector<16xf32>
        %parallel_loop3A_1174 = arith.addf %parallel_loop3A_1172, %parallel_loop3A_1173 : vector<16xf32>
        %parallel_loop3A_1175 = arith.constant 0 : i32
        %parallel_loop3A_1176 = arith.constant 6 : i32
        %parallel_loop3A_1177 = arith.index_cast %parallel_loop3A_1175 : i32 to index
        %parallel_loop3A_1178 = arith.index_cast %parallel_loop3A_1176 : i32 to index
        %parallel_loop3A_1179 = arith.index_cast %parallel_loop3A_984 : i32 to index
        %parallel_loop3A_1180 = arith.index_cast %parallel_loop3A_1002 : i32 to index
        %parallel_loop3A_1181 = tpu.vector_load %arg8[%parallel_loop3A_1177, %parallel_loop3A_1178, %parallel_loop3A_1179, %parallel_loop3A_1180] {strides = array<i32>} : memref<2x16x8x128xf32, #tpu.memory_space<vmem>>, vector<16xf32>,
        %parallel_loop3A_1182 = arith.fptosi %parallel_loop3A_1181 : vector<16xf32> to vector<16xi32>
        %parallel_loop3A_1183 = arith.sitofp %parallel_loop3A_1182 : vector<16xi32> to vector<16xf32>
        %parallel_loop3A_1184 = arith.subf %parallel_loop3A_1181, %parallel_loop3A_1183 : vector<16xf32>
        %parallel_loop3A_1185 = arith.constant 12288 : i32
        %parallel_loop3A_1186 = tpu.memref_slice %arg6[%parallel_loop3A_1185] : memref<32768xi32, #tpu.memory_space<vmem>> -> memref<2048xi32, #tpu.memory_space<vmem>>
        %parallel_loop3A_1187 = tpu.vector_load_idx %parallel_loop3A_1186[%parallel_loop3A_1182] : memref<2048xi32, #tpu.memory_space<vmem>>[vector<16xi32>], vector<16xi32>,
        %parallel_loop3A_1188 = arith.constant 12288 : i32
        %parallel_loop3A_1189 = tpu.memref_slice %arg7[%parallel_loop3A_1188] : memref<32768xi32, #tpu.memory_space<vmem>> -> memref<2048xi32, #tpu.memory_space<vmem>>
        %parallel_loop3A_1190 = tpu.vector_load_idx %parallel_loop3A_1189[%parallel_loop3A_1182] : memref<2048xi32, #tpu.memory_space<vmem>>[vector<16xi32>], vector<16xi32>,
        %parallel_loop3A_1191 = vector.bitcast %parallel_loop3A_1187 : vector<16xi32> to vector<32xbf16>
        %parallel_loop3A_1192 = tpu.unpack_subelements %parallel_loop3A_1191, 0 {pack_format = #tpu.pack_format<interleaved>} : vector<32xbf16> -> vector<16xf32>
        %parallel_loop3A_1193 = tpu.unpack_subelements %parallel_loop3A_1191, 1 {pack_format = #tpu.pack_format<interleaved>} : vector<32xbf16> -> vector<16xf32>
        %parallel_loop3A_1194 = vector.bitcast %parallel_loop3A_1190 : vector<16xi32> to vector<32xbf16>
        %parallel_loop3A_1195 = tpu.unpack_subelements %parallel_loop3A_1194, 0 {pack_format = #tpu.pack_format<interleaved>} : vector<32xbf16> -> vector<16xf32>
        %parallel_loop3A_1196 = tpu.unpack_subelements %parallel_loop3A_1194, 1 {pack_format = #tpu.pack_format<interleaved>} : vector<32xbf16> -> vector<16xf32>
        %parallel_loop3A_1197 = arith.addf %parallel_loop3A_1171, %parallel_loop3A_1192 : vector<16xf32>
        %parallel_loop3A_1198 = arith.mulf %parallel_loop3A_1184, %parallel_loop3A_1193 : vector<16xf32>
        %parallel_loop3A_1199 = arith.addf %parallel_loop3A_1197, %parallel_loop3A_1198 : vector<16xf32>
        %parallel_loop3A_1200 = arith.addf %parallel_loop3A_1174, %parallel_loop3A_1195 : vector<16xf32>
        %parallel_loop3A_1201 = arith.mulf %parallel_loop3A_1184, %parallel_loop3A_1196 : vector<16xf32>
        %parallel_loop3A_1202 = arith.addf %parallel_loop3A_1200, %parallel_loop3A_1201 : vector<16xf32>
        %parallel_loop3A_1203 = arith.constant 0 : i32
        %parallel_loop3A_1204 = arith.constant 7 : i32
        %parallel_loop3A_1205 = arith.index_cast %parallel_loop3A_1203 : i32 to index
        %parallel_loop3A_1206 = arith.index_cast %parallel_loop3A_1204 : i32 to index
        %parallel_loop3A_1207 = arith.index_cast %parallel_loop3A_984 : i32 to index
        %parallel_loop3A_1208 = arith.index_cast %parallel_loop3A_1002 : i32 to index
        %parallel_loop3A_1209 = tpu.vector_load %arg8[%parallel_loop3A_1205, %parallel_loop3A_1206, %parallel_loop3A_1207, %parallel_loop3A_1208] {strides = array<i32>} : memref<2x16x8x128xf32, #tpu.memory_space<vmem>>, vector<16xf32>,
        %parallel_loop3A_1210 = arith.fptosi %parallel_loop3A_1209 : vector<16xf32> to vector<16xi32>
        %parallel_loop3A_1211 = arith.sitofp %parallel_loop3A_1210 : vector<16xi32> to vector<16xf32>
        %parallel_loop3A_1212 = arith.subf %parallel_loop3A_1209, %parallel_loop3A_1211 : vector<16xf32>
        %parallel_loop3A_1213 = arith.constant 14336 : i32
        %parallel_loop3A_1214 = tpu.memref_slice %arg6[%parallel_loop3A_1213] : memref<32768xi32, #tpu.memory_space<vmem>> -> memref<2048xi32, #tpu.memory_space<vmem>>
        %parallel_loop3A_1215 = tpu.vector_load_idx %parallel_loop3A_1214[%parallel_loop3A_1210] : memref<2048xi32, #tpu.memory_space<vmem>>[vector<16xi32>], vector<16xi32>,
        %parallel_loop3A_1216 = arith.constant 14336 : i32
        %parallel_loop3A_1217 = tpu.memref_slice %arg7[%parallel_loop3A_1216] : memref<32768xi32, #tpu.memory_space<vmem>> -> memref<2048xi32, #tpu.memory_space<vmem>>
        %parallel_loop3A_1218 = tpu.vector_load_idx %parallel_loop3A_1217[%parallel_loop3A_1210] : memref<2048xi32, #tpu.memory_space<vmem>>[vector<16xi32>], vector<16xi32>,
        %parallel_loop3A_1219 = vector.bitcast %parallel_loop3A_1215 : vector<16xi32> to vector<32xbf16>
        %parallel_loop3A_1220 = tpu.unpack_subelements %parallel_loop3A_1219, 0 {pack_format = #tpu.pack_format<interleaved>} : vector<32xbf16> -> vector<16xf32>
        %parallel_loop3A_1221 = tpu.unpack_subelements %parallel_loop3A_1219, 1 {pack_format = #tpu.pack_format<interleaved>} : vector<32xbf16> -> vector<16xf32>
        %parallel_loop3A_1222 = vector.bitcast %parallel_loop3A_1218 : vector<16xi32> to vector<32xbf16>
        %parallel_loop3A_1223 = tpu.unpack_subelements %parallel_loop3A_1222, 0 {pack_format = #tpu.pack_format<interleaved>} : vector<32xbf16> -> vector<16xf32>
        %parallel_loop3A_1224 = tpu.unpack_subelements %parallel_loop3A_1222, 1 {pack_format = #tpu.pack_format<interleaved>} : vector<32xbf16> -> vector<16xf32>
        %parallel_loop3A_1225 = arith.addf %parallel_loop3A_1199, %parallel_loop3A_1220 : vector<16xf32>
        %parallel_loop3A_1226 = arith.mulf %parallel_loop3A_1212, %parallel_loop3A_1221 : vector<16xf32>
        %parallel_loop3A_1227 = arith.addf %parallel_loop3A_1225, %parallel_loop3A_1226 : vector<16xf32>
        %parallel_loop3A_1228 = arith.addf %parallel_loop3A_1202, %parallel_loop3A_1223 : vector<16xf32>
        %parallel_loop3A_1229 = arith.mulf %parallel_loop3A_1212, %parallel_loop3A_1224 : vector<16xf32>
        %parallel_loop3A_1230 = arith.addf %parallel_loop3A_1228, %parallel_loop3A_1229 : vector<16xf32>
        %parallel_loop3A_1231 = arith.constant 0 : i32
        %parallel_loop3A_1232 = arith.constant 0 : i32
        %parallel_loop3A_1233 = arith.index_cast %parallel_loop3A_1231 : i32 to index
        %parallel_loop3A_1234 = arith.index_cast %parallel_loop3A_984 : i32 to index
        %parallel_loop3A_1235 = arith.index_cast %parallel_loop3A_1232 : i32 to index
        %parallel_loop3A_1236 = arith.index_cast %parallel_loop3A_1002 : i32 to index
        %parallel_loop3A_1237 = tpu.vector_load %arg9[%parallel_loop3A_1233, %parallel_loop3A_1234, %parallel_loop3A_1235, %parallel_loop3A_1236] {strides = array<i32>} : memref<2x8x2x128xf32, #tpu.memory_space<vmem>>, vector<16xf32>,
        tpu.vector_store %arg9[%parallel_loop3A_1233, %parallel_loop3A_1234, %parallel_loop3A_1235, %parallel_loop3A_1236], %parallel_loop3A_1227 {strides = array<i32>} : memref<2x8x2x128xf32, #tpu.memory_space<vmem>>, vector<16xf32>,
        %parallel_loop3A_1238 = arith.constant 0 : i32
        %parallel_loop3A_1239 = arith.constant 1 : i32
        %parallel_loop3A_1240 = arith.index_cast %parallel_loop3A_1238 : i32 to index
        %parallel_loop3A_1241 = arith.index_cast %parallel_loop3A_984 : i32 to index
        %parallel_loop3A_1242 = arith.index_cast %parallel_loop3A_1239 : i32 to index
        %parallel_loop3A_1243 = arith.index_cast %parallel_loop3A_1002 : i32 to index
        %parallel_loop3A_1244 = tpu.vector_load %arg9[%parallel_loop3A_1240, %parallel_loop3A_1241, %parallel_loop3A_1242, %parallel_loop3A_1243] {strides = array<i32>} : memref<2x8x2x128xf32, #tpu.memory_space<vmem>>, vector<16xf32>,
        tpu.vector_store %arg9[%parallel_loop3A_1240, %parallel_loop3A_1241, %parallel_loop3A_1242, %parallel_loop3A_1243], %parallel_loop3A_1230 {strides = array<i32>} : memref<2x8x2x128xf32, #tpu.memory_space<vmem>>, vector<16xf32>,
      } {sc.loop_unroll_factor = 1 : i64, sc.parallel_access}
      %parallel_loop3A_881 = arith.constant 0 : i32
      %parallel_loop3A_882 = arith.constant 64 : i32
      %parallel_loop3A_883 = arith.constant 1 : i32
      scf.for %parallel_loop3A_960 = %parallel_loop3A_881 to %parallel_loop3A_882 step %parallel_loop3A_883  : i32 {
        %parallel_loop3A_961 = arith.constant 8 : i32
        %parallel_loop3A_962 = arith.divsi %parallel_loop3A_960, %parallel_loop3A_961 : i32
        %parallel_loop3A_963 = arith.constant 0 : i32
        %parallel_loop3A_964 = arith.cmpi sgt, %parallel_loop3A_960, %parallel_loop3A_963 : i32
        %parallel_loop3A_965 = arith.extui %parallel_loop3A_964 : i1 to i32
        %parallel_loop3A_966 = arith.constant 0 : i32
        %parallel_loop3A_967 = arith.cmpi slt, %parallel_loop3A_960, %parallel_loop3A_966 : i32
        %parallel_loop3A_968 = arith.extui %parallel_loop3A_967 : i1 to i32
        %parallel_loop3A_969 = arith.subi %parallel_loop3A_965, %parallel_loop3A_968 : i32
        %parallel_loop3A_970 = arith.constant 0 : i32
        %parallel_loop3A_971 = arith.cmpi sgt, %parallel_loop3A_961, %parallel_loop3A_970 : i32
        %parallel_loop3A_972 = arith.extui %parallel_loop3A_971 : i1 to i32
        %parallel_loop3A_973 = arith.constant 0 : i32
        %parallel_loop3A_974 = arith.cmpi slt, %parallel_loop3A_961, %parallel_loop3A_973 : i32
        %parallel_loop3A_975 = arith.extui %parallel_loop3A_974 : i1 to i32
        %parallel_loop3A_976 = arith.subi %parallel_loop3A_972, %parallel_loop3A_975 : i32
        %parallel_loop3A_977 = arith.cmpi ne, %parallel_loop3A_969, %parallel_loop3A_976 : i32
        %parallel_loop3A_978 = arith.remsi %parallel_loop3A_960, %parallel_loop3A_961 : i32
        %parallel_loop3A_979 = arith.constant 0 : i32
        %parallel_loop3A_980 = arith.cmpi ne, %parallel_loop3A_978, %parallel_loop3A_979 : i32
        %parallel_loop3A_981 = arith.andi %parallel_loop3A_977, %parallel_loop3A_980 : i1
        %parallel_loop3A_982 = arith.constant 1 : i32
        %parallel_loop3A_983 = arith.subi %parallel_loop3A_962, %parallel_loop3A_982 : i32
        %parallel_loop3A_984 = arith.select %parallel_loop3A_981, %parallel_loop3A_983, %parallel_loop3A_962 : i32
        %parallel_loop3A_985 = arith.constant 8 : i32
        %parallel_loop3A_986 = arith.constant 0 : i32
        %parallel_loop3A_987 = arith.cmpi eq, %parallel_loop3A_985, %parallel_loop3A_986 : i32
        %parallel_loop3A_988 = arith.constant 1 : i32
        %parallel_loop3A_989 = arith.select %parallel_loop3A_987, %parallel_loop3A_988, %parallel_loop3A_985 : i32
        %parallel_loop3A_990 = arith.remsi %parallel_loop3A_960, %parallel_loop3A_989 : i32
        %parallel_loop3A_991 = arith.constant 0 : i32
        %parallel_loop3A_992 = arith.cmpi ne, %parallel_loop3A_990, %parallel_loop3A_991 : i32
        %parallel_loop3A_993 = arith.constant 0 : i32
        %parallel_loop3A_994 = arith.cmpi slt, %parallel_loop3A_990, %parallel_loop3A_993 : i32
        %parallel_loop3A_995 = arith.constant 0 : i32
        %parallel_loop3A_996 = arith.cmpi slt, %parallel_loop3A_989, %parallel_loop3A_995 : i32
        %parallel_loop3A_997 = arith.xori %parallel_loop3A_994, %parallel_loop3A_996 : i1
        %parallel_loop3A_998 = arith.andi %parallel_loop3A_997, %parallel_loop3A_992 : i1
        %parallel_loop3A_999 = arith.addi %parallel_loop3A_990, %parallel_loop3A_989 : i32
        %parallel_loop3A_1000 = arith.select %parallel_loop3A_998, %parallel_loop3A_999, %parallel_loop3A_990 : i32
        %parallel_loop3A_1001 = arith.constant 16 : i32
        %parallel_loop3A_1002 = arith.muli %parallel_loop3A_1000, %parallel_loop3A_1001 : i32
        %parallel_loop3A_1003 = arith.constant 0.000000e+00 : f32
        %parallel_loop3A_1004 = vector.broadcast %parallel_loop3A_1003 : f32 to vector<16xf32>
        %parallel_loop3A_1005 = arith.constant 0.000000e+00 : f32
        %parallel_loop3A_1006 = vector.broadcast %parallel_loop3A_1005 : f32 to vector<16xf32>
        %parallel_loop3A_1007 = arith.constant 0 : i32
        %parallel_loop3A_1008 = arith.constant 8 : i32
        %parallel_loop3A_1009 = arith.index_cast %parallel_loop3A_1007 : i32 to index
        %parallel_loop3A_1010 = arith.index_cast %parallel_loop3A_1008 : i32 to index
        %parallel_loop3A_1011 = arith.index_cast %parallel_loop3A_984 : i32 to index
        %parallel_loop3A_1012 = arith.index_cast %parallel_loop3A_1002 : i32 to index
        %parallel_loop3A_1013 = tpu.vector_load %arg8[%parallel_loop3A_1009, %parallel_loop3A_1010, %parallel_loop3A_1011, %parallel_loop3A_1012] {strides = array<i32>} : memref<2x16x8x128xf32, #tpu.memory_space<vmem>>, vector<16xf32>,
        %parallel_loop3A_1014 = arith.fptosi %parallel_loop3A_1013 : vector<16xf32> to vector<16xi32>
        %parallel_loop3A_1015 = arith.sitofp %parallel_loop3A_1014 : vector<16xi32> to vector<16xf32>
        %parallel_loop3A_1016 = arith.subf %parallel_loop3A_1013, %parallel_loop3A_1015 : vector<16xf32>
        %parallel_loop3A_1017 = arith.constant 16384 : i32
        %parallel_loop3A_1018 = tpu.memref_slice %arg6[%parallel_loop3A_1017] : memref<32768xi32, #tpu.memory_space<vmem>> -> memref<2048xi32, #tpu.memory_space<vmem>>
        %parallel_loop3A_1019 = tpu.vector_load_idx %parallel_loop3A_1018[%parallel_loop3A_1014] : memref<2048xi32, #tpu.memory_space<vmem>>[vector<16xi32>], vector<16xi32>,
        %parallel_loop3A_1020 = arith.constant 16384 : i32
        %parallel_loop3A_1021 = tpu.memref_slice %arg7[%parallel_loop3A_1020] : memref<32768xi32, #tpu.memory_space<vmem>> -> memref<2048xi32, #tpu.memory_space<vmem>>
        %parallel_loop3A_1022 = tpu.vector_load_idx %parallel_loop3A_1021[%parallel_loop3A_1014] : memref<2048xi32, #tpu.memory_space<vmem>>[vector<16xi32>], vector<16xi32>,
        %parallel_loop3A_1023 = vector.bitcast %parallel_loop3A_1019 : vector<16xi32> to vector<32xbf16>
        %parallel_loop3A_1024 = tpu.unpack_subelements %parallel_loop3A_1023, 0 {pack_format = #tpu.pack_format<interleaved>} : vector<32xbf16> -> vector<16xf32>
        %parallel_loop3A_1025 = tpu.unpack_subelements %parallel_loop3A_1023, 1 {pack_format = #tpu.pack_format<interleaved>} : vector<32xbf16> -> vector<16xf32>
        %parallel_loop3A_1026 = vector.bitcast %parallel_loop3A_1022 : vector<16xi32> to vector<32xbf16>
        %parallel_loop3A_1027 = tpu.unpack_subelements %parallel_loop3A_1026, 0 {pack_format = #tpu.pack_format<interleaved>} : vector<32xbf16> -> vector<16xf32>
        %parallel_loop3A_1028 = tpu.unpack_subelements %parallel_loop3A_1026, 1 {pack_format = #tpu.pack_format<interleaved>} : vector<32xbf16> -> vector<16xf32>
        %parallel_loop3A_1029 = arith.addf %parallel_loop3A_1004, %parallel_loop3A_1024 : vector<16xf32>
        %parallel_loop3A_1030 = arith.mulf %parallel_loop3A_1016, %parallel_loop3A_1025 : vector<16xf32>
        %parallel_loop3A_1031 = arith.addf %parallel_loop3A_1029, %parallel_loop3A_1030 : vector<16xf32>
        %parallel_loop3A_1032 = arith.addf %parallel_loop3A_1006, %parallel_loop3A_1027 : vector<16xf32>
        %parallel_loop3A_1033 = arith.mulf %parallel_loop3A_1016, %parallel_loop3A_1028 : vector<16xf32>
        %parallel_loop3A_1034 = arith.addf %parallel_loop3A_1032, %parallel_loop3A_1033 : vector<16xf32>
        %parallel_loop3A_1035 = arith.constant 0 : i32
        %parallel_loop3A_1036 = arith.constant 9 : i32
        %parallel_loop3A_1037 = arith.index_cast %parallel_loop3A_1035 : i32 to index
        %parallel_loop3A_1038 = arith.index_cast %parallel_loop3A_1036 : i32 to index
        %parallel_loop3A_1039 = arith.index_cast %parallel_loop3A_984 : i32 to index
        %parallel_loop3A_1040 = arith.index_cast %parallel_loop3A_1002 : i32 to index
        %parallel_loop3A_1041 = tpu.vector_load %arg8[%parallel_loop3A_1037, %parallel_loop3A_1038, %parallel_loop3A_1039, %parallel_loop3A_1040] {strides = array<i32>} : memref<2x16x8x128xf32, #tpu.memory_space<vmem>>, vector<16xf32>,
        %parallel_loop3A_1042 = arith.fptosi %parallel_loop3A_1041 : vector<16xf32> to vector<16xi32>
        %parallel_loop3A_1043 = arith.sitofp %parallel_loop3A_1042 : vector<16xi32> to vector<16xf32>
        %parallel_loop3A_1044 = arith.subf %parallel_loop3A_1041, %parallel_loop3A_1043 : vector<16xf32>
        %parallel_loop3A_1045 = arith.constant 18432 : i32
        %parallel_loop3A_1046 = tpu.memref_slice %arg6[%parallel_loop3A_1045] : memref<32768xi32, #tpu.memory_space<vmem>> -> memref<2048xi32, #tpu.memory_space<vmem>>
        %parallel_loop3A_1047 = tpu.vector_load_idx %parallel_loop3A_1046[%parallel_loop3A_1042] : memref<2048xi32, #tpu.memory_space<vmem>>[vector<16xi32>], vector<16xi32>,
        %parallel_loop3A_1048 = arith.constant 18432 : i32
        %parallel_loop3A_1049 = tpu.memref_slice %arg7[%parallel_loop3A_1048] : memref<32768xi32, #tpu.memory_space<vmem>> -> memref<2048xi32, #tpu.memory_space<vmem>>
        %parallel_loop3A_1050 = tpu.vector_load_idx %parallel_loop3A_1049[%parallel_loop3A_1042] : memref<2048xi32, #tpu.memory_space<vmem>>[vector<16xi32>], vector<16xi32>,
        %parallel_loop3A_1051 = vector.bitcast %parallel_loop3A_1047 : vector<16xi32> to vector<32xbf16>
        %parallel_loop3A_1052 = tpu.unpack_subelements %parallel_loop3A_1051, 0 {pack_format = #tpu.pack_format<interleaved>} : vector<32xbf16> -> vector<16xf32>
        %parallel_loop3A_1053 = tpu.unpack_subelements %parallel_loop3A_1051, 1 {pack_format = #tpu.pack_format<interleaved>} : vector<32xbf16> -> vector<16xf32>
        %parallel_loop3A_1054 = vector.bitcast %parallel_loop3A_1050 : vector<16xi32> to vector<32xbf16>
        %parallel_loop3A_1055 = tpu.unpack_subelements %parallel_loop3A_1054, 0 {pack_format = #tpu.pack_format<interleaved>} : vector<32xbf16> -> vector<16xf32>
        %parallel_loop3A_1056 = tpu.unpack_subelements %parallel_loop3A_1054, 1 {pack_format = #tpu.pack_format<interleaved>} : vector<32xbf16> -> vector<16xf32>
        %parallel_loop3A_1057 = arith.addf %parallel_loop3A_1031, %parallel_loop3A_1052 : vector<16xf32>
        %parallel_loop3A_1058 = arith.mulf %parallel_loop3A_1044, %parallel_loop3A_1053 : vector<16xf32>
        %parallel_loop3A_1059 = arith.addf %parallel_loop3A_1057, %parallel_loop3A_1058 : vector<16xf32>
        %parallel_loop3A_1060 = arith.addf %parallel_loop3A_1034, %parallel_loop3A_1055 : vector<16xf32>
        %parallel_loop3A_1061 = arith.mulf %parallel_loop3A_1044, %parallel_loop3A_1056 : vector<16xf32>
        %parallel_loop3A_1062 = arith.addf %parallel_loop3A_1060, %parallel_loop3A_1061 : vector<16xf32>
        %parallel_loop3A_1063 = arith.constant 0 : i32
        %parallel_loop3A_1064 = arith.constant 10 : i32
        %parallel_loop3A_1065 = arith.index_cast %parallel_loop3A_1063 : i32 to index
        %parallel_loop3A_1066 = arith.index_cast %parallel_loop3A_1064 : i32 to index
        %parallel_loop3A_1067 = arith.index_cast %parallel_loop3A_984 : i32 to index
        %parallel_loop3A_1068 = arith.index_cast %parallel_loop3A_1002 : i32 to index
        %parallel_loop3A_1069 = tpu.vector_load %arg8[%parallel_loop3A_1065, %parallel_loop3A_1066, %parallel_loop3A_1067, %parallel_loop3A_1068] {strides = array<i32>} : memref<2x16x8x128xf32, #tpu.memory_space<vmem>>, vector<16xf32>,
        %parallel_loop3A_1070 = arith.fptosi %parallel_loop3A_1069 : vector<16xf32> to vector<16xi32>
        %parallel_loop3A_1071 = arith.sitofp %parallel_loop3A_1070 : vector<16xi32> to vector<16xf32>
        %parallel_loop3A_1072 = arith.subf %parallel_loop3A_1069, %parallel_loop3A_1071 : vector<16xf32>
        %parallel_loop3A_1073 = arith.constant 20480 : i32
        %parallel_loop3A_1074 = tpu.memref_slice %arg6[%parallel_loop3A_1073] : memref<32768xi32, #tpu.memory_space<vmem>> -> memref<2048xi32, #tpu.memory_space<vmem>>
        %parallel_loop3A_1075 = tpu.vector_load_idx %parallel_loop3A_1074[%parallel_loop3A_1070] : memref<2048xi32, #tpu.memory_space<vmem>>[vector<16xi32>], vector<16xi32>,
        %parallel_loop3A_1076 = arith.constant 20480 : i32
        %parallel_loop3A_1077 = tpu.memref_slice %arg7[%parallel_loop3A_1076] : memref<32768xi32, #tpu.memory_space<vmem>> -> memref<2048xi32, #tpu.memory_space<vmem>>
        %parallel_loop3A_1078 = tpu.vector_load_idx %parallel_loop3A_1077[%parallel_loop3A_1070] : memref<2048xi32, #tpu.memory_space<vmem>>[vector<16xi32>], vector<16xi32>,
        %parallel_loop3A_1079 = vector.bitcast %parallel_loop3A_1075 : vector<16xi32> to vector<32xbf16>
        %parallel_loop3A_1080 = tpu.unpack_subelements %parallel_loop3A_1079, 0 {pack_format = #tpu.pack_format<interleaved>} : vector<32xbf16> -> vector<16xf32>
        %parallel_loop3A_1081 = tpu.unpack_subelements %parallel_loop3A_1079, 1 {pack_format = #tpu.pack_format<interleaved>} : vector<32xbf16> -> vector<16xf32>
        %parallel_loop3A_1082 = vector.bitcast %parallel_loop3A_1078 : vector<16xi32> to vector<32xbf16>
        %parallel_loop3A_1083 = tpu.unpack_subelements %parallel_loop3A_1082, 0 {pack_format = #tpu.pack_format<interleaved>} : vector<32xbf16> -> vector<16xf32>
        %parallel_loop3A_1084 = tpu.unpack_subelements %parallel_loop3A_1082, 1 {pack_format = #tpu.pack_format<interleaved>} : vector<32xbf16> -> vector<16xf32>
        %parallel_loop3A_1085 = arith.addf %parallel_loop3A_1059, %parallel_loop3A_1080 : vector<16xf32>
        %parallel_loop3A_1086 = arith.mulf %parallel_loop3A_1072, %parallel_loop3A_1081 : vector<16xf32>
        %parallel_loop3A_1087 = arith.addf %parallel_loop3A_1085, %parallel_loop3A_1086 : vector<16xf32>
        %parallel_loop3A_1088 = arith.addf %parallel_loop3A_1062, %parallel_loop3A_1083 : vector<16xf32>
        %parallel_loop3A_1089 = arith.mulf %parallel_loop3A_1072, %parallel_loop3A_1084 : vector<16xf32>
        %parallel_loop3A_1090 = arith.addf %parallel_loop3A_1088, %parallel_loop3A_1089 : vector<16xf32>
        %parallel_loop3A_1091 = arith.constant 0 : i32
        %parallel_loop3A_1092 = arith.constant 11 : i32
        %parallel_loop3A_1093 = arith.index_cast %parallel_loop3A_1091 : i32 to index
        %parallel_loop3A_1094 = arith.index_cast %parallel_loop3A_1092 : i32 to index
        %parallel_loop3A_1095 = arith.index_cast %parallel_loop3A_984 : i32 to index
        %parallel_loop3A_1096 = arith.index_cast %parallel_loop3A_1002 : i32 to index
        %parallel_loop3A_1097 = tpu.vector_load %arg8[%parallel_loop3A_1093, %parallel_loop3A_1094, %parallel_loop3A_1095, %parallel_loop3A_1096] {strides = array<i32>} : memref<2x16x8x128xf32, #tpu.memory_space<vmem>>, vector<16xf32>,
        %parallel_loop3A_1098 = arith.fptosi %parallel_loop3A_1097 : vector<16xf32> to vector<16xi32>
        %parallel_loop3A_1099 = arith.sitofp %parallel_loop3A_1098 : vector<16xi32> to vector<16xf32>
        %parallel_loop3A_1100 = arith.subf %parallel_loop3A_1097, %parallel_loop3A_1099 : vector<16xf32>
        %parallel_loop3A_1101 = arith.constant 22528 : i32
        %parallel_loop3A_1102 = tpu.memref_slice %arg6[%parallel_loop3A_1101] : memref<32768xi32, #tpu.memory_space<vmem>> -> memref<2048xi32, #tpu.memory_space<vmem>>
        %parallel_loop3A_1103 = tpu.vector_load_idx %parallel_loop3A_1102[%parallel_loop3A_1098] : memref<2048xi32, #tpu.memory_space<vmem>>[vector<16xi32>], vector<16xi32>,
        %parallel_loop3A_1104 = arith.constant 22528 : i32
        %parallel_loop3A_1105 = tpu.memref_slice %arg7[%parallel_loop3A_1104] : memref<32768xi32, #tpu.memory_space<vmem>> -> memref<2048xi32, #tpu.memory_space<vmem>>
        %parallel_loop3A_1106 = tpu.vector_load_idx %parallel_loop3A_1105[%parallel_loop3A_1098] : memref<2048xi32, #tpu.memory_space<vmem>>[vector<16xi32>], vector<16xi32>,
        %parallel_loop3A_1107 = vector.bitcast %parallel_loop3A_1103 : vector<16xi32> to vector<32xbf16>
        %parallel_loop3A_1108 = tpu.unpack_subelements %parallel_loop3A_1107, 0 {pack_format = #tpu.pack_format<interleaved>} : vector<32xbf16> -> vector<16xf32>
        %parallel_loop3A_1109 = tpu.unpack_subelements %parallel_loop3A_1107, 1 {pack_format = #tpu.pack_format<interleaved>} : vector<32xbf16> -> vector<16xf32>
        %parallel_loop3A_1110 = vector.bitcast %parallel_loop3A_1106 : vector<16xi32> to vector<32xbf16>
        %parallel_loop3A_1111 = tpu.unpack_subelements %parallel_loop3A_1110, 0 {pack_format = #tpu.pack_format<interleaved>} : vector<32xbf16> -> vector<16xf32>
        %parallel_loop3A_1112 = tpu.unpack_subelements %parallel_loop3A_1110, 1 {pack_format = #tpu.pack_format<interleaved>} : vector<32xbf16> -> vector<16xf32>
        %parallel_loop3A_1113 = arith.addf %parallel_loop3A_1087, %parallel_loop3A_1108 : vector<16xf32>
        %parallel_loop3A_1114 = arith.mulf %parallel_loop3A_1100, %parallel_loop3A_1109 : vector<16xf32>
        %parallel_loop3A_1115 = arith.addf %parallel_loop3A_1113, %parallel_loop3A_1114 : vector<16xf32>
        %parallel_loop3A_1116 = arith.addf %parallel_loop3A_1090, %parallel_loop3A_1111 : vector<16xf32>
        %parallel_loop3A_1117 = arith.mulf %parallel_loop3A_1100, %parallel_loop3A_1112 : vector<16xf32>
        %parallel_loop3A_1118 = arith.addf %parallel_loop3A_1116, %parallel_loop3A_1117 : vector<16xf32>
        %parallel_loop3A_1119 = arith.constant 0 : i32
        %parallel_loop3A_1120 = arith.constant 12 : i32
        %parallel_loop3A_1121 = arith.index_cast %parallel_loop3A_1119 : i32 to index
        %parallel_loop3A_1122 = arith.index_cast %parallel_loop3A_1120 : i32 to index
        %parallel_loop3A_1123 = arith.index_cast %parallel_loop3A_984 : i32 to index
        %parallel_loop3A_1124 = arith.index_cast %parallel_loop3A_1002 : i32 to index
        %parallel_loop3A_1125 = tpu.vector_load %arg8[%parallel_loop3A_1121, %parallel_loop3A_1122, %parallel_loop3A_1123, %parallel_loop3A_1124] {strides = array<i32>} : memref<2x16x8x128xf32, #tpu.memory_space<vmem>>, vector<16xf32>,
        %parallel_loop3A_1126 = arith.fptosi %parallel_loop3A_1125 : vector<16xf32> to vector<16xi32>
        %parallel_loop3A_1127 = arith.sitofp %parallel_loop3A_1126 : vector<16xi32> to vector<16xf32>
        %parallel_loop3A_1128 = arith.subf %parallel_loop3A_1125, %parallel_loop3A_1127 : vector<16xf32>
        %parallel_loop3A_1129 = arith.constant 24576 : i32
        %parallel_loop3A_1130 = tpu.memref_slice %arg6[%parallel_loop3A_1129] : memref<32768xi32, #tpu.memory_space<vmem>> -> memref<2048xi32, #tpu.memory_space<vmem>>
        %parallel_loop3A_1131 = tpu.vector_load_idx %parallel_loop3A_1130[%parallel_loop3A_1126] : memref<2048xi32, #tpu.memory_space<vmem>>[vector<16xi32>], vector<16xi32>,
        %parallel_loop3A_1132 = arith.constant 24576 : i32
        %parallel_loop3A_1133 = tpu.memref_slice %arg7[%parallel_loop3A_1132] : memref<32768xi32, #tpu.memory_space<vmem>> -> memref<2048xi32, #tpu.memory_space<vmem>>
        %parallel_loop3A_1134 = tpu.vector_load_idx %parallel_loop3A_1133[%parallel_loop3A_1126] : memref<2048xi32, #tpu.memory_space<vmem>>[vector<16xi32>], vector<16xi32>,
        %parallel_loop3A_1135 = vector.bitcast %parallel_loop3A_1131 : vector<16xi32> to vector<32xbf16>
        %parallel_loop3A_1136 = tpu.unpack_subelements %parallel_loop3A_1135, 0 {pack_format = #tpu.pack_format<interleaved>} : vector<32xbf16> -> vector<16xf32>
        %parallel_loop3A_1137 = tpu.unpack_subelements %parallel_loop3A_1135, 1 {pack_format = #tpu.pack_format<interleaved>} : vector<32xbf16> -> vector<16xf32>
        %parallel_loop3A_1138 = vector.bitcast %parallel_loop3A_1134 : vector<16xi32> to vector<32xbf16>
        %parallel_loop3A_1139 = tpu.unpack_subelements %parallel_loop3A_1138, 0 {pack_format = #tpu.pack_format<interleaved>} : vector<32xbf16> -> vector<16xf32>
        %parallel_loop3A_1140 = tpu.unpack_subelements %parallel_loop3A_1138, 1 {pack_format = #tpu.pack_format<interleaved>} : vector<32xbf16> -> vector<16xf32>
        %parallel_loop3A_1141 = arith.addf %parallel_loop3A_1115, %parallel_loop3A_1136 : vector<16xf32>
        %parallel_loop3A_1142 = arith.mulf %parallel_loop3A_1128, %parallel_loop3A_1137 : vector<16xf32>
        %parallel_loop3A_1143 = arith.addf %parallel_loop3A_1141, %parallel_loop3A_1142 : vector<16xf32>
        %parallel_loop3A_1144 = arith.addf %parallel_loop3A_1118, %parallel_loop3A_1139 : vector<16xf32>
        %parallel_loop3A_1145 = arith.mulf %parallel_loop3A_1128, %parallel_loop3A_1140 : vector<16xf32>
        %parallel_loop3A_1146 = arith.addf %parallel_loop3A_1144, %parallel_loop3A_1145 : vector<16xf32>
        %parallel_loop3A_1147 = arith.constant 0 : i32
        %parallel_loop3A_1148 = arith.constant 13 : i32
        %parallel_loop3A_1149 = arith.index_cast %parallel_loop3A_1147 : i32 to index
        %parallel_loop3A_1150 = arith.index_cast %parallel_loop3A_1148 : i32 to index
        %parallel_loop3A_1151 = arith.index_cast %parallel_loop3A_984 : i32 to index
        %parallel_loop3A_1152 = arith.index_cast %parallel_loop3A_1002 : i32 to index
        %parallel_loop3A_1153 = tpu.vector_load %arg8[%parallel_loop3A_1149, %parallel_loop3A_1150, %parallel_loop3A_1151, %parallel_loop3A_1152] {strides = array<i32>} : memref<2x16x8x128xf32, #tpu.memory_space<vmem>>, vector<16xf32>,
        %parallel_loop3A_1154 = arith.fptosi %parallel_loop3A_1153 : vector<16xf32> to vector<16xi32>
        %parallel_loop3A_1155 = arith.sitofp %parallel_loop3A_1154 : vector<16xi32> to vector<16xf32>
        %parallel_loop3A_1156 = arith.subf %parallel_loop3A_1153, %parallel_loop3A_1155 : vector<16xf32>
        %parallel_loop3A_1157 = arith.constant 26624 : i32
        %parallel_loop3A_1158 = tpu.memref_slice %arg6[%parallel_loop3A_1157] : memref<32768xi32, #tpu.memory_space<vmem>> -> memref<2048xi32, #tpu.memory_space<vmem>>
        %parallel_loop3A_1159 = tpu.vector_load_idx %parallel_loop3A_1158[%parallel_loop3A_1154] : memref<2048xi32, #tpu.memory_space<vmem>>[vector<16xi32>], vector<16xi32>,
        %parallel_loop3A_1160 = arith.constant 26624 : i32
        %parallel_loop3A_1161 = tpu.memref_slice %arg7[%parallel_loop3A_1160] : memref<32768xi32, #tpu.memory_space<vmem>> -> memref<2048xi32, #tpu.memory_space<vmem>>
        %parallel_loop3A_1162 = tpu.vector_load_idx %parallel_loop3A_1161[%parallel_loop3A_1154] : memref<2048xi32, #tpu.memory_space<vmem>>[vector<16xi32>], vector<16xi32>,
        %parallel_loop3A_1163 = vector.bitcast %parallel_loop3A_1159 : vector<16xi32> to vector<32xbf16>
        %parallel_loop3A_1164 = tpu.unpack_subelements %parallel_loop3A_1163, 0 {pack_format = #tpu.pack_format<interleaved>} : vector<32xbf16> -> vector<16xf32>
        %parallel_loop3A_1165 = tpu.unpack_subelements %parallel_loop3A_1163, 1 {pack_format = #tpu.pack_format<interleaved>} : vector<32xbf16> -> vector<16xf32>
        %parallel_loop3A_1166 = vector.bitcast %parallel_loop3A_1162 : vector<16xi32> to vector<32xbf16>
        %parallel_loop3A_1167 = tpu.unpack_subelements %parallel_loop3A_1166, 0 {pack_format = #tpu.pack_format<interleaved>} : vector<32xbf16> -> vector<16xf32>
        %parallel_loop3A_1168 = tpu.unpack_subelements %parallel_loop3A_1166, 1 {pack_format = #tpu.pack_format<interleaved>} : vector<32xbf16> -> vector<16xf32>
        %parallel_loop3A_1169 = arith.addf %parallel_loop3A_1143, %parallel_loop3A_1164 : vector<16xf32>
        %parallel_loop3A_1170 = arith.mulf %parallel_loop3A_1156, %parallel_loop3A_1165 : vector<16xf32>
        %parallel_loop3A_1171 = arith.addf %parallel_loop3A_1169, %parallel_loop3A_1170 : vector<16xf32>
        %parallel_loop3A_1172 = arith.addf %parallel_loop3A_1146, %parallel_loop3A_1167 : vector<16xf32>
        %parallel_loop3A_1173 = arith.mulf %parallel_loop3A_1156, %parallel_loop3A_1168 : vector<16xf32>
        %parallel_loop3A_1174 = arith.addf %parallel_loop3A_1172, %parallel_loop3A_1173 : vector<16xf32>
        %parallel_loop3A_1175 = arith.constant 0 : i32
        %parallel_loop3A_1176 = arith.constant 14 : i32
        %parallel_loop3A_1177 = arith.index_cast %parallel_loop3A_1175 : i32 to index
        %parallel_loop3A_1178 = arith.index_cast %parallel_loop3A_1176 : i32 to index
        %parallel_loop3A_1179 = arith.index_cast %parallel_loop3A_984 : i32 to index
        %parallel_loop3A_1180 = arith.index_cast %parallel_loop3A_1002 : i32 to index
        %parallel_loop3A_1181 = tpu.vector_load %arg8[%parallel_loop3A_1177, %parallel_loop3A_1178, %parallel_loop3A_1179, %parallel_loop3A_1180] {strides = array<i32>} : memref<2x16x8x128xf32, #tpu.memory_space<vmem>>, vector<16xf32>,
        %parallel_loop3A_1182 = arith.fptosi %parallel_loop3A_1181 : vector<16xf32> to vector<16xi32>
        %parallel_loop3A_1183 = arith.sitofp %parallel_loop3A_1182 : vector<16xi32> to vector<16xf32>
        %parallel_loop3A_1184 = arith.subf %parallel_loop3A_1181, %parallel_loop3A_1183 : vector<16xf32>
        %parallel_loop3A_1185 = arith.constant 28672 : i32
        %parallel_loop3A_1186 = tpu.memref_slice %arg6[%parallel_loop3A_1185] : memref<32768xi32, #tpu.memory_space<vmem>> -> memref<2048xi32, #tpu.memory_space<vmem>>
        %parallel_loop3A_1187 = tpu.vector_load_idx %parallel_loop3A_1186[%parallel_loop3A_1182] : memref<2048xi32, #tpu.memory_space<vmem>>[vector<16xi32>], vector<16xi32>,
        %parallel_loop3A_1188 = arith.constant 28672 : i32
        %parallel_loop3A_1189 = tpu.memref_slice %arg7[%parallel_loop3A_1188] : memref<32768xi32, #tpu.memory_space<vmem>> -> memref<2048xi32, #tpu.memory_space<vmem>>
        %parallel_loop3A_1190 = tpu.vector_load_idx %parallel_loop3A_1189[%parallel_loop3A_1182] : memref<2048xi32, #tpu.memory_space<vmem>>[vector<16xi32>], vector<16xi32>,
        %parallel_loop3A_1191 = vector.bitcast %parallel_loop3A_1187 : vector<16xi32> to vector<32xbf16>
        %parallel_loop3A_1192 = tpu.unpack_subelements %parallel_loop3A_1191, 0 {pack_format = #tpu.pack_format<interleaved>} : vector<32xbf16> -> vector<16xf32>
        %parallel_loop3A_1193 = tpu.unpack_subelements %parallel_loop3A_1191, 1 {pack_format = #tpu.pack_format<interleaved>} : vector<32xbf16> -> vector<16xf32>
        %parallel_loop3A_1194 = vector.bitcast %parallel_loop3A_1190 : vector<16xi32> to vector<32xbf16>
        %parallel_loop3A_1195 = tpu.unpack_subelements %parallel_loop3A_1194, 0 {pack_format = #tpu.pack_format<interleaved>} : vector<32xbf16> -> vector<16xf32>
        %parallel_loop3A_1196 = tpu.unpack_subelements %parallel_loop3A_1194, 1 {pack_format = #tpu.pack_format<interleaved>} : vector<32xbf16> -> vector<16xf32>
        %parallel_loop3A_1197 = arith.addf %parallel_loop3A_1171, %parallel_loop3A_1192 : vector<16xf32>
        %parallel_loop3A_1198 = arith.mulf %parallel_loop3A_1184, %parallel_loop3A_1193 : vector<16xf32>
        %parallel_loop3A_1199 = arith.addf %parallel_loop3A_1197, %parallel_loop3A_1198 : vector<16xf32>
        %parallel_loop3A_1200 = arith.addf %parallel_loop3A_1174, %parallel_loop3A_1195 : vector<16xf32>
        %parallel_loop3A_1201 = arith.mulf %parallel_loop3A_1184, %parallel_loop3A_1196 : vector<16xf32>
        %parallel_loop3A_1202 = arith.addf %parallel_loop3A_1200, %parallel_loop3A_1201 : vector<16xf32>
        %parallel_loop3A_1203 = arith.constant 0 : i32
        %parallel_loop3A_1204 = arith.constant 15 : i32
        %parallel_loop3A_1205 = arith.index_cast %parallel_loop3A_1203 : i32 to index
        %parallel_loop3A_1206 = arith.index_cast %parallel_loop3A_1204 : i32 to index
        %parallel_loop3A_1207 = arith.index_cast %parallel_loop3A_984 : i32 to index
        %parallel_loop3A_1208 = arith.index_cast %parallel_loop3A_1002 : i32 to index
        %parallel_loop3A_1209 = tpu.vector_load %arg8[%parallel_loop3A_1205, %parallel_loop3A_1206, %parallel_loop3A_1207, %parallel_loop3A_1208] {strides = array<i32>} : memref<2x16x8x128xf32, #tpu.memory_space<vmem>>, vector<16xf32>,
        %parallel_loop3A_1210 = arith.fptosi %parallel_loop3A_1209 : vector<16xf32> to vector<16xi32>
        %parallel_loop3A_1211 = arith.sitofp %parallel_loop3A_1210 : vector<16xi32> to vector<16xf32>
        %parallel_loop3A_1212 = arith.subf %parallel_loop3A_1209, %parallel_loop3A_1211 : vector<16xf32>
        %parallel_loop3A_1213 = arith.constant 30720 : i32
        %parallel_loop3A_1214 = tpu.memref_slice %arg6[%parallel_loop3A_1213] : memref<32768xi32, #tpu.memory_space<vmem>> -> memref<2048xi32, #tpu.memory_space<vmem>>
        %parallel_loop3A_1215 = tpu.vector_load_idx %parallel_loop3A_1214[%parallel_loop3A_1210] : memref<2048xi32, #tpu.memory_space<vmem>>[vector<16xi32>], vector<16xi32>,
        %parallel_loop3A_1216 = arith.constant 30720 : i32
        %parallel_loop3A_1217 = tpu.memref_slice %arg7[%parallel_loop3A_1216] : memref<32768xi32, #tpu.memory_space<vmem>> -> memref<2048xi32, #tpu.memory_space<vmem>>
        %parallel_loop3A_1218 = tpu.vector_load_idx %parallel_loop3A_1217[%parallel_loop3A_1210] : memref<2048xi32, #tpu.memory_space<vmem>>[vector<16xi32>], vector<16xi32>,
        %parallel_loop3A_1219 = vector.bitcast %parallel_loop3A_1215 : vector<16xi32> to vector<32xbf16>
        %parallel_loop3A_1220 = tpu.unpack_subelements %parallel_loop3A_1219, 0 {pack_format = #tpu.pack_format<interleaved>} : vector<32xbf16> -> vector<16xf32>
        %parallel_loop3A_1221 = tpu.unpack_subelements %parallel_loop3A_1219, 1 {pack_format = #tpu.pack_format<interleaved>} : vector<32xbf16> -> vector<16xf32>
        %parallel_loop3A_1222 = vector.bitcast %parallel_loop3A_1218 : vector<16xi32> to vector<32xbf16>
        %parallel_loop3A_1223 = tpu.unpack_subelements %parallel_loop3A_1222, 0 {pack_format = #tpu.pack_format<interleaved>} : vector<32xbf16> -> vector<16xf32>
        %parallel_loop3A_1224 = tpu.unpack_subelements %parallel_loop3A_1222, 1 {pack_format = #tpu.pack_format<interleaved>} : vector<32xbf16> -> vector<16xf32>
        %parallel_loop3A_1225 = arith.addf %parallel_loop3A_1199, %parallel_loop3A_1220 : vector<16xf32>
        %parallel_loop3A_1226 = arith.mulf %parallel_loop3A_1212, %parallel_loop3A_1221 : vector<16xf32>
        %parallel_loop3A_1227 = arith.addf %parallel_loop3A_1225, %parallel_loop3A_1226 : vector<16xf32>
        %parallel_loop3A_1228 = arith.addf %parallel_loop3A_1202, %parallel_loop3A_1223 : vector<16xf32>
        %parallel_loop3A_1229 = arith.mulf %parallel_loop3A_1212, %parallel_loop3A_1224 : vector<16xf32>
        %parallel_loop3A_1230 = arith.addf %parallel_loop3A_1228, %parallel_loop3A_1229 : vector<16xf32>
        %parallel_loop3A_1231 = arith.constant 0 : i32
        %parallel_loop3A_1232 = arith.constant 0 : i32
        %parallel_loop3A_1233 = arith.index_cast %parallel_loop3A_1231 : i32 to index
        %parallel_loop3A_1234 = arith.index_cast %parallel_loop3A_984 : i32 to index
        %parallel_loop3A_1235 = arith.index_cast %parallel_loop3A_1232 : i32 to index
        %parallel_loop3A_1236 = arith.index_cast %parallel_loop3A_1002 : i32 to index
        %parallel_loop3A_1237 = tpu.vector_load %arg9[%parallel_loop3A_1233, %parallel_loop3A_1234, %parallel_loop3A_1235, %parallel_loop3A_1236] {strides = array<i32>} : memref<2x8x2x128xf32, #tpu.memory_space<vmem>>, vector<16xf32>,
        tpu.vector_store %arg9[%parallel_loop3A_1233, %parallel_loop3A_1234, %parallel_loop3A_1235, %parallel_loop3A_1236], %parallel_loop3A_1227 {add = true, strides = array<i32>} : memref<2x8x2x128xf32, #tpu.memory_space<vmem>>, vector<16xf32>,
        %parallel_loop3A_1238 = arith.constant 0 : i32
        %parallel_loop3A_1239 = arith.constant 1 : i32
        %parallel_loop3A_1240 = arith.index_cast %parallel_loop3A_1238 : i32 to index
        %parallel_loop3A_1241 = arith.index_cast %parallel_loop3A_984 : i32 to index
        %parallel_loop3A_1242 = arith.index_cast %parallel_loop3A_1239 : i32 to index
        %parallel_loop3A_1243 = arith.index_cast %parallel_loop3A_1002 : i32 to index
        %parallel_loop3A_1244 = tpu.vector_load %arg9[%parallel_loop3A_1240, %parallel_loop3A_1241, %parallel_loop3A_1242, %parallel_loop3A_1243] {strides = array<i32>} : memref<2x8x2x128xf32, #tpu.memory_space<vmem>>, vector<16xf32>,
        tpu.vector_store %arg9[%parallel_loop3A_1240, %parallel_loop3A_1241, %parallel_loop3A_1242, %parallel_loop3A_1243], %parallel_loop3A_1230 {add = true, strides = array<i32>} : memref<2x8x2x128xf32, #tpu.memory_space<vmem>>, vector<16xf32>,
      } {sc.loop_unroll_factor = 1 : i64, sc.parallel_access}
      %mul3A_884 = arith.constant 8 : i32
      %mul3A_885 = arith.muli %mul3A_857, %mul3A_884 : i32
      %add3A_886 = arith.addi %mul3A_32, %mul3A_885 : i32
      %dma_start3A_887 = arith.constant 0 : i32
      %dma_start3A_888 = arith.constant 0 : i32
      %dma_start3A_889 = arith.constant 0 : i32
      %dma_start3A_890 = arith.constant 0 : i32
      %dma_start3A_891 = tpu.memref_slice %arg9[%dma_start3A_887, %dma_start3A_888, %dma_start3A_889, %dma_start3A_890] : memref<2x8x2x128xf32, #tpu.memory_space<vmem>> -> memref<1x8x2x128xf32, #tpu.memory_space<vmem>>
      %dma_start3A_892 = tpu.memref_squeeze %dma_start3A_891 : memref<1x8x2x128xf32, #tpu.memory_space<vmem>> -> memref<8x2x128xf32, #tpu.memory_space<vmem>>
      %dma_start3A_893 = arith.constant 0 : i32
      %dma_start3A_894 = arith.constant 0 : i32
      %dma_start3A_895 = tpu.memref_slice %arg5[%select_n3A, %add3A_886, %dma_start3A_893, %dma_start3A_894] : memref<8x256x2x128xf32, #tpu.memory_space<hbm>> -> memref<1x8x2x128xf32, #tpu.memory_space<hbm>>
      %dma_start3A_896 = tpu.memref_squeeze %dma_start3A_895 : memref<1x8x2x128xf32, #tpu.memory_space<hbm>> -> memref<8x2x128xf32, #tpu.memory_space<hbm>>
      %dma_start3A_897 = arith.constant 0 : i32
      %dma_start3A_898 = arith.constant 0 : i32
      %dma_start3A_899 = tpu.memref_slice %arg5[%select_n3A, %add3A_886, %dma_start3A_897, %dma_start3A_898] : memref<8x256x2x128xf32, #tpu.memory_space<hbm>> -> memref<1x8x2x128xf32, #tpu.memory_space<hbm>>
      %dma_start3A_900 = tpu.memref_squeeze %dma_start3A_899 : memref<1x8x2x128xf32, #tpu.memory_space<hbm>> -> memref<8x2x128xf32, #tpu.memory_space<hbm>>
      %dma_start3A_901 = arith.constant 0 : i32
      %dma_start3A_902 = arith.constant 0 : i32
      %dma_start3A_903 = arith.constant 0 : i32
      %dma_start3A_904 = tpu.memref_slice %arg9[%dma_start3A_887, %dma_start3A_901, %dma_start3A_902, %dma_start3A_903] : memref<2x8x2x128xf32, #tpu.memory_space<vmem>> -> memref<1x8x2x128xf32, #tpu.memory_space<vmem>>
      %dma_start3A_905 = tpu.memref_squeeze %dma_start3A_904 : memref<1x8x2x128xf32, #tpu.memory_space<vmem>> -> memref<8x2x128xf32, #tpu.memory_space<vmem>>
      tpu.enqueue_dma source(%dma_start3A_905 : memref<8x2x128xf32, #tpu.memory_space<vmem>>) target(%dma_start3A_900 : memref<8x2x128xf32, #tpu.memory_space<hbm>>) target_semaphore(%arg14 : memref<!tpu.dma_semaphore, #tpu.memory_space<semaphore_mem>>)
      %add3A_906 = arith.constant 1 : i32
      %add3A_907 = arith.addi %mul3A_857, %add3A_906 : i32
      %mul3A_908 = arith.constant 8 : i32
      %mul3A_909 = arith.muli %add3A_907, %mul3A_908 : i32
      %add3A_910 = arith.addi %mul3A_32, %mul3A_909 : i32
      %dma_wait3A_911 = arith.constant 1 : i32
      %dma_wait3A_912 = arith.constant 0 : i32
      %dma_wait3A_913 = arith.constant 0 : i32
      %dma_wait3A_914 = arith.constant 0 : i32
      %dma_wait3A_915 = tpu.memref_slice %arg8[%dma_wait3A_911, %dma_wait3A_912, %dma_wait3A_913, %dma_wait3A_914] : memref<2x16x8x128xf32, #tpu.memory_space<vmem>> -> memref<1x16x8x128xf32, #tpu.memory_space<vmem>>
      %dma_wait3A_916 = tpu.memref_squeeze %dma_wait3A_915 : memref<1x16x8x128xf32, #tpu.memory_space<vmem>> -> memref<16x8x128xf32, #tpu.memory_space<vmem>>
      %dma_wait3A_917 = arith.constant 0 : i32
      %dma_wait3A_918 = arith.constant 0 : i32
      %dma_wait3A_919 = tpu.memref_slice %arg3[%dma_wait3A_917, %add3A_910, %dma_wait3A_918] : memref<64x256x128xf32, #tpu.memory_space<hbm>> -> memref<64x8x128xf32, #tpu.memory_space<hbm>>
      tpu.wait_indirect_dma semaphore(%arg13 : memref<!tpu.dma_semaphore, #tpu.memory_space<semaphore_mem>>) src(%dma_wait3A_919 : memref<64x8x128xf32, #tpu.memory_space<hbm>>) dst(%dma_wait3A_916 : memref<16x8x128xf32, #tpu.memory_space<vmem>>)
      %add3A_920 = arith.constant 1 : i32
      %add3A_921 = arith.addi %add3A_907, %add3A_920 : i32
      %lt3A_922 = arith.constant 8 : i32
      %lt3A_923 = arith.cmpi slt, %add3A_921, %lt3A_922 : i32
      %convert_element_type3A_924 = arith.extui %lt3A_923 : i1 to i32
      %cond3A_925 = arith.constant 0 : i32
      %cond3A_926 = arith.cmpi ne, %convert_element_type3A_924, %cond3A_925 : i32
      scf.if %cond3A_926 {
        %add3A_960 = arith.constant 1 : i32
        %add3A_961 = arith.addi %add3A_907, %add3A_960 : i32
        %mul3A_962 = arith.constant 8 : i32
        %mul3A_963 = arith.muli %add3A_961, %mul3A_962 : i32
        %add3A_964 = arith.addi %mul3A_32, %mul3A_963 : i32
        %dma_start3A_965 = arith.constant 0 : i32
        %dma_start3A_966 = arith.constant 0 : i32
        %dma_start3A_967 = arith.constant 0 : i32
        %dma_start3A_968 = arith.constant 0 : i32
        %dma_start3A_969 = tpu.memref_slice %arg8[%dma_start3A_965, %dma_start3A_966, %dma_start3A_967, %dma_start3A_968] : memref<2x16x8x128xf32, #tpu.memory_space<vmem>> -> memref<1x16x8x128xf32, #tpu.memory_space<vmem>>
        %dma_start3A_970 = tpu.memref_squeeze %dma_start3A_969 : memref<1x16x8x128xf32, #tpu.memory_space<vmem>> -> memref<16x8x128xf32, #tpu.memory_space<vmem>>
        %dma_start3A_971 = arith.constant 0 : i32
        %dma_start3A_972 = arith.constant 0 : i32
        %dma_start3A_973 = tpu.memref_slice %arg3[%dma_start3A_971, %add3A_964, %dma_start3A_972] : memref<64x256x128xf32, #tpu.memory_space<hbm>> -> memref<64x8x128xf32, #tpu.memory_space<hbm>>
        tpu.enqueue_indirect_dma source(%dma_start3A_973 : memref<64x8x128xf32, #tpu.memory_space<hbm>>) target(%dma_start3A_970 : memref<16x8x128xf32, #tpu.memory_space<vmem>>) offsets(%arg10 : memref<16xi32, #tpu.memory_space<vmem>>) semaphore(%arg12 : memref<!tpu.dma_semaphore, #tpu.memory_space<semaphore_mem>>)
      } else {
      }
      %ge3A_927 = arith.constant 2 : i32
      %ge3A_928 = arith.cmpi sge, %add3A_907, %ge3A_927 : i32
      %convert_element_type3A_929 = arith.extui %ge3A_928 : i1 to i32
      %cond3A_930 = arith.constant 0 : i32
      %cond3A_931 = arith.cmpi ne, %convert_element_type3A_929, %cond3A_930 : i32
      scf.if %cond3A_931 {
        %mul3A_960 = arith.constant 8 : i32
        %mul3A_961 = arith.muli %add3A_907, %mul3A_960 : i32
        %add3A_962 = arith.addi %mul3A_32, %mul3A_961 : i32
        %dma_wait3A_963 = arith.constant 1 : i32
        %dma_wait3A_964 = arith.constant 0 : i32
        %dma_wait3A_965 = arith.constant 0 : i32
        %dma_wait3A_966 = arith.constant 0 : i32
        %dma_wait3A_967 = tpu.memref_slice %arg9[%dma_wait3A_963, %dma_wait3A_964, %dma_wait3A_965, %dma_wait3A_966] : memref<2x8x2x128xf32, #tpu.memory_space<vmem>> -> memref<1x8x2x128xf32, #tpu.memory_space<vmem>>
        %dma_wait3A_968 = tpu.memref_squeeze %dma_wait3A_967 : memref<1x8x2x128xf32, #tpu.memory_space<vmem>> -> memref<8x2x128xf32, #tpu.memory_space<vmem>>
        %dma_wait3A_969 = arith.constant 0 : i32
        %dma_wait3A_970 = arith.constant 0 : i32
        %dma_wait3A_971 = tpu.memref_slice %arg5[%select_n3A, %add3A_962, %dma_wait3A_969, %dma_wait3A_970] : memref<8x256x2x128xf32, #tpu.memory_space<hbm>> -> memref<1x8x2x128xf32, #tpu.memory_space<hbm>>
        %dma_wait3A_972 = tpu.memref_squeeze %dma_wait3A_971 : memref<1x8x2x128xf32, #tpu.memory_space<hbm>> -> memref<8x2x128xf32, #tpu.memory_space<hbm>>
        %dma_wait3A_973 = arith.constant 0 : i32
        %dma_wait3A_974 = arith.constant 0 : i32
        %dma_wait3A_975 = tpu.memref_slice %arg5[%select_n3A, %add3A_962, %dma_wait3A_973, %dma_wait3A_974] : memref<8x256x2x128xf32, #tpu.memory_space<hbm>> -> memref<1x8x2x128xf32, #tpu.memory_space<hbm>>
        %dma_wait3A_976 = tpu.memref_squeeze %dma_wait3A_975 : memref<1x8x2x128xf32, #tpu.memory_space<hbm>> -> memref<8x2x128xf32, #tpu.memory_space<hbm>>
        %dma_wait3A_977 = arith.constant 0 : i32
        %dma_wait3A_978 = arith.constant 0 : i32
        %dma_wait3A_979 = arith.constant 0 : i32
        %dma_wait3A_980 = tpu.memref_slice %arg9[%dma_wait3A_963, %dma_wait3A_977, %dma_wait3A_978, %dma_wait3A_979] : memref<2x8x2x128xf32, #tpu.memory_space<vmem>> -> memref<1x8x2x128xf32, #tpu.memory_space<vmem>>
        %dma_wait3A_981 = tpu.memref_squeeze %dma_wait3A_980 : memref<1x8x2x128xf32, #tpu.memory_space<vmem>> -> memref<8x2x128xf32, #tpu.memory_space<vmem>>
        tpu.wait_dma2 semaphore(%arg15 : memref<!tpu.dma_semaphore, #tpu.memory_space<semaphore_mem>>) src(%dma_wait3A_981 : memref<8x2x128xf32, #tpu.memory_space<vmem>>) dst(%dma_wait3A_976 : memref<8x2x128xf32, #tpu.memory_space<hbm>>)
      } else {
      }
      %parallel_loop3A_932 = arith.constant 0 : i32
      %parallel_loop3A_933 = arith.constant 64 : i32
      %parallel_loop3A_934 = arith.constant 1 : i32
      scf.for %parallel_loop3A_960 = %parallel_loop3A_932 to %parallel_loop3A_933 step %parallel_loop3A_934  : i32 {
        %parallel_loop3A_961 = arith.constant 8 : i32
        %parallel_loop3A_962 = arith.divsi %parallel_loop3A_960, %parallel_loop3A_961 : i32
        %parallel_loop3A_963 = arith.constant 0 : i32
        %parallel_loop3A_964 = arith.cmpi sgt, %parallel_loop3A_960, %parallel_loop3A_963 : i32
        %parallel_loop3A_965 = arith.extui %parallel_loop3A_964 : i1 to i32
        %parallel_loop3A_966 = arith.constant 0 : i32
        %parallel_loop3A_967 = arith.cmpi slt, %parallel_loop3A_960, %parallel_loop3A_966 : i32
        %parallel_loop3A_968 = arith.extui %parallel_loop3A_967 : i1 to i32
        %parallel_loop3A_969 = arith.subi %parallel_loop3A_965, %parallel_loop3A_968 : i32
        %parallel_loop3A_970 = arith.constant 0 : i32
        %parallel_loop3A_971 = arith.cmpi sgt, %parallel_loop3A_961, %parallel_loop3A_970 : i32
        %parallel_loop3A_972 = arith.extui %parallel_loop3A_971 : i1 to i32
        %parallel_loop3A_973 = arith.constant 0 : i32
        %parallel_loop3A_974 = arith.cmpi slt, %parallel_loop3A_961, %parallel_loop3A_973 : i32
        %parallel_loop3A_975 = arith.extui %parallel_loop3A_974 : i1 to i32
        %parallel_loop3A_976 = arith.subi %parallel_loop3A_972, %parallel_loop3A_975 : i32
        %parallel_loop3A_977 = arith.cmpi ne, %parallel_loop3A_969, %parallel_loop3A_976 : i32
        %parallel_loop3A_978 = arith.remsi %parallel_loop3A_960, %parallel_loop3A_961 : i32
        %parallel_loop3A_979 = arith.constant 0 : i32
        %parallel_loop3A_980 = arith.cmpi ne, %parallel_loop3A_978, %parallel_loop3A_979 : i32
        %parallel_loop3A_981 = arith.andi %parallel_loop3A_977, %parallel_loop3A_980 : i1
        %parallel_loop3A_982 = arith.constant 1 : i32
        %parallel_loop3A_983 = arith.subi %parallel_loop3A_962, %parallel_loop3A_982 : i32
        %parallel_loop3A_984 = arith.select %parallel_loop3A_981, %parallel_loop3A_983, %parallel_loop3A_962 : i32
        %parallel_loop3A_985 = arith.constant 8 : i32
        %parallel_loop3A_986 = arith.constant 0 : i32
        %parallel_loop3A_987 = arith.cmpi eq, %parallel_loop3A_985, %parallel_loop3A_986 : i32
        %parallel_loop3A_988 = arith.constant 1 : i32
        %parallel_loop3A_989 = arith.select %parallel_loop3A_987, %parallel_loop3A_988, %parallel_loop3A_985 : i32
        %parallel_loop3A_990 = arith.remsi %parallel_loop3A_960, %parallel_loop3A_989 : i32
        %parallel_loop3A_991 = arith.constant 0 : i32
        %parallel_loop3A_992 = arith.cmpi ne, %parallel_loop3A_990, %parallel_loop3A_991 : i32
        %parallel_loop3A_993 = arith.constant 0 : i32
        %parallel_loop3A_994 = arith.cmpi slt, %parallel_loop3A_990, %parallel_loop3A_993 : i32
        %parallel_loop3A_995 = arith.constant 0 : i32
        %parallel_loop3A_996 = arith.cmpi slt, %parallel_loop3A_989, %parallel_loop3A_995 : i32
        %parallel_loop3A_997 = arith.xori %parallel_loop3A_994, %parallel_loop3A_996 : i1
        %parallel_loop3A_998 = arith.andi %parallel_loop3A_997, %parallel_loop3A_992 : i1
        %parallel_loop3A_999 = arith.addi %parallel_loop3A_990, %parallel_loop3A_989 : i32
        %parallel_loop3A_1000 = arith.select %parallel_loop3A_998, %parallel_loop3A_999, %parallel_loop3A_990 : i32
        %parallel_loop3A_1001 = arith.constant 16 : i32
        %parallel_loop3A_1002 = arith.muli %parallel_loop3A_1000, %parallel_loop3A_1001 : i32
        %parallel_loop3A_1003 = arith.constant 0.000000e+00 : f32
        %parallel_loop3A_1004 = vector.broadcast %parallel_loop3A_1003 : f32 to vector<16xf32>
        %parallel_loop3A_1005 = arith.constant 0.000000e+00 : f32
        %parallel_loop3A_1006 = vector.broadcast %parallel_loop3A_1005 : f32 to vector<16xf32>
        %parallel_loop3A_1007 = arith.constant 1 : i32
        %parallel_loop3A_1008 = arith.constant 0 : i32
        %parallel_loop3A_1009 = arith.index_cast %parallel_loop3A_1007 : i32 to index
        %parallel_loop3A_1010 = arith.index_cast %parallel_loop3A_1008 : i32 to index
        %parallel_loop3A_1011 = arith.index_cast %parallel_loop3A_984 : i32 to index
        %parallel_loop3A_1012 = arith.index_cast %parallel_loop3A_1002 : i32 to index
        %parallel_loop3A_1013 = tpu.vector_load %arg8[%parallel_loop3A_1009, %parallel_loop3A_1010, %parallel_loop3A_1011, %parallel_loop3A_1012] {strides = array<i32>} : memref<2x16x8x128xf32, #tpu.memory_space<vmem>>, vector<16xf32>,
        %parallel_loop3A_1014 = arith.fptosi %parallel_loop3A_1013 : vector<16xf32> to vector<16xi32>
        %parallel_loop3A_1015 = arith.sitofp %parallel_loop3A_1014 : vector<16xi32> to vector<16xf32>
        %parallel_loop3A_1016 = arith.subf %parallel_loop3A_1013, %parallel_loop3A_1015 : vector<16xf32>
        %parallel_loop3A_1017 = arith.constant 0 : i32
        %parallel_loop3A_1018 = tpu.memref_slice %arg6[%parallel_loop3A_1017] : memref<32768xi32, #tpu.memory_space<vmem>> -> memref<2048xi32, #tpu.memory_space<vmem>>
        %parallel_loop3A_1019 = tpu.vector_load_idx %parallel_loop3A_1018[%parallel_loop3A_1014] : memref<2048xi32, #tpu.memory_space<vmem>>[vector<16xi32>], vector<16xi32>,
        %parallel_loop3A_1020 = arith.constant 0 : i32
        %parallel_loop3A_1021 = tpu.memref_slice %arg7[%parallel_loop3A_1020] : memref<32768xi32, #tpu.memory_space<vmem>> -> memref<2048xi32, #tpu.memory_space<vmem>>
        %parallel_loop3A_1022 = tpu.vector_load_idx %parallel_loop3A_1021[%parallel_loop3A_1014] : memref<2048xi32, #tpu.memory_space<vmem>>[vector<16xi32>], vector<16xi32>,
        %parallel_loop3A_1023 = vector.bitcast %parallel_loop3A_1019 : vector<16xi32> to vector<32xbf16>
        %parallel_loop3A_1024 = tpu.unpack_subelements %parallel_loop3A_1023, 0 {pack_format = #tpu.pack_format<interleaved>} : vector<32xbf16> -> vector<16xf32>
        %parallel_loop3A_1025 = tpu.unpack_subelements %parallel_loop3A_1023, 1 {pack_format = #tpu.pack_format<interleaved>} : vector<32xbf16> -> vector<16xf32>
        %parallel_loop3A_1026 = vector.bitcast %parallel_loop3A_1022 : vector<16xi32> to vector<32xbf16>
        %parallel_loop3A_1027 = tpu.unpack_subelements %parallel_loop3A_1026, 0 {pack_format = #tpu.pack_format<interleaved>} : vector<32xbf16> -> vector<16xf32>
        %parallel_loop3A_1028 = tpu.unpack_subelements %parallel_loop3A_1026, 1 {pack_format = #tpu.pack_format<interleaved>} : vector<32xbf16> -> vector<16xf32>
        %parallel_loop3A_1029 = arith.addf %parallel_loop3A_1004, %parallel_loop3A_1024 : vector<16xf32>
        %parallel_loop3A_1030 = arith.mulf %parallel_loop3A_1016, %parallel_loop3A_1025 : vector<16xf32>
        %parallel_loop3A_1031 = arith.addf %parallel_loop3A_1029, %parallel_loop3A_1030 : vector<16xf32>
        %parallel_loop3A_1032 = arith.addf %parallel_loop3A_1006, %parallel_loop3A_1027 : vector<16xf32>
        %parallel_loop3A_1033 = arith.mulf %parallel_loop3A_1016, %parallel_loop3A_1028 : vector<16xf32>
        %parallel_loop3A_1034 = arith.addf %parallel_loop3A_1032, %parallel_loop3A_1033 : vector<16xf32>
        %parallel_loop3A_1035 = arith.constant 1 : i32
        %parallel_loop3A_1036 = arith.constant 1 : i32
        %parallel_loop3A_1037 = arith.index_cast %parallel_loop3A_1035 : i32 to index
        %parallel_loop3A_1038 = arith.index_cast %parallel_loop3A_1036 : i32 to index
        %parallel_loop3A_1039 = arith.index_cast %parallel_loop3A_984 : i32 to index
        %parallel_loop3A_1040 = arith.index_cast %parallel_loop3A_1002 : i32 to index
        %parallel_loop3A_1041 = tpu.vector_load %arg8[%parallel_loop3A_1037, %parallel_loop3A_1038, %parallel_loop3A_1039, %parallel_loop3A_1040] {strides = array<i32>} : memref<2x16x8x128xf32, #tpu.memory_space<vmem>>, vector<16xf32>,
        %parallel_loop3A_1042 = arith.fptosi %parallel_loop3A_1041 : vector<16xf32> to vector<16xi32>
        %parallel_loop3A_1043 = arith.sitofp %parallel_loop3A_1042 : vector<16xi32> to vector<16xf32>
        %parallel_loop3A_1044 = arith.subf %parallel_loop3A_1041, %parallel_loop3A_1043 : vector<16xf32>
        %parallel_loop3A_1045 = arith.constant 2048 : i32
        %parallel_loop3A_1046 = tpu.memref_slice %arg6[%parallel_loop3A_1045] : memref<32768xi32, #tpu.memory_space<vmem>> -> memref<2048xi32, #tpu.memory_space<vmem>>
        %parallel_loop3A_1047 = tpu.vector_load_idx %parallel_loop3A_1046[%parallel_loop3A_1042] : memref<2048xi32, #tpu.memory_space<vmem>>[vector<16xi32>], vector<16xi32>,
        %parallel_loop3A_1048 = arith.constant 2048 : i32
        %parallel_loop3A_1049 = tpu.memref_slice %arg7[%parallel_loop3A_1048] : memref<32768xi32, #tpu.memory_space<vmem>> -> memref<2048xi32, #tpu.memory_space<vmem>>
        %parallel_loop3A_1050 = tpu.vector_load_idx %parallel_loop3A_1049[%parallel_loop3A_1042] : memref<2048xi32, #tpu.memory_space<vmem>>[vector<16xi32>], vector<16xi32>,
        %parallel_loop3A_1051 = vector.bitcast %parallel_loop3A_1047 : vector<16xi32> to vector<32xbf16>
        %parallel_loop3A_1052 = tpu.unpack_subelements %parallel_loop3A_1051, 0 {pack_format = #tpu.pack_format<interleaved>} : vector<32xbf16> -> vector<16xf32>
        %parallel_loop3A_1053 = tpu.unpack_subelements %parallel_loop3A_1051, 1 {pack_format = #tpu.pack_format<interleaved>} : vector<32xbf16> -> vector<16xf32>
        %parallel_loop3A_1054 = vector.bitcast %parallel_loop3A_1050 : vector<16xi32> to vector<32xbf16>
        %parallel_loop3A_1055 = tpu.unpack_subelements %parallel_loop3A_1054, 0 {pack_format = #tpu.pack_format<interleaved>} : vector<32xbf16> -> vector<16xf32>
        %parallel_loop3A_1056 = tpu.unpack_subelements %parallel_loop3A_1054, 1 {pack_format = #tpu.pack_format<interleaved>} : vector<32xbf16> -> vector<16xf32>
        %parallel_loop3A_1057 = arith.addf %parallel_loop3A_1031, %parallel_loop3A_1052 : vector<16xf32>
        %parallel_loop3A_1058 = arith.mulf %parallel_loop3A_1044, %parallel_loop3A_1053 : vector<16xf32>
        %parallel_loop3A_1059 = arith.addf %parallel_loop3A_1057, %parallel_loop3A_1058 : vector<16xf32>
        %parallel_loop3A_1060 = arith.addf %parallel_loop3A_1034, %parallel_loop3A_1055 : vector<16xf32>
        %parallel_loop3A_1061 = arith.mulf %parallel_loop3A_1044, %parallel_loop3A_1056 : vector<16xf32>
        %parallel_loop3A_1062 = arith.addf %parallel_loop3A_1060, %parallel_loop3A_1061 : vector<16xf32>
        %parallel_loop3A_1063 = arith.constant 1 : i32
        %parallel_loop3A_1064 = arith.constant 2 : i32
        %parallel_loop3A_1065 = arith.index_cast %parallel_loop3A_1063 : i32 to index
        %parallel_loop3A_1066 = arith.index_cast %parallel_loop3A_1064 : i32 to index
        %parallel_loop3A_1067 = arith.index_cast %parallel_loop3A_984 : i32 to index
        %parallel_loop3A_1068 = arith.index_cast %parallel_loop3A_1002 : i32 to index
        %parallel_loop3A_1069 = tpu.vector_load %arg8[%parallel_loop3A_1065, %parallel_loop3A_1066, %parallel_loop3A_1067, %parallel_loop3A_1068] {strides = array<i32>} : memref<2x16x8x128xf32, #tpu.memory_space<vmem>>, vector<16xf32>,
        %parallel_loop3A_1070 = arith.fptosi %parallel_loop3A_1069 : vector<16xf32> to vector<16xi32>
        %parallel_loop3A_1071 = arith.sitofp %parallel_loop3A_1070 : vector<16xi32> to vector<16xf32>
        %parallel_loop3A_1072 = arith.subf %parallel_loop3A_1069, %parallel_loop3A_1071 : vector<16xf32>
        %parallel_loop3A_1073 = arith.constant 4096 : i32
        %parallel_loop3A_1074 = tpu.memref_slice %arg6[%parallel_loop3A_1073] : memref<32768xi32, #tpu.memory_space<vmem>> -> memref<2048xi32, #tpu.memory_space<vmem>>
        %parallel_loop3A_1075 = tpu.vector_load_idx %parallel_loop3A_1074[%parallel_loop3A_1070] : memref<2048xi32, #tpu.memory_space<vmem>>[vector<16xi32>], vector<16xi32>,
        %parallel_loop3A_1076 = arith.constant 4096 : i32
        %parallel_loop3A_1077 = tpu.memref_slice %arg7[%parallel_loop3A_1076] : memref<32768xi32, #tpu.memory_space<vmem>> -> memref<2048xi32, #tpu.memory_space<vmem>>
        %parallel_loop3A_1078 = tpu.vector_load_idx %parallel_loop3A_1077[%parallel_loop3A_1070] : memref<2048xi32, #tpu.memory_space<vmem>>[vector<16xi32>], vector<16xi32>,
        %parallel_loop3A_1079 = vector.bitcast %parallel_loop3A_1075 : vector<16xi32> to vector<32xbf16>
        %parallel_loop3A_1080 = tpu.unpack_subelements %parallel_loop3A_1079, 0 {pack_format = #tpu.pack_format<interleaved>} : vector<32xbf16> -> vector<16xf32>
        %parallel_loop3A_1081 = tpu.unpack_subelements %parallel_loop3A_1079, 1 {pack_format = #tpu.pack_format<interleaved>} : vector<32xbf16> -> vector<16xf32>
        %parallel_loop3A_1082 = vector.bitcast %parallel_loop3A_1078 : vector<16xi32> to vector<32xbf16>
        %parallel_loop3A_1083 = tpu.unpack_subelements %parallel_loop3A_1082, 0 {pack_format = #tpu.pack_format<interleaved>} : vector<32xbf16> -> vector<16xf32>
        %parallel_loop3A_1084 = tpu.unpack_subelements %parallel_loop3A_1082, 1 {pack_format = #tpu.pack_format<interleaved>} : vector<32xbf16> -> vector<16xf32>
        %parallel_loop3A_1085 = arith.addf %parallel_loop3A_1059, %parallel_loop3A_1080 : vector<16xf32>
        %parallel_loop3A_1086 = arith.mulf %parallel_loop3A_1072, %parallel_loop3A_1081 : vector<16xf32>
        %parallel_loop3A_1087 = arith.addf %parallel_loop3A_1085, %parallel_loop3A_1086 : vector<16xf32>
        %parallel_loop3A_1088 = arith.addf %parallel_loop3A_1062, %parallel_loop3A_1083 : vector<16xf32>
        %parallel_loop3A_1089 = arith.mulf %parallel_loop3A_1072, %parallel_loop3A_1084 : vector<16xf32>
        %parallel_loop3A_1090 = arith.addf %parallel_loop3A_1088, %parallel_loop3A_1089 : vector<16xf32>
        %parallel_loop3A_1091 = arith.constant 1 : i32
        %parallel_loop3A_1092 = arith.constant 3 : i32
        %parallel_loop3A_1093 = arith.index_cast %parallel_loop3A_1091 : i32 to index
        %parallel_loop3A_1094 = arith.index_cast %parallel_loop3A_1092 : i32 to index
        %parallel_loop3A_1095 = arith.index_cast %parallel_loop3A_984 : i32 to index
        %parallel_loop3A_1096 = arith.index_cast %parallel_loop3A_1002 : i32 to index
        %parallel_loop3A_1097 = tpu.vector_load %arg8[%parallel_loop3A_1093, %parallel_loop3A_1094, %parallel_loop3A_1095, %parallel_loop3A_1096] {strides = array<i32>} : memref<2x16x8x128xf32, #tpu.memory_space<vmem>>, vector<16xf32>,
        %parallel_loop3A_1098 = arith.fptosi %parallel_loop3A_1097 : vector<16xf32> to vector<16xi32>
        %parallel_loop3A_1099 = arith.sitofp %parallel_loop3A_1098 : vector<16xi32> to vector<16xf32>
        %parallel_loop3A_1100 = arith.subf %parallel_loop3A_1097, %parallel_loop3A_1099 : vector<16xf32>
        %parallel_loop3A_1101 = arith.constant 6144 : i32
        %parallel_loop3A_1102 = tpu.memref_slice %arg6[%parallel_loop3A_1101] : memref<32768xi32, #tpu.memory_space<vmem>> -> memref<2048xi32, #tpu.memory_space<vmem>>
        %parallel_loop3A_1103 = tpu.vector_load_idx %parallel_loop3A_1102[%parallel_loop3A_1098] : memref<2048xi32, #tpu.memory_space<vmem>>[vector<16xi32>], vector<16xi32>,
        %parallel_loop3A_1104 = arith.constant 6144 : i32
        %parallel_loop3A_1105 = tpu.memref_slice %arg7[%parallel_loop3A_1104] : memref<32768xi32, #tpu.memory_space<vmem>> -> memref<2048xi32, #tpu.memory_space<vmem>>
        %parallel_loop3A_1106 = tpu.vector_load_idx %parallel_loop3A_1105[%parallel_loop3A_1098] : memref<2048xi32, #tpu.memory_space<vmem>>[vector<16xi32>], vector<16xi32>,
        %parallel_loop3A_1107 = vector.bitcast %parallel_loop3A_1103 : vector<16xi32> to vector<32xbf16>
        %parallel_loop3A_1108 = tpu.unpack_subelements %parallel_loop3A_1107, 0 {pack_format = #tpu.pack_format<interleaved>} : vector<32xbf16> -> vector<16xf32>
        %parallel_loop3A_1109 = tpu.unpack_subelements %parallel_loop3A_1107, 1 {pack_format = #tpu.pack_format<interleaved>} : vector<32xbf16> -> vector<16xf32>
        %parallel_loop3A_1110 = vector.bitcast %parallel_loop3A_1106 : vector<16xi32> to vector<32xbf16>
        %parallel_loop3A_1111 = tpu.unpack_subelements %parallel_loop3A_1110, 0 {pack_format = #tpu.pack_format<interleaved>} : vector<32xbf16> -> vector<16xf32>
        %parallel_loop3A_1112 = tpu.unpack_subelements %parallel_loop3A_1110, 1 {pack_format = #tpu.pack_format<interleaved>} : vector<32xbf16> -> vector<16xf32>
        %parallel_loop3A_1113 = arith.addf %parallel_loop3A_1087, %parallel_loop3A_1108 : vector<16xf32>
        %parallel_loop3A_1114 = arith.mulf %parallel_loop3A_1100, %parallel_loop3A_1109 : vector<16xf32>
        %parallel_loop3A_1115 = arith.addf %parallel_loop3A_1113, %parallel_loop3A_1114 : vector<16xf32>
        %parallel_loop3A_1116 = arith.addf %parallel_loop3A_1090, %parallel_loop3A_1111 : vector<16xf32>
        %parallel_loop3A_1117 = arith.mulf %parallel_loop3A_1100, %parallel_loop3A_1112 : vector<16xf32>
        %parallel_loop3A_1118 = arith.addf %parallel_loop3A_1116, %parallel_loop3A_1117 : vector<16xf32>
        %parallel_loop3A_1119 = arith.constant 1 : i32
        %parallel_loop3A_1120 = arith.constant 4 : i32
        %parallel_loop3A_1121 = arith.index_cast %parallel_loop3A_1119 : i32 to index
        %parallel_loop3A_1122 = arith.index_cast %parallel_loop3A_1120 : i32 to index
        %parallel_loop3A_1123 = arith.index_cast %parallel_loop3A_984 : i32 to index
        %parallel_loop3A_1124 = arith.index_cast %parallel_loop3A_1002 : i32 to index
        %parallel_loop3A_1125 = tpu.vector_load %arg8[%parallel_loop3A_1121, %parallel_loop3A_1122, %parallel_loop3A_1123, %parallel_loop3A_1124] {strides = array<i32>} : memref<2x16x8x128xf32, #tpu.memory_space<vmem>>, vector<16xf32>,
        %parallel_loop3A_1126 = arith.fptosi %parallel_loop3A_1125 : vector<16xf32> to vector<16xi32>
        %parallel_loop3A_1127 = arith.sitofp %parallel_loop3A_1126 : vector<16xi32> to vector<16xf32>
        %parallel_loop3A_1128 = arith.subf %parallel_loop3A_1125, %parallel_loop3A_1127 : vector<16xf32>
        %parallel_loop3A_1129 = arith.constant 8192 : i32
        %parallel_loop3A_1130 = tpu.memref_slice %arg6[%parallel_loop3A_1129] : memref<32768xi32, #tpu.memory_space<vmem>> -> memref<2048xi32, #tpu.memory_space<vmem>>
        %parallel_loop3A_1131 = tpu.vector_load_idx %parallel_loop3A_1130[%parallel_loop3A_1126] : memref<2048xi32, #tpu.memory_space<vmem>>[vector<16xi32>], vector<16xi32>,
        %parallel_loop3A_1132 = arith.constant 8192 : i32
        %parallel_loop3A_1133 = tpu.memref_slice %arg7[%parallel_loop3A_1132] : memref<32768xi32, #tpu.memory_space<vmem>> -> memref<2048xi32, #tpu.memory_space<vmem>>
        %parallel_loop3A_1134 = tpu.vector_load_idx %parallel_loop3A_1133[%parallel_loop3A_1126] : memref<2048xi32, #tpu.memory_space<vmem>>[vector<16xi32>], vector<16xi32>,
        %parallel_loop3A_1135 = vector.bitcast %parallel_loop3A_1131 : vector<16xi32> to vector<32xbf16>
        %parallel_loop3A_1136 = tpu.unpack_subelements %parallel_loop3A_1135, 0 {pack_format = #tpu.pack_format<interleaved>} : vector<32xbf16> -> vector<16xf32>
        %parallel_loop3A_1137 = tpu.unpack_subelements %parallel_loop3A_1135, 1 {pack_format = #tpu.pack_format<interleaved>} : vector<32xbf16> -> vector<16xf32>
        %parallel_loop3A_1138 = vector.bitcast %parallel_loop3A_1134 : vector<16xi32> to vector<32xbf16>
        %parallel_loop3A_1139 = tpu.unpack_subelements %parallel_loop3A_1138, 0 {pack_format = #tpu.pack_format<interleaved>} : vector<32xbf16> -> vector<16xf32>
        %parallel_loop3A_1140 = tpu.unpack_subelements %parallel_loop3A_1138, 1 {pack_format = #tpu.pack_format<interleaved>} : vector<32xbf16> -> vector<16xf32>
        %parallel_loop3A_1141 = arith.addf %parallel_loop3A_1115, %parallel_loop3A_1136 : vector<16xf32>
        %parallel_loop3A_1142 = arith.mulf %parallel_loop3A_1128, %parallel_loop3A_1137 : vector<16xf32>
        %parallel_loop3A_1143 = arith.addf %parallel_loop3A_1141, %parallel_loop3A_1142 : vector<16xf32>
        %parallel_loop3A_1144 = arith.addf %parallel_loop3A_1118, %parallel_loop3A_1139 : vector<16xf32>
        %parallel_loop3A_1145 = arith.mulf %parallel_loop3A_1128, %parallel_loop3A_1140 : vector<16xf32>
        %parallel_loop3A_1146 = arith.addf %parallel_loop3A_1144, %parallel_loop3A_1145 : vector<16xf32>
        %parallel_loop3A_1147 = arith.constant 1 : i32
        %parallel_loop3A_1148 = arith.constant 5 : i32
        %parallel_loop3A_1149 = arith.index_cast %parallel_loop3A_1147 : i32 to index
        %parallel_loop3A_1150 = arith.index_cast %parallel_loop3A_1148 : i32 to index
        %parallel_loop3A_1151 = arith.index_cast %parallel_loop3A_984 : i32 to index
        %parallel_loop3A_1152 = arith.index_cast %parallel_loop3A_1002 : i32 to index
        %parallel_loop3A_1153 = tpu.vector_load %arg8[%parallel_loop3A_1149, %parallel_loop3A_1150, %parallel_loop3A_1151, %parallel_loop3A_1152] {strides = array<i32>} : memref<2x16x8x128xf32, #tpu.memory_space<vmem>>, vector<16xf32>,
        %parallel_loop3A_1154 = arith.fptosi %parallel_loop3A_1153 : vector<16xf32> to vector<16xi32>
        %parallel_loop3A_1155 = arith.sitofp %parallel_loop3A_1154 : vector<16xi32> to vector<16xf32>
        %parallel_loop3A_1156 = arith.subf %parallel_loop3A_1153, %parallel_loop3A_1155 : vector<16xf32>
        %parallel_loop3A_1157 = arith.constant 10240 : i32
        %parallel_loop3A_1158 = tpu.memref_slice %arg6[%parallel_loop3A_1157] : memref<32768xi32, #tpu.memory_space<vmem>> -> memref<2048xi32, #tpu.memory_space<vmem>>
        %parallel_loop3A_1159 = tpu.vector_load_idx %parallel_loop3A_1158[%parallel_loop3A_1154] : memref<2048xi32, #tpu.memory_space<vmem>>[vector<16xi32>], vector<16xi32>,
        %parallel_loop3A_1160 = arith.constant 10240 : i32
        %parallel_loop3A_1161 = tpu.memref_slice %arg7[%parallel_loop3A_1160] : memref<32768xi32, #tpu.memory_space<vmem>> -> memref<2048xi32, #tpu.memory_space<vmem>>
        %parallel_loop3A_1162 = tpu.vector_load_idx %parallel_loop3A_1161[%parallel_loop3A_1154] : memref<2048xi32, #tpu.memory_space<vmem>>[vector<16xi32>], vector<16xi32>,
        %parallel_loop3A_1163 = vector.bitcast %parallel_loop3A_1159 : vector<16xi32> to vector<32xbf16>
        %parallel_loop3A_1164 = tpu.unpack_subelements %parallel_loop3A_1163, 0 {pack_format = #tpu.pack_format<interleaved>} : vector<32xbf16> -> vector<16xf32>
        %parallel_loop3A_1165 = tpu.unpack_subelements %parallel_loop3A_1163, 1 {pack_format = #tpu.pack_format<interleaved>} : vector<32xbf16> -> vector<16xf32>
        %parallel_loop3A_1166 = vector.bitcast %parallel_loop3A_1162 : vector<16xi32> to vector<32xbf16>
        %parallel_loop3A_1167 = tpu.unpack_subelements %parallel_loop3A_1166, 0 {pack_format = #tpu.pack_format<interleaved>} : vector<32xbf16> -> vector<16xf32>
        %parallel_loop3A_1168 = tpu.unpack_subelements %parallel_loop3A_1166, 1 {pack_format = #tpu.pack_format<interleaved>} : vector<32xbf16> -> vector<16xf32>
        %parallel_loop3A_1169 = arith.addf %parallel_loop3A_1143, %parallel_loop3A_1164 : vector<16xf32>
        %parallel_loop3A_1170 = arith.mulf %parallel_loop3A_1156, %parallel_loop3A_1165 : vector<16xf32>
        %parallel_loop3A_1171 = arith.addf %parallel_loop3A_1169, %parallel_loop3A_1170 : vector<16xf32>
        %parallel_loop3A_1172 = arith.addf %parallel_loop3A_1146, %parallel_loop3A_1167 : vector<16xf32>
        %parallel_loop3A_1173 = arith.mulf %parallel_loop3A_1156, %parallel_loop3A_1168 : vector<16xf32>
        %parallel_loop3A_1174 = arith.addf %parallel_loop3A_1172, %parallel_loop3A_1173 : vector<16xf32>
        %parallel_loop3A_1175 = arith.constant 1 : i32
        %parallel_loop3A_1176 = arith.constant 6 : i32
        %parallel_loop3A_1177 = arith.index_cast %parallel_loop3A_1175 : i32 to index
        %parallel_loop3A_1178 = arith.index_cast %parallel_loop3A_1176 : i32 to index
        %parallel_loop3A_1179 = arith.index_cast %parallel_loop3A_984 : i32 to index
        %parallel_loop3A_1180 = arith.index_cast %parallel_loop3A_1002 : i32 to index
        %parallel_loop3A_1181 = tpu.vector_load %arg8[%parallel_loop3A_1177, %parallel_loop3A_1178, %parallel_loop3A_1179, %parallel_loop3A_1180] {strides = array<i32>} : memref<2x16x8x128xf32, #tpu.memory_space<vmem>>, vector<16xf32>,
        %parallel_loop3A_1182 = arith.fptosi %parallel_loop3A_1181 : vector<16xf32> to vector<16xi32>
        %parallel_loop3A_1183 = arith.sitofp %parallel_loop3A_1182 : vector<16xi32> to vector<16xf32>
        %parallel_loop3A_1184 = arith.subf %parallel_loop3A_1181, %parallel_loop3A_1183 : vector<16xf32>
        %parallel_loop3A_1185 = arith.constant 12288 : i32
        %parallel_loop3A_1186 = tpu.memref_slice %arg6[%parallel_loop3A_1185] : memref<32768xi32, #tpu.memory_space<vmem>> -> memref<2048xi32, #tpu.memory_space<vmem>>
        %parallel_loop3A_1187 = tpu.vector_load_idx %parallel_loop3A_1186[%parallel_loop3A_1182] : memref<2048xi32, #tpu.memory_space<vmem>>[vector<16xi32>], vector<16xi32>,
        %parallel_loop3A_1188 = arith.constant 12288 : i32
        %parallel_loop3A_1189 = tpu.memref_slice %arg7[%parallel_loop3A_1188] : memref<32768xi32, #tpu.memory_space<vmem>> -> memref<2048xi32, #tpu.memory_space<vmem>>
        %parallel_loop3A_1190 = tpu.vector_load_idx %parallel_loop3A_1189[%parallel_loop3A_1182] : memref<2048xi32, #tpu.memory_space<vmem>>[vector<16xi32>], vector<16xi32>,
        %parallel_loop3A_1191 = vector.bitcast %parallel_loop3A_1187 : vector<16xi32> to vector<32xbf16>
        %parallel_loop3A_1192 = tpu.unpack_subelements %parallel_loop3A_1191, 0 {pack_format = #tpu.pack_format<interleaved>} : vector<32xbf16> -> vector<16xf32>
        %parallel_loop3A_1193 = tpu.unpack_subelements %parallel_loop3A_1191, 1 {pack_format = #tpu.pack_format<interleaved>} : vector<32xbf16> -> vector<16xf32>
        %parallel_loop3A_1194 = vector.bitcast %parallel_loop3A_1190 : vector<16xi32> to vector<32xbf16>
        %parallel_loop3A_1195 = tpu.unpack_subelements %parallel_loop3A_1194, 0 {pack_format = #tpu.pack_format<interleaved>} : vector<32xbf16> -> vector<16xf32>
        %parallel_loop3A_1196 = tpu.unpack_subelements %parallel_loop3A_1194, 1 {pack_format = #tpu.pack_format<interleaved>} : vector<32xbf16> -> vector<16xf32>
        %parallel_loop3A_1197 = arith.addf %parallel_loop3A_1171, %parallel_loop3A_1192 : vector<16xf32>
        %parallel_loop3A_1198 = arith.mulf %parallel_loop3A_1184, %parallel_loop3A_1193 : vector<16xf32>
        %parallel_loop3A_1199 = arith.addf %parallel_loop3A_1197, %parallel_loop3A_1198 : vector<16xf32>
        %parallel_loop3A_1200 = arith.addf %parallel_loop3A_1174, %parallel_loop3A_1195 : vector<16xf32>
        %parallel_loop3A_1201 = arith.mulf %parallel_loop3A_1184, %parallel_loop3A_1196 : vector<16xf32>
        %parallel_loop3A_1202 = arith.addf %parallel_loop3A_1200, %parallel_loop3A_1201 : vector<16xf32>
        %parallel_loop3A_1203 = arith.constant 1 : i32
        %parallel_loop3A_1204 = arith.constant 7 : i32
        %parallel_loop3A_1205 = arith.index_cast %parallel_loop3A_1203 : i32 to index
        %parallel_loop3A_1206 = arith.index_cast %parallel_loop3A_1204 : i32 to index
        %parallel_loop3A_1207 = arith.index_cast %parallel_loop3A_984 : i32 to index
        %parallel_loop3A_1208 = arith.index_cast %parallel_loop3A_1002 : i32 to index
        %parallel_loop3A_1209 = tpu.vector_load %arg8[%parallel_loop3A_1205, %parallel_loop3A_1206, %parallel_loop3A_1207, %parallel_loop3A_1208] {strides = array<i32>} : memref<2x16x8x128xf32, #tpu.memory_space<vmem>>, vector<16xf32>,
        %parallel_loop3A_1210 = arith.fptosi %parallel_loop3A_1209 : vector<16xf32> to vector<16xi32>
        %parallel_loop3A_1211 = arith.sitofp %parallel_loop3A_1210 : vector<16xi32> to vector<16xf32>
        %parallel_loop3A_1212 = arith.subf %parallel_loop3A_1209, %parallel_loop3A_1211 : vector<16xf32>
        %parallel_loop3A_1213 = arith.constant 14336 : i32
        %parallel_loop3A_1214 = tpu.memref_slice %arg6[%parallel_loop3A_1213] : memref<32768xi32, #tpu.memory_space<vmem>> -> memref<2048xi32, #tpu.memory_space<vmem>>
        %parallel_loop3A_1215 = tpu.vector_load_idx %parallel_loop3A_1214[%parallel_loop3A_1210] : memref<2048xi32, #tpu.memory_space<vmem>>[vector<16xi32>], vector<16xi32>,
        %parallel_loop3A_1216 = arith.constant 14336 : i32
        %parallel_loop3A_1217 = tpu.memref_slice %arg7[%parallel_loop3A_1216] : memref<32768xi32, #tpu.memory_space<vmem>> -> memref<2048xi32, #tpu.memory_space<vmem>>
        %parallel_loop3A_1218 = tpu.vector_load_idx %parallel_loop3A_1217[%parallel_loop3A_1210] : memref<2048xi32, #tpu.memory_space<vmem>>[vector<16xi32>], vector<16xi32>,
        %parallel_loop3A_1219 = vector.bitcast %parallel_loop3A_1215 : vector<16xi32> to vector<32xbf16>
        %parallel_loop3A_1220 = tpu.unpack_subelements %parallel_loop3A_1219, 0 {pack_format = #tpu.pack_format<interleaved>} : vector<32xbf16> -> vector<16xf32>
        %parallel_loop3A_1221 = tpu.unpack_subelements %parallel_loop3A_1219, 1 {pack_format = #tpu.pack_format<interleaved>} : vector<32xbf16> -> vector<16xf32>
        %parallel_loop3A_1222 = vector.bitcast %parallel_loop3A_1218 : vector<16xi32> to vector<32xbf16>
        %parallel_loop3A_1223 = tpu.unpack_subelements %parallel_loop3A_1222, 0 {pack_format = #tpu.pack_format<interleaved>} : vector<32xbf16> -> vector<16xf32>
        %parallel_loop3A_1224 = tpu.unpack_subelements %parallel_loop3A_1222, 1 {pack_format = #tpu.pack_format<interleaved>} : vector<32xbf16> -> vector<16xf32>
        %parallel_loop3A_1225 = arith.addf %parallel_loop3A_1199, %parallel_loop3A_1220 : vector<16xf32>
        %parallel_loop3A_1226 = arith.mulf %parallel_loop3A_1212, %parallel_loop3A_1221 : vector<16xf32>
        %parallel_loop3A_1227 = arith.addf %parallel_loop3A_1225, %parallel_loop3A_1226 : vector<16xf32>
        %parallel_loop3A_1228 = arith.addf %parallel_loop3A_1202, %parallel_loop3A_1223 : vector<16xf32>
        %parallel_loop3A_1229 = arith.mulf %parallel_loop3A_1212, %parallel_loop3A_1224 : vector<16xf32>
        %parallel_loop3A_1230 = arith.addf %parallel_loop3A_1228, %parallel_loop3A_1229 : vector<16xf32>
        %parallel_loop3A_1231 = arith.constant 1 : i32
        %parallel_loop3A_1232 = arith.constant 0 : i32
        %parallel_loop3A_1233 = arith.index_cast %parallel_loop3A_1231 : i32 to index
        %parallel_loop3A_1234 = arith.index_cast %parallel_loop3A_984 : i32 to index
        %parallel_loop3A_1235 = arith.index_cast %parallel_loop3A_1232 : i32 to index
        %parallel_loop3A_1236 = arith.index_cast %parallel_loop3A_1002 : i32 to index
        %parallel_loop3A_1237 = tpu.vector_load %arg9[%parallel_loop3A_1233, %parallel_loop3A_1234, %parallel_loop3A_1235, %parallel_loop3A_1236] {strides = array<i32>} : memref<2x8x2x128xf32, #tpu.memory_space<vmem>>, vector<16xf32>,
        tpu.vector_store %arg9[%parallel_loop3A_1233, %parallel_loop3A_1234, %parallel_loop3A_1235, %parallel_loop3A_1236], %parallel_loop3A_1227 {strides = array<i32>} : memref<2x8x2x128xf32, #tpu.memory_space<vmem>>, vector<16xf32>,
        %parallel_loop3A_1238 = arith.constant 1 : i32
        %parallel_loop3A_1239 = arith.constant 1 : i32
        %parallel_loop3A_1240 = arith.index_cast %parallel_loop3A_1238 : i32 to index
        %parallel_loop3A_1241 = arith.index_cast %parallel_loop3A_984 : i32 to index
        %parallel_loop3A_1242 = arith.index_cast %parallel_loop3A_1239 : i32 to index
        %parallel_loop3A_1243 = arith.index_cast %parallel_loop3A_1002 : i32 to index
        %parallel_loop3A_1244 = tpu.vector_load %arg9[%parallel_loop3A_1240, %parallel_loop3A_1241, %parallel_loop3A_1242, %parallel_loop3A_1243] {strides = array<i32>} : memref<2x8x2x128xf32, #tpu.memory_space<vmem>>, vector<16xf32>,
        tpu.vector_store %arg9[%parallel_loop3A_1240, %parallel_loop3A_1241, %parallel_loop3A_1242, %parallel_loop3A_1243], %parallel_loop3A_1230 {strides = array<i32>} : memref<2x8x2x128xf32, #tpu.memory_space<vmem>>, vector<16xf32>,
      } {sc.loop_unroll_factor = 1 : i64, sc.parallel_access}
      %parallel_loop3A_935 = arith.constant 0 : i32
      %parallel_loop3A_936 = arith.constant 64 : i32
      %parallel_loop3A_937 = arith.constant 1 : i32
      scf.for %parallel_loop3A_960 = %parallel_loop3A_935 to %parallel_loop3A_936 step %parallel_loop3A_937  : i32 {
        %parallel_loop3A_961 = arith.constant 8 : i32
        %parallel_loop3A_962 = arith.divsi %parallel_loop3A_960, %parallel_loop3A_961 : i32
        %parallel_loop3A_963 = arith.constant 0 : i32
        %parallel_loop3A_964 = arith.cmpi sgt, %parallel_loop3A_960, %parallel_loop3A_963 : i32
        %parallel_loop3A_965 = arith.extui %parallel_loop3A_964 : i1 to i32
        %parallel_loop3A_966 = arith.constant 0 : i32
        %parallel_loop3A_967 = arith.cmpi slt, %parallel_loop3A_960, %parallel_loop3A_966 : i32
        %parallel_loop3A_968 = arith.extui %parallel_loop3A_967 : i1 to i32
        %parallel_loop3A_969 = arith.subi %parallel_loop3A_965, %parallel_loop3A_968 : i32
        %parallel_loop3A_970 = arith.constant 0 : i32
        %parallel_loop3A_971 = arith.cmpi sgt, %parallel_loop3A_961, %parallel_loop3A_970 : i32
        %parallel_loop3A_972 = arith.extui %parallel_loop3A_971 : i1 to i32
        %parallel_loop3A_973 = arith.constant 0 : i32
        %parallel_loop3A_974 = arith.cmpi slt, %parallel_loop3A_961, %parallel_loop3A_973 : i32
        %parallel_loop3A_975 = arith.extui %parallel_loop3A_974 : i1 to i32
        %parallel_loop3A_976 = arith.subi %parallel_loop3A_972, %parallel_loop3A_975 : i32
        %parallel_loop3A_977 = arith.cmpi ne, %parallel_loop3A_969, %parallel_loop3A_976 : i32
        %parallel_loop3A_978 = arith.remsi %parallel_loop3A_960, %parallel_loop3A_961 : i32
        %parallel_loop3A_979 = arith.constant 0 : i32
        %parallel_loop3A_980 = arith.cmpi ne, %parallel_loop3A_978, %parallel_loop3A_979 : i32
        %parallel_loop3A_981 = arith.andi %parallel_loop3A_977, %parallel_loop3A_980 : i1
        %parallel_loop3A_982 = arith.constant 1 : i32
        %parallel_loop3A_983 = arith.subi %parallel_loop3A_962, %parallel_loop3A_982 : i32
        %parallel_loop3A_984 = arith.select %parallel_loop3A_981, %parallel_loop3A_983, %parallel_loop3A_962 : i32
        %parallel_loop3A_985 = arith.constant 8 : i32
        %parallel_loop3A_986 = arith.constant 0 : i32
        %parallel_loop3A_987 = arith.cmpi eq, %parallel_loop3A_985, %parallel_loop3A_986 : i32
        %parallel_loop3A_988 = arith.constant 1 : i32
        %parallel_loop3A_989 = arith.select %parallel_loop3A_987, %parallel_loop3A_988, %parallel_loop3A_985 : i32
        %parallel_loop3A_990 = arith.remsi %parallel_loop3A_960, %parallel_loop3A_989 : i32
        %parallel_loop3A_991 = arith.constant 0 : i32
        %parallel_loop3A_992 = arith.cmpi ne, %parallel_loop3A_990, %parallel_loop3A_991 : i32
        %parallel_loop3A_993 = arith.constant 0 : i32
        %parallel_loop3A_994 = arith.cmpi slt, %parallel_loop3A_990, %parallel_loop3A_993 : i32
        %parallel_loop3A_995 = arith.constant 0 : i32
        %parallel_loop3A_996 = arith.cmpi slt, %parallel_loop3A_989, %parallel_loop3A_995 : i32
        %parallel_loop3A_997 = arith.xori %parallel_loop3A_994, %parallel_loop3A_996 : i1
        %parallel_loop3A_998 = arith.andi %parallel_loop3A_997, %parallel_loop3A_992 : i1
        %parallel_loop3A_999 = arith.addi %parallel_loop3A_990, %parallel_loop3A_989 : i32
        %parallel_loop3A_1000 = arith.select %parallel_loop3A_998, %parallel_loop3A_999, %parallel_loop3A_990 : i32
        %parallel_loop3A_1001 = arith.constant 16 : i32
        %parallel_loop3A_1002 = arith.muli %parallel_loop3A_1000, %parallel_loop3A_1001 : i32
        %parallel_loop3A_1003 = arith.constant 0.000000e+00 : f32
        %parallel_loop3A_1004 = vector.broadcast %parallel_loop3A_1003 : f32 to vector<16xf32>
        %parallel_loop3A_1005 = arith.constant 0.000000e+00 : f32
        %parallel_loop3A_1006 = vector.broadcast %parallel_loop3A_1005 : f32 to vector<16xf32>
        %parallel_loop3A_1007 = arith.constant 1 : i32
        %parallel_loop3A_1008 = arith.constant 8 : i32
        %parallel_loop3A_1009 = arith.index_cast %parallel_loop3A_1007 : i32 to index
        %parallel_loop3A_1010 = arith.index_cast %parallel_loop3A_1008 : i32 to index
        %parallel_loop3A_1011 = arith.index_cast %parallel_loop3A_984 : i32 to index
        %parallel_loop3A_1012 = arith.index_cast %parallel_loop3A_1002 : i32 to index
        %parallel_loop3A_1013 = tpu.vector_load %arg8[%parallel_loop3A_1009, %parallel_loop3A_1010, %parallel_loop3A_1011, %parallel_loop3A_1012] {strides = array<i32>} : memref<2x16x8x128xf32, #tpu.memory_space<vmem>>, vector<16xf32>,
        %parallel_loop3A_1014 = arith.fptosi %parallel_loop3A_1013 : vector<16xf32> to vector<16xi32>
        %parallel_loop3A_1015 = arith.sitofp %parallel_loop3A_1014 : vector<16xi32> to vector<16xf32>
        %parallel_loop3A_1016 = arith.subf %parallel_loop3A_1013, %parallel_loop3A_1015 : vector<16xf32>
        %parallel_loop3A_1017 = arith.constant 16384 : i32
        %parallel_loop3A_1018 = tpu.memref_slice %arg6[%parallel_loop3A_1017] : memref<32768xi32, #tpu.memory_space<vmem>> -> memref<2048xi32, #tpu.memory_space<vmem>>
        %parallel_loop3A_1019 = tpu.vector_load_idx %parallel_loop3A_1018[%parallel_loop3A_1014] : memref<2048xi32, #tpu.memory_space<vmem>>[vector<16xi32>], vector<16xi32>,
        %parallel_loop3A_1020 = arith.constant 16384 : i32
        %parallel_loop3A_1021 = tpu.memref_slice %arg7[%parallel_loop3A_1020] : memref<32768xi32, #tpu.memory_space<vmem>> -> memref<2048xi32, #tpu.memory_space<vmem>>
        %parallel_loop3A_1022 = tpu.vector_load_idx %parallel_loop3A_1021[%parallel_loop3A_1014] : memref<2048xi32, #tpu.memory_space<vmem>>[vector<16xi32>], vector<16xi32>,
        %parallel_loop3A_1023 = vector.bitcast %parallel_loop3A_1019 : vector<16xi32> to vector<32xbf16>
        %parallel_loop3A_1024 = tpu.unpack_subelements %parallel_loop3A_1023, 0 {pack_format = #tpu.pack_format<interleaved>} : vector<32xbf16> -> vector<16xf32>
        %parallel_loop3A_1025 = tpu.unpack_subelements %parallel_loop3A_1023, 1 {pack_format = #tpu.pack_format<interleaved>} : vector<32xbf16> -> vector<16xf32>
        %parallel_loop3A_1026 = vector.bitcast %parallel_loop3A_1022 : vector<16xi32> to vector<32xbf16>
        %parallel_loop3A_1027 = tpu.unpack_subelements %parallel_loop3A_1026, 0 {pack_format = #tpu.pack_format<interleaved>} : vector<32xbf16> -> vector<16xf32>
        %parallel_loop3A_1028 = tpu.unpack_subelements %parallel_loop3A_1026, 1 {pack_format = #tpu.pack_format<interleaved>} : vector<32xbf16> -> vector<16xf32>
        %parallel_loop3A_1029 = arith.addf %parallel_loop3A_1004, %parallel_loop3A_1024 : vector<16xf32>
        %parallel_loop3A_1030 = arith.mulf %parallel_loop3A_1016, %parallel_loop3A_1025 : vector<16xf32>
        %parallel_loop3A_1031 = arith.addf %parallel_loop3A_1029, %parallel_loop3A_1030 : vector<16xf32>
        %parallel_loop3A_1032 = arith.addf %parallel_loop3A_1006, %parallel_loop3A_1027 : vector<16xf32>
        %parallel_loop3A_1033 = arith.mulf %parallel_loop3A_1016, %parallel_loop3A_1028 : vector<16xf32>
        %parallel_loop3A_1034 = arith.addf %parallel_loop3A_1032, %parallel_loop3A_1033 : vector<16xf32>
        %parallel_loop3A_1035 = arith.constant 1 : i32
        %parallel_loop3A_1036 = arith.constant 9 : i32
        %parallel_loop3A_1037 = arith.index_cast %parallel_loop3A_1035 : i32 to index
        %parallel_loop3A_1038 = arith.index_cast %parallel_loop3A_1036 : i32 to index
        %parallel_loop3A_1039 = arith.index_cast %parallel_loop3A_984 : i32 to index
        %parallel_loop3A_1040 = arith.index_cast %parallel_loop3A_1002 : i32 to index
        %parallel_loop3A_1041 = tpu.vector_load %arg8[%parallel_loop3A_1037, %parallel_loop3A_1038, %parallel_loop3A_1039, %parallel_loop3A_1040] {strides = array<i32>} : memref<2x16x8x128xf32, #tpu.memory_space<vmem>>, vector<16xf32>,
        %parallel_loop3A_1042 = arith.fptosi %parallel_loop3A_1041 : vector<16xf32> to vector<16xi32>
        %parallel_loop3A_1043 = arith.sitofp %parallel_loop3A_1042 : vector<16xi32> to vector<16xf32>
        %parallel_loop3A_1044 = arith.subf %parallel_loop3A_1041, %parallel_loop3A_1043 : vector<16xf32>
        %parallel_loop3A_1045 = arith.constant 18432 : i32
        %parallel_loop3A_1046 = tpu.memref_slice %arg6[%parallel_loop3A_1045] : memref<32768xi32, #tpu.memory_space<vmem>> -> memref<2048xi32, #tpu.memory_space<vmem>>
        %parallel_loop3A_1047 = tpu.vector_load_idx %parallel_loop3A_1046[%parallel_loop3A_1042] : memref<2048xi32, #tpu.memory_space<vmem>>[vector<16xi32>], vector<16xi32>,
        %parallel_loop3A_1048 = arith.constant 18432 : i32
        %parallel_loop3A_1049 = tpu.memref_slice %arg7[%parallel_loop3A_1048] : memref<32768xi32, #tpu.memory_space<vmem>> -> memref<2048xi32, #tpu.memory_space<vmem>>
        %parallel_loop3A_1050 = tpu.vector_load_idx %parallel_loop3A_1049[%parallel_loop3A_1042] : memref<2048xi32, #tpu.memory_space<vmem>>[vector<16xi32>], vector<16xi32>,
        %parallel_loop3A_1051 = vector.bitcast %parallel_loop3A_1047 : vector<16xi32> to vector<32xbf16>
        %parallel_loop3A_1052 = tpu.unpack_subelements %parallel_loop3A_1051, 0 {pack_format = #tpu.pack_format<interleaved>} : vector<32xbf16> -> vector<16xf32>
        %parallel_loop3A_1053 = tpu.unpack_subelements %parallel_loop3A_1051, 1 {pack_format = #tpu.pack_format<interleaved>} : vector<32xbf16> -> vector<16xf32>
        %parallel_loop3A_1054 = vector.bitcast %parallel_loop3A_1050 : vector<16xi32> to vector<32xbf16>
        %parallel_loop3A_1055 = tpu.unpack_subelements %parallel_loop3A_1054, 0 {pack_format = #tpu.pack_format<interleaved>} : vector<32xbf16> -> vector<16xf32>
        %parallel_loop3A_1056 = tpu.unpack_subelements %parallel_loop3A_1054, 1 {pack_format = #tpu.pack_format<interleaved>} : vector<32xbf16> -> vector<16xf32>
        %parallel_loop3A_1057 = arith.addf %parallel_loop3A_1031, %parallel_loop3A_1052 : vector<16xf32>
        %parallel_loop3A_1058 = arith.mulf %parallel_loop3A_1044, %parallel_loop3A_1053 : vector<16xf32>
        %parallel_loop3A_1059 = arith.addf %parallel_loop3A_1057, %parallel_loop3A_1058 : vector<16xf32>
        %parallel_loop3A_1060 = arith.addf %parallel_loop3A_1034, %parallel_loop3A_1055 : vector<16xf32>
        %parallel_loop3A_1061 = arith.mulf %parallel_loop3A_1044, %parallel_loop3A_1056 : vector<16xf32>
        %parallel_loop3A_1062 = arith.addf %parallel_loop3A_1060, %parallel_loop3A_1061 : vector<16xf32>
        %parallel_loop3A_1063 = arith.constant 1 : i32
        %parallel_loop3A_1064 = arith.constant 10 : i32
        %parallel_loop3A_1065 = arith.index_cast %parallel_loop3A_1063 : i32 to index
        %parallel_loop3A_1066 = arith.index_cast %parallel_loop3A_1064 : i32 to index
        %parallel_loop3A_1067 = arith.index_cast %parallel_loop3A_984 : i32 to index
        %parallel_loop3A_1068 = arith.index_cast %parallel_loop3A_1002 : i32 to index
        %parallel_loop3A_1069 = tpu.vector_load %arg8[%parallel_loop3A_1065, %parallel_loop3A_1066, %parallel_loop3A_1067, %parallel_loop3A_1068] {strides = array<i32>} : memref<2x16x8x128xf32, #tpu.memory_space<vmem>>, vector<16xf32>,
        %parallel_loop3A_1070 = arith.fptosi %parallel_loop3A_1069 : vector<16xf32> to vector<16xi32>
        %parallel_loop3A_1071 = arith.sitofp %parallel_loop3A_1070 : vector<16xi32> to vector<16xf32>
        %parallel_loop3A_1072 = arith.subf %parallel_loop3A_1069, %parallel_loop3A_1071 : vector<16xf32>
        %parallel_loop3A_1073 = arith.constant 20480 : i32
        %parallel_loop3A_1074 = tpu.memref_slice %arg6[%parallel_loop3A_1073] : memref<32768xi32, #tpu.memory_space<vmem>> -> memref<2048xi32, #tpu.memory_space<vmem>>
        %parallel_loop3A_1075 = tpu.vector_load_idx %parallel_loop3A_1074[%parallel_loop3A_1070] : memref<2048xi32, #tpu.memory_space<vmem>>[vector<16xi32>], vector<16xi32>,
        %parallel_loop3A_1076 = arith.constant 20480 : i32
        %parallel_loop3A_1077 = tpu.memref_slice %arg7[%parallel_loop3A_1076] : memref<32768xi32, #tpu.memory_space<vmem>> -> memref<2048xi32, #tpu.memory_space<vmem>>
        %parallel_loop3A_1078 = tpu.vector_load_idx %parallel_loop3A_1077[%parallel_loop3A_1070] : memref<2048xi32, #tpu.memory_space<vmem>>[vector<16xi32>], vector<16xi32>,
        %parallel_loop3A_1079 = vector.bitcast %parallel_loop3A_1075 : vector<16xi32> to vector<32xbf16>
        %parallel_loop3A_1080 = tpu.unpack_subelements %parallel_loop3A_1079, 0 {pack_format = #tpu.pack_format<interleaved>} : vector<32xbf16> -> vector<16xf32>
        %parallel_loop3A_1081 = tpu.unpack_subelements %parallel_loop3A_1079, 1 {pack_format = #tpu.pack_format<interleaved>} : vector<32xbf16> -> vector<16xf32>
        %parallel_loop3A_1082 = vector.bitcast %parallel_loop3A_1078 : vector<16xi32> to vector<32xbf16>
        %parallel_loop3A_1083 = tpu.unpack_subelements %parallel_loop3A_1082, 0 {pack_format = #tpu.pack_format<interleaved>} : vector<32xbf16> -> vector<16xf32>
        %parallel_loop3A_1084 = tpu.unpack_subelements %parallel_loop3A_1082, 1 {pack_format = #tpu.pack_format<interleaved>} : vector<32xbf16> -> vector<16xf32>
        %parallel_loop3A_1085 = arith.addf %parallel_loop3A_1059, %parallel_loop3A_1080 : vector<16xf32>
        %parallel_loop3A_1086 = arith.mulf %parallel_loop3A_1072, %parallel_loop3A_1081 : vector<16xf32>
        %parallel_loop3A_1087 = arith.addf %parallel_loop3A_1085, %parallel_loop3A_1086 : vector<16xf32>
        %parallel_loop3A_1088 = arith.addf %parallel_loop3A_1062, %parallel_loop3A_1083 : vector<16xf32>
        %parallel_loop3A_1089 = arith.mulf %parallel_loop3A_1072, %parallel_loop3A_1084 : vector<16xf32>
        %parallel_loop3A_1090 = arith.addf %parallel_loop3A_1088, %parallel_loop3A_1089 : vector<16xf32>
        %parallel_loop3A_1091 = arith.constant 1 : i32
        %parallel_loop3A_1092 = arith.constant 11 : i32
        %parallel_loop3A_1093 = arith.index_cast %parallel_loop3A_1091 : i32 to index
        %parallel_loop3A_1094 = arith.index_cast %parallel_loop3A_1092 : i32 to index
        %parallel_loop3A_1095 = arith.index_cast %parallel_loop3A_984 : i32 to index
        %parallel_loop3A_1096 = arith.index_cast %parallel_loop3A_1002 : i32 to index
        %parallel_loop3A_1097 = tpu.vector_load %arg8[%parallel_loop3A_1093, %parallel_loop3A_1094, %parallel_loop3A_1095, %parallel_loop3A_1096] {strides = array<i32>} : memref<2x16x8x128xf32, #tpu.memory_space<vmem>>, vector<16xf32>,
        %parallel_loop3A_1098 = arith.fptosi %parallel_loop3A_1097 : vector<16xf32> to vector<16xi32>
        %parallel_loop3A_1099 = arith.sitofp %parallel_loop3A_1098 : vector<16xi32> to vector<16xf32>
        %parallel_loop3A_1100 = arith.subf %parallel_loop3A_1097, %parallel_loop3A_1099 : vector<16xf32>
        %parallel_loop3A_1101 = arith.constant 22528 : i32
        %parallel_loop3A_1102 = tpu.memref_slice %arg6[%parallel_loop3A_1101] : memref<32768xi32, #tpu.memory_space<vmem>> -> memref<2048xi32, #tpu.memory_space<vmem>>
        %parallel_loop3A_1103 = tpu.vector_load_idx %parallel_loop3A_1102[%parallel_loop3A_1098] : memref<2048xi32, #tpu.memory_space<vmem>>[vector<16xi32>], vector<16xi32>,
        %parallel_loop3A_1104 = arith.constant 22528 : i32
        %parallel_loop3A_1105 = tpu.memref_slice %arg7[%parallel_loop3A_1104] : memref<32768xi32, #tpu.memory_space<vmem>> -> memref<2048xi32, #tpu.memory_space<vmem>>
        %parallel_loop3A_1106 = tpu.vector_load_idx %parallel_loop3A_1105[%parallel_loop3A_1098] : memref<2048xi32, #tpu.memory_space<vmem>>[vector<16xi32>], vector<16xi32>,
        %parallel_loop3A_1107 = vector.bitcast %parallel_loop3A_1103 : vector<16xi32> to vector<32xbf16>
        %parallel_loop3A_1108 = tpu.unpack_subelements %parallel_loop3A_1107, 0 {pack_format = #tpu.pack_format<interleaved>} : vector<32xbf16> -> vector<16xf32>
        %parallel_loop3A_1109 = tpu.unpack_subelements %parallel_loop3A_1107, 1 {pack_format = #tpu.pack_format<interleaved>} : vector<32xbf16> -> vector<16xf32>
        %parallel_loop3A_1110 = vector.bitcast %parallel_loop3A_1106 : vector<16xi32> to vector<32xbf16>
        %parallel_loop3A_1111 = tpu.unpack_subelements %parallel_loop3A_1110, 0 {pack_format = #tpu.pack_format<interleaved>} : vector<32xbf16> -> vector<16xf32>
        %parallel_loop3A_1112 = tpu.unpack_subelements %parallel_loop3A_1110, 1 {pack_format = #tpu.pack_format<interleaved>} : vector<32xbf16> -> vector<16xf32>
        %parallel_loop3A_1113 = arith.addf %parallel_loop3A_1087, %parallel_loop3A_1108 : vector<16xf32>
        %parallel_loop3A_1114 = arith.mulf %parallel_loop3A_1100, %parallel_loop3A_1109 : vector<16xf32>
        %parallel_loop3A_1115 = arith.addf %parallel_loop3A_1113, %parallel_loop3A_1114 : vector<16xf32>
        %parallel_loop3A_1116 = arith.addf %parallel_loop3A_1090, %parallel_loop3A_1111 : vector<16xf32>
        %parallel_loop3A_1117 = arith.mulf %parallel_loop3A_1100, %parallel_loop3A_1112 : vector<16xf32>
        %parallel_loop3A_1118 = arith.addf %parallel_loop3A_1116, %parallel_loop3A_1117 : vector<16xf32>
        %parallel_loop3A_1119 = arith.constant 1 : i32
        %parallel_loop3A_1120 = arith.constant 12 : i32
        %parallel_loop3A_1121 = arith.index_cast %parallel_loop3A_1119 : i32 to index
        %parallel_loop3A_1122 = arith.index_cast %parallel_loop3A_1120 : i32 to index
        %parallel_loop3A_1123 = arith.index_cast %parallel_loop3A_984 : i32 to index
        %parallel_loop3A_1124 = arith.index_cast %parallel_loop3A_1002 : i32 to index
        %parallel_loop3A_1125 = tpu.vector_load %arg8[%parallel_loop3A_1121, %parallel_loop3A_1122, %parallel_loop3A_1123, %parallel_loop3A_1124] {strides = array<i32>} : memref<2x16x8x128xf32, #tpu.memory_space<vmem>>, vector<16xf32>,
        %parallel_loop3A_1126 = arith.fptosi %parallel_loop3A_1125 : vector<16xf32> to vector<16xi32>
        %parallel_loop3A_1127 = arith.sitofp %parallel_loop3A_1126 : vector<16xi32> to vector<16xf32>
        %parallel_loop3A_1128 = arith.subf %parallel_loop3A_1125, %parallel_loop3A_1127 : vector<16xf32>
        %parallel_loop3A_1129 = arith.constant 24576 : i32
        %parallel_loop3A_1130 = tpu.memref_slice %arg6[%parallel_loop3A_1129] : memref<32768xi32, #tpu.memory_space<vmem>> -> memref<2048xi32, #tpu.memory_space<vmem>>
        %parallel_loop3A_1131 = tpu.vector_load_idx %parallel_loop3A_1130[%parallel_loop3A_1126] : memref<2048xi32, #tpu.memory_space<vmem>>[vector<16xi32>], vector<16xi32>,
        %parallel_loop3A_1132 = arith.constant 24576 : i32
        %parallel_loop3A_1133 = tpu.memref_slice %arg7[%parallel_loop3A_1132] : memref<32768xi32, #tpu.memory_space<vmem>> -> memref<2048xi32, #tpu.memory_space<vmem>>
        %parallel_loop3A_1134 = tpu.vector_load_idx %parallel_loop3A_1133[%parallel_loop3A_1126] : memref<2048xi32, #tpu.memory_space<vmem>>[vector<16xi32>], vector<16xi32>,
        %parallel_loop3A_1135 = vector.bitcast %parallel_loop3A_1131 : vector<16xi32> to vector<32xbf16>
        %parallel_loop3A_1136 = tpu.unpack_subelements %parallel_loop3A_1135, 0 {pack_format = #tpu.pack_format<interleaved>} : vector<32xbf16> -> vector<16xf32>
        %parallel_loop3A_1137 = tpu.unpack_subelements %parallel_loop3A_1135, 1 {pack_format = #tpu.pack_format<interleaved>} : vector<32xbf16> -> vector<16xf32>
        %parallel_loop3A_1138 = vector.bitcast %parallel_loop3A_1134 : vector<16xi32> to vector<32xbf16>
        %parallel_loop3A_1139 = tpu.unpack_subelements %parallel_loop3A_1138, 0 {pack_format = #tpu.pack_format<interleaved>} : vector<32xbf16> -> vector<16xf32>
        %parallel_loop3A_1140 = tpu.unpack_subelements %parallel_loop3A_1138, 1 {pack_format = #tpu.pack_format<interleaved>} : vector<32xbf16> -> vector<16xf32>
        %parallel_loop3A_1141 = arith.addf %parallel_loop3A_1115, %parallel_loop3A_1136 : vector<16xf32>
        %parallel_loop3A_1142 = arith.mulf %parallel_loop3A_1128, %parallel_loop3A_1137 : vector<16xf32>
        %parallel_loop3A_1143 = arith.addf %parallel_loop3A_1141, %parallel_loop3A_1142 : vector<16xf32>
        %parallel_loop3A_1144 = arith.addf %parallel_loop3A_1118, %parallel_loop3A_1139 : vector<16xf32>
        %parallel_loop3A_1145 = arith.mulf %parallel_loop3A_1128, %parallel_loop3A_1140 : vector<16xf32>
        %parallel_loop3A_1146 = arith.addf %parallel_loop3A_1144, %parallel_loop3A_1145 : vector<16xf32>
        %parallel_loop3A_1147 = arith.constant 1 : i32
        %parallel_loop3A_1148 = arith.constant 13 : i32
        %parallel_loop3A_1149 = arith.index_cast %parallel_loop3A_1147 : i32 to index
        %parallel_loop3A_1150 = arith.index_cast %parallel_loop3A_1148 : i32 to index
        %parallel_loop3A_1151 = arith.index_cast %parallel_loop3A_984 : i32 to index
        %parallel_loop3A_1152 = arith.index_cast %parallel_loop3A_1002 : i32 to index
        %parallel_loop3A_1153 = tpu.vector_load %arg8[%parallel_loop3A_1149, %parallel_loop3A_1150, %parallel_loop3A_1151, %parallel_loop3A_1152] {strides = array<i32>} : memref<2x16x8x128xf32, #tpu.memory_space<vmem>>, vector<16xf32>,
        %parallel_loop3A_1154 = arith.fptosi %parallel_loop3A_1153 : vector<16xf32> to vector<16xi32>
        %parallel_loop3A_1155 = arith.sitofp %parallel_loop3A_1154 : vector<16xi32> to vector<16xf32>
        %parallel_loop3A_1156 = arith.subf %parallel_loop3A_1153, %parallel_loop3A_1155 : vector<16xf32>
        %parallel_loop3A_1157 = arith.constant 26624 : i32
        %parallel_loop3A_1158 = tpu.memref_slice %arg6[%parallel_loop3A_1157] : memref<32768xi32, #tpu.memory_space<vmem>> -> memref<2048xi32, #tpu.memory_space<vmem>>
        %parallel_loop3A_1159 = tpu.vector_load_idx %parallel_loop3A_1158[%parallel_loop3A_1154] : memref<2048xi32, #tpu.memory_space<vmem>>[vector<16xi32>], vector<16xi32>,
        %parallel_loop3A_1160 = arith.constant 26624 : i32
        %parallel_loop3A_1161 = tpu.memref_slice %arg7[%parallel_loop3A_1160] : memref<32768xi32, #tpu.memory_space<vmem>> -> memref<2048xi32, #tpu.memory_space<vmem>>
        %parallel_loop3A_1162 = tpu.vector_load_idx %parallel_loop3A_1161[%parallel_loop3A_1154] : memref<2048xi32, #tpu.memory_space<vmem>>[vector<16xi32>], vector<16xi32>,
        %parallel_loop3A_1163 = vector.bitcast %parallel_loop3A_1159 : vector<16xi32> to vector<32xbf16>
        %parallel_loop3A_1164 = tpu.unpack_subelements %parallel_loop3A_1163, 0 {pack_format = #tpu.pack_format<interleaved>} : vector<32xbf16> -> vector<16xf32>
        %parallel_loop3A_1165 = tpu.unpack_subelements %parallel_loop3A_1163, 1 {pack_format = #tpu.pack_format<interleaved>} : vector<32xbf16> -> vector<16xf32>
        %parallel_loop3A_1166 = vector.bitcast %parallel_loop3A_1162 : vector<16xi32> to vector<32xbf16>
        %parallel_loop3A_1167 = tpu.unpack_subelements %parallel_loop3A_1166, 0 {pack_format = #tpu.pack_format<interleaved>} : vector<32xbf16> -> vector<16xf32>
        %parallel_loop3A_1168 = tpu.unpack_subelements %parallel_loop3A_1166, 1 {pack_format = #tpu.pack_format<interleaved>} : vector<32xbf16> -> vector<16xf32>
        %parallel_loop3A_1169 = arith.addf %parallel_loop3A_1143, %parallel_loop3A_1164 : vector<16xf32>
        %parallel_loop3A_1170 = arith.mulf %parallel_loop3A_1156, %parallel_loop3A_1165 : vector<16xf32>
        %parallel_loop3A_1171 = arith.addf %parallel_loop3A_1169, %parallel_loop3A_1170 : vector<16xf32>
        %parallel_loop3A_1172 = arith.addf %parallel_loop3A_1146, %parallel_loop3A_1167 : vector<16xf32>
        %parallel_loop3A_1173 = arith.mulf %parallel_loop3A_1156, %parallel_loop3A_1168 : vector<16xf32>
        %parallel_loop3A_1174 = arith.addf %parallel_loop3A_1172, %parallel_loop3A_1173 : vector<16xf32>
        %parallel_loop3A_1175 = arith.constant 1 : i32
        %parallel_loop3A_1176 = arith.constant 14 : i32
        %parallel_loop3A_1177 = arith.index_cast %parallel_loop3A_1175 : i32 to index
        %parallel_loop3A_1178 = arith.index_cast %parallel_loop3A_1176 : i32 to index
        %parallel_loop3A_1179 = arith.index_cast %parallel_loop3A_984 : i32 to index
        %parallel_loop3A_1180 = arith.index_cast %parallel_loop3A_1002 : i32 to index
        %parallel_loop3A_1181 = tpu.vector_load %arg8[%parallel_loop3A_1177, %parallel_loop3A_1178, %parallel_loop3A_1179, %parallel_loop3A_1180] {strides = array<i32>} : memref<2x16x8x128xf32, #tpu.memory_space<vmem>>, vector<16xf32>,
        %parallel_loop3A_1182 = arith.fptosi %parallel_loop3A_1181 : vector<16xf32> to vector<16xi32>
        %parallel_loop3A_1183 = arith.sitofp %parallel_loop3A_1182 : vector<16xi32> to vector<16xf32>
        %parallel_loop3A_1184 = arith.subf %parallel_loop3A_1181, %parallel_loop3A_1183 : vector<16xf32>
        %parallel_loop3A_1185 = arith.constant 28672 : i32
        %parallel_loop3A_1186 = tpu.memref_slice %arg6[%parallel_loop3A_1185] : memref<32768xi32, #tpu.memory_space<vmem>> -> memref<2048xi32, #tpu.memory_space<vmem>>
        %parallel_loop3A_1187 = tpu.vector_load_idx %parallel_loop3A_1186[%parallel_loop3A_1182] : memref<2048xi32, #tpu.memory_space<vmem>>[vector<16xi32>], vector<16xi32>,
        %parallel_loop3A_1188 = arith.constant 28672 : i32
        %parallel_loop3A_1189 = tpu.memref_slice %arg7[%parallel_loop3A_1188] : memref<32768xi32, #tpu.memory_space<vmem>> -> memref<2048xi32, #tpu.memory_space<vmem>>
        %parallel_loop3A_1190 = tpu.vector_load_idx %parallel_loop3A_1189[%parallel_loop3A_1182] : memref<2048xi32, #tpu.memory_space<vmem>>[vector<16xi32>], vector<16xi32>,
        %parallel_loop3A_1191 = vector.bitcast %parallel_loop3A_1187 : vector<16xi32> to vector<32xbf16>
        %parallel_loop3A_1192 = tpu.unpack_subelements %parallel_loop3A_1191, 0 {pack_format = #tpu.pack_format<interleaved>} : vector<32xbf16> -> vector<16xf32>
        %parallel_loop3A_1193 = tpu.unpack_subelements %parallel_loop3A_1191, 1 {pack_format = #tpu.pack_format<interleaved>} : vector<32xbf16> -> vector<16xf32>
        %parallel_loop3A_1194 = vector.bitcast %parallel_loop3A_1190 : vector<16xi32> to vector<32xbf16>
        %parallel_loop3A_1195 = tpu.unpack_subelements %parallel_loop3A_1194, 0 {pack_format = #tpu.pack_format<interleaved>} : vector<32xbf16> -> vector<16xf32>
        %parallel_loop3A_1196 = tpu.unpack_subelements %parallel_loop3A_1194, 1 {pack_format = #tpu.pack_format<interleaved>} : vector<32xbf16> -> vector<16xf32>
        %parallel_loop3A_1197 = arith.addf %parallel_loop3A_1171, %parallel_loop3A_1192 : vector<16xf32>
        %parallel_loop3A_1198 = arith.mulf %parallel_loop3A_1184, %parallel_loop3A_1193 : vector<16xf32>
        %parallel_loop3A_1199 = arith.addf %parallel_loop3A_1197, %parallel_loop3A_1198 : vector<16xf32>
        %parallel_loop3A_1200 = arith.addf %parallel_loop3A_1174, %parallel_loop3A_1195 : vector<16xf32>
        %parallel_loop3A_1201 = arith.mulf %parallel_loop3A_1184, %parallel_loop3A_1196 : vector<16xf32>
        %parallel_loop3A_1202 = arith.addf %parallel_loop3A_1200, %parallel_loop3A_1201 : vector<16xf32>
        %parallel_loop3A_1203 = arith.constant 1 : i32
        %parallel_loop3A_1204 = arith.constant 15 : i32
        %parallel_loop3A_1205 = arith.index_cast %parallel_loop3A_1203 : i32 to index
        %parallel_loop3A_1206 = arith.index_cast %parallel_loop3A_1204 : i32 to index
        %parallel_loop3A_1207 = arith.index_cast %parallel_loop3A_984 : i32 to index
        %parallel_loop3A_1208 = arith.index_cast %parallel_loop3A_1002 : i32 to index
        %parallel_loop3A_1209 = tpu.vector_load %arg8[%parallel_loop3A_1205, %parallel_loop3A_1206, %parallel_loop3A_1207, %parallel_loop3A_1208] {strides = array<i32>} : memref<2x16x8x128xf32, #tpu.memory_space<vmem>>, vector<16xf32>,
        %parallel_loop3A_1210 = arith.fptosi %parallel_loop3A_1209 : vector<16xf32> to vector<16xi32>
        %parallel_loop3A_1211 = arith.sitofp %parallel_loop3A_1210 : vector<16xi32> to vector<16xf32>
        %parallel_loop3A_1212 = arith.subf %parallel_loop3A_1209, %parallel_loop3A_1211 : vector<16xf32>
        %parallel_loop3A_1213 = arith.constant 30720 : i32
        %parallel_loop3A_1214 = tpu.memref_slice %arg6[%parallel_loop3A_1213] : memref<32768xi32, #tpu.memory_space<vmem>> -> memref<2048xi32, #tpu.memory_space<vmem>>
        %parallel_loop3A_1215 = tpu.vector_load_idx %parallel_loop3A_1214[%parallel_loop3A_1210] : memref<2048xi32, #tpu.memory_space<vmem>>[vector<16xi32>], vector<16xi32>,
        %parallel_loop3A_1216 = arith.constant 30720 : i32
        %parallel_loop3A_1217 = tpu.memref_slice %arg7[%parallel_loop3A_1216] : memref<32768xi32, #tpu.memory_space<vmem>> -> memref<2048xi32, #tpu.memory_space<vmem>>
        %parallel_loop3A_1218 = tpu.vector_load_idx %parallel_loop3A_1217[%parallel_loop3A_1210] : memref<2048xi32, #tpu.memory_space<vmem>>[vector<16xi32>], vector<16xi32>,
        %parallel_loop3A_1219 = vector.bitcast %parallel_loop3A_1215 : vector<16xi32> to vector<32xbf16>
        %parallel_loop3A_1220 = tpu.unpack_subelements %parallel_loop3A_1219, 0 {pack_format = #tpu.pack_format<interleaved>} : vector<32xbf16> -> vector<16xf32>
        %parallel_loop3A_1221 = tpu.unpack_subelements %parallel_loop3A_1219, 1 {pack_format = #tpu.pack_format<interleaved>} : vector<32xbf16> -> vector<16xf32>
        %parallel_loop3A_1222 = vector.bitcast %parallel_loop3A_1218 : vector<16xi32> to vector<32xbf16>
        %parallel_loop3A_1223 = tpu.unpack_subelements %parallel_loop3A_1222, 0 {pack_format = #tpu.pack_format<interleaved>} : vector<32xbf16> -> vector<16xf32>
        %parallel_loop3A_1224 = tpu.unpack_subelements %parallel_loop3A_1222, 1 {pack_format = #tpu.pack_format<interleaved>} : vector<32xbf16> -> vector<16xf32>
        %parallel_loop3A_1225 = arith.addf %parallel_loop3A_1199, %parallel_loop3A_1220 : vector<16xf32>
        %parallel_loop3A_1226 = arith.mulf %parallel_loop3A_1212, %parallel_loop3A_1221 : vector<16xf32>
        %parallel_loop3A_1227 = arith.addf %parallel_loop3A_1225, %parallel_loop3A_1226 : vector<16xf32>
        %parallel_loop3A_1228 = arith.addf %parallel_loop3A_1202, %parallel_loop3A_1223 : vector<16xf32>
        %parallel_loop3A_1229 = arith.mulf %parallel_loop3A_1212, %parallel_loop3A_1224 : vector<16xf32>
        %parallel_loop3A_1230 = arith.addf %parallel_loop3A_1228, %parallel_loop3A_1229 : vector<16xf32>
        %parallel_loop3A_1231 = arith.constant 1 : i32
        %parallel_loop3A_1232 = arith.constant 0 : i32
        %parallel_loop3A_1233 = arith.index_cast %parallel_loop3A_1231 : i32 to index
        %parallel_loop3A_1234 = arith.index_cast %parallel_loop3A_984 : i32 to index
        %parallel_loop3A_1235 = arith.index_cast %parallel_loop3A_1232 : i32 to index
        %parallel_loop3A_1236 = arith.index_cast %parallel_loop3A_1002 : i32 to index
        %parallel_loop3A_1237 = tpu.vector_load %arg9[%parallel_loop3A_1233, %parallel_loop3A_1234, %parallel_loop3A_1235, %parallel_loop3A_1236] {strides = array<i32>} : memref<2x8x2x128xf32, #tpu.memory_space<vmem>>, vector<16xf32>,
        tpu.vector_store %arg9[%parallel_loop3A_1233, %parallel_loop3A_1234, %parallel_loop3A_1235, %parallel_loop3A_1236], %parallel_loop3A_1227 {add = true, strides = array<i32>} : memref<2x8x2x128xf32, #tpu.memory_space<vmem>>, vector<16xf32>,
        %parallel_loop3A_1238 = arith.constant 1 : i32
        %parallel_loop3A_1239 = arith.constant 1 : i32
        %parallel_loop3A_1240 = arith.index_cast %parallel_loop3A_1238 : i32 to index
        %parallel_loop3A_1241 = arith.index_cast %parallel_loop3A_984 : i32 to index
        %parallel_loop3A_1242 = arith.index_cast %parallel_loop3A_1239 : i32 to index
        %parallel_loop3A_1243 = arith.index_cast %parallel_loop3A_1002 : i32 to index
        %parallel_loop3A_1244 = tpu.vector_load %arg9[%parallel_loop3A_1240, %parallel_loop3A_1241, %parallel_loop3A_1242, %parallel_loop3A_1243] {strides = array<i32>} : memref<2x8x2x128xf32, #tpu.memory_space<vmem>>, vector<16xf32>,
        tpu.vector_store %arg9[%parallel_loop3A_1240, %parallel_loop3A_1241, %parallel_loop3A_1242, %parallel_loop3A_1243], %parallel_loop3A_1230 {add = true, strides = array<i32>} : memref<2x8x2x128xf32, #tpu.memory_space<vmem>>, vector<16xf32>,
      } {sc.loop_unroll_factor = 1 : i64, sc.parallel_access}
      %mul3A_938 = arith.constant 8 : i32
      %mul3A_939 = arith.muli %add3A_907, %mul3A_938 : i32
      %add3A_940 = arith.addi %mul3A_32, %mul3A_939 : i32
      %dma_start3A_941 = arith.constant 1 : i32
      %dma_start3A_942 = arith.constant 0 : i32
      %dma_start3A_943 = arith.constant 0 : i32
      %dma_start3A_944 = arith.constant 0 : i32
      %dma_start3A_945 = tpu.memref_slice %arg9[%dma_start3A_941, %dma_start3A_942, %dma_start3A_943, %dma_start3A_944] : memref<2x8x2x128xf32, #tpu.memory_space<vmem>> -> memref<1x8x2x128xf32, #tpu.memory_space<vmem>>
      %dma_start3A_946 = tpu.memref_squeeze %dma_start3A_945 : memref<1x8x2x128xf32, #tpu.memory_space<vmem>> -> memref<8x2x128xf32, #tpu.memory_space<vmem>>
      %dma_start3A_947 = arith.constant 0 : i32
      %dma_start3A_948 = arith.constant 0 : i32
      %dma_start3A_949 = tpu.memref_slice %arg5[%select_n3A, %add3A_940, %dma_start3A_947, %dma_start3A_948] : memref<8x256x2x128xf32, #tpu.memory_space<hbm>> -> memref<1x8x2x128xf32, #tpu.memory_space<hbm>>
      %dma_start3A_950 = tpu.memref_squeeze %dma_start3A_949 : memref<1x8x2x128xf32, #tpu.memory_space<hbm>> -> memref<8x2x128xf32, #tpu.memory_space<hbm>>
      %dma_start3A_951 = arith.constant 0 : i32
      %dma_start3A_952 = arith.constant 0 : i32
      %dma_start3A_953 = tpu.memref_slice %arg5[%select_n3A, %add3A_940, %dma_start3A_951, %dma_start3A_952] : memref<8x256x2x128xf32, #tpu.memory_space<hbm>> -> memref<1x8x2x128xf32, #tpu.memory_space<hbm>>
      %dma_start3A_954 = tpu.memref_squeeze %dma_start3A_953 : memref<1x8x2x128xf32, #tpu.memory_space<hbm>> -> memref<8x2x128xf32, #tpu.memory_space<hbm>>
      %dma_start3A_955 = arith.constant 0 : i32
      %dma_start3A_956 = arith.constant 0 : i32
      %dma_start3A_957 = arith.constant 0 : i32
      %dma_start3A_958 = tpu.memref_slice %arg9[%dma_start3A_941, %dma_start3A_955, %dma_start3A_956, %dma_start3A_957] : memref<2x8x2x128xf32, #tpu.memory_space<vmem>> -> memref<1x8x2x128xf32, #tpu.memory_space<vmem>>
      %dma_start3A_959 = tpu.memref_squeeze %dma_start3A_958 : memref<1x8x2x128xf32, #tpu.memory_space<vmem>> -> memref<8x2x128xf32, #tpu.memory_space<vmem>>
      tpu.enqueue_dma source(%dma_start3A_959 : memref<8x2x128xf32, #tpu.memory_space<vmem>>) target(%dma_start3A_954 : memref<8x2x128xf32, #tpu.memory_space<hbm>>) target_semaphore(%arg15 : memref<!tpu.dma_semaphore, #tpu.memory_space<semaphore_mem>>)
    }
    %scan3A_812 = arith.constant 4 : i32
    %add3A_813 = arith.constant 48 : i32
    %add3A_814 = arith.addi %mul3A_32, %add3A_813 : i32
    %dma_wait3A_815 = arith.constant 0 : i32
    %dma_wait3A_816 = arith.constant 0 : i32
    %dma_wait3A_817 = arith.constant 0 : i32
    %dma_wait3A_818 = arith.constant 0 : i32
    %dma_wait3A_819 = tpu.memref_slice %arg9[%dma_wait3A_815, %dma_wait3A_816, %dma_wait3A_817, %dma_wait3A_818] : memref<2x8x2x128xf32, #tpu.memory_space<vmem>> -> memref<1x8x2x128xf32, #tpu.memory_space<vmem>>
    %dma_wait3A_820 = tpu.memref_squeeze %dma_wait3A_819 : memref<1x8x2x128xf32, #tpu.memory_space<vmem>> -> memref<8x2x128xf32, #tpu.memory_space<vmem>>
    %dma_wait3A_821 = arith.constant 0 : i32
    %dma_wait3A_822 = arith.constant 0 : i32
    %dma_wait3A_823 = tpu.memref_slice %arg5[%select_n3A, %add3A_814, %dma_wait3A_821, %dma_wait3A_822] : memref<8x256x2x128xf32, #tpu.memory_space<hbm>> -> memref<1x8x2x128xf32, #tpu.memory_space<hbm>>
    %dma_wait3A_824 = tpu.memref_squeeze %dma_wait3A_823 : memref<1x8x2x128xf32, #tpu.memory_space<hbm>> -> memref<8x2x128xf32, #tpu.memory_space<hbm>>
    %dma_wait3A_825 = arith.constant 0 : i32
    %dma_wait3A_826 = arith.constant 0 : i32
    %dma_wait3A_827 = tpu.memref_slice %arg5[%select_n3A, %add3A_814, %dma_wait3A_825, %dma_wait3A_826] : memref<8x256x2x128xf32, #tpu.memory_space<hbm>> -> memref<1x8x2x128xf32, #tpu.memory_space<hbm>>
    %dma_wait3A_828 = tpu.memref_squeeze %dma_wait3A_827 : memref<1x8x2x128xf32, #tpu.memory_space<hbm>> -> memref<8x2x128xf32, #tpu.memory_space<hbm>>
    %dma_wait3A_829 = arith.constant 0 : i32
    %dma_wait3A_830 = arith.constant 0 : i32
    %dma_wait3A_831 = arith.constant 0 : i32
    %dma_wait3A_832 = tpu.memref_slice %arg9[%dma_wait3A_815, %dma_wait3A_829, %dma_wait3A_830, %dma_wait3A_831] : memref<2x8x2x128xf32, #tpu.memory_space<vmem>> -> memref<1x8x2x128xf32, #tpu.memory_space<vmem>>
    %dma_wait3A_833 = tpu.memref_squeeze %dma_wait3A_832 : memref<1x8x2x128xf32, #tpu.memory_space<vmem>> -> memref<8x2x128xf32, #tpu.memory_space<vmem>>
    tpu.wait_dma2 semaphore(%arg14 : memref<!tpu.dma_semaphore, #tpu.memory_space<semaphore_mem>>) src(%dma_wait3A_833 : memref<8x2x128xf32, #tpu.memory_space<vmem>>) dst(%dma_wait3A_828 : memref<8x2x128xf32, #tpu.memory_space<hbm>>)
    %add3A_834 = arith.constant 56 : i32
    %add3A_835 = arith.addi %mul3A_32, %add3A_834 : i32
    %dma_wait3A_836 = arith.constant 1 : i32
    %dma_wait3A_837 = arith.constant 0 : i32
    %dma_wait3A_838 = arith.constant 0 : i32
    %dma_wait3A_839 = arith.constant 0 : i32
    %dma_wait3A_840 = tpu.memref_slice %arg9[%dma_wait3A_836, %dma_wait3A_837, %dma_wait3A_838, %dma_wait3A_839] : memref<2x8x2x128xf32, #tpu.memory_space<vmem>> -> memref<1x8x2x128xf32, #tpu.memory_space<vmem>>
    %dma_wait3A_841 = tpu.memref_squeeze %dma_wait3A_840 : memref<1x8x2x128xf32, #tpu.memory_space<vmem>> -> memref<8x2x128xf32, #tpu.memory_space<vmem>>
    %dma_wait3A_842 = arith.constant 0 : i32
    %dma_wait3A_843 = arith.constant 0 : i32
    %dma_wait3A_844 = tpu.memref_slice %arg5[%select_n3A, %add3A_835, %dma_wait3A_842, %dma_wait3A_843] : memref<8x256x2x128xf32, #tpu.memory_space<hbm>> -> memref<1x8x2x128xf32, #tpu.memory_space<hbm>>
    %dma_wait3A_845 = tpu.memref_squeeze %dma_wait3A_844 : memref<1x8x2x128xf32, #tpu.memory_space<hbm>> -> memref<8x2x128xf32, #tpu.memory_space<hbm>>
    %dma_wait3A_846 = arith.constant 0 : i32
    %dma_wait3A_847 = arith.constant 0 : i32
    %dma_wait3A_848 = tpu.memref_slice %arg5[%select_n3A, %add3A_835, %dma_wait3A_846, %dma_wait3A_847] : memref<8x256x2x128xf32, #tpu.memory_space<hbm>> -> memref<1x8x2x128xf32, #tpu.memory_space<hbm>>
    %dma_wait3A_849 = tpu.memref_squeeze %dma_wait3A_848 : memref<1x8x2x128xf32, #tpu.memory_space<hbm>> -> memref<8x2x128xf32, #tpu.memory_space<hbm>>
    %dma_wait3A_850 = arith.constant 0 : i32
    %dma_wait3A_851 = arith.constant 0 : i32
    %dma_wait3A_852 = arith.constant 0 : i32
    %dma_wait3A_853 = tpu.memref_slice %arg9[%dma_wait3A_836, %dma_wait3A_850, %dma_wait3A_851, %dma_wait3A_852] : memref<2x8x2x128xf32, #tpu.memory_space<vmem>> -> memref<1x8x2x128xf32, #tpu.memory_space<vmem>>
    %dma_wait3A_854 = tpu.memref_squeeze %dma_wait3A_853 : memref<1x8x2x128xf32, #tpu.memory_space<vmem>> -> memref<8x2x128xf32, #tpu.memory_space<vmem>>
    tpu.wait_dma2 semaphore(%arg15 : memref<!tpu.dma_semaphore, #tpu.memory_space<semaphore_mem>>) src(%dma_wait3A_854 : memref<8x2x128xf32, #tpu.memory_space<vmem>>) dst(%dma_wait3A_849 : memref<8x2x128xf32, #tpu.memory_space<hbm>>)
    return
  }
}

module attributes {stable_mosaic.version = 14 : i64} {
  func.func @body(%arg0: memref<256x2048xf32, #tpu.memory_space<vmem>>, %arg1: memref<256x2048xi32, #tpu.memory_space<vmem>>) attributes {dimension_semantics = [], scalar_prefetch = 0 : i64, scratch_operands = 0 : i64, tpu.core_type = #tpu.core_type<tc>} {
    %get3A = arith.constant 0 : index
    %get3A_0 = arith.constant 0 : index
    %get3A_1 = vector.load %arg0[%get3A, %get3A_0] : memref<256x2048xf32, #tpu.memory_space<vmem>>, vector<256x2048xf32>
    %roll3A = arith.constant 2047 : i32
    %roll3A_2 = tpu.dynamic_rotate %get3A_1 by %roll3A dim 1 : vector<256x2048xf32>, i32 -> vector<256x2048xf32>
    %sub3A = arith.subf %roll3A_2, %get3A_1 : vector<256x2048xf32>
    %convert_element_type3A = arith.truncf %get3A_1 : vector<256x2048xf32> to vector<256x2048xbf16>
    %bitcast_convert_type3A = tpu.bitcast %convert_element_type3A : vector<256x2048xbf16> -> vector<256x2048xi16>
    %convert_element_type3A_3 = arith.extui %bitcast_convert_type3A : vector<256x2048xi16> to vector<256x2048xi32>
    %convert_element_type3A_4 = arith.truncf %sub3A : vector<256x2048xf32> to vector<256x2048xbf16>
    %bitcast_convert_type3A_5 = tpu.bitcast %convert_element_type3A_4 : vector<256x2048xbf16> -> vector<256x2048xi16>
    %convert_element_type3A_6 = arith.extui %bitcast_convert_type3A_5 : vector<256x2048xi16> to vector<256x2048xi32>
    %shift_left3A = arith.constant 16 : i32
    %shift_left3A_7 = vector.broadcast %shift_left3A : i32 to vector<256x2048xi32>
    %shift_left3A_8 = arith.shli %convert_element_type3A_6, %shift_left3A_7 : vector<256x2048xi32>
    %or3A = arith.ori %convert_element_type3A_3, %shift_left3A_8 : vector<256x2048xi32>
    %bitcast_convert_type3A_9 = tpu.bitcast %or3A : vector<256x2048xi32> -> vector<256x2048xi32>
    %swap3A = arith.constant 0 : index
    %swap3A_10 = arith.constant 0 : index
    %swap3A_11 = vector.load %arg1[%swap3A, %swap3A_10] : memref<256x2048xi32, #tpu.memory_space<vmem>>, vector<256x2048xi32>
    tpu.vector_store %arg1[%swap3A, %swap3A_10], %bitcast_convert_type3A_9 {strides = array<i32>} : memref<256x2048xi32, #tpu.memory_space<vmem>>, vector<256x2048xi32>,
    return
  }
}

</mosaic_0001>

<sc_bundles>
// kernel: kernel.4.cloned.1.call-start
scs
__scs_entry_jumppad:
0x0: {  	(pc) =	sbr.rel $0x88, $3  }
0x1: {  	(tag) =	ssettag $0x0;
	lr =	simm.s32 $0x1  }
0x2: {  	[smem:$0x3F9E] =	sst lr;
	_ =	strace $0xD0000000  }
0x3: {  	_ = 	snop  }
0x4: {  	_ = 	snop  }
0x5: {  	_ = 	snop  }
0x6: {  	_ = 	snop  }
0x7: {  	_ = 	snop  }
__scs_overlays_trampoline_lowered:
0x8: {  	[smem:$0x3FAD] =	sst s0  }
0x9: {  	[smem:$0x3FAE] =	sst s1  }
0xa: {  	[smem:$0x3FAF] =	sst s2  }
0xb: {  	[smem:$0x3FB0] =	sst s3  }
0xc: {  	[smem:$0x3FB1] =	sst s4  }
0xd: {  	[smem:$0x3FB2] =	sst s5  }
0xe: {  	[smem:$0x3FB3] =	sst s6  }
0xf: {  	[smem:$0x3FB4] =	sst s7  }
0x10: {  	[smem:$0x3FB5] =	sst s8  }
0x11: {  	[smem:$0x3FB6] =	sst s9;
	s0 =	simm.s32 @!p0 $0x0  }
0x12: {  	s1 =	sld [smem:$0x3F9C];
	s0 =	simm.s32 @p0 $0x1  }
0x13: {  	[smem:$0x3FB7] =	sst s0;
	s0 =	simm.s32 @!p1 $0x0  }
0x14: {  	s2 =	sld [smem:$0x3F9B];
	s0 =	simm.s32 @p1 $0x1  }
0x15: {  	[smem:$0x3FB8] =	sst s0;
	s0 =	simm.s32 @!p2 $0x0  }
0x16: {  	s3 =	sld [smem:$0x3FDB];
	s0 =	simm.s32 @p2 $0x1  }
0x17: {  	s4 =	simm.s32 $0x1BF5;
	[smem:$0x3FBA] =	sst s0  }
0x18: {  	s0 =	sld [smem:$0x3F9D];
	_ =	swait.ge [sflag:s4], $0x0  }
0x19: {  	s7 =	sld [smem:$0x3F9E]  }
0x1a: {  	s8 =	sadd.s32 $0xFFFFE003, lr  }
0x1b: {  	s9 =	sadd.s32 $0xFFFFFEF7, lr;
	s5 =	simm.s32 $0xFFFFFFFF;
	p2 =	slt.u32 s8, $0xFFFFF086  }
0x1c: {  	p1 =	slt.u32 s9, $0xF7A;
	s5 =	simm.s32 @!p2 $0x0  }
0x1d: {  	s5 =	simm.s32 @p1 $0x1;
	p0 =	seq.s32 s7, s2  }
0x1e: {  	s7 =	smul.u32 @!p0 $0xF7A, s2;
	p2 =	seq.s32 @!p0 s5, $0x0  }
0x1f: {  	s9 =	smul.u32 $0xF7A, s1;
	s8 =	simm.s32 @!p0 $0x1BF5;
	p2 =	por !p2, p0  }
0x20: {  	[sflag:s8] =	ssyncset.s32 @!p0 $0xFFFFF086;
	s6 =	sadd.s32 @!p0 s3, s7;
	s7 =	simm.s32 @!p0 $0x108  }
0x21: {  	s3 =	sadd.s32 s3, s9;
	s6 =	sadd.s32 @!p0 $0x88, s6;
	s7 =	simm.s32 @p2 $0x1082  }
0x22: {  	[simem:s7], [sflag:s8] =	dma.local @!p0 [hbm:s6], $0xF7A  }
0x23: {  	s9 =	sor.u32 $0xD0000000, s2;
	s6 =	simm.s32 $0x108;
	_ =	swait.ge @!p0 [sflag:s8], $0x0  }
0x24: {  	s3 =	sadd.s32 $0x88, s3;
	s6 =	simm.s32 @!p1 $0x1082;
	[sflag:s4] =	ssyncset.s32 $0xFFFFF086  }
0x25: {  	[simem:s6], [sflag:s4] =	dma.local [hbm:s3], $0xF7A  }
0x26: {  	[smem:$0x3F9E] =	sst s1;
	(tag) =	ssettag s2;
	_ =	strace s9  }
0x27: {  	s1 =	sld [smem:$0x3FAE]  }
0x28: {  	s2 =	sld [smem:$0x3FAF]  }
0x29: {  	s4 =	sld [smem:$0x3FB1]  }
0x2a: {  	p0 =	seq.s32 s5, $0x0;
	s5 =	sld [smem:$0x3FB2]  }
0x2b: {  	s6 =	sld [smem:$0x3FB3]  }
0x2c: {  	s7 =	sld [smem:$0x3FB4]  }
0x2d: {  	s3 =	simm.s32 $0x108;
	s8 =	sld [smem:$0x3FB5]  }
0x2e: {  	s3 =	simm.s32 @!p0 $0x1082;
	s9 =	sld [smem:$0x3FB6]  }
0x2f: {  	lr =	sadd.s32 s0, s3;
	s0 =	sld [smem:$0x3FAD]  }
0x30: {  	s3 =	sld [smem:$0x3FB0]  }
0x31: {  	[smem:$0x3FB9] =	sst s10  }
0x32: {  	s10 =	sld [smem:$0x3FB7];
	_ =	sdelay $0x3  }
0x33: {  	p0 =	seq.s32 s10, $0x1;
	s10 =	sld [smem:$0x3FB9];
	_ =	sdelay $0x3  }
0x34: {  	[smem:$0x3FB9] =	sst s10  }
0x35: {  	s10 =	sld [smem:$0x3FB8];
	_ =	sdelay $0x3  }
0x36: {  	p1 =	seq.s32 s10, $0x1;
	s10 =	sld [smem:$0x3FB9];
	_ =	sdelay $0x3  }
0x37: {  	[smem:$0x3FB9] =	sst s10  }
0x38: {  	s10 =	sld [smem:$0x3FBA]  }
0x39: {  	_ = 	snop;
	(pc) =	sbr.ind lr, $3  }
0x3a: {  	_ = 	snop  }
0x3b: {  	_ = 	snop  }
0x3c: {  	p2 =	seq.s32 s10, $0x1;
	s10 =	sld [smem:$0x3FB9]  }
0x3d: {  	_ =	shalt  }
0x3e: {  	_ =	shalt  }
0x3f: {  	_ =	shalt  }
0x40: {  	_ =	shalt  }
0x41: {  	_ =	shalt  }
0x42: {  	_ =	shalt  }
0x43: {  	_ =	shalt  }
0x44: {  	_ =	shalt  }
0x45: {  	_ =	shalt  }
0x46: {  	_ =	shalt  }
0x47: {  	_ =	shalt  }
0x48: {  	_ =	shalt  }
0x49: {  	_ =	shalt  }
0x4a: {  	_ =	shalt  }
0x4b: {  	_ =	shalt  }
0x4c: {  	_ =	shalt  }
0x4d: {  	_ =	shalt  }
0x4e: {  	_ =	shalt  }
0x4f: {  	_ =	shalt  }
0x50: {  	_ =	shalt  }
0x51: {  	_ =	shalt  }
0x52: {  	_ =	shalt  }
0x53: {  	_ =	shalt  }
0x54: {  	_ =	shalt  }
0x55: {  	_ =	shalt  }
0x56: {  	_ =	shalt  }
0x57: {  	_ =	shalt  }
0x58: {  	_ =	shalt  }
0x59: {  	_ =	shalt  }
0x5a: {  	_ =	shalt  }
0x5b: {  	_ =	shalt  }
0x5c: {  	_ =	shalt  }
0x5d: {  	_ =	shalt  }
0x5e: {  	_ =	shalt  }
0x5f: {  	_ =	shalt  }
0x60: {  	_ =	shalt  }
0x61: {  	_ =	shalt  }
0x62: {  	_ =	shalt  }
0x63: {  	_ =	shalt  }
0x64: {  	_ =	shalt  }
0x65: {  	_ =	shalt  }
0x66: {  	_ =	shalt  }
0x67: {  	_ =	shalt  }
0x68: {  	_ =	shalt  }
0x69: {  	_ =	shalt  }
0x6a: {  	_ =	shalt  }
0x6b: {  	_ =	shalt  }
0x6c: {  	_ =	shalt  }
0x6d: {  	_ =	shalt  }
0x6e: {  	_ =	shalt  }
0x6f: {  	_ =	shalt  }
0x70: {  	_ =	shalt  }
0x71: {  	_ =	shalt  }
0x72: {  	_ =	shalt  }
0x73: {  	_ =	shalt  }
0x74: {  	_ =	shalt  }
0x75: {  	_ =	shalt  }
0x76: {  	_ =	shalt  }
0x77: {  	_ =	shalt  }
0x78: {  	_ =	shalt  }
0x79: {  	_ =	shalt  }
0x7a: {  	_ =	shalt  }
0x7b: {  	_ =	shalt  }
0x7c: {  	_ =	shalt  }
0x7d: {  	_ =	shalt  }
0x7e: {  	_ =	shalt  }
0x7f: {  	_ =	shalt  }
0x80: {  	_ =	shalt  }
0x81: {  	_ =	shalt  }
0x82: {  	_ =	shalt  }
0x83: {  	_ =	shalt  }
0x84: {  	_ =	shalt  }
0x85: {  	_ =	shalt  }
0x86: {  	_ =	shalt  }
0x87: {  	_ =	shalt  }
.Lfunc_end0:
.L_simem_size_0:
called_computation_lowered:
.L_overlay_start_0:
0x88: {  	s2 =	sld [smem:$0x3FD9]  }
0x89: {  	s3 =	sld [smem:$0x3FFE];
	_ =	sdelay $0x1  }
0x8a: {  	s1 =	srdreg.scid  }
0x8b: {  	s0 =	sand.u32 $0x1, s1  }
0x8c: {  	s17 =	sshll.u32 s0, $0xA;
	s2 =	sadd.s32 s3, s2  }
0x8d: {  	s2 =	sadd.s32 s2, s17  }
0x8e: {  	[smem:$0x3FC5] =	sst s2  }
0x8f: {  	_ = 	snop  }
0x90: {  	s2 =	sld [smem:$0x3FC7]  }
0x91: {  	s18 =	sld [smem:$0x3FD0];
	(tm) =	ssettm $0x1  }
0x92: {  	s4 =	sld [smem:$0x3FFB];
	_ =	sdelay $0x3  }
0x93: {  	_ =	strace s4  }
0x94: {  	s4 =	sld [smem:$0x3FFC];
	_ =	sdelay $0x3  }
0x95: {  	_ =	strace s4  }
0x96: {  	s4 =	sld [smem:$0x3FFD];
	_ =	sdelay $0x3  }
0x97: {  	_ =	strace s4  }
0x98: {  	_ =	strace $0x8FFFFFFF  }
0x99: {  	s19 =	sld [smem:$0x3FDB];
	_ =	sdelay $0x1  }
0x9a: {  	s5 =	simm.s32 $_scs_section_size  }
0x9b: {  	s6 =	simm.s32 $_size__tile_overlayer_lowered;
	s7 =	simm.s32 $_tile_overlayer_lowered  }
0x9c: {  	s22 =	simm.s32 $0x1BFF;
	s21 =	sshll.u32 s7, $0x1;
	s4 =	sadd.s32 s5, s19  }
0x9d: {  	s8 =	simm.s32 $0x0;
	s20 =	sshll.u32 s6, $0x1;
	s6 =	sadd.s32 s21, s4  }
0x9e: {  	[timem:s8], [sflag:s22] =	dma.local [hbm:s6], s20  }
0x9f: {  	_ =	swait.ge [sflag:s22], s20  }
0xa0: {  	s5 =	ssub.s32 $0x0, s20;
	[sflag:s22] =	ssyncset.done $0x0  }
0xa1: {  	[sflag:s22] =	ssyncadd.s32 s5;
	_ =	sdelay $0x1  }
0xa2: {  	s23 =	simm.s32 $0x1B8B  }
0xa3: {  	_ =	swait.ge [sflag:s23], $0x1  }
0xa4: {  	[sflag:s23] =	ssyncset.done $0x0  }
0xa5: {  	s25 =	simm.s32 $0x1B8E;
	s24 =	sld [smem:$0x3FFE];
	[sflag:s23] =	ssyncadd.s32 $0xFFFFFFFF  }
0xa6: {  	s26 =	simm.s32 $execute0_lowered;
	[smem:$0x3FD2] =	sst s25  }
0xa7: {  	s6 =	sshll.u32 s26, $0x1;
	_ =	strace $0x80000046;
	[dreg:$0x1] =	wrdreg $0xFFFFFFFF  }
0xa8: {  	s28 =	simm.s32 $_size_execute0_lowered;
	s4 =	sadd.s32 s4, s6;
	[dreg:$0x0] =	wrdreg $0x0  }
0xa9: {  	s6 =	sshll.u32 s28, $0x1;
	[dreg:$0x2] =	wrdreg s4  }
0xaa: {  	[dreg:$0x3] =	wrdreg s6  }
0xab: {  	[dreg:$0x4] =	wrdreg $0xC0  }
0xac: {  	_ =	task [dreg:s8], $0x5FFFF  }
0xad: {  	[dreg:$0x1] =	wrdreg $0xFFFFFFFF  }
0xae: {  	[dreg:$0x0] =	wrdreg $0x60  }
0xaf: {  	[dreg:$0x2] =	wrdreg s24  }
0xb0: {  	[dreg:$0x3] =	wrdreg s2  }
0xb1: {  	[dreg:$0x4] =	wrdreg s18  }
0xb2: {  	[dreg:$0x5] =	wrdreg $0x9  }
0xb3: {  	_ =	task.clear_ibuf [dreg:s8], $0x6FFFF;
	_ =	strace $0x90000046  }
0xb4: {  	s29 =	simm.s32 $0x9;
	_ =	strace $0x80000048  }
0xb5: {  	_ =	swait.ge [sflag:s29], $0x1  }
0xb6: {  	[sflag:s29] =	ssyncadd.s32 $0xFFFFFFFF  }
0xb7: {  	_ =	strace $0x90000048  }
0xb8: {  	_ =	sfence  }
0xb9: {  	s30 =	sld [smem:$0x0];
	_ =	sdelay $0x2  }
0xba: {  	s31 =	sshll.u32 s1, $0xD;
	s1 =	sshrl.u32 s1, $0x2  }
0xbb: {  	s3 =	sand.u32 $0x4000, s31;
	s1 =	sadd.s32 s1, s30  }
0xbc: {  	s0 =	sor.u32 s3, s0;
	s1 =	sshll.u32 s1, $0x11  }
0xbd: {  	s0 =	sor.u32 s1, s0  }
0xbe: {  	s0 =	sadd.s32 $0x8F2B, s0  }
0xbf: {  	[sflag:s0] =	ssyncadd.remote.s32 $0x1  }
0xc0: {  	_ =	sfence.sel $0xFFFF  }
0xc1: {  	[dreg:$0x0] =	wrdreg $0xFFFFFFFF;
	(pc) =	sbr.abs _section_cstart, $3  }
0xc2: {  	[dreg:$0x1] =	wrdreg $0xFFFFFFFF  }
0xc3: {  	_ =	task.clear_ibuf [dreg:s8], $0x2FFFF;
	_ =	strace $0x9FFFFFFF  }
0xc4: {  	(tm) =	ssettm $0x7FFFFFFF  }
0xc5: {  	_ =	shalt  }
tec
execute0_lowered:
.L_overlay_start_1:
0x0: {  	(tag) =	ssettag $0x1  }
0x1: {  	s4 =	stileid.u32  }
0x2: {  	s2 =	sshll.u32 s4, $0xF  }
0x3: {  	s2 =	sand.u32 $0x70000, s2  }
0x4: {  	s0 =	rddreg [dreg:$0x0];
	s5 =	sshrl.u32 s2, $0x3  }
0x5: {  	s1 =	rddreg [dreg:$0x1];
	s15 =	simm.s32 $0x0;
	s5 =	sadd.s32 s5, s0  }
0x6: {  	[smem:$0x7FF] =	sst s15;
	s12 =	sadd.s32 $0xC00, s5  }
0x7: {  	_ =	strace $0x80000047;
	s13 =	sadd.s32 $0xC10, s5;
	[dreg:$0x4] =	wrdreg s12  }
0x8: {  	s14 =	sadd.s32 $0xC20, s5;
	[dreg:$0x5] =	wrdreg s13  }
0x9: {  	s16 =	sadd.s32 $0xC30, s5;
	[dreg:$0x6] =	wrdreg s14  }
0xa: {  	s17 =	sadd.s32 $0xC40, s5;
	[dreg:$0x7] =	wrdreg s16  }
0xb: {  	s18 =	sadd.s32 $0xC50, s5;
	[dreg:$0x8] =	wrdreg s17  }
0xc: {  	s19 =	sadd.s32 $0xC60, s5;
	[dreg:$0x9] =	wrdreg s18  }
0xd: {  	s20 =	sadd.s32 $0xC70, s5;
	[dreg:$0xa] =	wrdreg s19  }
0xe: {  	s21 =	sadd.s32 $0x1400, s5;
	[dreg:$0xb] =	wrdreg s20  }
0xf: {  	s3 =	srdreg.scid;
	s22 =	sadd.s32 $0x1410, s5;
	[dreg:$0xc] =	wrdreg s21  }
0x10: {  	s3 =	sand.u32 $0x1, s3;
	s23 =	sadd.s32 $0x1420, s5;
	[dreg:$0xd] =	wrdreg s22  }
0x11: {  	s4 =	sshll.u32 s4, $0x1;
	s24 =	sadd.s32 $0x1430, s5;
	[dreg:$0xe] =	wrdreg s23  }
0x12: {  	s4 =	sor.u32 s3, s4;
	s25 =	sadd.s32 $0x1440, s5;
	[dreg:$0xf] =	wrdreg s24  }
0x13: {  	s6 =	sshll.u32 s4, $0x4;
	s26 =	sadd.s32 $0x1450, s5;
	[dreg:$0x10] =	wrdreg s25  }
0x14: {  	s4 =	sand.u32 $0x3, s4;
	s28 =	sadd.s32 $0x1460, s5;
	[dreg:$0x11] =	wrdreg s26  }
0x15: {  	s11 =	sshll.u32 s4, $0xE;
	s8 =	sadd.s32 $0x1470, s5;
	[dreg:$0x12] =	wrdreg s28  }
0x16: {  	s2 =	sor.u32 s2, s11;
	[dreg:$0x14] =	wrdreg s8  }
0x17: {  	s29 =	simm.s32 $0x1000;
	s9 =	sadd.s32 $0x1C00, s5;
	[dreg:$0x15] =	wrdreg s2  }
0x18: {  	s30 =	simm.s32 $0x1800;
	s10 =	sadd.s32 $0x1C10, s5;
	[dreg:$0x16] =	wrdreg s9  }
0x19: {  	s0 =	sadd.s32 s6, s0;
	s11 =	sadd.s32 $0x1C20, s5;
	[dreg:$0x17] =	wrdreg s10  }
0x1a: {  	s4 =	sshll.u32 s4, $0xA;
	s0 =	sadd.s32 $0xA00, s0;
	[dreg:$0x18] =	wrdreg s11  }
0x1b: {  	s31 =	simm.s32 $0x2000;
	s1 =	sadd.s32 s1, s4;
	[smem:$0x7FB] =	sst s0  }
0x1c: {  	s3 =	ssub.s32 $0x2, s3;
	s12 =	sadd.s32 $0x1C30, s5;
	[dreg:$0x13] =	wrdreg s1  }
0x1d: {  	s7 =	sshrl.u32 s3, $0x1;
	s13 =	sadd.s32 $0x1C40, s5;
	[dreg:$0x19] =	wrdreg s12  }
0x1e: {  	s3 =	ssub.s32 s3, s7;
	s14 =	sadd.s32 $0x1C50, s5;
	[dreg:$0x1a] =	wrdreg s13  }
0x1f: {  	s6 =	simm.s32 $0x5000;
	s16 =	sadd.s32 $0x1C60, s5;
	[dreg:$0x1b] =	wrdreg s14  }
0x20: {  	s7 =	simm.s32 $0x5800;
	s17 =	sadd.s32 $0x1C70, s5;
	[dreg:$0x1c] =	wrdreg s16  }
0x21: {  	s4 =	simm.s32 $0xF800;
	s18 =	sadd.s32 $0x2400, s5;
	[dreg:$0x1d] =	wrdreg s17  }
0x22: {  	s19 =	sadd.s32 $0x2410, s5;
	s20 =	sadd.s32 $0x2420, s5;
	[dreg:$0x1e] =	wrdreg s18  }
0x23: {  	s21 =	sadd.s32 $0x2430, s5;
	s22 =	sadd.s32 $0x2440, s5;
	[dreg:$0x1f] =	wrdreg s19  }
0x24: {  	s23 =	sadd.s32 $0x2450, s5;
	s24 =	sadd.s32 $0x2460, s5;
	[smem:$0x7F5] =	sst s20  }
0x25: {  	s25 =	sadd.s32 $0x2470, s5;
	s26 =	smax.u32 s3, $0x1;
	[smem:$0x7F6] =	sst s21  }
0x26: {  	s28 =	sadd.s32 $0x100, s1;
	s0 =	simm.s32 $0x2800;
	[smem:$0x7F7] =	sst s22  }
0x27: {  	s1 =	simm.s32 $0x3000;
	s5 =	simm.s32 $0x4000;
	[smem:$0x7F8] =	sst s23  }
0x28: {  	s8 =	simm.s32 $0x6000;
	s9 =	simm.s32 $0x6800;
	[smem:$0x7F9] =	sst s24  }
0x29: {  	s10 =	simm.s32 $0x7000;
	s2 =	simm.s32 $0xC000;
	[smem:$0x7FA] =	sst s25  }
0x2a: {  	s11 =	simm.s32 $0xD800;
	s3 =	simm.s32 $0xE800;
	[smem:$0x7FC] =	sst s26  }
0x2b: {  	[smem:$0x7FD] =	sst s28;
	s26 =	simm.s32 $0x800;
	s25 =	simm.s32 $0x4800  }
0x2c: {  	s12 =	simm.s32 $0x7800;
	s20 =	simm.s32 $0xA000;
	s22 =	simm.s32 $0xA800  }
0x2d: {  	s24 =	simm.s32 $0xB800;
	s23 =	simm.s32 $0xC800;
	s13 =	simm.s32 $0xD000  }
0x2e: {  	v0 =	vlaneseq.u32;
	vm0 =	vmmov $0xffff;
	s19 =	simm.s32 $0xE000;
	s21 =	simm.s32 $0xF000;
	s16 =	simm.s32 $0x0  }
.LBB2_1:
0x2f: {  	[smem:$0x7F4] =	sst s16  }
0x30: {  	s14 =	rddreg [dreg:$0x4];
	s16 =	simm.s32 $0x80;
	s17 =	simm.s32 $0x400  }
0x31: {  	[tilespmem:s15], [sflag:$0x1] =	stream.strided.gather [hbm4b:s14+s16], $0x800, s17, s16, $0x38;
	[tilespmem:$0x19080] =	vst v63  }
0x32: {  	s28 =	rddreg [dreg:$0x5]  }
0x33: {  	[tilespmem:s26], [sflag:$0x1] =	stream.strided.gather [hbm4b:s28+s16], $0x800, s17, s16, $0x38;
	[tilespmem:$0x19080] =	vst v63  }
0x34: {  	s18 =	rddreg [dreg:$0x6]  }
0x35: {  	[tilespmem:s29], [sflag:$0x1] =	stream.strided.gather [hbm4b:s18+s16], $0x800, s17, s16, $0x38;
	[tilespmem:$0x19080] =	vst v63  }
0x36: {  	s28 =	rddreg [dreg:$0x7]  }
0x37: {  	[tilespmem:s30], [sflag:$0x1] =	stream.strided.gather [hbm4b:s28+s16], $0x800, s17, s16, $0x38;
	[tilespmem:$0x19080] =	vst v63  }
0x38: {  	s18 =	rddreg [dreg:$0x8]  }
0x39: {  	[tilespmem:s31], [sflag:$0x1] =	stream.strided.gather [hbm4b:s18+s16], $0x800, s17, s16, $0x38;
	[tilespmem:$0x19080] =	vst v63  }
0x3a: {  	s28 =	rddreg [dreg:$0x9]  }
0x3b: {  	[tilespmem:s0], [sflag:$0x1] =	stream.strided.gather [hbm4b:s28+s16], $0x800, s17, s16, $0x38;
	[tilespmem:$0x19080] =	vst v63  }
0x3c: {  	s18 =	rddreg [dreg:$0xa]  }
0x3d: {  	[tilespmem:s1], [sflag:$0x1] =	stream.strided.gather [hbm4b:s18+s16], $0x800, s17, s16, $0x38;
	[tilespmem:$0x19080] =	vst v63  }
0x3e: {  	s28 =	rddreg [dreg:$0xb];
	s18 =	simm.s32 $0x3800  }
0x3f: {  	[tilespmem:s18], [sflag:$0x1] =	stream.strided.gather [hbm4b:s28+s16], $0x800, s17, s16, $0x38;
	[tilespmem:$0x19080] =	vst v63  }
0x40: {  	s18 =	rddreg [dreg:$0xc]  }
0x41: {  	s28 =	rddreg [dreg:$0xd]  }
0x42: {  	[tilespmem:s5], [sflag:$0x1] =	stream.strided.gather [hbm4b:s18+s16], $0x800, s17, s16, $0x38;
	[tilespmem:$0x19080] =	vst v63  }
0x43: {  	s5 =	rddreg [dreg:$0xe]  }
0x44: {  	[tilespmem:s25], [sflag:$0x1] =	stream.strided.gather [hbm4b:s28+s16], $0x800, s17, s16, $0x38;
	[tilespmem:$0x19080] =	vst v63  }
0x45: {  	s18 =	rddreg [dreg:$0x14]  }
0x46: {  	[tilespmem:s6], [sflag:$0x1] =	stream.strided.gather [hbm4b:s5+s16], $0x800, s17, s16, $0x38;
	[tilespmem:$0x19080] =	vst v63  }
0x47: {  	s6 =	rddreg [dreg:$0xf]  }
0x48: {  	[tilespmem:s7], [sflag:$0x1] =	stream.strided.gather [hbm4b:s6+s16], $0x800, s17, s16, $0x38;
	[tilespmem:$0x19080] =	vst v63  }
0x49: {  	s7 =	rddreg [dreg:$0x10]  }
0x4a: {  	[tilespmem:s8], [sflag:$0x1] =	stream.strided.gather [hbm4b:s7+s16], $0x800, s17, s16, $0x38;
	[tilespmem:$0x19080] =	vst v63  }
0x4b: {  	s8 =	rddreg [dreg:$0x11]  }
0x4c: {  	[tilespmem:s9], [sflag:$0x1] =	stream.strided.gather [hbm4b:s8+s16], $0x800, s17, s16, $0x38;
	[tilespmem:$0x19080] =	vst v63  }
0x4d: {  	s9 =	rddreg [dreg:$0x12]  }
0x4e: {  	[tilespmem:s10], [sflag:$0x1] =	stream.strided.gather [hbm4b:s9+s16], $0x800, s17, s16, $0x38;
	[tilespmem:$0x19080] =	vst v63  }
0x4f: {  	s25 =	rddreg [dreg:$0x16]  }
0x50: {  	[tilespmem:s12], [sflag:$0x1] =	stream.strided.gather [hbm4b:s18+s16], $0x800, s17, s16, $0x38;
	[tilespmem:$0x19080] =	vst v63  }
0x51: {  	s28 =	simm.s32 $0x8000;
	s5 =	rddreg [dreg:$0x17]  }
0x52: {  	[tilespmem:s28], [sflag:$0x1] =	stream.strided.gather [hbm4b:s25+s16], $0x800, s17, s16, $0x38;
	[tilespmem:$0x19080] =	vst v63  }
0x53: {  	s6 =	simm.s32 $0x8800;
	s7 =	rddreg [dreg:$0x18]  }
0x54: {  	[tilespmem:s6], [sflag:$0x1] =	stream.strided.gather [hbm4b:s5+s16], $0x800, s17, s16, $0x38;
	[tilespmem:$0x19080] =	vst v63  }
0x55: {  	s8 =	simm.s32 $0x9000;
	s9 =	rddreg [dreg:$0x19]  }
0x56: {  	[tilespmem:s8], [sflag:$0x1] =	stream.strided.gather [hbm4b:s7+s16], $0x800, s17, s16, $0x38;
	[tilespmem:$0x19080] =	vst v63  }
0x57: {  	s10 =	simm.s32 $0x9800;
	s12 =	rddreg [dreg:$0x1a]  }
0x58: {  	[tilespmem:s10], [sflag:$0x1] =	stream.strided.gather [hbm4b:s9+s16], $0x800, s17, s16, $0x38;
	[tilespmem:$0x19080] =	vst v63  }
0x59: {  	s18 =	rddreg [dreg:$0x1b]  }
0x5a: {  	[tilespmem:s20], [sflag:$0x1] =	stream.strided.gather [hbm4b:s12+s16], $0x800, s17, s16, $0x38;
	[tilespmem:$0x19080] =	vst v63  }
0x5b: {  	s25 =	rddreg [dreg:$0x1c]  }
0x5c: {  	[tilespmem:s22], [sflag:$0x1] =	stream.strided.gather [hbm4b:s18+s16], $0x800, s17, s16, $0x38;
	[tilespmem:$0x19080] =	vst v63  }
0x5d: {  	s28 =	simm.s32 $0xB000;
	s5 =	rddreg [dreg:$0x1d]  }
0x5e: {  	[tilespmem:s28], [sflag:$0x1] =	stream.strided.gather [hbm4b:s25+s16], $0x800, s17, s16, $0x38;
	[tilespmem:$0x19080] =	vst v63  }
0x5f: {  	s6 =	rddreg [dreg:$0x1e]  }
0x60: {  	[tilespmem:s24], [sflag:$0x1] =	stream.strided.gather [hbm4b:s5+s16], $0x800, s17, s16, $0x38;
	[tilespmem:$0x19080] =	vst v63  }
0x61: {  	s7 =	rddreg [dreg:$0x1f]  }
0x62: {  	[tilespmem:s2], [sflag:$0x1] =	stream.strided.gather [hbm4b:s6+s16], $0x800, s17, s16, $0x38;
	[tilespmem:$0x19080] =	vst v63  }
0x63: {  	s8 =	sld [smem:$0x7F5]  }
0x64: {  	[tilespmem:s23], [sflag:$0x1] =	stream.strided.gather [hbm4b:s7+s16], $0x800, s17, s16, $0x38;
	[tilespmem:$0x19080] =	vst v63  }
0x65: {  	s9 =	sld [smem:$0x7F6]  }
0x66: {  	[tilespmem:s13], [sflag:$0x1] =	stream.strided.gather [hbm4b:s8+s16], $0x800, s17, s16, $0x38;
	[tilespmem:$0x19080] =	vst v63  }
0x67: {  	s10 =	sld [smem:$0x7F7]  }
0x68: {  	[tilespmem:s11], [sflag:$0x1] =	stream.strided.gather [hbm4b:s9+s16], $0x800, s17, s16, $0x38;
	[tilespmem:$0x19080] =	vst v63  }
0x69: {  	s11 =	sld [smem:$0x7F8]  }
0x6a: {  	[tilespmem:s19], [sflag:$0x1] =	stream.strided.gather [hbm4b:s10+s16], $0x800, s17, s16, $0x38;
	[tilespmem:$0x19080] =	vst v63  }
0x6b: {  	s12 =	sld [smem:$0x7F9]  }
0x6c: {  	[tilespmem:s3], [sflag:$0x1] =	stream.strided.gather [hbm4b:s11+s16], $0x800, s17, s16, $0x38;
	[tilespmem:$0x19080] =	vst v63  }
0x6d: {  	s13 =	sld [smem:$0x7FA]  }
0x6e: {  	[tilespmem:s21], [sflag:$0x1] =	stream.strided.gather [hbm4b:s12+s16], $0x800, s17, s16, $0x38;
	[tilespmem:$0x19080] =	vst v63  }
0x6f: {  	s18 =	sld [smem:$0x7FB]  }
0x70: {  	[tilespmem:s4], [sflag:$0x1] =	stream.strided.gather [hbm4b:s13+s16], $0x800, s17, s16, $0x38;
	[tilespmem:$0x19080] =	vst v63  }
0x71: {  	s19 =	simm.s32 $0x19000;
	s21 =	simm.s32 $0x6  }
0x72: {  	[tilespmem:s19], [sflag:$0x6] =	stream.linear.gather [hbm4b:s18+s15], $0x80, $0x38;
	[tilespmem:$0x19080] =	vst v63  }
0x73: {  	_ =	swait.ge [sflag:s21], $0x80  }
0x74: {  	[sflag:s21] =	ssyncset.done $0x0  }
0x75: {  	[sflag:s21] =	ssyncadd.s32 $0xFFFFFF80  }
0x76: {  	v1 =	vld [tilespmem:$0x19000];
	_ =	sdelay $0x4  }
0x77: {  	v1 =	vshll.u32 v1, $0xF  }
0x78: {  	v1 =	vperm.xlane v1, v0;
	_ =	sdelay $0x4  }
0x79: {  	s25 =	simm.s32 $0x10000;
	s28 =	simm.s32 $0x1;
	s23 =	rddreg [dreg:$0x13]  }
0x7a: {  	[tilespmem:s25], [sflag:$0x2] =	stream.indirect_vreg.gather [hbm4b:s23+s15], $0x400, v1, vm0, $0x38;
	[tilespmem:$0x19080] =	vst v63  }
0x7b: {  	_ =	swait.ge [sflag:s28], $0x800  }
0x7c: {  	[sflag:s28] =	ssyncset.done $0x0  }
0x7d: {  	[sflag:s28] =	ssyncadd.s32 $0xFFFFF800  }
0x7e: {  	_ =	swait.ge [sflag:s28], $0x800  }
0x7f: {  	[sflag:s28] =	ssyncset.done $0x0  }
0x80: {  	[sflag:s28] =	ssyncadd.s32 $0xFFFFF800  }
0x81: {  	_ =	swait.ge [sflag:s28], $0x800  }
0x82: {  	[sflag:s28] =	ssyncset.done $0x0  }
0x83: {  	[sflag:s28] =	ssyncadd.s32 $0xFFFFF800  }
0x84: {  	_ =	swait.ge [sflag:s28], $0x800  }
0x85: {  	[sflag:s28] =	ssyncset.done $0x0  }
0x86: {  	[sflag:s28] =	ssyncadd.s32 $0xFFFFF800  }
0x87: {  	_ =	swait.ge [sflag:s28], $0x800  }
0x88: {  	[sflag:s28] =	ssyncset.done $0x0  }
0x89: {  	[sflag:s28] =	ssyncadd.s32 $0xFFFFF800  }
0x8a: {  	_ =	swait.ge [sflag:s28], $0x800  }
0x8b: {  	[sflag:s28] =	ssyncset.done $0x0  }
0x8c: {  	[sflag:s28] =	ssyncadd.s32 $0xFFFFF800  }
0x8d: {  	_ =	swait.ge [sflag:s28], $0x800  }
0x8e: {  	[sflag:s28] =	ssyncset.done $0x0  }
0x8f: {  	[sflag:s28] =	ssyncadd.s32 $0xFFFFF800  }
0x90: {  	_ =	swait.ge [sflag:s28], $0x800  }
0x91: {  	[sflag:s28] =	ssyncset.done $0x0  }
0x92: {  	[sflag:s28] =	ssyncadd.s32 $0xFFFFF800  }
0x93: {  	_ =	swait.ge [sflag:s28], $0x800  }
0x94: {  	[sflag:s28] =	ssyncset.done $0x0  }
0x95: {  	[sflag:s28] =	ssyncadd.s32 $0xFFFFF800  }
0x96: {  	_ =	swait.ge [sflag:s28], $0x800  }
0x97: {  	[sflag:s28] =	ssyncset.done $0x0  }
0x98: {  	[sflag:s28] =	ssyncadd.s32 $0xFFFFF800  }
0x99: {  	_ =	swait.ge [sflag:s28], $0x800  }
0x9a: {  	[sflag:s28] =	ssyncset.done $0x0  }
0x9b: {  	[sflag:s28] =	ssyncadd.s32 $0xFFFFF800  }
0x9c: {  	_ =	swait.ge [sflag:s28], $0x800  }
0x9d: {  	[sflag:s28] =	ssyncset.done $0x0  }
0x9e: {  	[sflag:s28] =	ssyncadd.s32 $0xFFFFF800  }
0x9f: {  	_ =	swait.ge [sflag:s28], $0x800  }
0xa0: {  	[sflag:s28] =	ssyncset.done $0x0  }
0xa1: {  	[sflag:s28] =	ssyncadd.s32 $0xFFFFF800  }
0xa2: {  	_ =	swait.ge [sflag:s28], $0x800  }
0xa3: {  	[sflag:s28] =	ssyncset.done $0x0  }
0xa4: {  	[sflag:s28] =	ssyncadd.s32 $0xFFFFF800  }
0xa5: {  	_ =	swait.ge [sflag:s28], $0x800  }
0xa6: {  	[sflag:s28] =	ssyncset.done $0x0  }
0xa7: {  	[sflag:s28] =	ssyncadd.s32 $0xFFFFF800  }
0xa8: {  	_ =	swait.ge [sflag:s28], $0x800  }
0xa9: {  	[sflag:s28] =	ssyncset.done $0x0  }
0xaa: {  	[sflag:s28] =	ssyncadd.s32 $0xFFFFF800  }
0xab: {  	_ =	swait.ge [sflag:s28], $0x800  }
0xac: {  	[sflag:s28] =	ssyncset.done $0x0  }
0xad: {  	[sflag:s28] =	ssyncadd.s32 $0xFFFFF800  }
0xae: {  	_ =	swait.ge [sflag:s28], $0x800  }
0xaf: {  	[sflag:s28] =	ssyncset.done $0x0  }
0xb0: {  	[sflag:s28] =	ssyncadd.s32 $0xFFFFF800  }
0xb1: {  	_ =	swait.ge [sflag:s28], $0x800  }
0xb2: {  	[sflag:s28] =	ssyncset.done $0x0  }
0xb3: {  	[sflag:s28] =	ssyncadd.s32 $0xFFFFF800  }
0xb4: {  	_ =	swait.ge [sflag:s28], $0x800  }
0xb5: {  	[sflag:s28] =	ssyncset.done $0x0  }
0xb6: {  	[sflag:s28] =	ssyncadd.s32 $0xFFFFF800  }
0xb7: {  	_ =	swait.ge [sflag:s28], $0x800  }
0xb8: {  	[sflag:s28] =	ssyncset.done $0x0  }
0xb9: {  	[sflag:s28] =	ssyncadd.s32 $0xFFFFF800  }
0xba: {  	_ =	swait.ge [sflag:s28], $0x800  }
0xbb: {  	[sflag:s28] =	ssyncset.done $0x0  }
0xbc: {  	[sflag:s28] =	ssyncadd.s32 $0xFFFFF800  }
0xbd: {  	_ =	swait.ge [sflag:s28], $0x800  }
0xbe: {  	[sflag:s28] =	ssyncset.done $0x0  }
0xbf: {  	[sflag:s28] =	ssyncadd.s32 $0xFFFFF800  }
0xc0: {  	_ =	swait.ge [sflag:s28], $0x800  }
0xc1: {  	[sflag:s28] =	ssyncset.done $0x0  }
0xc2: {  	[sflag:s28] =	ssyncadd.s32 $0xFFFFF800  }
0xc3: {  	_ =	swait.ge [sflag:s28], $0x800  }
0xc4: {  	[sflag:s28] =	ssyncset.done $0x0  }
0xc5: {  	[sflag:s28] =	ssyncadd.s32 $0xFFFFF800  }
0xc6: {  	_ =	swait.ge [sflag:s28], $0x800  }
0xc7: {  	[sflag:s28] =	ssyncset.done $0x0  }
0xc8: {  	[sflag:s28] =	ssyncadd.s32 $0xFFFFF800  }
0xc9: {  	_ =	swait.ge [sflag:s28], $0x800  }
0xca: {  	[sflag:s28] =	ssyncset.done $0x0  }
0xcb: {  	[sflag:s28] =	ssyncadd.s32 $0xFFFFF800  }
0xcc: {  	_ =	swait.ge [sflag:s28], $0x800  }
0xcd: {  	[sflag:s28] =	ssyncset.done $0x0  }
0xce: {  	[sflag:s28] =	ssyncadd.s32 $0xFFFFF800  }
0xcf: {  	_ =	swait.ge [sflag:s28], $0x800  }
0xd0: {  	[sflag:s28] =	ssyncset.done $0x0  }
0xd1: {  	[sflag:s28] =	ssyncadd.s32 $0xFFFFF800  }
0xd2: {  	_ =	swait.ge [sflag:s28], $0x800  }
0xd3: {  	[sflag:s28] =	ssyncset.done $0x0  }
0xd4: {  	[sflag:s28] =	ssyncadd.s32 $0xFFFFF800  }
0xd5: {  	_ =	swait.ge [sflag:s28], $0x800  }
0xd6: {  	[sflag:s28] =	ssyncset.done $0x0  }
0xd7: {  	[sflag:s28] =	ssyncadd.s32 $0xFFFFF800  }
0xd8: {  	_ =	swait.ge [sflag:s28], $0x800  }
0xd9: {  	[sflag:s28] =	ssyncset.done $0x0  }
0xda: {  	s3 =	simm.s32 $0x0;
	[sflag:s28] =	ssyncadd.s32 $0xFFFFF800  }
.LBB2_2:
0xdb: {  	s2 =	simm.s32 $0x2  }
0xdc: {  	_ =	swait.ge [sflag:s2], $0x4000  }
0xdd: {  	[sflag:s2] =	ssyncset.done $0x0  }
0xde: {  	[sflag:s2] =	ssyncadd.s32 $0xFFFFC000  }
0xdf: {  	v1 =	vld [tilespmem:$0x19000];
	_ =	sdelay $0x4  }
0xe0: {  	v1 =	vshll.u32 v1, $0xF  }
0xe1: {  	v1 =	vperm.xlane v1, v0;
	_ =	sdelay $0x1  }
0xe2: {  	s19 =	sshllo.u32 s3, $0x1  }
0xe3: {  	s21 =	simm.s32 $0x14000;
	[smem:$0x7F1] =	sst s19  }
0xe4: {  	p0 =	seq.s32 s3, $0x0;
	s14 =	sshll.u32 s19, $0x7;
	s16 =	rddreg [dreg:$0x13]  }
0xe5: {  	[smem:$0x7F2] =	sst s3;
	s14 =	sadd.s32 s14, s16;
	s16 =	simm.s32 @!p0 $0x4  }
0xe6: {  	[tilespmem:s21], [sflag:$0x3] =	stream.indirect_vreg.gather [hbm4b:s14+s15], $0x400, v1, vm0, $0x38;
	[tilespmem:$0x19080] =	vst v63  }
0xe7: {  	s17 =	simm.s32 $0x0;
	s15 =	simm.s32 $0x0;
	_ =	swait.ge @!p0 [sflag:s16], $0x800  }
0xe8: {  	s17 =	sand.u32 $0x3FFFFF80, s17;
	s14 =	sand.u32 $0x70, s15;
	[sflag:s16] =	ssyncset.done @!p0 $0x0  }
0xe9: {  	s19 =	sor.u32 s14, s17;
	[sflag:s16] =	ssyncadd.s32 @!p0 $0xFFFFF800  }
0xea: {  	v2 =	vld [tilespmem:s19+$0x11000]  }
0xeb: {  	v1 =	vld [tilespmem:s19+$0x10400]  }
0xec: {  	v4 =	vld [tilespmem:s19+$0x11400]  }
0xed: {  	v3 =	vld [tilespmem:s19+$0x10000]  }
0xee: {  	v6 =	vld [tilespmem:s19+$0x10800]  }
0xef: {  	v7 =	vld [tilespmem:s19+$0x10C00];
	v5 =	vtrunc.f32 v2  }
0xf0: {  	v8 =	vtrunc.f32 v1;
	v9 =	vcvt.f32.s32 v5  }
0xf1: {  	v8 =	vcvt.f32.s32 v8  }
0xf2: {  	v10 =	vtrunc.f32 v4;
	v5 =	vtrunc.f32 v3  }
0xf3: {  	v12 =	vtrunc.f32 v6;
	v11 =	vcvt.f32.s32 v5;
	v5 =	vld [tilespmem:s19+$0x11800]  }
0xf4: {  	v14 =	vld [tilespmem:s19+$0x11C00];
	v13 =	vtrunc.f32 v7;
	v12 =	vcvt.f32.s32 v12  }
0xf5: {  	v13 =	vcvt.f32.s32 v13;
	v10 =	vcvt.f32.s32 v10  }
0xf6: {  	v15 =	vcvt.s32.f32 v9;
	v17 =	vcvt.s32.f32 v8;
	v16 =	vld.idx.msk [tilespmem:v9+s31+$0x0], $0xffff  }
0xf7: {  	s6 =	simm.s32 $0x8800;
	v20 =	vcvt.s32.f32 v12;
	v21 =	vcvt.s32.f32 v13;
	v19 =	vld.idx.msk [tilespmem:v8+s26+$0x0], $0xffff  }
0xf8: {  	s12 =	simm.s32 $0x8000;
	v18 =	vcvt.s32.f32 v11;
	v1 =	vsub.f32 v1, v17;
	v22 =	vtrunc.f32 v5;
	v8 =	vld.idx.msk [tilespmem:v8+s6+$0x0], $0xffff  }
0xf9: {  	v6 =	vsub.f32 v6, v20;
	v17 =	vcvt.f32.s32 v22;
	v22 =	vtrunc.f32 v14;
	v23 =	vld.idx.msk [tilespmem:v11+s12+$0x0], $0xffff  }
0xfa: {  	s9 =	simm.s32 $0x9800;
	v7 =	vsub.f32 v7, v21;
	v9 =	vld.idx.msk [tilespmem:v9+s20+$0x0], $0xffff;
	v20 =	vcvt.f32.s32 v22;
	v22 =	vcvt.s32.f32 v10  }
0xfb: {  	v15 =	vsub.f32 v2, v15;
	v3 =	vsub.f32 v3, v18;
	v21 =	vld.idx.msk [tilespmem:v13+s9+$0x0], $0xffff  }
0xfc: {  	v11 =	vld.idx.msk [tilespmem:v11+s15+$0x0], $0xffff;
	v24 =	vcvt.s32.f32 v17;
	v27 =	vcvt.s32.f32 v20;
	v4 =	vsub.f32 v4, v22  }
0xfd: {  	v25 =	vunpack.i.u.bf16.f32 v16;
	v26 =	vunpack.i.u.bf16.f32 v19;
	v28 =	vunpack.i.u.bf16.f32 v8  }
0xfe: {  	v18 =	vld.idx.msk [tilespmem:v12+s29+$0x0], $0xffff;
	v27 =	vsub.f32 v14, v27;
	v14 =	vunpack.i.u.bf16.f32 v23;
	v23 =	vunpack.i.l.bf16.f32 v23  }
0xff: {  	s8 =	simm.s32 $0x9000;
	v13 =	vld.idx.msk [tilespmem:v13+s30+$0x0], $0xffff;
	v29 =	vunpack.i.u.bf16.f32 v9;
	v23 =	vadd.f32 $0.0e+00, v23;
	v14 =	vmul.f32 v14, v3  }
0x100: {  	v12 =	vld.idx.msk [tilespmem:v12+s8+$0x0], $0xffff;
	v8 =	vunpack.i.l.bf16.f32 v8;
	v30 =	vunpack.i.u.bf16.f32 v21;
	v19 =	vunpack.i.l.bf16.f32 v19  }
0x101: {  	v14 =	vadd.f32 v23, v14;
	v23 =	vunpack.i.u.bf16.f32 v11;
	v11 =	vunpack.i.l.bf16.f32 v11  }
0x102: {  	v26 =	vmul.f32 v26, v1;
	v3 =	vmul.f32 v23, v3;
	v11 =	vadd.f32 $0.0e+00, v11  }
0x103: {  	v1 =	vmul.f32 v28, v1;
	v28 =	vunpack.i.u.bf16.f32 v18;
	v8 =	vadd.f32 v8, v14  }
0x104: {  	v24 =	vsub.f32 v5, v24;
	v31 =	vld.idx.msk [tilespmem:v20+s24+$0x0], $0xffff;
	v23 =	vmul.f32 v28, v6;
	v3 =	vadd.f32 v11, v3  }
0x105: {  	v32 =	vld.idx.msk [tilespmem:v17+s1+$0x0], $0xffff;
	v28 =	vunpack.i.u.bf16.f32 v13;
	v11 =	vunpack.i.u.bf16.f32 v12;
	v8 =	vadd.f32 v8, v1  }
0x106: {  	s23 =	simm.s32 $0x10;
	s18 =	simm.s32 $0x10;
	v14 =	vunpack.i.l.bf16.f32 v12;
	v6 =	vmul.f32 v11, v6;
	v11 =	vadd.f32 v19, v3  }
0x107: {  	s17 =	sand.u32 $0x70, s18;
	v18 =	vunpack.i.l.bf16.f32 v18;
	s24 =	sand.u32 $0x3FFFFF80, s23;
	v12 =	vmul.f32 v28, v7;
	v28 =	vld.idx.msk [tilespmem:v10+s22+$0x0], $0xffff;
	v8 =	vadd.f32 v14, v8  }
0x108: {  	s16 =	sor.u32 s17, s24;
	v13 =	vunpack.i.l.bf16.f32 v13;
	v10 =	vld.idx.msk [tilespmem:v10+s0+$0x0], $0xffff;
	[smem:$0x7F3] =	sst s24;
	v7 =	vmul.f32 v30, v7;
	v11 =	vadd.f32 v11, v26  }
0x109: {  	v1 =	vunpack.i.u.bf16.f32 v31;
	v34 =	vunpack.i.l.bf16.f32 v31;
	v3 =	vld [tilespmem:s16+$0x11400];
	v6 =	vadd.f32 v8, v6  }
0x10a: {  	v2 =	vld [tilespmem:s16+$0x11000];
	v19 =	vunpack.i.u.bf16.f32 v32;
	v14 =	vunpack.i.l.bf16.f32 v21;
	v11 =	vadd.f32 v18, v11  }
0x10b: {  	v22 =	vld [tilespmem:s16+$0x10400];
	v1 =	vmul.f32 v1, v27;
	v19 =	vmul.f32 v19, v24;
	v6 =	vadd.f32 v14, v6  }
0x10c: {  	v26 =	vld [tilespmem:s16+$0x10000];
	v14 =	vunpack.i.l.bf16.f32 v16;
	v16 =	vunpack.i.l.bf16.f32 v9;
	v9 =	vadd.f32 v11, v23  }
0x10d: {  	v21 =	vunpack.i.u.bf16.f32 v28;
	v18 =	vmul.f32 v29, v15;
	v11 =	vmul.f32 v25, v15  }
0x10e: {  	v8 =	vld [tilespmem:s16+$0x10C00];
	v15 =	vmul.f32 v21, v4;
	v21 =	vtrunc.f32 v3;
	v9 =	vadd.f32 v13, v9  }
0x10f: {  	v23 =	vtrunc.f32 v2;
	v6 =	vadd.f32 v6, v7;
	v7 =	vld [tilespmem:s16+$0x10800];
	v13 =	vunpack.i.u.bf16.f32 v10  }
0x110: {  	v23 =	vcvt.f32.s32 v23;
	v13 =	vmul.f32 v13, v4;
	v12 =	vadd.f32 v9, v12  }
0x111: {  	v28 =	vunpack.i.l.bf16.f32 v28;
	v4 =	vtrunc.f32 v22;
	v9 =	vtrunc.f32 v26  }
0x112: {  	v29 =	vcvt.f32.s32 v4;
	v30 =	vcvt.f32.s32 v9;
	v12 =	vadd.f32 v14, v12  }
0x113: {  	v36 =	vcvt.f32.s32 v21;
	v25 =	vtrunc.f32 v8;
	v10 =	vunpack.i.l.bf16.f32 v10;
	v4 =	vld [tilespmem:s16+$0x11800]  }
0x114: {  	s25 =	simm.s32 $0x3800;
	v35 =	vld [tilespmem:s16+$0x11C00];
	v31 =	vtrunc.f32 v7;
	v33 =	vcvt.s32.f32 v30;
	v11 =	vadd.f32 v12, v11  }
0x115: {  	s13 =	simm.s32 $0xB000;
	v20 =	vld.idx.msk [tilespmem:v20+s25+$0x0], $0xffff;
	v6 =	vadd.f32 v16, v6;
	v14 =	vcvt.s32.f32 v29;
	v31 =	vcvt.f32.s32 v31  }
0x116: {  	v25 =	vcvt.f32.s32 v25;
	v33 =	vsub.f32 v26, v33;
	v26 =	vld.idx.msk [tilespmem:v17+s13+$0x0], $0xffff;
	v11 =	vadd.f32 v10, v11  }
0x117: {  	v9 =	vcvt.s32.f32 v23;
	v22 =	vsub.f32 v22, v14;
	v12 =	vcvt.s32.f32 v31;
	v10 =	vld.idx.msk [tilespmem:v23+s31+$0x0], $0xffff  }
0x118: {  	v14 =	vcvt.s32.f32 v25;
	v21 =	vtrunc.f32 v4;
	v37 =	vld.idx.msk [tilespmem:v29+s26+$0x0], $0xffff;
	v5 =	vadd.f32 v11, v13  }
0x119: {  	v29 =	vld.idx.msk [tilespmem:v29+s6+$0x0], $0xffff;
	v38 =	vsub.f32 v7, v12;
	v12 =	vcvt.s32.f32 v36;
	v11 =	vunpack.i.l.bf16.f32 v32  }
0x11a: {  	v7 =	vcvt.f32.s32 v21;
	v21 =	vunpack.i.u.bf16.f32 v20;
	v17 =	vadd.f32 v11, v5;
	v11 =	vld.idx.msk [tilespmem:v23+s20+$0x0], $0xffff  }
0x11b: {  	v6 =	vadd.f32 v6, v18;
	v13 =	vtrunc.f32 v35;
	v27 =	vmul.f32 v21, v27;
	v23 =	vld.idx.msk [tilespmem:v30+s12+$0x0], $0xffff  }
0x11c: {  	v14 =	vsub.f32 v8, v14;
	v8 =	vcvt.f32.s32 v13;
	v5 =	vcvt.s32.f32 v7  }
0x11d: {  	v39 =	vld.idx.msk [tilespmem:v31+s29+$0x0], $0xffff;
	v40 =	vunpack.i.u.bf16.f32 v26;
	v13 =	vunpack.i.u.bf16.f32 v10;
	v16 =	vadd.f32 v17, v19  }
0x11e: {  	v31 =	vld.idx.msk [tilespmem:v31+s8+$0x0], $0xffff;
	v18 =	vunpack.i.u.bf16.f32 v29;
	v17 =	vunpack.i.u.bf16.f32 v37;
	v19 =	vunpack.i.l.bf16.f32 v20  }
0x11f: {  	v60 =	vcvt.s32.f32 v8;
	v21 =	vmul.f32 v17, v22;
	v17 =	vld.idx.msk [tilespmem:v25+s30+$0x0], $0xffff;
	v16 =	vadd.f32 v19, v16  }
0x120: {  	v24 =	vmul.f32 v40, v24;
	v19 =	vld.idx.msk [tilespmem:v25+s9+$0x0], $0xffff;
	v25 =	vadd.f32 v28, v6;
	v28 =	vunpack.i.u.bf16.f32 v23  }
0x121: {  	v23 =	vunpack.i.l.bf16.f32 v23;
	v16 =	vadd.f32 v16, v27;
	v27 =	vld.idx.msk [tilespmem:v30+s15+$0x0], $0xffff;
	v30 =	vunpack.i.l.bf16.f32 v26  }
0x122: {  	v26 =	vmul.f32 v18, v22;
	v18 =	vadd.f32 $0.0e+00, v23;
	v22 =	vmul.f32 v28, v33  }
0x123: {  	s28 =	simm.s32 $0x0;
	v29 =	vunpack.i.l.bf16.f32 v29;
	v6 =	vsub.f32 v35, v60;
	v15 =	vadd.f32 v25, v15  }
0x124: {  	s16 =	sand.u32 $0x3FFFFF00, s28;
	v61 =	vunpack.i.u.bf16.f32 v39;
	v20 =	vunpack.i.u.bf16.f32 v11;
	v18 =	vadd.f32 v18, v22  }
0x125: {  	s24 =	sor.u32 s14, s16;
	v28 =	vunpack.i.l.bf16.f32 v37;
	v22 =	vmul.f32 v61, v38;
	v63 =	vadd.f32 v30, v15  }
0x126: {  	s5 =	simm.s32 $0x3800;
	s4 =	simm.s32 $0x3000;
	s2 =	simm.s32 $0xB800;
	v62 =	vunpack.i.u.bf16.f32 v17;
	v30 =	vunpack.i.l.bf16.f32 v31;
	[tilespmem:s24+$0x18000] =	vst v16;
	v16 =	vld.idx.msk [tilespmem:v7+s1+$0x0], $0xffff;
	v32 =	vadd.f32 v29, v18  }
0x127: {  	s10 =	simm.s32 $0xA000;
	s7 =	simm.s32 $0xA800;
	s11 =	simm.s32 $0xE000;
	v18 =	vld.idx.msk [tilespmem:v8+s2+$0x0], $0xffff;
	v37 =	vadd.f32 v63, v24;
	v25 =	vunpack.i.u.bf16.f32 v27;
	v27 =	vunpack.i.l.bf16.f32 v27  }
0x128: {  	s3 =	simm.s32 $0xF000;
	s16 =	simm.s32 $0x1;
	s31 =	simm.s32 $0x1800;
	v24 =	vunpack.i.u.bf16.f32 v31;
	v33 =	vmul.f32 v25, v33;
	v27 =	vadd.f32 $0.0e+00, v27  }
0x129: {  	s26 =	simm.s32 $0x2;
	s29 =	simm.s32 $0x800;
	s20 =	simm.s32 $0x1;
	v15 =	vld.idx.msk [tilespmem:v36+s0+$0x0], $0xffff;
	v23 =	vunpack.i.u.bf16.f32 v19;
	v29 =	vunpack.i.l.bf16.f32 v39;
	v31 =	vmul.f32 v24, v38  }
0x12a: {  	s30 =	simm.s32 $0x1000;
	s1 =	simm.s32 $0x2800;
	s0 =	simm.s32 $0x2000;
	v24 =	vld.idx.msk [tilespmem:v36+s22+$0x0], $0xffff;
	v25 =	vmul.f32 v62, v14;
	v33 =	vadd.f32 v27, v33;
	v27 =	vadd.f32 v34, v37  }
.LBB2_3:
0x12b: {  	s28 =	sshll.u32 s26, $0x4  }
0x12c: {  	v26 =	vadd.f32 v32, v26;
	v32 =	vunpack.i.u.bf16.f32 v16;
	v34 =	vunpack.i.u.bf16.f32 v18;
	s18 =	sadd.s32 $0x10, s18;
	s25 =	smov.u32 s26;
	s22 =	sadd.s32 $0x1, s26  }
0x12d: {  	p0 =	sne.s32 s26, $0x3F;
	s23 =	sand.u32 $0x70, s18;
	s28 =	sand.u32 $0x3FFFFF80, s28;
	v28 =	vadd.f32 v28, v33;
	v27 =	vadd.f32 v27, v1;
	v1 =	vmul.f32 v34, v6  }
0x12e: {  	v19 =	vunpack.i.l.bf16.f32 v19;
	s24 =	sadd.s32 $0x18000, s24;
	s26 =	sor.u32 s23, s28;
	v26 =	vadd.f32 v30, v26  }
0x12f: {  	v14 =	vmul.f32 v23, v14;
	v9 =	vsub.f32 v2, v9;
	v30 =	vld [tilespmem:s26+$0x11400];
	v21 =	vadd.f32 v28, v21;
	[tilespmem:s24+$0x80] =	vst v27  }
0x130: {  	v12 =	vsub.f32 v3, v12;
	v2 =	vld [tilespmem:s26+$0x11000];
	v23 =	vadd.f32 v26, v31  }
0x131: {  	v20 =	vmul.f32 v20, v9;
	v26 =	vld [tilespmem:s26+$0x10C00];
	v29 =	vadd.f32 v29, v21;
	v21 =	vunpack.i.u.bf16.f32 v24  }
0x132: {  	v10 =	vunpack.i.l.bf16.f32 v10;
	v27 =	vld [tilespmem:s26+$0x10400];
	v19 =	vadd.f32 v19, v23;
	v23 =	vunpack.i.l.bf16.f32 v11  }
0x133: {  	v13 =	vmul.f32 v13, v9;
	v28 =	vmul.f32 v21, v12;
	v11 =	vld [tilespmem:s26+$0x10000];
	v22 =	vadd.f32 v29, v22  }
0x134: {  	v9 =	vunpack.i.l.bf16.f32 v17;
	v21 =	vtrunc.f32 v30;
	v17 =	vadd.f32 v19, v14;
	v3 =	vmovc v30  }
0x135: {  	v14 =	vld [tilespmem:s26+$0x10800];
	v19 =	vtrunc.f32 v2;
	v9 =	vadd.f32 v9, v22;
	v22 =	vunpack.i.u.bf16.f32 v15  }
0x136: {  	v24 =	vunpack.i.l.bf16.f32 v24;
	v29 =	vtrunc.f32 v26;
	v22 =	vmul.f32 v22, v12  }
0x137: {  	v19 =	vcvt.f32.s32 v19;
	v12 =	vtrunc.f32 v27;
	v25 =	vadd.f32 v9, v25  }
0x138: {  	v34 =	vunpack.i.l.bf16.f32 v18;
	v9 =	vtrunc.f32 v11;
	v30 =	vcvt.f32.s32 v12  }
0x139: {  	v18 =	vcvt.f32.s32 v9;
	v9 =	vcvt.s32.f32 v19;
	v12 =	vld [tilespmem:s26+$0x11800];
	v10 =	vadd.f32 v10, v25  }
0x13a: {  	v15 =	vunpack.i.l.bf16.f32 v15;
	v25 =	vcvt.s32.f32 v30;
	v31 =	vtrunc.f32 v14;
	v33 =	vld.idx.msk [tilespmem:v7+s13+$0x0], $0xffff  }
0x13b: {  	v7 =	vcvt.s32.f32 v18;
	v31 =	vcvt.f32.s32 v31;
	v35 =	vld [tilespmem:s26+$0x11C00];
	v13 =	vadd.f32 v10, v13  }
0x13c: {  	v36 =	vcvt.f32.s32 v21;
	v25 =	vsub.f32 v27, v25;
	v27 =	vcvt.f32.s32 v29;
	v21 =	vld.idx.msk [tilespmem:v8+s5+$0x0], $0xffff  }
0x13d: {  	v29 =	vsub.f32 v11, v7;
	v7 =	vcvt.s32.f32 v31;
	v10 =	vld.idx.msk [tilespmem:v19+s0+$0x0], $0xffff;
	v8 =	vadd.f32 v15, v13  }
0x13e: {  	v38 =	vsub.f32 v4, v5;
	v37 =	vld.idx.msk [tilespmem:v30+s29+$0x0], $0xffff;
	v13 =	vcvt.s32.f32 v27;
	v15 =	vtrunc.f32 v12;
	v4 =	vmovc v12  }
0x13f: {  	v12 =	vcvt.s32.f32 v36;
	v39 =	vsub.f32 v14, v7;
	v11 =	vld.idx.msk [tilespmem:v19+s10+$0x0], $0xffff;
	v5 =	vadd.f32 v8, v22  }
0x140: {  	v7 =	vcvt.f32.s32 v15;
	v15 =	vunpack.i.l.bf16.f32 v16;
	v22 =	vld.idx.msk [tilespmem:v30+s6+$0x0], $0xffff;
	v8 =	vtrunc.f32 v35  }
0x141: {  	v16 =	vmul.f32 v32, v38;
	v14 =	vsub.f32 v26, v13;
	v40 =	vld.idx.msk [tilespmem:v31+s30+$0x0], $0xffff;
	v15 =	vadd.f32 v15, v5  }
0x142: {  	v5 =	vcvt.s32.f32 v7;
	v8 =	vcvt.f32.s32 v8;
	v26 =	vunpack.i.u.bf16.f32 v21;
	v19 =	vld.idx.msk [tilespmem:v27+s9+$0x0], $0xffff  }
0x143: {  	v23 =	vadd.f32 v23, v17;
	v13 =	vunpack.i.u.bf16.f32 v10;
	v30 =	vld.idx.msk [tilespmem:v18+s12+$0x0], $0xffff;
	v16 =	vadd.f32 v15, v16  }
0x144: {  	v6 =	vmul.f32 v26, v6;
	v15 =	vunpack.i.u.bf16.f32 v37;
	v17 =	vld.idx.msk [tilespmem:v27+s31+$0x0], $0xffff;
	v27 =	vunpack.i.l.bf16.f32 v21  }
0x145: {  	v23 =	vadd.f32 v23, v20;
	v21 =	vmul.f32 v15, v25;
	v15 =	vld.idx.msk [tilespmem:v36+s1+$0x0], $0xffff;
	v16 =	vadd.f32 v27, v16  }
0x146: {  	s24 =	sshll.u32 s20, $0x5;
	s20 =	smov.u32 s25;
	v32 =	vunpack.i.u.bf16.f32 v33;
	v26 =	vcvt.s32.f32 v8;
	v27 =	vld.idx.msk [tilespmem:v18+s15+$0x0], $0xffff;
	v18 =	vunpack.i.u.bf16.f32 v22  }
0x147: {  	s24 =	sand.u32 $0x3FFFFF00, s24;
	v24 =	vadd.f32 v24, v23;
	v20 =	vunpack.i.u.bf16.f32 v11;
	v16 =	vadd.f32 v16, v6  }
0x148: {  	s24 =	sor.u32 s17, s24;
	s17 =	smov.u32 s23;
	v33 =	vunpack.i.l.bf16.f32 v33;
	v6 =	vsub.f32 v35, v26;
	v35 =	vmul.f32 v32, v38  }
0x149: {  	v26 =	vmul.f32 v18, v25;
	v23 =	vunpack.i.u.bf16.f32 v30;
	v30 =	vunpack.i.l.bf16.f32 v30;
	v25 =	vld.idx.msk [tilespmem:v31+s8+$0x0], $0xffff;
	[tilespmem:s24+$0x18000] =	vst v16  }
0x14a: {  	v16 =	vadd.f32 $0.0e+00, v30;
	v30 =	vmul.f32 v23, v29;
	v31 =	vunpack.i.u.bf16.f32 v40  }
0x14b: {  	v24 =	vadd.f32 v24, v28;
	v32 =	vunpack.i.l.bf16.f32 v22;
	v23 =	vunpack.i.u.bf16.f32 v19;
	v18 =	vld.idx.msk [tilespmem:v8+s2+$0x0], $0xffff  }
0x14c: {  	v28 =	vunpack.i.l.bf16.f32 v37;
	v22 =	vmul.f32 v31, v39;
	v30 =	vadd.f32 v16, v30;
	v16 =	vld.idx.msk [tilespmem:v7+s4+$0x0], $0xffff  }
.Ltmp0:
0x14d: {  	v24 =	vadd.f32 v33, v24;
	v37 =	vunpack.i.u.bf16.f32 v17;
	v31 =	vunpack.i.u.bf16.f32 v27;
	(pc) =	sbr.rel @p0 .LBB2_3-.Ltmp0, $4  }
0x14e: {  	v27 =	vunpack.i.l.bf16.f32 v27;
	v31 =	vmul.f32 v31, v29;
	v32 =	vadd.f32 v32, v30  }
0x14f: {  	v35 =	vadd.f32 v24, v35;
	v27 =	vadd.f32 $0.0e+00, v27;
	v30 =	vunpack.i.l.bf16.f32 v25  }
0x150: {  	v29 =	vunpack.i.l.bf16.f32 v40;
	v24 =	vunpack.i.u.bf16.f32 v25;
	v25 =	vmul.f32 v37, v14  }
0x151: {  	s26 =	smov.u32 s22;
	v33 =	vadd.f32 v27, v31;
	v27 =	vadd.f32 v34, v35;
	v31 =	vmul.f32 v24, v39;
	v24 =	vld.idx.msk [tilespmem:v36+s7+$0x0], $0xffff  }
0x152: {  	_ = 	snop  }
0x153: {  	v28 =	vadd.f32 v28, v33;
	_ =	sdelay $0x1  }
0x154: {  	v21 =	vadd.f32 v28, v21  }
0x155: {  	v26 =	vadd.f32 v32, v26  }
0x156: {  	v21 =	vadd.f32 v29, v21  }
0x157: {  	v26 =	vadd.f32 v30, v26  }
0x158: {  	v21 =	vadd.f32 v21, v22  }
0x159: {  	v17 =	vunpack.i.l.bf16.f32 v17;
	v22 =	vadd.f32 v26, v31  }
0x15a: {  	v19 =	vunpack.i.l.bf16.f32 v19;
	v17 =	vadd.f32 v17, v21  }
0x15b: {  	v2 =	vsub.f32 v2, v9;
	v9 =	vmul.f32 v23, v14;
	v14 =	vadd.f32 v19, v22  }
0x15c: {  	v17 =	vadd.f32 v17, v25  }
0x15d: {  	v10 =	vunpack.i.l.bf16.f32 v10;
	v9 =	vadd.f32 v14, v9  }
0x15e: {  	v11 =	vunpack.i.l.bf16.f32 v11;
	v13 =	vmul.f32 v13, v2;
	v10 =	vadd.f32 v10, v17  }
0x15f: {  	v3 =	vsub.f32 v3, v12;
	v2 =	vmul.f32 v20, v2;
	v9 =	vadd.f32 v11, v9  }
0x160: {  	v11 =	vunpack.i.u.bf16.f32 v15;
	v10 =	vadd.f32 v10, v13  }
0x161: {  	v12 =	vunpack.i.l.bf16.f32 v15;
	v7 =	vld.idx.msk [tilespmem:v7+s13+$0x0], $0xffff;
	v11 =	vmul.f32 v11, v3;
	v2 =	vadd.f32 v9, v2  }
0x162: {  	v9 =	vunpack.i.u.bf16.f32 v24;
	v10 =	vadd.f32 v12, v10;
	v12 =	vunpack.i.l.bf16.f32 v24  }
0x163: {  	v4 =	vsub.f32 v4, v5;
	v3 =	vmul.f32 v9, v3;
	v2 =	vadd.f32 v12, v2  }
0x164: {  	v8 =	vld.idx.msk [tilespmem:v8+s5+$0x0], $0xffff;
	v9 =	vadd.f32 v10, v11;
	v10 =	vunpack.i.u.bf16.f32 v16  }
0x165: {  	v5 =	vunpack.i.l.bf16.f32 v16;
	v2 =	vadd.f32 v2, v3;
	v3 =	vmul.f32 v10, v4  }
0x166: {  	v5 =	vadd.f32 v5, v9;
	v9 =	vunpack.i.u.bf16.f32 v7;
	v7 =	vunpack.i.l.bf16.f32 v7  }
0x167: {  	v4 =	vmul.f32 v9, v4;
	v2 =	vadd.f32 v7, v2  }
0x168: {  	v7 =	vunpack.i.u.bf16.f32 v18;
	v3 =	vadd.f32 v5, v3  }
0x169: {  	v5 =	vunpack.i.u.bf16.f32 v8;
	v8 =	vunpack.i.l.bf16.f32 v8;
	v2 =	vadd.f32 v2, v4  }
0x16a: {  	v4 =	vunpack.i.l.bf16.f32 v18;
	v5 =	vmul.f32 v5, v6;
	v3 =	vadd.f32 v8, v3  }
0x16b: {  	s18 =	sshll.u32 s20, $0x5;
	v1 =	vadd.f32 v27, v1;
	v6 =	vmul.f32 v7, v6;
	v2 =	vadd.f32 v4, v2  }
0x16c: {  	s30 =	sadd.s32 $0x18000, s24;
	s18 =	sand.u32 $0x3FFFFF00, s18;
	v3 =	vadd.f32 v3, v5  }
0x16d: {  	s17 =	sor.u32 s17, s18;
	[tilespmem:s30+$0x80] =	vst v1;
	v1 =	vadd.f32 v2, v6  }
0x16e: {  	[tilespmem:s17+$0x18000] =	vst v3;
	s17 =	sadd.s32 $0x18000, s17  }
0x16f: {  	[tilespmem:s17+$0x80] =	vst v1  }
0x170: {  	v2 =	vld [tilespmem:s19+$0x13000];
	_ =	sdelay $0x1  }
0x171: {  	v3 =	vld [tilespmem:s19+$0x12C00]  }
0x172: {  	v4 =	vld [tilespmem:s19+$0x12000]  }
0x173: {  	v5 =	vld [tilespmem:s19+$0x12400]  }
0x174: {  	v1 =	vtrunc.f32 v2  }
0x175: {  	v12 =	vld [tilespmem:s19+$0x13400];
	s4 =	sld [smem:$0x7F3];
	v7 =	vcvt.f32.s32 v1  }
0x176: {  	s18 =	simm.s32 $0x10;
	v8 =	vtrunc.f32 v3  }
0x177: {  	s17 =	sand.u32 $0x70, s18;
	v6 =	vld [tilespmem:s19+$0x12800];
	v9 =	vtrunc.f32 v4;
	v8 =	vcvt.f32.s32 v8  }
0x178: {  	v10 =	vld [tilespmem:s19+$0x13800];
	s31 =	sor.u32 s17, s4;
	v11 =	vtrunc.f32 v5;
	v9 =	vcvt.f32.s32 v9  }
0x179: {  	v45 =	vld [tilespmem:s31+$0x13800];
	v11 =	vcvt.f32.s32 v11  }
0x17a: {  	v19 =	vtrunc.f32 v12;
	v1 =	vld [tilespmem:s19+$0x13C00]  }
0x17b: {  	s29 =	simm.s32 $0x6000;
	v19 =	vcvt.f32.s32 v19;
	v14 =	vld.idx.msk [tilespmem:v7+s11+$0x0], $0xffff  }
0x17c: {  	s13 =	simm.s32 $0xD800;
	v13 =	vtrunc.f32 v6;
	v17 =	vld.idx.msk [tilespmem:v7+s29+$0x0], $0xffff  }
0x17d: {  	s2 =	simm.s32 $0xC000;
	v16 =	vtrunc.f32 v10;
	v13 =	vcvt.f32.s32 v13;
	v18 =	vld.idx.msk [tilespmem:v8+s13+$0x0], $0xffff  }
0x17e: {  	s7 =	simm.s32 $0xC800;
	v16 =	vcvt.f32.s32 v16;
	v20 =	vcvt.s32.f32 v9;
	v21 =	vld.idx.msk [tilespmem:v9+s2+$0x0], $0xffff  }
0x17f: {  	s0 =	simm.s32 $0x4800;
	v22 =	vcvt.s32.f32 v11;
	v23 =	vcvt.s32.f32 v13;
	v25 =	vld.idx.msk [tilespmem:v11+s7+$0x0], $0xffff  }
0x180: {  	s19 =	simm.s32 $0xE800;
	v28 =	vcvt.s32.f32 v19;
	v52 =	vtrunc.f32 v45;
	v4 =	vsub.f32 v4, v20;
	v11 =	vld.idx.msk [tilespmem:v11+s0+$0x0], $0xffff  }
0x181: {  	s8 =	simm.s32 $0x6800;
	v20 =	vcvt.s32.f32 v16;
	v6 =	vsub.f32 v6, v23;
	v52 =	vcvt.f32.s32 v52;
	v23 =	vld.idx.msk [tilespmem:v19+s19+$0x0], $0xffff  }
0x182: {  	v5 =	vsub.f32 v5, v22;
	v15 =	vtrunc.f32 v1;
	v7 =	vcvt.s32.f32 v7;
	v19 =	vld.idx.msk [tilespmem:v19+s8+$0x0], $0xffff  }
0x183: {  	s1 =	simm.s32 $0x5000;
	v15 =	vcvt.f32.s32 v15;
	v10 =	vsub.f32 v10, v20;
	v53 =	vcvt.s32.f32 v52  }
0x184: {  	s5 =	simm.s32 $0x4000;
	v26 =	vld.idx.msk [tilespmem:v13+s1+$0x0], $0xffff;
	v27 =	vsub.f32 v2, v7;
	v20 =	vunpack.i.u.bf16.f32 v14;
	v7 =	vunpack.i.u.bf16.f32 v21  }
0x185: {  	s10 =	simm.s32 $0xD000;
	v2 =	vld.idx.msk [tilespmem:v9+s5+$0x0], $0xffff;
	v9 =	vunpack.i.l.bf16.f32 v21;
	v22 =	vunpack.i.u.bf16.f32 v17;
	v29 =	vunpack.i.u.bf16.f32 v18  }
0x186: {  	v13 =	vld.idx.msk [tilespmem:v13+s10+$0x0], $0xffff;
	v30 =	vunpack.i.u.bf16.f32 v11;
	v31 =	vunpack.i.u.bf16.f32 v25;
	v25 =	vunpack.i.l.bf16.f32 v25  }
0x187: {  	s9 =	simm.s32 $0x7000;
	v62 =	vld.idx.msk [tilespmem:v16+s3+$0x0], $0xffff;
	v44 =	vunpack.i.l.bf16.f32 v19;
	v47 =	vunpack.i.l.bf16.f32 v23;
	v19 =	vunpack.i.u.bf16.f32 v19  }
0x188: {  	s6 =	simm.s32 $0x5800;
	v21 =	vld.idx.msk [tilespmem:v16+s9+$0x0], $0xffff;
	v18 =	vunpack.i.l.bf16.f32 v18;
	v17 =	vunpack.i.l.bf16.f32 v17;
	v7 =	vmul.f32 v7, v4  }
0x189: {  	v9 =	vadd.f32 $0.0e+00, v9;
	v24 =	vmul.f32 v22, v27;
	v16 =	vmul.f32 v31, v5;
	v31 =	vld.idx.msk [tilespmem:v8+s6+$0x0], $0xffff  }
0x18a: {  	v36 =	vld [tilespmem:s31+$0x13000];
	v22 =	vcvt.s32.f32 v8;
	v30 =	vmul.f32 v30, v5;
	v5 =	vunpack.i.u.bf16.f32 v23  }
0x18b: {  	v38 =	vld [tilespmem:s31+$0x12C00];
	v61 =	vunpack.i.l.bf16.f32 v2;
	v2 =	vunpack.i.u.bf16.f32 v2;
	v7 =	vadd.f32 v9, v7  }
0x18c: {  	v20 =	vmul.f32 v20, v27;
	v34 =	vmul.f32 v2, v4;
	v8 =	vsub.f32 v3, v22  }
0x18d: {  	v4 =	vadd.f32 v25, v7;
	v25 =	vsub.f32 v12, v28;
	v12 =	vunpack.i.l.bf16.f32 v13  }
0x18e: {  	v28 =	vunpack.i.l.bf16.f32 v11;
	v29 =	vmul.f32 v29, v8;
	v41 =	vunpack.i.l.bf16.f32 v31  }
0x18f: {  	s21 =	simm.s32 $0xF800;
	v22 =	vld [tilespmem:s31+$0x12000];
	v11 =	vadd.f32 v4, v16;
	v4 =	vunpack.i.u.bf16.f32 v13;
	v35 =	vmul.f32 v5, v25  }
0x190: {  	v9 =	vld.idx.msk [tilespmem:v15+s21+$0x0], $0xffff;
	v5 =	vunpack.i.u.bf16.f32 v31;
	v16 =	vtrunc.f32 v36;
	v31 =	vtrunc.f32 v38  }
0x191: {  	v3 =	vld [tilespmem:s31+$0x13C00];
	v13 =	vmul.f32 v4, v6;
	v4 =	vunpack.i.u.bf16.f32 v62;
	v40 =	vmul.f32 v5, v8  }
0x192: {  	s28 =	simm.s32 $0x7800;
	v39 =	vld [tilespmem:s31+$0x12400];
	v43 =	vcvt.f32.s32 v16;
	v42 =	vmul.f32 v4, v10;
	v4 =	vunpack.i.u.bf16.f32 v26  }
0x193: {  	v2 =	vld.idx.msk [tilespmem:v15+s28+$0x0], $0xffff;
	v37 =	vmul.f32 v4, v6;
	v6 =	vcvt.s32.f32 v15;
	v15 =	vunpack.i.u.bf16.f32 v21  }
0x194: {  	v33 =	vunpack.i.l.bf16.f32 v62;
	v8 =	vmul.f32 v15, v10;
	v10 =	vtrunc.f32 v22  }
0x195: {  	v25 =	vmul.f32 v19, v25;
	v7 =	vunpack.i.l.bf16.f32 v9;
	v15 =	vld [tilespmem:s31+$0x12800];
	v46 =	vcvt.f32.s32 v10  }
0x196: {  	v5 =	vunpack.i.u.bf16.f32 v9;
	v9 =	vtrunc.f32 v3;
	v48 =	vcvt.f32.s32 v31  }
0x197: {  	v50 =	vld [tilespmem:s31+$0x13400];
	v16 =	vunpack.i.l.bf16.f32 v21;
	v26 =	vunpack.i.l.bf16.f32 v26;
	v31 =	vcvt.s32.f32 v46  }
0x198: {  	v9 =	vcvt.f32.s32 v9;
	v12 =	vadd.f32 v12, v11;
	v10 =	vtrunc.f32 v39  }
0x199: {  	v49 =	vcvt.f32.s32 v10;
	v51 =	vsub.f32 v22, v31;
	v31 =	vadd.f32 $0.0e+00, v61  }
0x19a: {  	v4 =	vunpack.i.u.bf16.f32 v2;
	v56 =	vcvt.s32.f32 v48;
	v11 =	vld.idx.msk [tilespmem:v43+s29+$0x0], $0xffff;
	v23 =	vtrunc.f32 v15  }
0x19b: {  	v10 =	vld.idx.msk [tilespmem:v43+s11+$0x0], $0xffff;
	v22 =	vcvt.s32.f32 v49;
	v21 =	vcvt.f32.s32 v23;
	v31 =	vadd.f32 v31, v34  }
0x19c: {  	v13 =	vadd.f32 v12, v13;
	v23 =	vcvt.s32.f32 v43;
	v43 =	vtrunc.f32 v50  }
0x19d: {  	v39 =	vsub.f32 v39, v22;
	v19 =	vld.idx.msk [tilespmem:v46+s2+$0x0], $0xffff;
	v63 =	vcvt.s32.f32 v21;
	v28 =	vadd.f32 v28, v31  }
0x19e: {  	v12 =	vsub.f32 v36, v23;
	v23 =	vcvt.f32.s32 v43;
	v31 =	vadd.f32 v18, v13  }
0x19f: {  	v54 =	vunpack.i.u.bf16.f32 v11;
	v55 =	vld.idx.msk [tilespmem:v49+s7+$0x0], $0xffff;
	v18 =	vsub.f32 v45, v53;
	v28 =	vadd.f32 v28, v30  }
0x1a0: {  	v13 =	vunpack.i.u.bf16.f32 v10;
	v22 =	vsub.f32 v15, v63;
	v15 =	vld.idx.msk [tilespmem:v48+s13+$0x0], $0xffff;
	v29 =	vadd.f32 v31, v29  }
0x1a1: {  	v27 =	vcvt.s32.f32 v23;
	v30 =	vld.idx.msk [tilespmem:v49+s0+$0x0], $0xffff;
	v26 =	vadd.f32 v26, v28;
	v28 =	vunpack.i.l.bf16.f32 v14  }
0x1a2: {  	v57 =	vunpack.i.u.bf16.f32 v19;
	v19 =	vunpack.i.l.bf16.f32 v19;
	v60 =	vld.idx.msk [tilespmem:v21+s10+$0x0], $0xffff;
	v28 =	vadd.f32 v28, v29  }
0x1a3: {  	v19 =	vadd.f32 $0.0e+00, v19;
	v32 =	vmul.f32 v57, v51;
	v29 =	vld.idx.msk [tilespmem:v46+s5+$0x0], $0xffff;
	v26 =	vadd.f32 v26, v37  }
0x1a4: {  	v14 =	vmul.f32 v54, v12;
	v34 =	vunpack.i.l.bf16.f32 v55;
	v28 =	vadd.f32 v28, v20  }
0x1a5: {  	v31 =	vunpack.i.u.bf16.f32 v15;
	v32 =	vadd.f32 v19, v32;
	v26 =	vadd.f32 v41, v26  }
0x1a6: {  	v19 =	vunpack.i.u.bf16.f32 v55;
	v20 =	vld.idx.msk [tilespmem:v23+s19+$0x0], $0xffff;
	v58 =	vunpack.i.u.bf16.f32 v30;
	v59 =	vadd.f32 v47, v28  }
0x1a7: {  	v61 =	vmul.f32 v19, v39;
	v34 =	vadd.f32 v34, v32;
	v40 =	vadd.f32 v26, v40  }
0x1a8: {  	v36 =	vld.idx.msk [tilespmem:v9+s21+$0x0], $0xffff;
	v32 =	vunpack.i.l.bf16.f32 v60;
	v28 =	vunpack.i.l.bf16.f32 v29;
	v35 =	vadd.f32 v59, v35  }
0x1a9: {  	v37 =	vld.idx.msk [tilespmem:v21+s1+$0x0], $0xffff;
	v21 =	vunpack.i.u.bf16.f32 v29;
	v26 =	vmul.f32 v58, v39;
	v62 =	vadd.f32 v17, v40  }
0x1aa: {  	v29 =	vmul.f32 v21, v51;
	v21 =	vsub.f32 v50, v27;
	v17 =	vld.idx.msk [tilespmem:v52+s3+$0x0], $0xffff;
	v63 =	vadd.f32 v33, v35  }
0x1ab: {  	v19 =	vld.idx.msk [tilespmem:v52+s9+$0x0], $0xffff;
	v27 =	vunpack.i.u.bf16.f32 v20;
	v35 =	vsub.f32 v38, v56;
	v24 =	vadd.f32 v62, v24  }
0x1ac: {  	v39 =	vld.idx.msk [tilespmem:v9+s28+$0x0], $0xffff;
	v33 =	vunpack.i.l.bf16.f32 v30;
	v38 =	vadd.f32 v34, v61;
	v30 =	vunpack.i.u.bf16.f32 v60  }
0x1ad: {  	s22 =	simm.s32 $0x2;
	s26 =	simm.s32 $0xB000;
	s4 =	simm.s32 $0x3800;
	v40 =	vld.idx.msk [tilespmem:v48+s6+$0x0], $0xffff;
	v34 =	vmul.f32 v30, v22;
	v30 =	vadd.f32 v63, v42;
	v41 =	vadd.f32 v44, v24  }
.LBB2_5:
0x1ae: {  	s23 =	sshll.u32 s22, $0x4  }
0x1af: {  	v27 =	vmul.f32 v27, v21;
	v24 =	vunpack.i.u.bf16.f32 v17;
	v42 =	vunpack.i.l.bf16.f32 v36;
	s18 =	sadd.s32 $0x10, s18;
	s24 =	smov.u32 s22;
	s20 =	sadd.s32 $0x1, s22  }
0x1b0: {  	p0 =	sne.s32 s22, $0x3F;
	s25 =	sand.u32 $0x70, s18;
	s23 =	sand.u32 $0x3FFFFF80, s23;
	v24 =	vmul.f32 v24, v18;
	v25 =	vadd.f32 v41, v25;
	v41 =	vadd.f32 v7, v30;
	v7 =	vmovc v42  }
0x1b1: {  	v31 =	vmul.f32 v31, v35;
	v30 =	vunpack.i.u.bf16.f32 v37;
	v42 =	vunpack.i.l.bf16.f32 v37;
	s22 =	sor.u32 s25, s23;
	v23 =	vld.idx.msk [tilespmem:v23+s8+$0x0], $0xffff  }
0x1b2: {  	v43 =	vmul.f32 v30, v22;
	v37 =	vld [tilespmem:s22+$0x13C00];
	v16 =	vadd.f32 v16, v25  }
0x1b3: {  	v36 =	vunpack.i.u.bf16.f32 v36;
	v25 =	vunpack.i.u.bf16.f32 v40;
	v44 =	vunpack.i.u.bf16.f32 v39;
	v22 =	vld [tilespmem:s22+$0x12000]  }
0x1b4: {  	v46 =	vsub.f32 v1, v6;
	v6 =	vcvt.s32.f32 v9;
	v1 =	vmovc v3;
	v45 =	vld [tilespmem:s22+$0x13000];
	v16 =	vadd.f32 v16, v8  }
0x1b5: {  	v47 =	vunpack.i.u.bf16.f32 v19;
	v9 =	vunpack.i.l.bf16.f32 v2;
	v2 =	vmovc v39;
	v35 =	vmul.f32 v25, v35;
	v30 =	vld [tilespmem:s22+$0x12C00]  }
0x1b6: {  	s23 =	sshll.u32 s15, $0x5;
	s15 =	smov.u32 s16;
	s16 =	smov.u32 s24;
	v8 =	vmul.f32 v47, v18;
	v18 =	vmul.f32 v4, v46;
	v4 =	vmovc v44;
	v25 =	vld [tilespmem:s22+$0x12400];
	v16 =	vadd.f32 v9, v16  }
0x1b7: {  	s0 =	simm.s32 $0x4800;
	s23 =	sand.u32 $0x3FFFFF00, s23;
	v44 =	vmul.f32 v5, v46;
	v5 =	vmovc v36;
	v39 =	vld [tilespmem:s22+$0x12800];
	v9 =	vtrunc.f32 v37;
	v3 =	vmov v37  }
0x1b8: {  	s23 =	sor.u32 s14, s23;
	s14 =	smov.u32 s17;
	s17 =	smov.u32 s25;
	v36 =	vtrunc.f32 v22;
	v9 =	vcvt.f32.s32 v9;
	v16 =	vadd.f32 v16, v18  }
0x1b9: {  	v40 =	vunpack.i.l.bf16.f32 v40;
	s24 =	sadd.s32 $0x18000, s23;
	v37 =	vadd.f32 v41, v44;
	v18 =	vtrunc.f32 v45;
	v46 =	vld [tilespmem:s22+$0x13800]  }
0x1ba: {  	v44 =	vunpack.i.l.bf16.f32 v23;
	v41 =	vtrunc.f32 v30;
	v18 =	vcvt.f32.s32 v18;
	[tilespmem:s23+$0x18000] =	vst.add.f32.msk $0xffff, v16;
	s23 =	sor.u32 $0x80, s24  }
0x1bb: {  	v47 =	vunpack.i.l.bf16.f32 v20;
	v36 =	vcvt.f32.s32 v36;
	v16 =	vtrunc.f32 v25;
	[tilespmem:s23+$0x0] =	vst.add.f32.msk $0xffff, v37  }
0x1bc: {  	v41 =	vcvt.f32.s32 v41;
	v37 =	vunpack.i.u.bf16.f32 v23;
	v20 =	vtrunc.f32 v39  }
0x1bd: {  	v23 =	vcvt.s32.f32 v36;
	v48 =	vcvt.f32.s32 v16;
	v16 =	vunpack.i.l.bf16.f32 v19;
	v49 =	vld [tilespmem:s22+$0x13400]  }
0x1be: {  	v19 =	vcvt.s32.f32 v18;
	v50 =	vcvt.f32.s32 v20;
	v20 =	vunpack.i.l.bf16.f32 v15  }
0x1bf: {  	v51 =	vsub.f32 v22, v23;
	v22 =	vadd.f32 $0.0e+00, v28;
	v15 =	vcvt.s32.f32 v48  }
0x1c0: {  	v32 =	vadd.f32 v32, v38;
	v52 =	vtrunc.f32 v46;
	v23 =	vcvt.s32.f32 v50;
	v28 =	vld.idx.msk [tilespmem:v18+s11+$0x0], $0xffff  }
0x1c1: {  	v52 =	vcvt.f32.s32 v52;
	v38 =	vsub.f32 v25, v15;
	v53 =	vld.idx.msk [tilespmem:v18+s29+$0x0], $0xffff;
	v18 =	vadd.f32 v22, v29  }
0x1c2: {  	v25 =	vadd.f32 v32, v34;
	v22 =	vsub.f32 v39, v23;
	v15 =	vld.idx.msk [tilespmem:v41+s13+$0x0], $0xffff;
	v23 =	vtrunc.f32 v49  }
0x1c3: {  	v19 =	vsub.f32 v45, v19;
	v32 =	vcvt.s32.f32 v52;
	v29 =	vld.idx.msk [tilespmem:v48+s7+$0x0], $0xffff;
	v33 =	vadd.f32 v33, v18  }
0x1c4: {  	v20 =	vadd.f32 v20, v25;
	v25 =	vmul.f32 v37, v21;
	v23 =	vcvt.f32.s32 v23;
	v34 =	vld.idx.msk [tilespmem:v36+s2+$0x0], $0xffff  }
0x1c5: {  	v18 =	vsub.f32 v46, v32;
	v37 =	vld.idx.msk [tilespmem:v50+s1+$0x0], $0xffff;
	v21 =	vadd.f32 v33, v26;
	v26 =	vmul.f32 v13, v12  }
0x1c6: {  	v20 =	vadd.f32 v20, v31;
	v13 =	vunpack.i.u.bf16.f32 v28;
	v32 =	vcvt.s32.f32 v23;
	v12 =	vmovc v19;
	v33 =	vld.idx.msk [tilespmem:v48+s0+$0x0], $0xffff  }
0x1c7: {  	v19 =	vunpack.i.u.bf16.f32 v53;
	v39 =	vld.idx.msk [tilespmem:v36+s5+$0x0], $0xffff;
	v21 =	vadd.f32 v42, v21;
	v36 =	vunpack.i.l.bf16.f32 v10;
	v10 =	vmovc v28  }
0x1c8: {  	v31 =	vunpack.i.u.bf16.f32 v15;
	v42 =	vmul.f32 v19, v12;
	v20 =	vadd.f32 v36, v20  }
0x1c9: {  	v45 =	vcvt.s32.f32 v41;
	v21 =	vadd.f32 v21, v43;
	v43 =	vunpack.i.l.bf16.f32 v11;
	v11 =	vmovc v53  }
0x1ca: {  	v28 =	vunpack.i.u.bf16.f32 v34;
	v34 =	vunpack.i.l.bf16.f32 v34;
	v19 =	vld.idx.msk [tilespmem:v52+s9+$0x0], $0xffff;
	v26 =	vadd.f32 v20, v26  }
0x1cb: {  	v34 =	vadd.f32 $0.0e+00, v34;
	v28 =	vmul.f32 v28, v51;
	v20 =	vld.idx.msk [tilespmem:v23+s19+$0x0], $0xffff;
	v21 =	vadd.f32 v40, v21  }
0x1cc: {  	v48 =	vunpack.i.l.bf16.f32 v17;
	v40 =	vunpack.i.u.bf16.f32 v33;
	v46 =	vld.idx.msk [tilespmem:v50+s10+$0x0], $0xffff;
	v47 =	vadd.f32 v47, v26  }
0x1cd: {  	v17 =	vunpack.i.u.bf16.f32 v29;
	v34 =	vadd.f32 v34, v28;
	v50 =	vunpack.i.l.bf16.f32 v29  }
0x1ce: {  	v53 =	vmul.f32 v17, v38;
	v28 =	vunpack.i.l.bf16.f32 v39;
	v21 =	vadd.f32 v21, v35;
	v36 =	vld.idx.msk [tilespmem:v9+s21+$0x0], $0xffff  }
0x1cf: {  	v29 =	vunpack.i.u.bf16.f32 v39;
	v26 =	vmul.f32 v40, v38;
	v35 =	vadd.f32 v47, v27;
	v17 =	vld.idx.msk [tilespmem:v52+s3+$0x0], $0xffff  }
.Ltmp1:
0x1d0: {  	v29 =	vmul.f32 v29, v51;
	v34 =	vadd.f32 v50, v34;
	v38 =	vadd.f32 v43, v21;
	(pc) =	sbr.rel @p0 .LBB2_5-.Ltmp1, $4  }
0x1d1: {  	v21 =	vsub.f32 v49, v32;
	v27 =	vunpack.i.u.bf16.f32 v20;
	v43 =	vadd.f32 v48, v35  }
0x1d2: {  	v35 =	vsub.f32 v30, v45;
	v32 =	vunpack.i.l.bf16.f32 v46;
	v30 =	vadd.f32 v38, v14;
	v14 =	vmovc v42;
	v40 =	vld.idx.msk [tilespmem:v41+s6+$0x0], $0xffff  }
0x1d3: {  	v33 =	vunpack.i.l.bf16.f32 v33;
	v38 =	vadd.f32 v34, v53;
	v34 =	vunpack.i.u.bf16.f32 v46;
	v39 =	vld.idx.msk [tilespmem:v9+s28+$0x0], $0xffff  }
0x1d4: {  	s22 =	smov.u32 s20;
	v34 =	vmul.f32 v34, v22;
	v41 =	vadd.f32 v44, v30;
	v30 =	vadd.f32 v43, v24  }
0x1d5: {  	v24 =	vadd.f32 $0.0e+00, v28;
	_ =	sdelay $0x1  }
0x1d6: {  	v24 =	vadd.f32 v24, v29;
	_ =	sdelay $0x1  }
0x1d7: {  	v24 =	vadd.f32 v33, v24;
	_ =	sdelay $0x1  }
0x1d8: {  	v24 =	vadd.f32 v24, v26  }
0x1d9: {  	v28 =	vunpack.i.l.bf16.f32 v37;
	v26 =	vunpack.i.u.bf16.f32 v37  }
0x1da: {  	v22 =	vmul.f32 v26, v22;
	v24 =	vadd.f32 v28, v24  }
0x1db: {  	v26 =	vadd.f32 v32, v38  }
0x1dc: {  	v15 =	vunpack.i.l.bf16.f32 v15;
	v22 =	vadd.f32 v24, v22  }
0x1dd: {  	v28 =	vunpack.i.l.bf16.f32 v40;
	v26 =	vadd.f32 v26, v34;
	v24 =	vunpack.i.u.bf16.f32 v40  }
0x1de: {  	v27 =	vmul.f32 v27, v21;
	v24 =	vmul.f32 v24, v35;
	v22 =	vadd.f32 v28, v22  }
0x1df: {  	v23 =	vld.idx.msk [tilespmem:v23+s8+$0x0], $0xffff;
	v11 =	vunpack.i.l.bf16.f32 v11;
	v15 =	vadd.f32 v15, v26;
	v28 =	vmul.f32 v31, v35  }
0x1e0: {  	v10 =	vunpack.i.l.bf16.f32 v10;
	v12 =	vmul.f32 v13, v12;
	v22 =	vadd.f32 v22, v24  }
0x1e1: {  	v9 =	vcvt.s32.f32 v9;
	v25 =	vadd.f32 v41, v25;
	v15 =	vadd.f32 v15, v28  }
0x1e2: {  	v1 =	vsub.f32 v1, v6;
	v6 =	vunpack.i.u.bf16.f32 v19;
	v11 =	vadd.f32 v11, v22  }
0x1e3: {  	v2 =	vunpack.i.l.bf16.f32 v2;
	v13 =	vadd.f32 v16, v25;
	v10 =	vadd.f32 v10, v15  }
0x1e4: {  	v7 =	vadd.f32 v7, v30;
	v16 =	vunpack.i.u.bf16.f32 v23;
	v11 =	vadd.f32 v11, v14  }
0x1e5: {  	v8 =	vadd.f32 v13, v8;
	v14 =	vunpack.i.l.bf16.f32 v23;
	v10 =	vadd.f32 v10, v12  }
0x1e6: {  	v16 =	vmul.f32 v16, v21;
	v12 =	vunpack.i.l.bf16.f32 v20;
	v11 =	vadd.f32 v14, v11  }
0x1e7: {  	v6 =	vmul.f32 v6, v18;
	v4 =	vmul.f32 v4, v1;
	v10 =	vadd.f32 v12, v10  }
0x1e8: {  	v1 =	vmul.f32 v5, v1;
	v2 =	vadd.f32 v2, v8;
	v11 =	vadd.f32 v11, v16  }
0x1e9: {  	s15 =	sshll.u32 s15, $0x5;
	v13 =	vunpack.i.l.bf16.f32 v17;
	v12 =	vunpack.i.l.bf16.f32 v19;
	v10 =	vadd.f32 v10, v27  }
0x1ea: {  	s15 =	sand.u32 $0x3FFFFF00, s15;
	v2 =	vadd.f32 v2, v4;
	v26 =	vunpack.i.u.bf16.f32 v17;
	v11 =	vadd.f32 v12, v11  }
0x1eb: {  	v3 =	vsub.f32 v3, v9;
	s14 =	sor.u32 s14, s15;
	v24 =	vmul.f32 v26, v18;
	v8 =	vadd.f32 v13, v10  }
0x1ec: {  	v29 =	vunpack.i.l.bf16.f32 v36;
	v1 =	vadd.f32 v7, v1;
	[tilespmem:s14+$0x18000] =	vst.add.f32.msk $0xffff, v2;
	v6 =	vadd.f32 v11, v6  }
0x1ed: {  	s6 =	sadd.s32 $0x18000, s14;
	s1 =	sld [smem:$0x7F2];
	v15 =	vunpack.i.u.bf16.f32 v39;
	v5 =	vadd.f32 v8, v24;
	v8 =	vunpack.i.l.bf16.f32 v39  }
0x1ee: {  	s2 =	sshll.u32 s16, $0x5;
	s7 =	sor.u32 $0x80, s6;
	v12 =	vunpack.i.u.bf16.f32 v36;
	v4 =	vadd.f32 v8, v6;
	v6 =	vmul.f32 v15, v3  }
0x1ef: {  	s15 =	sand.u32 $0x3FFFFF00, s2;
	[tilespmem:s7+$0x0] =	vst.add.f32.msk $0xffff, v1;
	v5 =	vadd.f32 v29, v5;
	v3 =	vmul.f32 v12, v3  }
0x1f0: {  	s15 =	sor.u32 s17, s15;
	s13 =	rddreg [dreg:$0x15];
	s9 =	sshll.u32 s1, $0xC;
	v2 =	vadd.f32 v4, v6  }
0x1f1: {  	s28 =	rddreg [dreg:$0x2];
	s10 =	sadd.s32 $0x18000, s15;
	s16 =	sadd.s32 s13, s9;
	v1 =	vadd.f32 v5, v3  }
0x1f2: {  	s18 =	simm.s32 $0x0;
	s14 =	sor.u32 $0x80, s10;
	s16 =	sshrl.u32 s16, $0x3;
	[tilespmem:s15+$0x18000] =	vst.add.f32.msk $0xffff, v2  }
0x1f3: {  	s0 =	simm.s32 $0x18000;
	s19 =	simm.s32 $0x3;
	s17 =	sadd.s32 s28, s16;
	[tilespmem:s14+$0x0] =	vst.add.f32.msk $0xffff, v1  }
0x1f4: {  	[hbm4b:s17+s18] =	stream.linear.scatter [tilespmem:s0], [sflag:$0x4], $0x800, $0x38;
	[tilespmem:$0x19080] =	vst v63  }
0x1f5: {  	_ =	swait.ge [sflag:s19], $0x4000  }
0x1f6: {  	[sflag:s19] =	ssyncset.done $0x0  }
0x1f7: {  	p0 =	seq.s32 s1, $0x3;
	[sflag:s19] =	ssyncadd.s32 $0xFFFFC000  }
0x1f8: {  	v1 =	vld @!p0 [tilespmem:$0x19000];
	_ =	sdelay $0x4  }
0x1f9: {  	v2 =	vlaneseq.u32 @!p0;
	v1 =	vshll.u32 @!p0 v1, $0xF  }
0x1fa: {  	v1 =	vperm.xlane @!p0 v1, v2;
	_ =	sdelay $0x1  }
0x1fb: {  	s15 =	sld [smem:$0x7FD];
	_ =	sdelay $0x1  }
0x1fc: {  	p1 =	seq.s32 @!p0 s1, $0x0;
	s14 =	sshll.u32 @!p0 s1, $0x8  }
0x1fd: {  	vm1 =	vmmov @!p0 $0xffff;
	s16 =	simm.s32 @!p0 $0x10000;
	s14 =	sadd.s32 @!p0 s14, s15;
	s15 =	simm.s32 @!p0 $0x0  }
0x1fe: {  	[tilespmem:s16], [sflag:$0x2] =	stream.indirect_vreg.gather @!p0 [hbm4b:s14+s15], $0x400, v1, vm1, $0x38;
	[tilespmem:$0x19080] =	vst v63  }
0x1ff: {  	p0 =	por p0, !p1  }
0x200: {  	s4 =	simm.s32 @p0 $0x5  }
0x201: {  	s22 =	simm.s32 $0x0;
	s15 =	simm.s32 $0x0;
	_ =	swait.ge @p0 [sflag:s4], $0x800  }
0x202: {  	s14 =	sand.u32 $0x3FFFFF80, s22;
	s13 =	sand.u32 $0x70, s15;
	[sflag:s4] =	ssyncset.done @p0 $0x0  }
0x203: {  	s6 =	sor.u32 s13, s14;
	[sflag:s4] =	ssyncadd.s32 @p0 $0xFFFFF800  }
0x204: {  	v1 =	vld [tilespmem:s6+$0x15000];
	_ =	sdelay $0x1  }
0x205: {  	v3 =	vld [tilespmem:s6+$0x14400]  }
0x206: {  	v5 =	vld [tilespmem:s6+$0x14000]  }
0x207: {  	v6 =	vld [tilespmem:s6+$0x14800]  }
0x208: {  	v4 =	vtrunc.f32 v1  }
0x209: {  	v4 =	vcvt.f32.s32 v4  }
0x20a: {  	v2 =	vld [tilespmem:s6+$0x15C00];
	v8 =	vtrunc.f32 v3  }
0x20b: {  	v7 =	vld [tilespmem:s6+$0x15800];
	v11 =	vtrunc.f32 v5;
	v8 =	vcvt.f32.s32 v8  }
0x20c: {  	v10 =	vld [tilespmem:s6+$0x15400];
	v12 =	vtrunc.f32 v6;
	v11 =	vcvt.f32.s32 v11  }
0x20d: {  	v9 =	vld [tilespmem:s6+$0x14C00];
	v12 =	vcvt.f32.s32 v12  }
0x20e: {  	s31 =	simm.s32 $0x2000  }
0x20f: {  	s10 =	simm.s32 $0xA000;
	v13 =	vtrunc.f32 v2;
	v17 =	vld.idx.msk [tilespmem:v4+s31+$0x0], $0xffff  }
0x210: {  	s19 =	smov.u32 s6;
	s6 =	simm.s32 $0x8800;
	v14 =	vtrunc.f32 v7;
	v16 =	vcvt.s32.f32 v4;
	v4 =	vld.idx.msk [tilespmem:v4+s10+$0x0], $0xffff  }
0x211: {  	v19 =	vtrunc.f32 v10;
	v20 =	vcvt.s32.f32 v11;
	v22 =	vld.idx.msk [tilespmem:v8+s6+$0x0], $0xffff  }
0x212: {  	s29 =	simm.s32 $0x1000;
	v15 =	vtrunc.f32 v9;
	v1 =	vsub.f32 v1, v16;
	v16 =	vcvt.f32.s32 v19;
	v19 =	vld.idx.msk [tilespmem:v11+s15+$0x0], $0xffff  }
0x213: {  	v14 =	vcvt.f32.s32 v14;
	v21 =	vcvt.s32.f32 v12;
	v5 =	vsub.f32 v5, v20;
	v20 =	vld.idx.msk [tilespmem:v12+s29+$0x0], $0xffff  }
0x214: {  	v15 =	vcvt.f32.s32 v15;
	v18 =	vcvt.s32.f32 v8;
	v11 =	vld.idx.msk [tilespmem:v11+s12+$0x0], $0xffff  }
0x215: {  	v6 =	vsub.f32 v6, v21;
	v21 =	vcvt.s32.f32 v14;
	v23 =	vcvt.s32.f32 v16  }
0x216: {  	v13 =	vcvt.f32.s32 v13;
	v3 =	vsub.f32 v3, v18  }
0x217: {  	s20 =	simm.s32 $0x800;
	v18 =	vcvt.s32.f32 v15;
	v7 =	vsub.f32 v7, v21;
	v10 =	vsub.f32 v10, v23  }
0x218: {  	v21 =	vld.idx.msk [tilespmem:v8+s20+$0x0], $0xffff;
	v24 =	vunpack.i.u.bf16.f32 v17;
	v25 =	vunpack.i.u.bf16.f32 v4;
	v23 =	vunpack.i.u.bf16.f32 v22  }
0x219: {  	s9 =	simm.s32 $0x9000;
	v26 =	vunpack.i.l.bf16.f32 v11;
	v27 =	vunpack.i.u.bf16.f32 v20;
	v11 =	vunpack.i.u.bf16.f32 v11  }
0x21a: {  	v12 =	vld.idx.msk [tilespmem:v12+s9+$0x0], $0xffff;
	v20 =	vunpack.i.l.bf16.f32 v20;
	v4 =	vunpack.i.l.bf16.f32 v4;
	v24 =	vmul.f32 v24, v1  }
0x21b: {  	s0 =	simm.s32 $0x2800;
	v8 =	vmul.f32 v25, v1;
	v1 =	vunpack.i.u.bf16.f32 v19;
	v19 =	vunpack.i.l.bf16.f32 v19  }
0x21c: {  	s7 =	simm.s32 $0xA800;
	v25 =	vld.idx.msk [tilespmem:v16+s0+$0x0], $0xffff;
	v23 =	vmul.f32 v23, v3;
	v1 =	vmul.f32 v1, v5;
	v19 =	vadd.f32 $0.0e+00, v19  }
0x21d: {  	s30 =	simm.s32 $0x1800;
	v26 =	vadd.f32 $0.0e+00, v26;
	v16 =	vld.idx.msk [tilespmem:v16+s7+$0x0], $0xffff;
	v5 =	vmul.f32 v11, v5;
	v11 =	vunpack.i.u.bf16.f32 v21  }
0x21e: {  	v3 =	vmul.f32 v11, v3;
	v11 =	vld.idx.msk [tilespmem:v15+s30+$0x0], $0xffff;
	v1 =	vadd.f32 v19, v1;
	v19 =	vunpack.i.l.bf16.f32 v21  }
0x21f: {  	s28 =	simm.s32 $0x9800;
	v28 =	vld.idx.msk [tilespmem:v14+s26+$0x0], $0xffff;
	v21 =	vmul.f32 v27, v6;
	v5 =	vadd.f32 v26, v5;
	v26 =	vunpack.i.u.bf16.f32 v12  }
0x220: {  	s4 =	simm.s32 @p0 $0x3800;
	v27 =	vld.idx.msk [tilespmem:v15+s28+$0x0], $0xffff;
	v12 =	vunpack.i.l.bf16.f32 v12;
	v1 =	vadd.f32 v19, v1;
	v19 =	vunpack.i.l.bf16.f32 v22  }
0x221: {  	s23 =	simm.s32 $0x10;
	s2 =	simm.s32 $0xB800;
	v6 =	vmul.f32 v26, v6;
	v15 =	vunpack.i.u.bf16.f32 v25;
	v22 =	vld.idx.msk [tilespmem:v13+s4+$0x0], $0xffff;
	v5 =	vadd.f32 v19, v5  }
0x222: {  	s18 =	simm.s32 $0x10;
	s14 =	sand.u32 $0x3FFFFF80, s23;
	v19 =	vld.idx.msk [tilespmem:v13+s2+$0x0], $0xffff;
	v13 =	vcvt.s32.f32 v13;
	v1 =	vadd.f32 v1, v3;
	v3 =	vsub.f32 v9, v18  }
0x223: {  	s1 =	simm.s32 $0x3000;
	s17 =	sand.u32 $0x70, s18;
	[smem:$0x7EE] =	sst s14;
	v9 =	vunpack.i.u.bf16.f32 v16;
	v30 =	vunpack.i.u.bf16.f32 v11;
	v11 =	vunpack.i.l.bf16.f32 v11  }
0x224: {  	s14 =	sor.u32 s17, s14;
	v14 =	vld.idx.msk [tilespmem:v14+s1+$0x0], $0xffff;
	v16 =	vunpack.i.l.bf16.f32 v16;
	v13 =	vsub.f32 v2, v13;
	v2 =	vunpack.i.l.bf16.f32 v17  }
0x225: {  	v29 =	vld [tilespmem:s14+$0x15800];
	v17 =	vunpack.i.l.bf16.f32 v27;
	v5 =	vadd.f32 v5, v23;
	v18 =	vadd.f32 v20, v1  }
0x226: {  	v54 =	vld [tilespmem:s14+$0x15400];
	v1 =	vunpack.i.u.bf16.f32 v28;
	v20 =	vmul.f32 v9, v10;
	v9 =	vunpack.i.u.bf16.f32 v27  }
0x227: {  	v28 =	vunpack.i.l.bf16.f32 v28;
	v26 =	vmul.f32 v1, v7;
	v1 =	vld [tilespmem:s14+$0x15C00];
	v18 =	vadd.f32 v18, v21  }
0x228: {  	v31 =	vld [tilespmem:s14+$0x15000];
	v10 =	vmul.f32 v15, v10;
	v12 =	vadd.f32 v12, v5;
	v21 =	vunpack.i.u.bf16.f32 v22  }
0x229: {  	v11 =	vadd.f32 v11, v18;
	v18 =	vmul.f32 v30, v3;
	v30 =	vmul.f32 v9, v3;
	v3 =	vld [tilespmem:s14+$0x14C00]  }
0x22a: {  	v50 =	vunpack.i.l.bf16.f32 v19;
	v51 =	vunpack.i.u.bf16.f32 v14;
	v53 =	vtrunc.f32 v29;
	v9 =	vld [tilespmem:s14+$0x14800]  }
0x22b: {  	v57 =	vtrunc.f32 v54;
	v11 =	vadd.f32 v11, v18;
	v18 =	vmul.f32 v21, v13;
	v21 =	vld [tilespmem:s14+$0x14400]  }
0x22c: {  	v52 =	vld [tilespmem:s14+$0x14000];
	v15 =	vunpack.i.l.bf16.f32 v14;
	v62 =	vcvt.f32.s32 v57;
	v27 =	vtrunc.f32 v1  }
0x22d: {  	v2 =	vadd.f32 v2, v11;
	v11 =	vmul.f32 v51, v7;
	v7 =	vtrunc.f32 v31  }
0x22e: {  	v6 =	vadd.f32 v12, v6;
	v14 =	vtrunc.f32 v3;
	v7 =	vcvt.f32.s32 v7  }
0x22f: {  	v2 =	vadd.f32 v2, v24;
	v24 =	vtrunc.f32 v9;
	v55 =	vcvt.f32.s32 v14  }
0x230: {  	v14 =	vunpack.i.l.bf16.f32 v25;
	v25 =	vtrunc.f32 v21;
	v24 =	vcvt.f32.s32 v24  }
0x231: {  	v2 =	vadd.f32 v14, v2;
	v14 =	vtrunc.f32 v52;
	v25 =	vcvt.f32.s32 v25  }
0x232: {  	v6 =	vadd.f32 v17, v6;
	v56 =	vcvt.s32.f32 v7;
	v23 =	vcvt.f32.s32 v14  }
0x233: {  	v17 =	vcvt.s32.f32 v62;
	v59 =	vcvt.s32.f32 v24;
	v10 =	vadd.f32 v2, v10  }
0x234: {  	v31 =	vsub.f32 v31, v56;
	v14 =	vcvt.s32.f32 v25;
	v58 =	vcvt.s32.f32 v23;
	v5 =	vld.idx.msk [tilespmem:v7+s31+$0x0], $0xffff  }
0x235: {  	v2 =	vld.idx.msk [tilespmem:v7+s10+$0x0], $0xffff;
	v61 =	vsub.f32 v9, v59;
	v9 =	vcvt.f32.s32 v53;
	v10 =	vadd.f32 v15, v10  }
0x236: {  	v7 =	vcvt.f32.s32 v27;
	v15 =	vunpack.i.l.bf16.f32 v22;
	v22 =	vadd.f32 v6, v30;
	v27 =	vld.idx.msk [tilespmem:v24+s29+$0x0], $0xffff  }
0x237: {  	v60 =	vsub.f32 v21, v14;
	v12 =	vcvt.s32.f32 v9;
	v63 =	vld.idx.msk [tilespmem:v25+s6+$0x0], $0xffff;
	v10 =	vadd.f32 v10, v11  }
0x238: {  	v14 =	vcvt.s32.f32 v55;
	v21 =	vsub.f32 v52, v58;
	v22 =	vadd.f32 v4, v22;
	v30 =	vld.idx.msk [tilespmem:v23+s15+$0x0], $0xffff  }
0x239: {  	v6 =	vsub.f32 v29, v12;
	v23 =	vld.idx.msk [tilespmem:v23+s12+$0x0], $0xffff;
	v11 =	vunpack.i.u.bf16.f32 v5;
	v15 =	vadd.f32 v15, v10  }
0x23a: {  	v12 =	vunpack.i.u.bf16.f32 v2;
	v8 =	vadd.f32 v22, v8;
	v10 =	vmul.f32 v11, v31  }
0x23b: {  	v4 =	vmul.f32 v12, v31;
	v11 =	vsub.f32 v54, v17;
	v29 =	vadd.f32 v15, v18  }
0x23c: {  	v18 =	vld.idx.msk [tilespmem:v25+s20+$0x0], $0xffff;
	v8 =	vadd.f32 v16, v8;
	v25 =	vunpack.i.u.bf16.f32 v27;
	v17 =	vunpack.i.u.bf16.f32 v63  }
0x23d: {  	v12 =	vld.idx.msk [tilespmem:v62+s0+$0x0], $0xffff;
	v25 =	vmul.f32 v25, v61;
	v15 =	vmul.f32 v17, v60;
	v17 =	vunpack.i.u.bf16.f32 v19  }
0x23e: {  	v19 =	vunpack.i.u.bf16.f32 v30;
	v22 =	vunpack.i.l.bf16.f32 v30;
	v16 =	vunpack.i.l.bf16.f32 v23  }
0x23f: {  	v24 =	vld.idx.msk [tilespmem:v24+s9+$0x0], $0xffff;
	v8 =	vadd.f32 v8, v20;
	v19 =	vmul.f32 v19, v21;
	v30 =	vadd.f32 $0.0e+00, v22  }
0x240: {  	s24 =	simm.s32 $0x0;
	v23 =	vunpack.i.u.bf16.f32 v23;
	v20 =	vld.idx.msk [tilespmem:v9+s26+$0x0], $0xffff;
	v16 =	vadd.f32 $0.0e+00, v16;
	v22 =	vmul.f32 v17, v13  }
0x241: {  	s25 =	sand.u32 $0x3FFFFF00, s24;
	v17 =	vld.idx.msk [tilespmem:v55+s30+$0x0], $0xffff;
	[smem:$0x7EF] =	sst s13;
	v28 =	vadd.f32 v28, v8;
	v13 =	vadd.f32 v30, v19;
	v19 =	vmul.f32 v23, v21  }
0x242: {  	[smem:$0x7F0] =	sst s25;
	v21 =	vunpack.i.u.bf16.f32 v12;
	v23 =	vunpack.i.u.bf16.f32 v18;
	v30 =	vunpack.i.l.bf16.f32 v18  }
0x243: {  	v8 =	vld.idx.msk [tilespmem:v62+s7+$0x0], $0xffff;
	v18 =	vunpack.i.l.bf16.f32 v27;
	v23 =	vmul.f32 v23, v60;
	v16 =	vadd.f32 v16, v19  }
0x244: {  	v27 =	vld.idx.msk [tilespmem:v55+s28+$0x0], $0xffff;
	v31 =	vadd.f32 v28, v26;
	v19 =	vunpack.i.l.bf16.f32 v63;
	v30 =	vadd.f32 v30, v13  }
0x245: {  	s16 =	sor.u32 s13, s25;
	s2 =	simm.s32 $0xB800;
	s14 =	simm.s32 $0x1;
	v13 =	vld.idx.msk [tilespmem:v7+s4+$0x0], $0xffff;
	v26 =	vadd.f32 v19, v16;
	v16 =	vunpack.i.u.bf16.f32 v24;
	v24 =	vunpack.i.l.bf16.f32 v24  }
0x246: {  	s20 =	simm.s32 $0x1;
	s25 =	simm.s32 $0x2;
	s13 =	simm.s32 $0xB000;
	[tilespmem:s16+$0x18800] =	vst v29;
	v28 =	vadd.f32 v30, v23;
	v23 =	vmul.f32 v16, v61;
	v16 =	vadd.f32 v50, v31  }
.LBB2_7:
0x247: {  	s26 =	sshll.u32 s25, $0x4  }
0x248: {  	v3 =	vsub.f32 v3, v14;
	v14 =	vunpack.i.u.bf16.f32 v8;
	v19 =	vunpack.i.u.bf16.f32 v20;
	s18 =	sadd.s32 $0x10, s18;
	s24 =	smov.u32 s25;
	s22 =	sadd.s32 $0x1, s25  }
0x249: {  	p0 =	sne.s32 s25, $0x3F;
	s23 =	sand.u32 $0x70, s18;
	s26 =	sand.u32 $0x3FFFFF80, s26;
	v28 =	vadd.f32 v18, v28;
	v18 =	vmul.f32 v14, v11;
	v29 =	vld.idx.msk [tilespmem:v7+s2+$0x0], $0xffff;
	v14 =	vadd.f32 v16, v22  }
0x24a: {  	v30 =	vunpack.i.u.bf16.f32 v13;
	v22 =	vunpack.i.u.bf16.f32 v27;
	v16 =	vmul.f32 v19, v6;
	s25 =	sor.u32 s23, s26;
	s26 =	simm.s32 $0x800;
	v9 =	vld.idx.msk [tilespmem:v9+s1+$0x0], $0xffff  }
0x24b: {  	v7 =	vcvt.s32.f32 v7;
	v22 =	vmul.f32 v22, v3;
	v31 =	vld [tilespmem:s25+$0x15C00];
	v19 =	vadd.f32 v28, v25;
	[tilespmem:s16+$0x18880] =	vst v14  }
0x24c: {  	v5 =	vunpack.i.l.bf16.f32 v5;
	v14 =	vunpack.i.u.bf16.f32 v17;
	v17 =	vunpack.i.l.bf16.f32 v17;
	v25 =	vld [tilespmem:s25+$0x15800]  }
0x24d: {  	v32 =	vsub.f32 v1, v7;
	v14 =	vmul.f32 v14, v3;
	v28 =	vld [tilespmem:s25+$0x15000];
	v17 =	vadd.f32 v17, v19  }
0x24e: {  	v7 =	vunpack.i.l.bf16.f32 v27;
	v3 =	vld [tilespmem:s25+$0x14C00]  }
0x24f: {  	v30 =	vmul.f32 v30, v32;
	v19 =	vunpack.i.l.bf16.f32 v29;
	v27 =	vld [tilespmem:s25+$0x14800];
	v14 =	vadd.f32 v17, v14  }
0x250: {  	v35 =	vunpack.i.l.bf16.f32 v20;
	v34 =	vunpack.i.u.bf16.f32 v9;
	v17 =	vld [tilespmem:s25+$0x14400];
	v33 =	vtrunc.f32 v31;
	v1 =	vmovc v31  }
0x251: {  	v6 =	vmul.f32 v34, v6;
	v20 =	vld [tilespmem:s25+$0x14000];
	v31 =	vtrunc.f32 v25;
	v5 =	vadd.f32 v5, v14  }
0x252: {  	v11 =	vmul.f32 v21, v11;
	v21 =	vunpack.i.l.bf16.f32 v9;
	v14 =	vtrunc.f32 v28  }
0x253: {  	v9 =	vtrunc.f32 v3;
	v34 =	vcvt.f32.s32 v14;
	v36 =	vld [tilespmem:s25+$0x15400];
	v5 =	vadd.f32 v5, v10  }
0x254: {  	v10 =	vtrunc.f32 v27;
	v37 =	vcvt.f32.s32 v9;
	v9 =	vunpack.i.l.bf16.f32 v12  }
0x255: {  	v12 =	vtrunc.f32 v17;
	v14 =	vcvt.s32.f32 v34;
	v9 =	vadd.f32 v9, v5  }
0x256: {  	v15 =	vadd.f32 v26, v15;
	v5 =	vtrunc.f32 v20;
	v12 =	vcvt.f32.s32 v12  }
0x257: {  	v38 =	vcvt.f32.s32 v10;
	v26 =	vcvt.f32.s32 v5;
	v28 =	vsub.f32 v28, v14  }
0x258: {  	v15 =	vadd.f32 v24, v15;
	v10 =	vcvt.s32.f32 v12;
	v39 =	vtrunc.f32 v36  }
0x259: {  	v40 =	vcvt.s32.f32 v38;
	v11 =	vadd.f32 v9, v11;
	v24 =	vcvt.s32.f32 v26;
	v5 =	vld.idx.msk [tilespmem:v34+s31+$0x0], $0xffff  }
0x25a: {  	v15 =	vadd.f32 v15, v23;
	v14 =	vcvt.s32.f32 v37;
	v41 =	vsub.f32 v17, v10;
	v10 =	vld.idx.msk [tilespmem:v34+s10+$0x0], $0xffff  }
0x25b: {  	v9 =	vcvt.f32.s32 v31;
	v34 =	vsub.f32 v27, v40;
	v23 =	vsub.f32 v20, v24;
	v17 =	vld.idx.msk [tilespmem:v37+s30+$0x0], $0xffff  }
0x25c: {  	v15 =	vadd.f32 v7, v15;
	v11 =	vadd.f32 v21, v11;
	v27 =	vcvt.f32.s32 v39;
	v24 =	vld.idx.msk [tilespmem:v12+s6+$0x0], $0xffff  }
0x25d: {  	v13 =	vunpack.i.l.bf16.f32 v13;
	v7 =	vcvt.f32.s32 v33;
	v20 =	vcvt.s32.f32 v9;
	v31 =	vld.idx.msk [tilespmem:v38+s29+$0x0], $0xffff  }
0x25e: {  	v15 =	vadd.f32 v15, v22;
	v11 =	vadd.f32 v11, v6;
	v33 =	vcvt.s32.f32 v27;
	v21 =	vld.idx.msk [tilespmem:v26+s15+$0x0], $0xffff  }
0x25f: {  	v6 =	vsub.f32 v25, v20;
	v20 =	vunpack.i.l.bf16.f32 v2;
	v22 =	vld.idx.msk [tilespmem:v26+s12+$0x0], $0xffff;
	v26 =	vunpack.i.u.bf16.f32 v5  }
0x260: {  	v13 =	vadd.f32 v13, v11;
	v15 =	vadd.f32 v20, v15;
	v2 =	vmovc v10;
	v39 =	vld.idx.msk [tilespmem:v12+s26+$0x0], $0xffff;
	v12 =	vunpack.i.u.bf16.f32 v10  }
0x261: {  	s16 =	sshll.u32 s20, $0x5;
	s20 =	smov.u32 s24;
	v11 =	vsub.f32 v36, v33;
	v10 =	vmul.f32 v26, v28;
	v20 =	vmul.f32 v12, v28  }
0x262: {  	s16 =	sand.u32 $0x3FFFFF00, s16;
	v13 =	vadd.f32 v13, v30;
	v26 =	vadd.f32 v15, v4;
	v25 =	vunpack.i.u.bf16.f32 v24;
	v12 =	vld.idx.msk [tilespmem:v27+s0+$0x0], $0xffff  }
0x263: {  	v8 =	vunpack.i.l.bf16.f32 v8;
	s16 =	sor.u32 s17, s16;
	s17 =	smov.u32 s23;
	v28 =	vunpack.i.u.bf16.f32 v29;
	v15 =	vmul.f32 v25, v41;
	v4 =	vmovc v20  }
0x264: {  	v8 =	vadd.f32 v8, v26;
	v20 =	vunpack.i.u.bf16.f32 v21;
	v21 =	vunpack.i.l.bf16.f32 v21;
	[tilespmem:s16+$0x18800] =	vst v13  }
0x265: {  	v13 =	vunpack.i.l.bf16.f32 v22;
	v26 =	vmul.f32 v20, v23;
	v20 =	vunpack.i.u.bf16.f32 v31  }
0x266: {  	v21 =	vadd.f32 $0.0e+00, v21;
	v29 =	vadd.f32 $0.0e+00, v13;
	v25 =	vmul.f32 v20, v34;
	v30 =	vld.idx.msk [tilespmem:v38+s9+$0x0], $0xffff  }
0x267: {  	v18 =	vadd.f32 v8, v18;
	v13 =	vunpack.i.u.bf16.f32 v22;
	v22 =	vmul.f32 v28, v32;
	v20 =	vld.idx.msk [tilespmem:v9+s13+$0x0], $0xffff  }
0x268: {  	v26 =	vadd.f32 v21, v26;
	v23 =	vmul.f32 v13, v23;
	v21 =	vunpack.i.u.bf16.f32 v12;
	v8 =	vld.idx.msk [tilespmem:v27+s7+$0x0], $0xffff  }
.Ltmp2:
0x269: {  	v28 =	vunpack.i.u.bf16.f32 v39;
	v32 =	vunpack.i.l.bf16.f32 v39;
	v33 =	vadd.f32 v35, v18;
	v13 =	vld.idx.msk [tilespmem:v7+s4+$0x0], $0xffff;
	(pc) =	sbr.rel @p0 .LBB2_7-.Ltmp2, $4  }
0x26a: {  	v24 =	vunpack.i.l.bf16.f32 v24;
	v18 =	vunpack.i.l.bf16.f32 v31;
	v23 =	vadd.f32 v29, v23;
	v27 =	vld.idx.msk [tilespmem:v37+s28+$0x0], $0xffff  }
0x26b: {  	v28 =	vmul.f32 v28, v41;
	v29 =	vadd.f32 v32, v26;
	v16 =	vadd.f32 v33, v16  }
0x26c: {  	v26 =	vadd.f32 v24, v23;
	v23 =	vunpack.i.u.bf16.f32 v30;
	v24 =	vunpack.i.l.bf16.f32 v30  }
0x26d: {  	s25 =	smov.u32 s22;
	v28 =	vadd.f32 v29, v28;
	v16 =	vadd.f32 v19, v16;
	v23 =	vmul.f32 v23, v34  }
0x26e: {  	v15 =	vadd.f32 v26, v15  }
0x26f: {  	v18 =	vadd.f32 v18, v28  }
0x270: {  	v15 =	vadd.f32 v24, v15  }
0x271: {  	v3 =	vsub.f32 v3, v14;
	v19 =	vunpack.i.u.bf16.f32 v17;
	v18 =	vadd.f32 v18, v25  }
0x272: {  	v17 =	vunpack.i.l.bf16.f32 v17;
	v14 =	vunpack.i.u.bf16.f32 v27;
	v15 =	vadd.f32 v15, v23  }
0x273: {  	v17 =	vadd.f32 v17, v18;
	v18 =	vmul.f32 v19, v3;
	v19 =	vunpack.i.l.bf16.f32 v27  }
0x274: {  	v3 =	vmul.f32 v14, v3;
	v14 =	vadd.f32 v19, v15  }
0x275: {  	v15 =	vadd.f32 v17, v18  }
0x276: {  	v5 =	vunpack.i.l.bf16.f32 v5;
	v3 =	vadd.f32 v14, v3  }
0x277: {  	v2 =	vunpack.i.l.bf16.f32 v2;
	v5 =	vadd.f32 v5, v15  }
0x278: {  	v2 =	vadd.f32 v2, v3  }
0x279: {  	v3 =	vld.idx.msk [tilespmem:v9+s1+$0x0], $0xffff;
	v5 =	vadd.f32 v5, v10  }
0x27a: {  	v9 =	vunpack.i.u.bf16.f32 v8;
	v10 =	vunpack.i.l.bf16.f32 v12;
	v2 =	vadd.f32 v2, v4  }
0x27b: {  	v8 =	vunpack.i.l.bf16.f32 v8;
	v4 =	vmul.f32 v21, v11;
	v5 =	vadd.f32 v10, v5  }
0x27c: {  	v9 =	vmul.f32 v9, v11;
	v2 =	vadd.f32 v8, v2  }
0x27d: {  	v10 =	vld.idx.msk [tilespmem:v7+s2+$0x0], $0xffff;
	v7 =	vcvt.s32.f32 v7;
	v8 =	vunpack.i.u.bf16.f32 v20;
	v4 =	vadd.f32 v5, v4  }
0x27e: {  	v5 =	vunpack.i.u.bf16.f32 v3;
	v3 =	vunpack.i.l.bf16.f32 v3;
	v2 =	vadd.f32 v2, v9  }
0x27f: {  	v9 =	vunpack.i.l.bf16.f32 v20;
	v5 =	vmul.f32 v5, v6;
	v3 =	vadd.f32 v3, v4  }
0x280: {  	v4 =	vmul.f32 v8, v6;
	v2 =	vadd.f32 v9, v2  }
0x281: {  	v1 =	vsub.f32 v1, v7;
	v7 =	vunpack.i.l.bf16.f32 v13;
	v3 =	vadd.f32 v3, v5  }
0x282: {  	v6 =	vunpack.i.u.bf16.f32 v13;
	v5 =	vunpack.i.l.bf16.f32 v10;
	v2 =	vadd.f32 v2, v4  }
0x283: {  	v4 =	vmul.f32 v6, v1;
	v6 =	vunpack.i.u.bf16.f32 v10;
	v3 =	vadd.f32 v7, v3  }
0x284: {  	s15 =	sshll.u32 s20, $0x5;
	v7 =	vadd.f32 v16, v22;
	v1 =	vmul.f32 v6, v1;
	v2 =	vadd.f32 v5, v2  }
0x285: {  	s15 =	sand.u32 $0x3FFFFF00, s15;
	v3 =	vadd.f32 v3, v4  }
0x286: {  	s15 =	sor.u32 s17, s15;
	[tilespmem:s16+$0x18880] =	vst v7;
	v1 =	vadd.f32 v2, v1  }
0x287: {  	[tilespmem:s15+$0x18800] =	vst v3  }
0x288: {  	[tilespmem:s15+$0x18880] =	vst v1  }
0x289: {  	v1 =	vld [tilespmem:s19+$0x17C00]  }
0x28a: {  	v4 =	vld [tilespmem:s19+$0x17400]  }
0x28b: {  	v2 =	vld [tilespmem:s19+$0x16000]  }
0x28c: {  	v3 =	vld [tilespmem:s19+$0x17000]  }
0x28d: {  	v6 =	vld [tilespmem:s19+$0x16800]  }
0x28e: {  	v5 =	vld [tilespmem:s19+$0x16400]  }
0x28f: {  	v7 =	vld [tilespmem:s19+$0x17800];
	v10 =	vtrunc.f32 v4  }
0x290: {  	v9 =	vld [tilespmem:s19+$0x16C00];
	v11 =	vtrunc.f32 v2;
	v10 =	vcvt.f32.s32 v10  }
0x291: {  	s22 =	sld [smem:$0x7EE];
	v8 =	vtrunc.f32 v1;
	v11 =	vcvt.f32.s32 v11  }
0x292: {  	s16 =	simm.s32 $0x10;
	v12 =	vtrunc.f32 v3;
	v14 =	vtrunc.f32 v6  }
0x293: {  	s15 =	sand.u32 $0x70, s16;
	v13 =	vtrunc.f32 v5;
	v14 =	vcvt.f32.s32 v14  }
0x294: {  	s23 =	sor.u32 s15, s22;
	v15 =	vtrunc.f32 v7;
	v13 =	vcvt.f32.s32 v13  }
0x295: {  	v31 =	vld [tilespmem:s23+$0x17C00];
	v16 =	vtrunc.f32 v9;
	v12 =	vcvt.f32.s32 v12  }
0x296: {  	v8 =	vcvt.f32.s32 v8;
	v16 =	vcvt.f32.s32 v16;
	v19 =	vld.idx.msk [tilespmem:v10+s8+$0x0], $0xffff  }
0x297: {  	s2 =	simm.s32 $0xC000;
	v17 =	vcvt.s32.f32 v11;
	v18 =	vcvt.s32.f32 v13;
	v21 =	vld.idx.msk [tilespmem:v11+s5+$0x0], $0xffff  }
0x298: {  	s13 =	simm.s32 $0xD000;
	v15 =	vcvt.f32.s32 v15;
	v20 =	vcvt.s32.f32 v14;
	v11 =	vld.idx.msk [tilespmem:v11+s2+$0x0], $0xffff  }
0x299: {  	s25 =	simm.s32 $0x4800;
	v2 =	vsub.f32 v2, v17;
	v17 =	vcvt.s32.f32 v8;
	v5 =	vsub.f32 v5, v18;
	v18 =	vld.idx.msk [tilespmem:v14+s13+$0x0], $0xffff  }
0x29a: {  	s28 =	simm.s32 $0xC800;
	v22 =	vcvt.s32.f32 v12;
	v23 =	vcvt.s32.f32 v16;
	v6 =	vsub.f32 v6, v20;
	v20 =	vld.idx.msk [tilespmem:v13+s25+$0x0], $0xffff  }
0x29b: {  	v17 =	vsub.f32 v1, v17;
	v1 =	vld.idx.msk [tilespmem:v13+s28+$0x0], $0xffff  }
0x29c: {  	v9 =	vsub.f32 v9, v23;
	v13 =	vsub.f32 v3, v22;
	v23 =	vld.idx.msk [tilespmem:v12+s11+$0x0], $0xffff;
	v3 =	vcvt.s32.f32 v15;
	s11 =	simm.s32 $0xD800  }
0x29d: {  	s6 =	simm.s32 $0x5000;
	v61 =	vtrunc.f32 v31;
	v26 =	vld.idx.msk [tilespmem:v16+s11+$0x0], $0xffff  }
0x29e: {  	v40 =	vcvt.f32.s32 v61;
	v7 =	vsub.f32 v7, v3;
	v3 =	vld.idx.msk [tilespmem:v14+s6+$0x0], $0xffff  }
0x29f: {  	s10 =	simm.s32 $0x7800;
	v14 =	vld.idx.msk [tilespmem:v8+s21+$0x0], $0xffff;
	v22 =	vunpack.i.u.bf16.f32 v19;
	v24 =	vunpack.i.u.bf16.f32 v21;
	v21 =	vunpack.i.l.bf16.f32 v21  }
0x2a0: {  	v8 =	vld.idx.msk [tilespmem:v8+s10+$0x0], $0xffff;
	v25 =	vunpack.i.l.bf16.f32 v11;
	v27 =	vunpack.i.u.bf16.f32 v18;
	v11 =	vunpack.i.u.bf16.f32 v11  }
0x2a1: {  	v28 =	vunpack.i.u.bf16.f32 v20;
	v24 =	vmul.f32 v24, v2;
	v21 =	vadd.f32 $0.0e+00, v21  }
0x2a2: {  	s4 =	simm.s32 $0x6000;
	v20 =	vunpack.i.l.bf16.f32 v20;
	v19 =	vunpack.i.l.bf16.f32 v19;
	v18 =	vunpack.i.l.bf16.f32 v18  }
0x2a3: {  	v12 =	vld.idx.msk [tilespmem:v12+s4+$0x0], $0xffff;
	v25 =	vadd.f32 $0.0e+00, v25;
	v2 =	vmul.f32 v11, v2;
	v21 =	vadd.f32 v21, v24  }
0x2a4: {  	s7 =	simm.s32 $0x5800;
	v27 =	vmul.f32 v27, v6;
	v30 =	vunpack.i.u.bf16.f32 v26;
	v26 =	vunpack.i.l.bf16.f32 v26  }
0x2a5: {  	v16 =	vld.idx.msk [tilespmem:v16+s7+$0x0], $0xffff;
	v32 =	vunpack.i.u.bf16.f32 v8;
	v24 =	vmul.f32 v28, v5;
	v20 =	vadd.f32 v20, v21  }
0x2a6: {  	v11 =	vld.idx.msk [tilespmem:v15+s3+$0x0], $0xffff;
	s3 =	simm.s32 $0xE800;
	v2 =	vadd.f32 v25, v2;
	v25 =	vunpack.i.l.bf16.f32 v1;
	v1 =	vunpack.i.u.bf16.f32 v1  }
0x2a7: {  	s10 =	simm.s32 $0x7000;
	v29 =	vld.idx.msk [tilespmem:v10+s3+$0x0], $0xffff;
	v10 =	vcvt.s32.f32 v10;
	v5 =	vmul.f32 v1, v5;
	v1 =	vadd.f32 v20, v24  }
0x2a8: {  	v15 =	vld.idx.msk [tilespmem:v15+s10+$0x0], $0xffff;
	v28 =	vunpack.i.u.bf16.f32 v12;
	v20 =	vunpack.i.u.bf16.f32 v3;
	v3 =	vunpack.i.l.bf16.f32 v3  }
0x2a9: {  	v12 =	vunpack.i.l.bf16.f32 v12;
	v6 =	vmul.f32 v20, v6;
	v3 =	vadd.f32 v3, v1  }
0x2aa: {  	v10 =	vsub.f32 v4, v10;
	v21 =	vunpack.i.u.bf16.f32 v23;
	v25 =	vadd.f32 v25, v2  }
0x2ab: {  	v23 =	vunpack.i.l.bf16.f32 v23;
	v2 =	vunpack.i.u.bf16.f32 v11;
	v3 =	vadd.f32 v3, v6  }
0x2ac: {  	v36 =	vld [tilespmem:s23+$0x16C00];
	v35 =	vunpack.i.l.bf16.f32 v11;
	v6 =	vunpack.i.u.bf16.f32 v16;
	v16 =	vunpack.i.l.bf16.f32 v16  }
0x2ad: {  	v11 =	vunpack.i.u.bf16.f32 v15;
	v6 =	vmul.f32 v6, v9;
	v16 =	vadd.f32 v16, v3;
	v3 =	vld [tilespmem:s23+$0x17400]  }
0x2ae: {  	v24 =	vunpack.i.u.bf16.f32 v14;
	v33 =	vmul.f32 v2, v7;
	v2 =	vunpack.i.l.bf16.f32 v14;
	v14 =	vld [tilespmem:s23+$0x16000]  }
0x2af: {  	v21 =	vmul.f32 v21, v13;
	v7 =	vmul.f32 v11, v7;
	v11 =	vld [tilespmem:s23+$0x16800];
	v6 =	vadd.f32 v16, v6  }
0x2b0: {  	v15 =	vunpack.i.l.bf16.f32 v15;
	v1 =	vmul.f32 v24, v17;
	v17 =	vmul.f32 v32, v17;
	v16 =	vld [tilespmem:s23+$0x16400]  }
0x2b1: {  	v9 =	vmul.f32 v30, v9;
	v6 =	vadd.f32 v12, v6;
	v12 =	vmul.f32 v28, v13  }
0x2b2: {  	v5 =	vadd.f32 v25, v5;
	v30 =	vtrunc.f32 v36;
	v4 =	vtrunc.f32 v3  }
0x2b3: {  	v6 =	vadd.f32 v6, v12;
	v12 =	vmul.f32 v22, v10;
	v22 =	vtrunc.f32 v14  }
0x2b4: {  	v34 =	vld [tilespmem:s23+$0x17000];
	v20 =	vunpack.i.u.bf16.f32 v29;
	v4 =	vcvt.f32.s32 v4;
	v22 =	vcvt.f32.s32 v22  }
0x2b5: {  	v37 =	vtrunc.f32 v11;
	v6 =	vadd.f32 v19, v6;
	v19 =	vtrunc.f32 v16  }
0x2b6: {  	v24 =	vunpack.i.l.bf16.f32 v29;
	v29 =	vld [tilespmem:s23+$0x17800];
	v38 =	vcvt.s32.f32 v22;
	v19 =	vcvt.f32.s32 v19  }
0x2b7: {  	v37 =	vcvt.f32.s32 v37;
	v25 =	vcvt.f32.s32 v30;
	v6 =	vadd.f32 v6, v12  }
0x2b8: {  	v38 =	vsub.f32 v14, v38;
	v12 =	vcvt.s32.f32 v19;
	v14 =	vadd.f32 v18, v5  }
0x2b9: {  	s9 =	simm.s32 $0x6800;
	v13 =	vtrunc.f32 v34;
	v18 =	vcvt.s32.f32 v37;
	v6 =	vadd.f32 v15, v6  }
0x2ba: {  	v13 =	vcvt.f32.s32 v13;
	v5 =	vld.idx.msk [tilespmem:v4+s9+$0x0], $0xffff;
	v39 =	vsub.f32 v16, v12;
	v12 =	vadd.f32 v14, v27  }
0x2bb: {  	v28 =	vtrunc.f32 v29;
	v10 =	vmul.f32 v20, v10;
	v11 =	vsub.f32 v11, v18;
	v15 =	vld.idx.msk [tilespmem:v22+s5+$0x0], $0xffff  }
0x2bc: {  	v22 =	vld.idx.msk [tilespmem:v22+s2+$0x0], $0xffff;
	v16 =	vcvt.s32.f32 v13;
	v6 =	vadd.f32 v6, v7;
	v12 =	vadd.f32 v26, v12  }
0x2bd: {  	v14 =	vcvt.f32.s32 v28;
	v7 =	vunpack.i.l.bf16.f32 v8;
	v8 =	vcvt.s32.f32 v40  }
0x2be: {  	s24 =	sld [smem:$0x7EF];
	v26 =	vcvt.s32.f32 v25;
	v28 =	vld.idx.msk [tilespmem:v19+s25+$0x0], $0xffff;
	v18 =	vadd.f32 v7, v6;
	v27 =	vadd.f32 v12, v9  }
0x2bf: {  	s18 =	sld [smem:$0x7F0];
	v62 =	vld.idx.msk [tilespmem:v19+s28+$0x0], $0xffff;
	v19 =	vcvt.s32.f32 v14;
	v7 =	vsub.f32 v31, v8;
	v9 =	vsub.f32 v34, v16  }
0x2c0: {  	s19 =	simm.s32 $0xE000;
	v6 =	vld.idx.msk [tilespmem:v37+s13+$0x0], $0xffff;
	v8 =	vunpack.i.u.bf16.f32 v5;
	v31 =	vadd.f32 v18, v17;
	v18 =	vadd.f32 v23, v27  }
0x2c1: {  	s4 =	simm.s32 $0xF800;
	v12 =	vsub.f32 v36, v26;
	v16 =	vld.idx.msk [tilespmem:v13+s19+$0x0], $0xffff;
	v19 =	vsub.f32 v29, v19;
	v20 =	vunpack.i.l.bf16.f32 v22  }
0x2c2: {  	s18 =	sor.u32 s24, s18;
	v17 =	vld.idx.msk [tilespmem:v40+s4+$0x0], $0xffff;
	v22 =	vunpack.i.u.bf16.f32 v22;
	v23 =	vunpack.i.u.bf16.f32 v15;
	v21 =	vadd.f32 v18, v21  }
0x2c3: {  	s8 =	simm.s32 $0x6000;
	v15 =	vunpack.i.l.bf16.f32 v15;
	v20 =	vadd.f32 $0.0e+00, v20;
	v22 =	vmul.f32 v22, v38;
	[tilespmem:s18+$0x18800] =	vst.add.f32.msk $0xffff, v31  }
0x2c4: {  	v23 =	vmul.f32 v23, v38;
	v18 =	vld.idx.msk [tilespmem:v13+s8+$0x0], $0xffff;
	v13 =	vadd.f32 $0.0e+00, v15;
	v21 =	vadd.f32 v24, v21  }
0x2c5: {  	v26 =	vunpack.i.u.bf16.f32 v28;
	v63 =	vunpack.i.u.bf16.f32 v6;
	v15 =	vld.idx.msk [tilespmem:v25+s11+$0x0], $0xffff;
	v22 =	vadd.f32 v20, v22  }
0x2c6: {  	s21 =	simm.s32 $0xF000;
	v31 =	vld.idx.msk [tilespmem:v37+s6+$0x0], $0xffff;
	v30 =	vmul.f32 v26, v39;
	v13 =	vadd.f32 v13, v23;
	v24 =	vadd.f32 v21, v10  }
0x2c7: {  	v20 =	vunpack.i.u.bf16.f32 v16;
	v23 =	vunpack.i.l.bf16.f32 v28;
	v28 =	vunpack.i.u.bf16.f32 v62;
	v21 =	vld.idx.msk [tilespmem:v14+s21+$0x0], $0xffff  }
0x2c8: {  	s12 =	simm.s32 $0x7800;
	v25 =	vld.idx.msk [tilespmem:v25+s7+$0x0], $0xffff;
	v28 =	vmul.f32 v28, v39;
	v32 =	vadd.f32 v23, v13;
	v24 =	vadd.f32 v35, v24  }
0x2c9: {  	v10 =	vld.idx.msk [tilespmem:v40+s12+$0x0], $0xffff;
	v13 =	vunpack.i.l.bf16.f32 v62;
	v23 =	vmul.f32 v63, v11;
	v26 =	vunpack.i.u.bf16.f32 v18  }
0x2ca: {  	s23 =	simm.s32 $0x2;
	v27 =	vadd.f32 v13, v22;
	v29 =	vunpack.i.u.bf16.f32 v15;
	v22 =	vld.idx.msk [tilespmem:v4+s3+$0x0], $0xffff;
	v24 =	vadd.f32 v24, v33  }
.LBB2_9:
0x2cb: {  	s24 =	sshll.u32 s23, $0x4  }
0x2cc: {  	v20 =	vmul.f32 v20, v9;
	v13 =	vunpack.i.u.bf16.f32 v21;
	v33 =	vunpack.i.u.bf16.f32 v17;
	s16 =	sadd.s32 $0x10, s16;
	s22 =	smov.u32 s23;
	s17 =	sadd.s32 $0x1, s23  }
0x2cd: {  	p0 =	sne.s32 s23, $0x3F;
	v30 =	vadd.f32 v32, v30;
	s20 =	sand.u32 $0x70, s16;
	s24 =	sand.u32 $0x3FFFFF80, s24;
	v13 =	vmul.f32 v13, v19;
	v24 =	vadd.f32 v2, v24  }
0x2ce: {  	v32 =	vunpack.i.u.bf16.f32 v31;
	v31 =	vunpack.i.l.bf16.f32 v31;
	v2 =	vunpack.i.l.bf16.f32 v17;
	s23 =	sor.u32 s20, s24;
	v14 =	vld.idx.msk [tilespmem:v14+s10+$0x0], $0xffff  }
0x2cf: {  	v30 =	vadd.f32 v31, v30;
	v11 =	vmul.f32 v32, v11;
	v17 =	vld [tilespmem:s23+$0x17C00];
	v24 =	vadd.f32 v24, v1  }
0x2d0: {  	v1 =	vmul.f32 v33, v7;
	v31 =	vld [tilespmem:s23+$0x16000]  }
0x2d1: {  	v11 =	vadd.f32 v30, v11;
	v30 =	vunpack.i.u.bf16.f32 v22;
	v32 =	vunpack.i.l.bf16.f32 v22;
	[tilespmem:s18+$0x18880] =	vst.add.f32.msk $0xffff, v24  }
0x2d2: {  	v33 =	vunpack.i.u.bf16.f32 v10;
	v24 =	vunpack.i.u.bf16.f32 v25;
	v25 =	vunpack.i.l.bf16.f32 v25;
	v22 =	vld [tilespmem:s23+$0x17800]  }
0x2d3: {  	v33 =	vmul.f32 v33, v7;
	v11 =	vadd.f32 v25, v11;
	v25 =	vmul.f32 v24, v12;
	v34 =	vld [tilespmem:s23+$0x17000]  }
0x2d4: {  	v36 =	vunpack.i.l.bf16.f32 v16;
	v24 =	vunpack.i.l.bf16.f32 v21;
	v7 =	vld [tilespmem:s23+$0x17400];
	v35 =	vtrunc.f32 v17  }
0x2d5: {  	v4 =	vcvt.s32.f32 v4;
	v16 =	vunpack.i.u.bf16.f32 v14;
	v11 =	vadd.f32 v11, v25;
	v21 =	vld [tilespmem:s23+$0x16C00]  }
0x2d6: {  	v18 =	vunpack.i.l.bf16.f32 v18;
	v12 =	vmul.f32 v29, v12;
	v16 =	vmul.f32 v16, v19;
	v25 =	vld [tilespmem:s23+$0x16400]  }
0x2d7: {  	v9 =	vmul.f32 v26, v9;
	v26 =	vsub.f32 v3, v4;
	v11 =	vadd.f32 v18, v11;
	v19 =	vld [tilespmem:s23+$0x16800]  }
0x2d8: {  	v14 =	vunpack.i.l.bf16.f32 v14;
	v29 =	vtrunc.f32 v22;
	v18 =	vtrunc.f32 v34  }
0x2d9: {  	v8 =	vmul.f32 v8, v26;
	v9 =	vadd.f32 v11, v9;
	v4 =	vtrunc.f32 v7;
	v3 =	vmovc v7  }
0x2da: {  	v5 =	vunpack.i.l.bf16.f32 v5;
	v7 =	vtrunc.f32 v31;
	v4 =	vcvt.f32.s32 v4  }
0x2db: {  	v7 =	vcvt.f32.s32 v7;
	v37 =	vtrunc.f32 v21;
	v5 =	vadd.f32 v5, v9  }
0x2dc: {  	v15 =	vunpack.i.l.bf16.f32 v15;
	v9 =	vtrunc.f32 v25;
	v11 =	vtrunc.f32 v19  }
0x2dd: {  	v27 =	vadd.f32 v27, v28;
	v38 =	vcvt.s32.f32 v7;
	v9 =	vcvt.f32.s32 v9  }
0x2de: {  	v6 =	vunpack.i.l.bf16.f32 v6;
	v8 =	vadd.f32 v5, v8;
	v28 =	vcvt.f32.s32 v11  }
0x2df: {  	v6 =	vadd.f32 v6, v27;
	v31 =	vsub.f32 v31, v38;
	v11 =	vcvt.s32.f32 v9  }
0x2e0: {  	v18 =	vcvt.f32.s32 v18;
	v8 =	vadd.f32 v14, v8;
	v27 =	vcvt.s32.f32 v28;
	v5 =	vld.idx.msk [tilespmem:v4+s9+$0x0], $0xffff  }
0x2e1: {  	v6 =	vadd.f32 v6, v23;
	v35 =	vcvt.f32.s32 v35;
	v39 =	vsub.f32 v25, v11;
	v38 =	vld.idx.msk [tilespmem:v7+s2+$0x0], $0xffff  }
0x2e2: {  	v11 =	vsub.f32 v19, v27;
	v23 =	vld.idx.msk [tilespmem:v7+s5+$0x0], $0xffff;
	v7 =	vadd.f32 v8, v16;
	v8 =	vunpack.i.l.bf16.f32 v10  }
0x2e3: {  	v15 =	vadd.f32 v15, v6;
	v10 =	vcvt.f32.s32 v37;
	v16 =	vcvt.s32.f32 v35;
	v27 =	vld.idx.msk [tilespmem:v9+s28+$0x0], $0xffff  }
0x2e4: {  	v14 =	vcvt.f32.s32 v29;
	v19 =	vcvt.s32.f32 v18;
	v6 =	vld.idx.msk [tilespmem:v28+s13+$0x0], $0xffff;
	v25 =	vadd.f32 v8, v7  }
0x2e5: {  	v15 =	vadd.f32 v15, v12;
	v37 =	vcvt.s32.f32 v10;
	v7 =	vsub.f32 v17, v16;
	v29 =	vld.idx.msk [tilespmem:v9+s25+$0x0], $0xffff  }
0x2e6: {  	v9 =	vsub.f32 v34, v19;
	v8 =	vunpack.i.u.bf16.f32 v5;
	v16 =	vld.idx.msk [tilespmem:v18+s19+$0x0], $0xffff;
	v19 =	vadd.f32 v25, v33  }
0x2e7: {  	v12 =	vsub.f32 v21, v37;
	v33 =	vcvt.s32.f32 v14;
	v21 =	vadd.f32 v36, v15;
	v17 =	vld.idx.msk [tilespmem:v35+s4+$0x0], $0xffff  }
0x2e8: {  	v26 =	vmul.f32 v30, v26;
	s18 =	sshll.u32 s14, $0x5;
	s14 =	smov.u32 s22;
	v15 =	vunpack.i.u.bf16.f32 v23;
	v23 =	vunpack.i.l.bf16.f32 v23;
	v18 =	vld.idx.msk [tilespmem:v18+s8+$0x0], $0xffff  }
0x2e9: {  	s18 =	sand.u32 $0x3FFFFF00, s18;
	v25 =	vunpack.i.l.bf16.f32 v38;
	v30 =	vmul.f32 v15, v31;
	v20 =	vadd.f32 v21, v20;
	v15 =	vld.idx.msk [tilespmem:v10+s11+$0x0], $0xffff  }
0x2ea: {  	s18 =	sor.u32 s15, s18;
	s15 =	smov.u32 s20;
	v21 =	vadd.f32 $0.0e+00, v23;
	v23 =	vadd.f32 $0.0e+00, v25;
	v34 =	vunpack.i.u.bf16.f32 v6;
	v25 =	vld.idx.msk [tilespmem:v10+s7+$0x0], $0xffff  }
0x2eb: {  	v10 =	vunpack.i.u.bf16.f32 v38;
	v36 =	vunpack.i.u.bf16.f32 v29;
	v20 =	vadd.f32 v32, v20;
	[tilespmem:s18+$0x18800] =	vst.add.f32.msk $0xffff, v19  }
0x2ec: {  	v32 =	vadd.f32 v21, v30;
	v31 =	vmul.f32 v10, v31;
	v30 =	vmul.f32 v36, v39;
	v21 =	vld.idx.msk [tilespmem:v14+s21+$0x0], $0xffff  }
.Ltmp3:
0x2ed: {  	v29 =	vunpack.i.l.bf16.f32 v29;
	v19 =	vsub.f32 v22, v33;
	v22 =	vadd.f32 v20, v26;
	v10 =	vld.idx.msk [tilespmem:v35+s12+$0x0], $0xffff;
	(pc) =	sbr.rel @p0 .LBB2_9-.Ltmp3, $4  }
0x2ee: {  	v32 =	vadd.f32 v29, v32;
	v20 =	vunpack.i.u.bf16.f32 v16;
	v23 =	vadd.f32 v23, v31;
	v31 =	vld.idx.msk [tilespmem:v28+s6+$0x0], $0xffff  }
0x2ef: {  	v26 =	vunpack.i.u.bf16.f32 v18;
	v28 =	vunpack.i.l.bf16.f32 v27;
	v24 =	vadd.f32 v24, v22  }
0x2f0: {  	v22 =	vunpack.i.u.bf16.f32 v27;
	v27 =	vadd.f32 v28, v23;
	v23 =	vmul.f32 v34, v11  }
0x2f1: {  	s23 =	smov.u32 s17;
	v29 =	vunpack.i.u.bf16.f32 v15;
	v28 =	vmul.f32 v22, v39;
	v24 =	vadd.f32 v24, v13;
	v22 =	vld.idx.msk [tilespmem:v4+s3+$0x0], $0xffff  }
0x2f2: {  	v13 =	vadd.f32 v32, v30  }
0x2f3: {  	v42 =	vunpack.i.u.bf16.f32 v31;
	v43 =	vunpack.i.l.bf16.f32 v31;
	v27 =	vadd.f32 v27, v28  }
0x2f4: {  	v6 =	vunpack.i.l.bf16.f32 v6;
	v13 =	vadd.f32 v43, v13;
	v11 =	vmul.f32 v42, v11  }
0x2f5: {  	v6 =	vadd.f32 v6, v27  }
0x2f6: {  	v11 =	vadd.f32 v13, v11  }
0x2f7: {  	v44 =	vunpack.i.u.bf16.f32 v25;
	v45 =	vunpack.i.l.bf16.f32 v25;
	v6 =	vadd.f32 v6, v23  }
0x2f8: {  	v15 =	vunpack.i.l.bf16.f32 v15;
	v13 =	vmul.f32 v44, v12;
	v11 =	vadd.f32 v45, v11  }
0x2f9: {  	v46 =	vmul.f32 v29, v12;
	v6 =	vadd.f32 v15, v6  }
0x2fa: {  	v11 =	vadd.f32 v11, v13  }
0x2fb: {  	v47 =	vunpack.i.l.bf16.f32 v16;
	v48 =	vunpack.i.l.bf16.f32 v18;
	v6 =	vadd.f32 v6, v46  }
0x2fc: {  	v4 =	vcvt.s32.f32 v4;
	v49 =	vmul.f32 v26, v9;
	v11 =	vadd.f32 v48, v11  }
0x2fd: {  	v50 =	vmul.f32 v20, v9;
	v6 =	vadd.f32 v47, v6  }
0x2fe: {  	v51 =	vld.idx.msk [tilespmem:v14+s10+$0x0], $0xffff;
	v3 =	vsub.f32 v3, v4;
	v52 =	vadd.f32 v11, v49  }
0x2ff: {  	v5 =	vunpack.i.l.bf16.f32 v5;
	v53 =	vunpack.i.u.bf16.f32 v22;
	v6 =	vadd.f32 v6, v50  }
0x300: {  	v54 =	vunpack.i.l.bf16.f32 v22;
	v8 =	vmul.f32 v8, v3;
	v4 =	vadd.f32 v5, v52  }
0x301: {  	v3 =	vmul.f32 v53, v3;
	v55 =	vadd.f32 v54, v6  }
0x302: {  	v56 =	vunpack.i.u.bf16.f32 v21;
	v4 =	vadd.f32 v4, v8  }
0x303: {  	v57 =	vunpack.i.u.bf16.f32 v51;
	v58 =	vunpack.i.l.bf16.f32 v51;
	v3 =	vadd.f32 v55, v3  }
0x304: {  	v59 =	vunpack.i.l.bf16.f32 v21;
	v8 =	vmul.f32 v57, v19;
	v4 =	vadd.f32 v58, v4  }
0x305: {  	v6 =	vmul.f32 v56, v19;
	v3 =	vadd.f32 v59, v3  }
0x306: {  	v60 =	vunpack.i.u.bf16.f32 v17;
	v61 =	vunpack.i.u.bf16.f32 v10;
	v4 =	vadd.f32 v4, v8  }
0x307: {  	v62 =	vunpack.i.l.bf16.f32 v10;
	v2 =	vadd.f32 v2, v24;
	v3 =	vadd.f32 v3, v6  }
0x308: {  	v63 =	vunpack.i.l.bf16.f32 v17;
	v8 =	vmul.f32 v61, v7;
	v4 =	vadd.f32 v62, v4  }
0x309: {  	s14 =	sshll.u32 s14, $0x5;
	v1 =	vadd.f32 v2, v1;
	v2 =	vmul.f32 v60, v7;
	v3 =	vadd.f32 v63, v3  }
0x30a: {  	s14 =	sand.u32 $0x3FFFFF00, s14;
	v4 =	vadd.f32 v4, v8  }
0x30b: {  	s3 =	sld [smem:$0x7F1];
	s14 =	sor.u32 s15, s14;
	[tilespmem:s18+$0x18880] =	vst.add.f32.msk $0xffff, v1;
	v1 =	vadd.f32 v3, v2  }
0x30c: {  	s18 =	rddreg [dreg:$0x15];
	[tilespmem:s14+$0x18800] =	vst.add.f32.msk $0xffff, v4  }
0x30d: {  	[tilespmem:s14+$0x18880] =	vst.add.f32.msk $0xffff, v1  }
0x30e: {  	s28 =	sld [smem:$0x7F2];
	_ =	sdelay $0x1  }
0x30f: {  	s4 =	simm.s32 $0xF800;
	s21 =	simm.s32 $0xF000;
	s19 =	simm.s32 $0xE000  }
0x310: {  	s13 =	simm.s32 $0xD000;
	s16 =	sshll.u32 s3, $0xB;
	s3 =	sadd.s32 $0x1, s28  }
0x311: {  	s23 =	simm.s32 $0xC800;
	s12 =	simm.s32 $0x7800;
	p0 =	sne.s32 s3, $0x4  }
.Ltmp4:
0x312: {  	s9 =	simm.s32 $0x6800;
	s15 =	sadd.s32 s18, s16;
	(pc) =	sbr.rel @p0 .LBB2_2-.Ltmp4, $4  }
0x313: {  	s8 =	simm.s32 $0x6000;
	s20 =	rddreg [dreg:$0x2];
	s15 =	sshrl.u32 s15, $0x3  }
0x314: {  	s24 =	simm.s32 $0x18800;
	s22 =	sadd.s32 s20, s15;
	s15 =	simm.s32 $0x0  }
0x315: {  	[hbm4b:s22+s15] =	stream.linear.scatter [tilespmem:s24], [sflag:$0x5], $0x800, $0x38;
	[tilespmem:$0x19080] =	vst v63  }
0x316: {  	s20 =	simm.s32 $0xA000;
	s22 =	simm.s32 $0xA800;
	s24 =	simm.s32 $0xB800  }
0x317: {  	s3 =	simm.s32 $0x4  }
0x318: {  	_ =	swait.ge [sflag:s3], $0x800  }
0x319: {  	[sflag:s3] =	ssyncset.done $0x0  }
0x31a: {  	s28 =	simm.s32 $0x5;
	[sflag:s3] =	ssyncadd.s32 $0xFFFFF800  }
0x31b: {  	_ =	swait.ge [sflag:s28], $0x800  }
0x31c: {  	s16 =	sld [smem:$0x7F4]  }
0x31d: {  	s14 =	sld [smem:$0x7FC];
	_ =	sdelay $0x1  }
0x31e: {  	s16 =	sadd.s32 $0x1, s16  }
0x31f: {  	p0 =	sne.s32 s16, s14  }
.Ltmp5:
0x320: {  	_ = 	snop;
	(pc) =	sbr.rel @p0 .LBB2_1-.Ltmp5, $4  }
0x321: {  	_ = 	snop  }
0x322: {  	s6 =	simm.s32 $0x5000  }
0x323: {  	s7 =	simm.s32 $0x5800;
	s10 =	simm.s32 $0x7000;
	[sflag:s28] =	ssyncset.done $0x0  }
0x324: {  	s11 =	simm.s32 $0xD800;
	s3 =	simm.s32 $0xE800;
	[sflag:s28] =	ssyncadd.s32 $0xFFFFF800  }
0x325: {  	_ =	sfence.sel $0x180000  }
0x326: {  	[bflag:$0x0] =	sbarrier.arrive $0xFFFF  }
0x327: {  	_ =	strace $0x90000047  }
0x328: {  	s0 =	stileid.u32;
	[bflag:$0x2] =	sbarrier.arrive $0xFFFF  }
0x329: {  	p0 =	sne.s32 s0, $0x0;
	s0 =	rddreg [dreg:$0x3]  }
0x32a: {  	s0 =	sadd.s32 @!p0 $0x100000, s0  }
0x32b: {  	[sflag:s0] =	ssyncadd.tile.s32 @!p0 $0x1;
	_ =	shalt  }
.Lfunc_end2:
_tile_overlayer_lowered:
.L_overlay_start_2:
0x32c: {  	(tag) =	ssettag $0x2  }
0x32d: {  	s0 =	rddreg [dreg:$0x0];
	s2 =	stileid.u32  }
0x32e: {  	s1 =	rddreg [dreg:$0x1];
	p0 =	sne.s32 s2, $0x0  }
0x32f: {  	s3 =	rddreg [dreg:$0x2];
	[bflag:$0x3] =	sbarrier.arrive $0xFFFF;
	s2 =	simm.s32 @!p0 $0x1C06  }
0x330: {  	[timem:s3], [sflag:s2] =	dma.local @!p0 [hbm:s0], s1  }
0x331: {  	s0 =	simm.s32 @!p0 $0x6  }
0x332: {  	_ =	swait.ge @!p0 [sflag:s0], s1  }
0x333: {  	s1 =	ssub.s32 @!p0 $0x0, s1;
	[sflag:s0] =	ssyncset.done @!p0 $0x0  }
0x334: {  	[sflag:s0] =	ssyncadd.s32 @!p0 s1  }
0x335: {  	[bflag:$0x3] =	sbarrier.arrive $0xFFFF  }
0x336: {  	_ =	shalt  }

</sc_bundles>
